<compile_context>
chip_gen: v7x
topology: tpu7x:2x2x1
jax: 0.10.2.dev20260603
libtpu: 0.0.44.dev20260713+nightly
codegen_flags: <defaults>
</compile_context>

<pallas_src>
import functools

import jax
import jax.numpy as jnp
from jax import lax
from jax.experimental import pallas as pl
from jax.experimental.pallas import tpu as pltpu
from jax.experimental.pallas import tpu_sc as plsc

_N = 10000
_E = 320000
_F = 128
_H = 64
_C = 2
_G = 64

_NC = 2
_NS = 16
_NW = _NC * _NS
_CHUNK = 128
_NP = 10240
_RPT = _NP // _NS
_NCHUNKS = 80
_EPT = _NCHUNKS * _CHUNK
_EP = _EPT * _NW
_BLK = 512
_NBLK = _NP // _BLK
_DEPTH = 4
_TOTC = _NW * _NCHUNKS
_K0 = 152
_K1 = _NCHUNKS * 2 - _K0



def _zero_stripe(buf, acc, sid, width):
    nvec = _CHUNK * width // 16

    def zbody(i, carry):
        buf[i // (width // 16), pl.ds((i % (width // 16)) * 16, 16)] = (
            jnp.zeros((16,), jnp.float32))
        return carry

    lax.fori_loop(0, nvec, zbody, 0)
    for r in range(_RPT // _CHUNK):
        pltpu.sync_copy(buf, acc.at[pl.ds(sid * _RPT + r * _CHUNK, _CHUNK)])


def _agg_pipeline(y_hbm, acc, src_v, dst_v, rows, gsem, ssem, k):
    for b in range(_DEPTH):
        pltpu.async_copy(y_hbm.at[src_v.at[b]], rows[b], gsem[b])

    def group(g, carry):
        j0 = g * _DEPTH
        for b in range(_DEPTH):
            j = j0 + b
            pltpu.make_async_copy(y_hbm.at[src_v.at[j]], rows[b],
                                  gsem[b]).wait()
            pltpu.async_copy(rows[b], acc.at[dst_v.at[j]], ssem[b], add=True)
        for b in range(_DEPTH):
            j = j0 + b
            pltpu.make_async_copy(rows[b], acc.at[dst_v.at[j]],
                                  ssem[b]).wait()

            @pl.when(g + 1 < k // _DEPTH)
            def _():
                pltpu.async_copy(y_hbm.at[src_v.at[j + _DEPTH]], rows[b],
                                 gsem[b])

        return carry

    lax.fori_loop(0, k // _DEPTH, group, 0)


def _make_sc_agg():
    mesh = plsc.VectorSubcoreMesh(core_axis_name="c", subcore_axis_name="s")
    kmax = max(_K0, _K1)

    @functools.partial(
        pl.kernel,
        out_type=[jax.ShapeDtypeStruct((_NP, _H), jnp.float32),
                  jax.ShapeDtypeStruct((_NP, _H), jnp.float32)],
        mesh=mesh,
        compiler_params=pltpu.CompilerParams(use_tc_tiling_on_sc=False),
        scratch_types=[
            pltpu.VMEM((kmax, _CHUNK), jnp.int32),
            pltpu.VMEM((kmax, _CHUNK), jnp.int32),
            [pltpu.VMEM((_CHUNK, _H), jnp.float32)] * _DEPTH,
            [pltpu.SemaphoreType.DMA] * _DEPTH,
            [pltpu.SemaphoreType.DMA] * _DEPTH,
            pltpu.VMEM_SHARED((_NP, _H), jnp.float32),
        ],
    )
    def agg(y_hbm, src_hbm, dst_hbm, out0_hbm, out1_hbm,
            src_v, dst_v, rows, gsem, ssem, acc):
        cid = lax.axis_index("c")
        sid = lax.axis_index("s")
        _zero_stripe(rows[0], acc, sid, _H)

        @pl.when(cid == 0)
        def _():
            start = sid * _K0
            pltpu.sync_copy(src_hbm.at[pl.ds(start, _K0)],
                            src_v.at[pl.ds(0, _K0)])
            pltpu.sync_copy(dst_hbm.at[pl.ds(start, _K0)],
                            dst_v.at[pl.ds(0, _K0)])
            plsc.subcore_barrier()
            _agg_pipeline(y_hbm, acc, src_v, dst_v, rows, gsem, ssem, _K0)
            plsc.subcore_barrier()
            pltpu.sync_copy(acc.at[pl.ds(sid * _RPT, _RPT)],
                            out0_hbm.at[pl.ds(sid * _RPT, _RPT)])

        @pl.when(cid == 1)
        def _():
            start = _NS * _K0 + sid * _K1
            pltpu.sync_copy(src_hbm.at[pl.ds(start, _K1)],
                            src_v.at[pl.ds(0, _K1)])
            pltpu.sync_copy(dst_hbm.at[pl.ds(start, _K1)],
                            dst_v.at[pl.ds(0, _K1)])
            plsc.subcore_barrier()
            _agg_pipeline(y_hbm, acc, src_v, dst_v, rows, gsem, ssem, _K1)
            plsc.subcore_barrier()
            pltpu.sync_copy(acc.at[pl.ds(sid * _RPT, _RPT)],
                            out1_hbm.at[pl.ds(sid * _RPT, _RPT)])

    return agg


def _make_sc_deg():
    mesh = plsc.VectorSubcoreMesh(core_axis_name="c", subcore_axis_name="s")

    @functools.partial(
        pl.kernel,
        out_type=jax.ShapeDtypeStruct((_NC, _NP, 16), jnp.float32),
        mesh=mesh,
        compiler_params=pltpu.CompilerParams(use_tc_tiling_on_sc=False),
        scratch_types=[
            pltpu.VMEM((_NCHUNKS, _CHUNK), jnp.int32),
            pltpu.VMEM((_CHUNK, 16), jnp.float32),
            pltpu.VMEM((_CHUNK, 16), jnp.float32),
            pltpu.VMEM_SHARED((_NP, 16), jnp.float32),
        ],
    )
    def deg(dst_hbm, ones_hbm, out_hbm, dst_v, ones_v, zbuf, acc):
        cid = lax.axis_index("c")
        sid = lax.axis_index("s")
        wid = cid * _NS + sid
        _zero_stripe(zbuf, acc, sid, 16)
        pltpu.sync_copy(dst_hbm.at[pl.ds(wid * _NCHUNKS, _NCHUNKS)], dst_v)
        pltpu.sync_copy(ones_hbm, ones_v)
        plsc.subcore_barrier()

        def body(j, carry):
            pltpu.sync_copy(ones_v, acc.at[dst_v.at[j]], add=True)
            return carry

        lax.fori_loop(0, _NCHUNKS, body, 0)
        plsc.subcore_barrier()
        pltpu.sync_copy(acc.at[pl.ds(sid * _RPT, _RPT)],
                        out_hbm.at[cid, pl.ds(sid * _RPT, _RPT)])

    return deg


@functools.cache
def _get_sc_agg():
    return _make_sc_agg()


@functools.cache
def _get_sc_deg():
    return _make_sc_deg()



def _mm1_body(x_ref, w_ref, o_ref):
    o_ref[...] = jnp.dot(x_ref[...], w_ref[...],
                         preferred_element_type=jnp.float32)


_mm1 = pl.pallas_call(
    _mm1_body,
    grid=(_NBLK,),
    in_specs=[pl.BlockSpec((_BLK, _F), lambda i: (i, 0)),
              pl.BlockSpec((_F, _H), lambda i: (0, 0))],
    out_specs=pl.BlockSpec((_BLK, _H), lambda i: (i, 0)),
    out_shape=jax.ShapeDtypeStruct((_NP, _H), jnp.float32),
)


def _dinv_body(degp_ref, xw_ref, dinv_ref, y_ref):
    deg = degp_ref[0, :, 0:1] + degp_ref[1, :, 0:1] + 1.0
    dinv = lax.rsqrt(deg)
    dinv_ref[...] = dinv
    y_ref[...] = xw_ref[...] * dinv


_dinv_k = pl.pallas_call(
    _dinv_body,
    grid=(_NBLK,),
    in_specs=[pl.BlockSpec((_NC, _BLK, 16), lambda i: (0, i, 0)),
              pl.BlockSpec((_BLK, _H), lambda i: (i, 0))],
    out_specs=[pl.BlockSpec((_BLK, 1), lambda i: (i, 0)),
               pl.BlockSpec((_BLK, _H), lambda i: (i, 0))],
    out_shape=[jax.ShapeDtypeStruct((_NP, 1), jnp.float32),
               jax.ShapeDtypeStruct((_NP, _H), jnp.float32)],
)


def _mid_body(agg0_ref, agg1_ref, y_ref, dinv_ref, b_ref, w_ref, o_ref):
    dinv = dinv_ref[...]
    h = agg0_ref[...] + agg1_ref[...] + y_ref[...]
    h = jnp.maximum(h * dinv + b_ref[...], 0.0)
    o_ref[...] = jnp.dot(h * dinv, w_ref[...],
                         preferred_element_type=jnp.float32)


_mid_k = pl.pallas_call(
    _mid_body,
    grid=(_NBLK,),
    in_specs=[pl.BlockSpec((_BLK, _H), lambda i: (i, 0)),
              pl.BlockSpec((_BLK, _H), lambda i: (i, 0)),
              pl.BlockSpec((_BLK, _H), lambda i: (i, 0)),
              pl.BlockSpec((_BLK, 1), lambda i: (i, 0)),
              pl.BlockSpec((1, _H), lambda i: (0, 0)),
              pl.BlockSpec((_H, _H), lambda i: (0, 0))],
    out_specs=pl.BlockSpec((_BLK, _H), lambda i: (i, 0)),
    out_shape=jax.ShapeDtypeStruct((_NP, _H), jnp.float32),
)


def _pool_body(agg0_ref, agg1_ref, y_ref, dinv_ref, b_ref, batch_ref,
               sums_ref, cnt_ref):
    i = pl.program_id(0)
    dinv = dinv_ref[...]
    h = agg0_ref[...] + agg1_ref[...] + y_ref[...]
    h = jnp.maximum(h * dinv + b_ref[...], 0.0)
    onehot = (batch_ref[...] ==
              lax.broadcasted_iota(jnp.int32, (_BLK, _G), 1)).astype(jnp.float32)
    dn = (((0,), (0,)), ((), ()))
    sums_part = lax.dot_general(onehot, h, dn,
                                preferred_element_type=jnp.float32)
    cnt_part = lax.dot_general(onehot, jnp.ones((_BLK, 1), jnp.float32), dn,
                               preferred_element_type=jnp.float32)

    @pl.when(i == 0)
    def _():
        sums_ref[...] = sums_part
        cnt_ref[...] = cnt_part

    @pl.when(i > 0)
    def _():
        sums_ref[...] += sums_part
        cnt_ref[...] += cnt_part


_pool_k = pl.pallas_call(
    _pool_body,
    grid=(_NBLK,),
    in_specs=[pl.BlockSpec((_BLK, _H), lambda i: (i, 0)),
              pl.BlockSpec((_BLK, _H), lambda i: (i, 0)),
              pl.BlockSpec((_BLK, _H), lambda i: (i, 0)),
              pl.BlockSpec((_BLK, 1), lambda i: (i, 0)),
              pl.BlockSpec((1, _H), lambda i: (0, 0)),
              pl.BlockSpec((_BLK, 1), lambda i: (i, 0))],
    out_specs=[pl.BlockSpec((_G, _H), lambda i: (0, 0)),
               pl.BlockSpec((_G, 1), lambda i: (0, 0))],
    out_shape=[jax.ShapeDtypeStruct((_G, _H), jnp.float32),
               jax.ShapeDtypeStruct((_G, 1), jnp.float32)],
)


def _head_body(sums_ref, cnt_ref, gamma_ref, beta_ref, mean_ref, var_ref,
               lw_ref, lb_ref, xbn_ref, out_ref):
    cnt = jnp.maximum(cnt_ref[...], 1.0)
    pooled = sums_ref[...] / cnt
    scale = lax.rsqrt(var_ref[...] + 1e-5) * gamma_ref[...]
    xbn = (pooled - mean_ref[...]) * scale + beta_ref[...]
    xbn_ref[...] = xbn
    out_ref[...] = jnp.maximum(
        jnp.dot(xbn, lw_ref[...], preferred_element_type=jnp.float32)
        + lb_ref[...], 0.0)


_head_k = pl.pallas_call(
    _head_body,
    out_shape=[jax.ShapeDtypeStruct((_G, _H), jnp.float32),
               jax.ShapeDtypeStruct((_G, _F), jnp.float32)],
)



def kernel(x, edge_index, batch, W1, b1, W2, b2, W3, b3,
           bn_gamma, bn_beta, bn_mean, bn_var, lin_W, lin_b):
    xp = jnp.pad(x, ((0, _NP - _N), (0, 0)))
    src = jnp.pad(edge_index[0], (0, _EP - _E)).reshape(_TOTC, _CHUNK)
    dst = jnp.pad(edge_index[1], (0, _EP - _E),
                  constant_values=_N).reshape(_TOTC, _CHUNK)
    batch_p = jnp.pad(batch, (0, _NP - _N),
                      constant_values=_G).reshape(_NP, 1)
    ones16 = jnp.ones((_CHUNK, 16), jnp.float32)
    lw_p = jnp.pad(lin_W, ((0, 0), (0, _F - _C)))
    lb_p = jnp.pad(lin_b, (0, _F - _C)).reshape(1, _F)

    sc_agg = _get_sc_agg()
    sc_deg = _get_sc_deg()

    xw1 = _mm1(xp, W1)
    degp = sc_deg(dst, ones16)
    dinv, y1 = _dinv_k(degp, xw1)

    a0, a1 = sc_agg(y1, src, dst)
    y2 = _mid_k(a0, a1, y1, dinv, b1.reshape(1, _H), W2)
    a0, a1 = sc_agg(y2, src, dst)
    y3 = _mid_k(a0, a1, y2, dinv, b2.reshape(1, _H), W3)
    a0, a1 = sc_agg(y3, src, dst)

    sums, cnt = _pool_k(a0, a1, y3, dinv, b3.reshape(1, _H), batch_p)
    xbn, out_p = _head_k(sums, cnt, bn_gamma.reshape(1, _H),
                         bn_beta.reshape(1, _H), bn_mean.reshape(1, _H),
                         bn_var.reshape(1, _H), lw_p, lb_p)
    return (xbn, out_p[:, :_C])

# --- scband reference (transcript-rebuilt; emitter-appended) ---
"""Pipeline reference for scband-gnn-2-40793599377790 (READ-ONLY COPY).

The authoritative reference and input builder live on the scoring server;
editing this copy changes nothing except your own understanding.
"""

import jax, jax.numpy as jnp
import numpy as np

N = 10000
E = 320000
F_IN = 128
H = 64
C = 2
G = 64


def setup_inputs(seed: int = 0) -> dict:
    key = jax.random.key(seed)
    ks = jax.random.split(key, 14)
    x = jax.random.normal(ks[0], (N, F_IN), dtype=jnp.float32)
    edge_index = jax.random.randint(ks[1], (2, E), 0, N, dtype=jnp.int32)
    batch = jnp.sort(jax.random.randint(ks[2], (N,), 0, G, dtype=jnp.int32))
    def glorot(k, fan_in, fan_out):
        s = jnp.sqrt(6.0 / (fan_in + fan_out))
        return jax.random.uniform(k, (fan_in, fan_out), dtype=jnp.float32, minval=-s, maxval=s)
    W1 = glorot(ks[3], F_IN, H); b1 = jnp.zeros((H,), jnp.float32)
    W2 = glorot(ks[4], H, H); b2 = jnp.zeros((H,), jnp.float32)
    W3 = glorot(ks[5], H, H); b3 = jnp.zeros((H,), jnp.float32)
    bn_gamma = jnp.ones((H,), jnp.float32)
    bn_beta = jnp.zeros((H,), jnp.float32)
    bn_mean = jnp.zeros((H,), jnp.float32)
    bn_var = jnp.ones((H,), jnp.float32)
    s = jnp.sqrt(1.0 / H)
    lin_W = jax.random.uniform(ks[6], (H, C), dtype=jnp.float32, minval=-s, maxval=s)
    lin_b = jax.random.uniform(ks[7], (C,), dtype=jnp.float32, minval=-s, maxval=s)
    return {"x": x, "edge_index": edge_index, "batch": batch,
            "W1": W1, "b1": b1, "W2": W2, "b2": b2, "W3": W3, "b3": b3,
            "bn_gamma": bn_gamma, "bn_beta": bn_beta, "bn_mean": bn_mean, "bn_var": bn_var,
            "lin_W": lin_W, "lin_b": lin_b}


def _gcn_conv(x, W, b, row, col, norm, n):
    xw = x @ W
    msg = xw[row] * norm[:, None]
    out = jnp.zeros((n, W.shape[1]), dtype=xw.dtype).at[col].add(msg)
    return out + b


def reference(x, edge_index, batch, W1, b1, W2, b2, W3, b3,
              bn_gamma, bn_beta, bn_mean, bn_var, lin_W, lin_b):
    src = edge_index[0]
    dst = edge_index[1]
    loop = jnp.arange(N, dtype=src.dtype)
    row = jnp.concatenate([src, loop])
    col = jnp.concatenate([dst, loop])
    deg = jnp.zeros((N,), jnp.float32).at[col].add(1.0)
    dinv = jnp.where(deg > 0, 1.0 / jnp.sqrt(deg), 0.0)
    norm = dinv[row] * dinv[col]

    h = _gcn_conv(x, W1, b1, row, col, norm, N)
    h = jax.nn.relu(h)
    h = _gcn_conv(h, W2, b2, row, col, norm, N)
    h = jax.nn.relu(h)
    h = _gcn_conv(h, W3, b3, row, col, norm, N)
    h = jax.nn.relu(h)

    # global_mean_pool over batch ids
    sums = jnp.zeros((G, H), jnp.float32).at[batch].add(h)
    cnt = jnp.zeros((G,), jnp.float32).at[batch].add(1.0)
    pooled = sums / jnp.maximum(cnt, 1.0)[:, None]

    # dropout p=0.5 in eval mode -> identity
    # BatchNorm1d in eval mode with running stats
    xbn = (pooled - bn_mean) / jnp.sqrt(bn_var + 1e-5) * bn_gamma + bn_beta
    out = jax.nn.relu(xbn @ lin_W + lin_b)
    return (xbn, out)

if __name__ == "__main__":
    import jax
    _d = setup_inputs()
    print(jax.jit(kernel)(*tuple(_d.values())))

</pallas_src>

<mosaic_0001>
#map = affine_map<(d0, d1) -> (0, 0)>
module attributes {stable_mosaic.version = 14 : i64} {
  func.func @agg(%arg0: i32, %arg1: i32, %arg2: memref<10240x64xf32, #tpu.memory_space<hbm>>, %arg3: memref<2560x128xi32, #tpu.memory_space<hbm>>, %arg4: memref<2560x128xi32, #tpu.memory_space<hbm>>, %arg5: memref<10240x64xf32, #tpu.memory_space<hbm>>, %arg6: memref<10240x64xf32, #tpu.memory_space<hbm>>, %arg7: memref<152x128xi32, #tpu.memory_space<vmem>>, %arg8: memref<152x128xi32, #tpu.memory_space<vmem>>, %arg9: memref<128x64xf32, #tpu.memory_space<vmem>>, %arg10: memref<128x64xf32, #tpu.memory_space<vmem>>, %arg11: memref<128x64xf32, #tpu.memory_space<vmem>>, %arg12: memref<128x64xf32, #tpu.memory_space<vmem>>, %arg13: memref<!tpu.dma_semaphore, #tpu.memory_space<semaphore_mem>>, %arg14: memref<!tpu.dma_semaphore, #tpu.memory_space<semaphore_mem>>, %arg15: memref<!tpu.dma_semaphore, #tpu.memory_space<semaphore_mem>>, %arg16: memref<!tpu.dma_semaphore, #tpu.memory_space<semaphore_mem>>, %arg17: memref<!tpu.dma_semaphore, #tpu.memory_space<semaphore_mem>>, %arg18: memref<!tpu.dma_semaphore, #tpu.memory_space<semaphore_mem>>, %arg19: memref<!tpu.dma_semaphore, #tpu.memory_space<semaphore_mem>>, %arg20: memref<!tpu.dma_semaphore, #tpu.memory_space<semaphore_mem>>, %arg21: memref<10240x64xf32, #tpu.memory_space<vmem_shared>>) attributes {dimension_semantics = [#tpu.dimension_semantics<core_parallel>, #tpu.dimension_semantics<subcore_parallel>], iteration_bounds = array<i64: 2, 16>, scalar_prefetch = 0 : i64, scratch_operands = 15 : i64, tpu.core_type = #tpu.core_type<sc_vector_subcore>, window_params = [{transform_indices = #map}, {transform_indices = #map}, {transform_indices = #map}, {transform_indices = #map}, {transform_indices = #map}]} {
    %scan3A = arith.constant 0 : i32
    %scan3A_0 = arith.constant 0 : i32
    %scan3A_1 = arith.constant 512 : i32
    %scan3A_2 = arith.addi %scan3A_0, %scan3A_1 : i32
    %scan3A_3 = arith.constant 1 : i32
    scf.for %scan3A_30 = %scan3A_0 to %scan3A_2 step %scan3A_3  : i32 {
      %broadcast_in_dim3A = arith.constant 0.000000e+00 : f32
      %broadcast_in_dim3A_31 = vector.broadcast %broadcast_in_dim3A : f32 to vector<16xf32>
      %jit3A = arith.constant 4 : i32
      %div3A = arith.divsi %scan3A_30, %jit3A : i32
      %sign3A = arith.constant 0 : i32
      %sign3A_32 = arith.cmpi sgt, %scan3A_30, %sign3A : i32
      %sign3A_33 = arith.extui %sign3A_32 : i1 to i32
      %sign3A_34 = arith.constant 0 : i32
      %sign3A_35 = arith.cmpi slt, %scan3A_30, %sign3A_34 : i32
      %sign3A_36 = arith.extui %sign3A_35 : i1 to i32
      %sign3A_37 = arith.subi %sign3A_33, %sign3A_36 : i32
      %sign3A_38 = arith.constant 0 : i32
      %sign3A_39 = arith.cmpi sgt, %jit3A, %sign3A_38 : i32
      %sign3A_40 = arith.extui %sign3A_39 : i1 to i32
      %sign3A_41 = arith.constant 0 : i32
      %sign3A_42 = arith.cmpi slt, %jit3A, %sign3A_41 : i32
      %sign3A_43 = arith.extui %sign3A_42 : i1 to i32
      %sign3A_44 = arith.subi %sign3A_40, %sign3A_43 : i32
      %ne3A = arith.cmpi ne, %sign3A_37, %sign3A_44 : i32
      %rem3A = arith.remsi %scan3A_30, %jit3A : i32
      %ne3A_45 = arith.constant 0 : i32
      %ne3A_46 = arith.cmpi ne, %rem3A, %ne3A_45 : i32
      %and3A = arith.andi %ne3A, %ne3A_46 : i1
      %sub3A = arith.constant 1 : i32
      %sub3A_47 = arith.subi %div3A, %sub3A : i32
      %select_n3A = arith.select %and3A, %sub3A_47, %div3A : i32
      %jit3A_48 = arith.constant 4 : i32
      %eq3A_49 = arith.constant 0 : i32
      %eq3A_50 = arith.cmpi eq, %jit3A_48, %eq3A_49 : i32
      %jit3A_51 = arith.constant 1 : i32
      %select_n3A_52 = arith.select %eq3A_50, %jit3A_51, %jit3A_48 : i32
      %rem3A_53 = arith.remsi %scan3A_30, %select_n3A_52 : i32
      %ne3A_54 = arith.constant 0 : i32
      %ne3A_55 = arith.cmpi ne, %rem3A_53, %ne3A_54 : i32
      %lt3A = arith.constant 0 : i32
      %lt3A_56 = arith.cmpi slt, %rem3A_53, %lt3A : i32
      %lt3A_57 = arith.constant 0 : i32
      %lt3A_58 = arith.cmpi slt, %select_n3A_52, %lt3A_57 : i32
      %ne3A_59 = arith.xori %lt3A_56, %lt3A_58 : i1
      %and3A_60 = arith.andi %ne3A_59, %ne3A_55 : i1
      %add3A_61 = arith.addi %rem3A_53, %select_n3A_52 : i32
      %select_n3A_62 = arith.select %and3A_60, %add3A_61, %rem3A_53 : i32
      %mul3A_63 = arith.constant 16 : i32
      %mul3A_64 = arith.muli %select_n3A_62, %mul3A_63 : i32
      %swap3A = arith.index_cast %select_n3A : i32 to index
      %swap3A_65 = arith.index_cast %mul3A_64 : i32 to index
      %swap3A_66 = tpu.vector_load %arg9[%swap3A, %swap3A_65] {strides = array<i32>} : memref<128x64xf32, #tpu.memory_space<vmem>>, vector<1x16xf32>,
      %swap3A_67 = vector.shape_cast %swap3A_66 : vector<1x16xf32> to vector<16xf32>
      %swap3A_68 = vector.shape_cast %broadcast_in_dim3A_31 : vector<16xf32> to vector<1x16xf32>
      tpu.vector_store %arg9[%swap3A, %swap3A_65], %swap3A_68 {strides = array<i32>} : memref<128x64xf32, #tpu.memory_space<vmem>>, vector<1x16xf32>,
    }
    %scan3A_4 = arith.constant 512 : i32
    %mul3A = arith.constant 640 : i32
    %mul3A_5 = arith.muli %arg1, %mul3A : i32
    %add3A = arith.constant 0 : i32
    %add3A_6 = arith.addi %mul3A_5, %add3A : i32
    "tpu.region"() ({
      %run_scoped3A = tpu.sem_alloc : memref<!tpu.dma_semaphore, #tpu.memory_space<semaphore_mem>>
      %dma_start3A = arith.constant 0 : i32
      %dma_start3A_30 = tpu.memref_slice %arg21[%add3A_6, %dma_start3A] : memref<10240x64xf32, #tpu.memory_space<vmem_shared>> -> memref<128x64xf32, #tpu.memory_space<vmem_shared>>
      %dma_start3A_31 = arith.constant 0 : i32
      %dma_start3A_32 = tpu.memref_slice %arg21[%add3A_6, %dma_start3A_31] : memref<10240x64xf32, #tpu.memory_space<vmem_shared>> -> memref<128x64xf32, #tpu.memory_space<vmem_shared>>
      tpu.enqueue_dma source(%arg9 : memref<128x64xf32, #tpu.memory_space<vmem>>) target(%dma_start3A_32 : memref<128x64xf32, #tpu.memory_space<vmem_shared>>) target_semaphore(%run_scoped3A : memref<!tpu.dma_semaphore, #tpu.memory_space<semaphore_mem>>)
      %dma_wait3A = arith.constant 0 : i32
      %dma_wait3A_33 = tpu.memref_slice %arg21[%add3A_6, %dma_wait3A] : memref<10240x64xf32, #tpu.memory_space<vmem_shared>> -> memref<128x64xf32, #tpu.memory_space<vmem_shared>>
      %dma_wait3A_34 = arith.constant 0 : i32
      %dma_wait3A_35 = tpu.memref_slice %arg21[%add3A_6, %dma_wait3A_34] : memref<10240x64xf32, #tpu.memory_space<vmem_shared>> -> memref<128x64xf32, #tpu.memory_space<vmem_shared>>
      tpu.wait_dma2 semaphore(%run_scoped3A : memref<!tpu.dma_semaphore, #tpu.memory_space<semaphore_mem>>) src(%arg9 : memref<128x64xf32, #tpu.memory_space<vmem>>) dst(%dma_wait3A_35 : memref<128x64xf32, #tpu.memory_space<vmem_shared>>)
      tpu.yield
    }) : () -> ()
    %mul3A_7 = arith.constant 640 : i32
    %mul3A_8 = arith.muli %arg1, %mul3A_7 : i32
    %add3A_9 = arith.constant 128 : i32
    %add3A_10 = arith.addi %mul3A_8, %add3A_9 : i32
    "tpu.region"() ({
      %run_scoped3A = tpu.sem_alloc : memref<!tpu.dma_semaphore, #tpu.memory_space<semaphore_mem>>
      %dma_start3A = arith.constant 0 : i32
      %dma_start3A_30 = tpu.memref_slice %arg21[%add3A_10, %dma_start3A] : memref<10240x64xf32, #tpu.memory_space<vmem_shared>> -> memref<128x64xf32, #tpu.memory_space<vmem_shared>>
      %dma_start3A_31 = arith.constant 0 : i32
      %dma_start3A_32 = tpu.memref_slice %arg21[%add3A_10, %dma_start3A_31] : memref<10240x64xf32, #tpu.memory_space<vmem_shared>> -> memref<128x64xf32, #tpu.memory_space<vmem_shared>>
      tpu.enqueue_dma source(%arg9 : memref<128x64xf32, #tpu.memory_space<vmem>>) target(%dma_start3A_32 : memref<128x64xf32, #tpu.memory_space<vmem_shared>>) target_semaphore(%run_scoped3A : memref<!tpu.dma_semaphore, #tpu.memory_space<semaphore_mem>>)
      %dma_wait3A = arith.constant 0 : i32
      %dma_wait3A_33 = tpu.memref_slice %arg21[%add3A_10, %dma_wait3A] : memref<10240x64xf32, #tpu.memory_space<vmem_shared>> -> memref<128x64xf32, #tpu.memory_space<vmem_shared>>
      %dma_wait3A_34 = arith.constant 0 : i32
      %dma_wait3A_35 = tpu.memref_slice %arg21[%add3A_10, %dma_wait3A_34] : memref<10240x64xf32, #tpu.memory_space<vmem_shared>> -> memref<128x64xf32, #tpu.memory_space<vmem_shared>>
      tpu.wait_dma2 semaphore(%run_scoped3A : memref<!tpu.dma_semaphore, #tpu.memory_space<semaphore_mem>>) src(%arg9 : memref<128x64xf32, #tpu.memory_space<vmem>>) dst(%dma_wait3A_35 : memref<128x64xf32, #tpu.memory_space<vmem_shared>>)
      tpu.yield
    }) : () -> ()
    %mul3A_11 = arith.constant 640 : i32
    %mul3A_12 = arith.muli %arg1, %mul3A_11 : i32
    %add3A_13 = arith.constant 256 : i32
    %add3A_14 = arith.addi %mul3A_12, %add3A_13 : i32
    "tpu.region"() ({
      %run_scoped3A = tpu.sem_alloc : memref<!tpu.dma_semaphore, #tpu.memory_space<semaphore_mem>>
      %dma_start3A = arith.constant 0 : i32
      %dma_start3A_30 = tpu.memref_slice %arg21[%add3A_14, %dma_start3A] : memref<10240x64xf32, #tpu.memory_space<vmem_shared>> -> memref<128x64xf32, #tpu.memory_space<vmem_shared>>
      %dma_start3A_31 = arith.constant 0 : i32
      %dma_start3A_32 = tpu.memref_slice %arg21[%add3A_14, %dma_start3A_31] : memref<10240x64xf32, #tpu.memory_space<vmem_shared>> -> memref<128x64xf32, #tpu.memory_space<vmem_shared>>
      tpu.enqueue_dma source(%arg9 : memref<128x64xf32, #tpu.memory_space<vmem>>) target(%dma_start3A_32 : memref<128x64xf32, #tpu.memory_space<vmem_shared>>) target_semaphore(%run_scoped3A : memref<!tpu.dma_semaphore, #tpu.memory_space<semaphore_mem>>)
      %dma_wait3A = arith.constant 0 : i32
      %dma_wait3A_33 = tpu.memref_slice %arg21[%add3A_14, %dma_wait3A] : memref<10240x64xf32, #tpu.memory_space<vmem_shared>> -> memref<128x64xf32, #tpu.memory_space<vmem_shared>>
      %dma_wait3A_34 = arith.constant 0 : i32
      %dma_wait3A_35 = tpu.memref_slice %arg21[%add3A_14, %dma_wait3A_34] : memref<10240x64xf32, #tpu.memory_space<vmem_shared>> -> memref<128x64xf32, #tpu.memory_space<vmem_shared>>
      tpu.wait_dma2 semaphore(%run_scoped3A : memref<!tpu.dma_semaphore, #tpu.memory_space<semaphore_mem>>) src(%arg9 : memref<128x64xf32, #tpu.memory_space<vmem>>) dst(%dma_wait3A_35 : memref<128x64xf32, #tpu.memory_space<vmem_shared>>)
      tpu.yield
    }) : () -> ()
    %mul3A_15 = arith.constant 640 : i32
    %mul3A_16 = arith.muli %arg1, %mul3A_15 : i32
    %add3A_17 = arith.constant 384 : i32
    %add3A_18 = arith.addi %mul3A_16, %add3A_17 : i32
    "tpu.region"() ({
      %run_scoped3A = tpu.sem_alloc : memref<!tpu.dma_semaphore, #tpu.memory_space<semaphore_mem>>
      %dma_start3A = arith.constant 0 : i32
      %dma_start3A_30 = tpu.memref_slice %arg21[%add3A_18, %dma_start3A] : memref<10240x64xf32, #tpu.memory_space<vmem_shared>> -> memref<128x64xf32, #tpu.memory_space<vmem_shared>>
      %dma_start3A_31 = arith.constant 0 : i32
      %dma_start3A_32 = tpu.memref_slice %arg21[%add3A_18, %dma_start3A_31] : memref<10240x64xf32, #tpu.memory_space<vmem_shared>> -> memref<128x64xf32, #tpu.memory_space<vmem_shared>>
      tpu.enqueue_dma source(%arg9 : memref<128x64xf32, #tpu.memory_space<vmem>>) target(%dma_start3A_32 : memref<128x64xf32, #tpu.memory_space<vmem_shared>>) target_semaphore(%run_scoped3A : memref<!tpu.dma_semaphore, #tpu.memory_space<semaphore_mem>>)
      %dma_wait3A = arith.constant 0 : i32
      %dma_wait3A_33 = tpu.memref_slice %arg21[%add3A_18, %dma_wait3A] : memref<10240x64xf32, #tpu.memory_space<vmem_shared>> -> memref<128x64xf32, #tpu.memory_space<vmem_shared>>
      %dma_wait3A_34 = arith.constant 0 : i32
      %dma_wait3A_35 = tpu.memref_slice %arg21[%add3A_18, %dma_wait3A_34] : memref<10240x64xf32, #tpu.memory_space<vmem_shared>> -> memref<128x64xf32, #tpu.memory_space<vmem_shared>>
      tpu.wait_dma2 semaphore(%run_scoped3A : memref<!tpu.dma_semaphore, #tpu.memory_space<semaphore_mem>>) src(%arg9 : memref<128x64xf32, #tpu.memory_space<vmem>>) dst(%dma_wait3A_35 : memref<128x64xf32, #tpu.memory_space<vmem_shared>>)
      tpu.yield
    }) : () -> ()
    %mul3A_19 = arith.constant 640 : i32
    %mul3A_20 = arith.muli %arg1, %mul3A_19 : i32
    %add3A_21 = arith.constant 512 : i32
    %add3A_22 = arith.addi %mul3A_20, %add3A_21 : i32
    "tpu.region"() ({
      %run_scoped3A = tpu.sem_alloc : memref<!tpu.dma_semaphore, #tpu.memory_space<semaphore_mem>>
      %dma_start3A = arith.constant 0 : i32
      %dma_start3A_30 = tpu.memref_slice %arg21[%add3A_22, %dma_start3A] : memref<10240x64xf32, #tpu.memory_space<vmem_shared>> -> memref<128x64xf32, #tpu.memory_space<vmem_shared>>
      %dma_start3A_31 = arith.constant 0 : i32
      %dma_start3A_32 = tpu.memref_slice %arg21[%add3A_22, %dma_start3A_31] : memref<10240x64xf32, #tpu.memory_space<vmem_shared>> -> memref<128x64xf32, #tpu.memory_space<vmem_shared>>
      tpu.enqueue_dma source(%arg9 : memref<128x64xf32, #tpu.memory_space<vmem>>) target(%dma_start3A_32 : memref<128x64xf32, #tpu.memory_space<vmem_shared>>) target_semaphore(%run_scoped3A : memref<!tpu.dma_semaphore, #tpu.memory_space<semaphore_mem>>)
      %dma_wait3A = arith.constant 0 : i32
      %dma_wait3A_33 = tpu.memref_slice %arg21[%add3A_22, %dma_wait3A] : memref<10240x64xf32, #tpu.memory_space<vmem_shared>> -> memref<128x64xf32, #tpu.memory_space<vmem_shared>>
      %dma_wait3A_34 = arith.constant 0 : i32
      %dma_wait3A_35 = tpu.memref_slice %arg21[%add3A_22, %dma_wait3A_34] : memref<10240x64xf32, #tpu.memory_space<vmem_shared>> -> memref<128x64xf32, #tpu.memory_space<vmem_shared>>
      tpu.wait_dma2 semaphore(%run_scoped3A : memref<!tpu.dma_semaphore, #tpu.memory_space<semaphore_mem>>) src(%arg9 : memref<128x64xf32, #tpu.memory_space<vmem>>) dst(%dma_wait3A_35 : memref<128x64xf32, #tpu.memory_space<vmem_shared>>)
      tpu.yield
    }) : () -> ()
    %eq3A = arith.constant 0 : i32
    %eq3A_23 = arith.cmpi eq, %arg0, %eq3A : i32
    %convert_element_type3A = arith.extui %eq3A_23 : i1 to i32
    %cond3A = arith.constant 0 : i32
    %cond3A_24 = arith.cmpi ne, %convert_element_type3A, %cond3A : i32
    scf.if %cond3A_24 {
      %mul3A_30 = arith.constant 152 : i32
      %mul3A_31 = arith.muli %arg1, %mul3A_30 : i32
      "tpu.region"() ({
        %run_scoped3A = tpu.sem_alloc : memref<!tpu.dma_semaphore, #tpu.memory_space<semaphore_mem>>
        %dma_start3A_70 = arith.constant 0 : i32
        %dma_start3A_71 = arith.constant 0 : i32
        %dma_start3A_72 = tpu.memref_slice %arg7[%dma_start3A_70, %dma_start3A_71] : memref<152x128xi32, #tpu.memory_space<vmem>> -> memref<152x128xi32, #tpu.memory_space<vmem>>
        %dma_start3A_73 = arith.constant 0 : i32
        %dma_start3A_74 = tpu.memref_slice %arg3[%mul3A_31, %dma_start3A_73] : memref<2560x128xi32, #tpu.memory_space<hbm>> -> memref<152x128xi32, #tpu.memory_space<hbm>>
        %dma_start3A_75 = arith.constant 0 : i32
        %dma_start3A_76 = arith.constant 0 : i32
        %dma_start3A_77 = tpu.memref_slice %arg7[%dma_start3A_75, %dma_start3A_76] : memref<152x128xi32, #tpu.memory_space<vmem>> -> memref<152x128xi32, #tpu.memory_space<vmem>>
        %dma_start3A_78 = arith.constant 0 : i32
        %dma_start3A_79 = tpu.memref_slice %arg3[%mul3A_31, %dma_start3A_78] : memref<2560x128xi32, #tpu.memory_space<hbm>> -> memref<152x128xi32, #tpu.memory_space<hbm>>
        tpu.enqueue_dma source(%dma_start3A_79 : memref<152x128xi32, #tpu.memory_space<hbm>>) target(%dma_start3A_77 : memref<152x128xi32, #tpu.memory_space<vmem>>) target_semaphore(%run_scoped3A : memref<!tpu.dma_semaphore, #tpu.memory_space<semaphore_mem>>)
        %dma_wait3A = arith.constant 0 : i32
        %dma_wait3A_80 = arith.constant 0 : i32
        %dma_wait3A_81 = tpu.memref_slice %arg7[%dma_wait3A, %dma_wait3A_80] : memref<152x128xi32, #tpu.memory_space<vmem>> -> memref<152x128xi32, #tpu.memory_space<vmem>>
        %dma_wait3A_82 = arith.constant 0 : i32
        %dma_wait3A_83 = tpu.memref_slice %arg3[%mul3A_31, %dma_wait3A_82] : memref<2560x128xi32, #tpu.memory_space<hbm>> -> memref<152x128xi32, #tpu.memory_space<hbm>>
        %dma_wait3A_84 = arith.constant 0 : i32
        %dma_wait3A_85 = arith.constant 0 : i32
        %dma_wait3A_86 = tpu.memref_slice %arg7[%dma_wait3A_84, %dma_wait3A_85] : memref<152x128xi32, #tpu.memory_space<vmem>> -> memref<152x128xi32, #tpu.memory_space<vmem>>
        %dma_wait3A_87 = arith.constant 0 : i32
        %dma_wait3A_88 = tpu.memref_slice %arg3[%mul3A_31, %dma_wait3A_87] : memref<2560x128xi32, #tpu.memory_space<hbm>> -> memref<152x128xi32, #tpu.memory_space<hbm>>
        tpu.wait_dma2 semaphore(%run_scoped3A : memref<!tpu.dma_semaphore, #tpu.memory_space<semaphore_mem>>) src(%dma_wait3A_88 : memref<152x128xi32, #tpu.memory_space<hbm>>) dst(%dma_wait3A_86 : memref<152x128xi32, #tpu.memory_space<vmem>>)
        tpu.yield
      }) : () -> ()
      "tpu.region"() ({
        %run_scoped3A = tpu.sem_alloc : memref<!tpu.dma_semaphore, #tpu.memory_space<semaphore_mem>>
        %dma_start3A_70 = arith.constant 0 : i32
        %dma_start3A_71 = arith.constant 0 : i32
        %dma_start3A_72 = tpu.memref_slice %arg8[%dma_start3A_70, %dma_start3A_71] : memref<152x128xi32, #tpu.memory_space<vmem>> -> memref<152x128xi32, #tpu.memory_space<vmem>>
        %dma_start3A_73 = arith.constant 0 : i32
        %dma_start3A_74 = tpu.memref_slice %arg4[%mul3A_31, %dma_start3A_73] : memref<2560x128xi32, #tpu.memory_space<hbm>> -> memref<152x128xi32, #tpu.memory_space<hbm>>
        %dma_start3A_75 = arith.constant 0 : i32
        %dma_start3A_76 = arith.constant 0 : i32
        %dma_start3A_77 = tpu.memref_slice %arg8[%dma_start3A_75, %dma_start3A_76] : memref<152x128xi32, #tpu.memory_space<vmem>> -> memref<152x128xi32, #tpu.memory_space<vmem>>
        %dma_start3A_78 = arith.constant 0 : i32
        %dma_start3A_79 = tpu.memref_slice %arg4[%mul3A_31, %dma_start3A_78] : memref<2560x128xi32, #tpu.memory_space<hbm>> -> memref<152x128xi32, #tpu.memory_space<hbm>>
        tpu.enqueue_dma source(%dma_start3A_79 : memref<152x128xi32, #tpu.memory_space<hbm>>) target(%dma_start3A_77 : memref<152x128xi32, #tpu.memory_space<vmem>>) target_semaphore(%run_scoped3A : memref<!tpu.dma_semaphore, #tpu.memory_space<semaphore_mem>>)
        %dma_wait3A = arith.constant 0 : i32
        %dma_wait3A_80 = arith.constant 0 : i32
        %dma_wait3A_81 = tpu.memref_slice %arg8[%dma_wait3A, %dma_wait3A_80] : memref<152x128xi32, #tpu.memory_space<vmem>> -> memref<152x128xi32, #tpu.memory_space<vmem>>
        %dma_wait3A_82 = arith.constant 0 : i32
        %dma_wait3A_83 = tpu.memref_slice %arg4[%mul3A_31, %dma_wait3A_82] : memref<2560x128xi32, #tpu.memory_space<hbm>> -> memref<152x128xi32, #tpu.memory_space<hbm>>
        %dma_wait3A_84 = arith.constant 0 : i32
        %dma_wait3A_85 = arith.constant 0 : i32
        %dma_wait3A_86 = tpu.memref_slice %arg8[%dma_wait3A_84, %dma_wait3A_85] : memref<152x128xi32, #tpu.memory_space<vmem>> -> memref<152x128xi32, #tpu.memory_space<vmem>>
        %dma_wait3A_87 = arith.constant 0 : i32
        %dma_wait3A_88 = tpu.memref_slice %arg4[%mul3A_31, %dma_wait3A_87] : memref<2560x128xi32, #tpu.memory_space<hbm>> -> memref<152x128xi32, #tpu.memory_space<hbm>>
        tpu.wait_dma2 semaphore(%run_scoped3A : memref<!tpu.dma_semaphore, #tpu.memory_space<semaphore_mem>>) src(%dma_wait3A_88 : memref<152x128xi32, #tpu.memory_space<hbm>>) dst(%dma_wait3A_86 : memref<152x128xi32, #tpu.memory_space<vmem>>)
        tpu.yield
      }) : () -> ()
      %barrier3A = arith.constant 0 : index
      tpu.barrier barrier_id(%barrier3A)
      %dma_start3A = arith.constant 0 : i32
      %dma_start3A_32 = arith.constant 0 : i32
      %dma_start3A_33 = tpu.memref_slice %arg7[%dma_start3A, %dma_start3A_32] : memref<152x128xi32, #tpu.memory_space<vmem>> -> memref<1x128xi32, #tpu.memory_space<vmem>>
      %dma_start3A_34 = tpu.memref_squeeze %dma_start3A_33 : memref<1x128xi32, #tpu.memory_space<vmem>> -> memref<128xi32, #tpu.memory_space<vmem>>
      %dma_start3A_35 = arith.constant 0 : i32
      %dma_start3A_36 = arith.constant 0 : i32
      %dma_start3A_37 = tpu.memref_slice %arg2[%dma_start3A_35, %dma_start3A_36] : memref<10240x64xf32, #tpu.memory_space<hbm>> -> memref<10240x64xf32, #tpu.memory_space<hbm>>
      tpu.enqueue_indirect_dma source(%dma_start3A_37 : memref<10240x64xf32, #tpu.memory_space<hbm>>) target(%arg9 : memref<128x64xf32, #tpu.memory_space<vmem>>) offsets(%dma_start3A_34 : memref<128xi32, #tpu.memory_space<vmem>>) semaphore(%arg13 : memref<!tpu.dma_semaphore, #tpu.memory_space<semaphore_mem>>)
      %dma_start3A_38 = arith.constant 1 : i32
      %dma_start3A_39 = arith.constant 0 : i32
      %dma_start3A_40 = tpu.memref_slice %arg7[%dma_start3A_38, %dma_start3A_39] : memref<152x128xi32, #tpu.memory_space<vmem>> -> memref<1x128xi32, #tpu.memory_space<vmem>>
      %dma_start3A_41 = tpu.memref_squeeze %dma_start3A_40 : memref<1x128xi32, #tpu.memory_space<vmem>> -> memref<128xi32, #tpu.memory_space<vmem>>
      %dma_start3A_42 = arith.constant 0 : i32
      %dma_start3A_43 = arith.constant 0 : i32
      %dma_start3A_44 = tpu.memref_slice %arg2[%dma_start3A_42, %dma_start3A_43] : memref<10240x64xf32, #tpu.memory_space<hbm>> -> memref<10240x64xf32, #tpu.memory_space<hbm>>
      tpu.enqueue_indirect_dma source(%dma_start3A_44 : memref<10240x64xf32, #tpu.memory_space<hbm>>) target(%arg10 : memref<128x64xf32, #tpu.memory_space<vmem>>) offsets(%dma_start3A_41 : memref<128xi32, #tpu.memory_space<vmem>>) semaphore(%arg14 : memref<!tpu.dma_semaphore, #tpu.memory_space<semaphore_mem>>)
      %dma_start3A_45 = arith.constant 2 : i32
      %dma_start3A_46 = arith.constant 0 : i32
      %dma_start3A_47 = tpu.memref_slice %arg7[%dma_start3A_45, %dma_start3A_46] : memref<152x128xi32, #tpu.memory_space<vmem>> -> memref<1x128xi32, #tpu.memory_space<vmem>>
      %dma_start3A_48 = tpu.memref_squeeze %dma_start3A_47 : memref<1x128xi32, #tpu.memory_space<vmem>> -> memref<128xi32, #tpu.memory_space<vmem>>
      %dma_start3A_49 = arith.constant 0 : i32
      %dma_start3A_50 = arith.constant 0 : i32
      %dma_start3A_51 = tpu.memref_slice %arg2[%dma_start3A_49, %dma_start3A_50] : memref<10240x64xf32, #tpu.memory_space<hbm>> -> memref<10240x64xf32, #tpu.memory_space<hbm>>
      tpu.enqueue_indirect_dma source(%dma_start3A_51 : memref<10240x64xf32, #tpu.memory_space<hbm>>) target(%arg11 : memref<128x64xf32, #tpu.memory_space<vmem>>) offsets(%dma_start3A_48 : memref<128xi32, #tpu.memory_space<vmem>>) semaphore(%arg15 : memref<!tpu.dma_semaphore, #tpu.memory_space<semaphore_mem>>)
      %dma_start3A_52 = arith.constant 3 : i32
      %dma_start3A_53 = arith.constant 0 : i32
      %dma_start3A_54 = tpu.memref_slice %arg7[%dma_start3A_52, %dma_start3A_53] : memref<152x128xi32, #tpu.memory_space<vmem>> -> memref<1x128xi32, #tpu.memory_space<vmem>>
      %dma_start3A_55 = tpu.memref_squeeze %dma_start3A_54 : memref<1x128xi32, #tpu.memory_space<vmem>> -> memref<128xi32, #tpu.memory_space<vmem>>
      %dma_start3A_56 = arith.constant 0 : i32
      %dma_start3A_57 = arith.constant 0 : i32
      %dma_start3A_58 = tpu.memref_slice %arg2[%dma_start3A_56, %dma_start3A_57] : memref<10240x64xf32, #tpu.memory_space<hbm>> -> memref<10240x64xf32, #tpu.memory_space<hbm>>
      tpu.enqueue_indirect_dma source(%dma_start3A_58 : memref<10240x64xf32, #tpu.memory_space<hbm>>) target(%arg12 : memref<128x64xf32, #tpu.memory_space<vmem>>) offsets(%dma_start3A_55 : memref<128xi32, #tpu.memory_space<vmem>>) semaphore(%arg16 : memref<!tpu.dma_semaphore, #tpu.memory_space<semaphore_mem>>)
      %scan3A_59 = arith.constant 0 : i32
      %scan3A_60 = arith.constant 0 : i32
      %scan3A_61 = arith.constant 38 : i32
      %scan3A_62 = arith.addi %scan3A_60, %scan3A_61 : i32
      %scan3A_63 = arith.constant 1 : i32
      scf.for %scan3A_70 = %scan3A_60 to %scan3A_62 step %scan3A_63  : i32 {
        %mul3A_71 = arith.constant 4 : i32
        %mul3A_72 = arith.muli %scan3A_70, %mul3A_71 : i32
        %add3A_73 = arith.constant 0 : i32
        %add3A_74 = arith.addi %mul3A_72, %add3A_73 : i32
        %dma_wait3A = arith.constant 0 : i32
        %dma_wait3A_75 = tpu.memref_slice %arg7[%add3A_74, %dma_wait3A] : memref<152x128xi32, #tpu.memory_space<vmem>> -> memref<1x128xi32, #tpu.memory_space<vmem>>
        %dma_wait3A_76 = tpu.memref_squeeze %dma_wait3A_75 : memref<1x128xi32, #tpu.memory_space<vmem>> -> memref<128xi32, #tpu.memory_space<vmem>>
        %dma_wait3A_77 = arith.constant 0 : i32
        %dma_wait3A_78 = arith.constant 0 : i32
        %dma_wait3A_79 = tpu.memref_slice %arg2[%dma_wait3A_77, %dma_wait3A_78] : memref<10240x64xf32, #tpu.memory_space<hbm>> -> memref<10240x64xf32, #tpu.memory_space<hbm>>
        tpu.wait_indirect_dma semaphore(%arg13 : memref<!tpu.dma_semaphore, #tpu.memory_space<semaphore_mem>>) src(%dma_wait3A_79 : memref<10240x64xf32, #tpu.memory_space<hbm>>) dst(%arg9 : memref<128x64xf32, #tpu.memory_space<vmem>>)
        %dma_start3A_80 = arith.constant 0 : i32
        %dma_start3A_81 = tpu.memref_slice %arg8[%add3A_74, %dma_start3A_80] : memref<152x128xi32, #tpu.memory_space<vmem>> -> memref<1x128xi32, #tpu.memory_space<vmem>>
        %dma_start3A_82 = tpu.memref_squeeze %dma_start3A_81 : memref<1x128xi32, #tpu.memory_space<vmem>> -> memref<128xi32, #tpu.memory_space<vmem>>
        %dma_start3A_83 = arith.constant 0 : i32
        %dma_start3A_84 = arith.constant 0 : i32
        %dma_start3A_85 = tpu.memref_slice %arg21[%dma_start3A_83, %dma_start3A_84] : memref<10240x64xf32, #tpu.memory_space<vmem_shared>> -> memref<10240x64xf32, #tpu.memory_space<vmem_shared>>
        tpu.enqueue_indirect_dma source(%arg9 : memref<128x64xf32, #tpu.memory_space<vmem>>) target(%dma_start3A_85 : memref<10240x64xf32, #tpu.memory_space<vmem_shared>>) offsets(%dma_start3A_82 : memref<128xi32, #tpu.memory_space<vmem>>) semaphore(%arg17 : memref<!tpu.dma_semaphore, #tpu.memory_space<semaphore_mem>>) {add = true}
        %add3A_86 = arith.constant 1 : i32
        %add3A_87 = arith.addi %mul3A_72, %add3A_86 : i32
        %dma_wait3A_88 = arith.constant 0 : i32
        %dma_wait3A_89 = tpu.memref_slice %arg7[%add3A_87, %dma_wait3A_88] : memref<152x128xi32, #tpu.memory_space<vmem>> -> memref<1x128xi32, #tpu.memory_space<vmem>>
        %dma_wait3A_90 = tpu.memref_squeeze %dma_wait3A_89 : memref<1x128xi32, #tpu.memory_space<vmem>> -> memref<128xi32, #tpu.memory_space<vmem>>
        %dma_wait3A_91 = arith.constant 0 : i32
        %dma_wait3A_92 = arith.constant 0 : i32
        %dma_wait3A_93 = tpu.memref_slice %arg2[%dma_wait3A_91, %dma_wait3A_92] : memref<10240x64xf32, #tpu.memory_space<hbm>> -> memref<10240x64xf32, #tpu.memory_space<hbm>>
        tpu.wait_indirect_dma semaphore(%arg14 : memref<!tpu.dma_semaphore, #tpu.memory_space<semaphore_mem>>) src(%dma_wait3A_93 : memref<10240x64xf32, #tpu.memory_space<hbm>>) dst(%arg10 : memref<128x64xf32, #tpu.memory_space<vmem>>)
        %dma_start3A_94 = arith.constant 0 : i32
        %dma_start3A_95 = tpu.memref_slice %arg8[%add3A_87, %dma_start3A_94] : memref<152x128xi32, #tpu.memory_space<vmem>> -> memref<1x128xi32, #tpu.memory_space<vmem>>
        %dma_start3A_96 = tpu.memref_squeeze %dma_start3A_95 : memref<1x128xi32, #tpu.memory_space<vmem>> -> memref<128xi32, #tpu.memory_space<vmem>>
        %dma_start3A_97 = arith.constant 0 : i32
        %dma_start3A_98 = arith.constant 0 : i32
        %dma_start3A_99 = tpu.memref_slice %arg21[%dma_start3A_97, %dma_start3A_98] : memref<10240x64xf32, #tpu.memory_space<vmem_shared>> -> memref<10240x64xf32, #tpu.memory_space<vmem_shared>>
        tpu.enqueue_indirect_dma source(%arg10 : memref<128x64xf32, #tpu.memory_space<vmem>>) target(%dma_start3A_99 : memref<10240x64xf32, #tpu.memory_space<vmem_shared>>) offsets(%dma_start3A_96 : memref<128xi32, #tpu.memory_space<vmem>>) semaphore(%arg18 : memref<!tpu.dma_semaphore, #tpu.memory_space<semaphore_mem>>) {add = true}
        %add3A_100 = arith.constant 2 : i32
        %add3A_101 = arith.addi %mul3A_72, %add3A_100 : i32
        %dma_wait3A_102 = arith.constant 0 : i32
        %dma_wait3A_103 = tpu.memref_slice %arg7[%add3A_101, %dma_wait3A_102] : memref<152x128xi32, #tpu.memory_space<vmem>> -> memref<1x128xi32, #tpu.memory_space<vmem>>
        %dma_wait3A_104 = tpu.memref_squeeze %dma_wait3A_103 : memref<1x128xi32, #tpu.memory_space<vmem>> -> memref<128xi32, #tpu.memory_space<vmem>>
        %dma_wait3A_105 = arith.constant 0 : i32
        %dma_wait3A_106 = arith.constant 0 : i32
        %dma_wait3A_107 = tpu.memref_slice %arg2[%dma_wait3A_105, %dma_wait3A_106] : memref<10240x64xf32, #tpu.memory_space<hbm>> -> memref<10240x64xf32, #tpu.memory_space<hbm>>
        tpu.wait_indirect_dma semaphore(%arg15 : memref<!tpu.dma_semaphore, #tpu.memory_space<semaphore_mem>>) src(%dma_wait3A_107 : memref<10240x64xf32, #tpu.memory_space<hbm>>) dst(%arg11 : memref<128x64xf32, #tpu.memory_space<vmem>>)
        %dma_start3A_108 = arith.constant 0 : i32
        %dma_start3A_109 = tpu.memref_slice %arg8[%add3A_101, %dma_start3A_108] : memref<152x128xi32, #tpu.memory_space<vmem>> -> memref<1x128xi32, #tpu.memory_space<vmem>>
        %dma_start3A_110 = tpu.memref_squeeze %dma_start3A_109 : memref<1x128xi32, #tpu.memory_space<vmem>> -> memref<128xi32, #tpu.memory_space<vmem>>
        %dma_start3A_111 = arith.constant 0 : i32
        %dma_start3A_112 = arith.constant 0 : i32
        %dma_start3A_113 = tpu.memref_slice %arg21[%dma_start3A_111, %dma_start3A_112] : memref<10240x64xf32, #tpu.memory_space<vmem_shared>> -> memref<10240x64xf32, #tpu.memory_space<vmem_shared>>
        tpu.enqueue_indirect_dma source(%arg11 : memref<128x64xf32, #tpu.memory_space<vmem>>) target(%dma_start3A_113 : memref<10240x64xf32, #tpu.memory_space<vmem_shared>>) offsets(%dma_start3A_110 : memref<128xi32, #tpu.memory_space<vmem>>) semaphore(%arg19 : memref<!tpu.dma_semaphore, #tpu.memory_space<semaphore_mem>>) {add = true}
        %add3A_114 = arith.constant 3 : i32
        %add3A_115 = arith.addi %mul3A_72, %add3A_114 : i32
        %dma_wait3A_116 = arith.constant 0 : i32
        %dma_wait3A_117 = tpu.memref_slice %arg7[%add3A_115, %dma_wait3A_116] : memref<152x128xi32, #tpu.memory_space<vmem>> -> memref<1x128xi32, #tpu.memory_space<vmem>>
        %dma_wait3A_118 = tpu.memref_squeeze %dma_wait3A_117 : memref<1x128xi32, #tpu.memory_space<vmem>> -> memref<128xi32, #tpu.memory_space<vmem>>
        %dma_wait3A_119 = arith.constant 0 : i32
        %dma_wait3A_120 = arith.constant 0 : i32
        %dma_wait3A_121 = tpu.memref_slice %arg2[%dma_wait3A_119, %dma_wait3A_120] : memref<10240x64xf32, #tpu.memory_space<hbm>> -> memref<10240x64xf32, #tpu.memory_space<hbm>>
        tpu.wait_indirect_dma semaphore(%arg16 : memref<!tpu.dma_semaphore, #tpu.memory_space<semaphore_mem>>) src(%dma_wait3A_121 : memref<10240x64xf32, #tpu.memory_space<hbm>>) dst(%arg12 : memref<128x64xf32, #tpu.memory_space<vmem>>)
        %dma_start3A_122 = arith.constant 0 : i32
        %dma_start3A_123 = tpu.memref_slice %arg8[%add3A_115, %dma_start3A_122] : memref<152x128xi32, #tpu.memory_space<vmem>> -> memref<1x128xi32, #tpu.memory_space<vmem>>
        %dma_start3A_124 = tpu.memref_squeeze %dma_start3A_123 : memref<1x128xi32, #tpu.memory_space<vmem>> -> memref<128xi32, #tpu.memory_space<vmem>>
        %dma_start3A_125 = arith.constant 0 : i32
        %dma_start3A_126 = arith.constant 0 : i32
        %dma_start3A_127 = tpu.memref_slice %arg21[%dma_start3A_125, %dma_start3A_126] : memref<10240x64xf32, #tpu.memory_space<vmem_shared>> -> memref<10240x64xf32, #tpu.memory_space<vmem_shared>>
        tpu.enqueue_indirect_dma source(%arg12 : memref<128x64xf32, #tpu.memory_space<vmem>>) target(%dma_start3A_127 : memref<10240x64xf32, #tpu.memory_space<vmem_shared>>) offsets(%dma_start3A_124 : memref<128xi32, #tpu.memory_space<vmem>>) semaphore(%arg20 : memref<!tpu.dma_semaphore, #tpu.memory_space<semaphore_mem>>) {add = true}
        %add3A_128 = arith.constant 0 : i32
        %add3A_129 = arith.addi %mul3A_72, %add3A_128 : i32
        %dma_wait3A_130 = arith.constant 0 : i32
        %dma_wait3A_131 = tpu.memref_slice %arg8[%add3A_129, %dma_wait3A_130] : memref<152x128xi32, #tpu.memory_space<vmem>> -> memref<1x128xi32, #tpu.memory_space<vmem>>
        %dma_wait3A_132 = tpu.memref_squeeze %dma_wait3A_131 : memref<1x128xi32, #tpu.memory_space<vmem>> -> memref<128xi32, #tpu.memory_space<vmem>>
        %dma_wait3A_133 = arith.constant 0 : i32
        %dma_wait3A_134 = arith.constant 0 : i32
        %dma_wait3A_135 = tpu.memref_slice %arg21[%dma_wait3A_133, %dma_wait3A_134] : memref<10240x64xf32, #tpu.memory_space<vmem_shared>> -> memref<10240x64xf32, #tpu.memory_space<vmem_shared>>
        tpu.wait_indirect_dma semaphore(%arg17 : memref<!tpu.dma_semaphore, #tpu.memory_space<semaphore_mem>>) src(%arg9 : memref<128x64xf32, #tpu.memory_space<vmem>>) dst(%dma_wait3A_135 : memref<10240x64xf32, #tpu.memory_space<vmem_shared>>)
        %add3A_136 = arith.constant 1 : i32
        %add3A_137 = arith.addi %scan3A_70, %add3A_136 : i32
        %lt3A = arith.constant 38 : i32
        %lt3A_138 = arith.cmpi slt, %add3A_137, %lt3A : i32
        %convert_element_type3A_139 = arith.extui %lt3A_138 : i1 to i32
        %cond3A_140 = arith.constant 0 : i32
        %cond3A_141 = arith.cmpi ne, %convert_element_type3A_139, %cond3A_140 : i32
        scf.if %cond3A_141 {
          %add3A_187 = arith.constant 4 : i32
          %add3A_188 = arith.addi %add3A_129, %add3A_187 : i32
          %dma_start3A_189 = arith.constant 0 : i32
          %dma_start3A_190 = tpu.memref_slice %arg7[%add3A_188, %dma_start3A_189] : memref<152x128xi32, #tpu.memory_space<vmem>> -> memref<1x128xi32, #tpu.memory_space<vmem>>
          %dma_start3A_191 = tpu.memref_squeeze %dma_start3A_190 : memref<1x128xi32, #tpu.memory_space<vmem>> -> memref<128xi32, #tpu.memory_space<vmem>>
          %dma_start3A_192 = arith.constant 0 : i32
          %dma_start3A_193 = arith.constant 0 : i32
          %dma_start3A_194 = tpu.memref_slice %arg2[%dma_start3A_192, %dma_start3A_193] : memref<10240x64xf32, #tpu.memory_space<hbm>> -> memref<10240x64xf32, #tpu.memory_space<hbm>>
          tpu.enqueue_indirect_dma source(%dma_start3A_194 : memref<10240x64xf32, #tpu.memory_space<hbm>>) target(%arg9 : memref<128x64xf32, #tpu.memory_space<vmem>>) offsets(%dma_start3A_191 : memref<128xi32, #tpu.memory_space<vmem>>) semaphore(%arg13 : memref<!tpu.dma_semaphore, #tpu.memory_space<semaphore_mem>>)
        } else {
        }
        %add3A_142 = arith.constant 1 : i32
        %add3A_143 = arith.addi %mul3A_72, %add3A_142 : i32
        %dma_wait3A_144 = arith.constant 0 : i32
        %dma_wait3A_145 = tpu.memref_slice %arg8[%add3A_143, %dma_wait3A_144] : memref<152x128xi32, #tpu.memory_space<vmem>> -> memref<1x128xi32, #tpu.memory_space<vmem>>
        %dma_wait3A_146 = tpu.memref_squeeze %dma_wait3A_145 : memref<1x128xi32, #tpu.memory_space<vmem>> -> memref<128xi32, #tpu.memory_space<vmem>>
        %dma_wait3A_147 = arith.constant 0 : i32
        %dma_wait3A_148 = arith.constant 0 : i32
        %dma_wait3A_149 = tpu.memref_slice %arg21[%dma_wait3A_147, %dma_wait3A_148] : memref<10240x64xf32, #tpu.memory_space<vmem_shared>> -> memref<10240x64xf32, #tpu.memory_space<vmem_shared>>
        tpu.wait_indirect_dma semaphore(%arg18 : memref<!tpu.dma_semaphore, #tpu.memory_space<semaphore_mem>>) src(%arg10 : memref<128x64xf32, #tpu.memory_space<vmem>>) dst(%dma_wait3A_149 : memref<10240x64xf32, #tpu.memory_space<vmem_shared>>)
        %add3A_150 = arith.constant 1 : i32
        %add3A_151 = arith.addi %scan3A_70, %add3A_150 : i32
        %lt3A_152 = arith.constant 38 : i32
        %lt3A_153 = arith.cmpi slt, %add3A_151, %lt3A_152 : i32
        %convert_element_type3A_154 = arith.extui %lt3A_153 : i1 to i32
        %cond3A_155 = arith.constant 0 : i32
        %cond3A_156 = arith.cmpi ne, %convert_element_type3A_154, %cond3A_155 : i32
        scf.if %cond3A_156 {
          %add3A_187 = arith.constant 4 : i32
          %add3A_188 = arith.addi %add3A_143, %add3A_187 : i32
          %dma_start3A_189 = arith.constant 0 : i32
          %dma_start3A_190 = tpu.memref_slice %arg7[%add3A_188, %dma_start3A_189] : memref<152x128xi32, #tpu.memory_space<vmem>> -> memref<1x128xi32, #tpu.memory_space<vmem>>
          %dma_start3A_191 = tpu.memref_squeeze %dma_start3A_190 : memref<1x128xi32, #tpu.memory_space<vmem>> -> memref<128xi32, #tpu.memory_space<vmem>>
          %dma_start3A_192 = arith.constant 0 : i32
          %dma_start3A_193 = arith.constant 0 : i32
          %dma_start3A_194 = tpu.memref_slice %arg2[%dma_start3A_192, %dma_start3A_193] : memref<10240x64xf32, #tpu.memory_space<hbm>> -> memref<10240x64xf32, #tpu.memory_space<hbm>>
          tpu.enqueue_indirect_dma source(%dma_start3A_194 : memref<10240x64xf32, #tpu.memory_space<hbm>>) target(%arg10 : memref<128x64xf32, #tpu.memory_space<vmem>>) offsets(%dma_start3A_191 : memref<128xi32, #tpu.memory_space<vmem>>) semaphore(%arg14 : memref<!tpu.dma_semaphore, #tpu.memory_space<semaphore_mem>>)
        } else {
        }
        %add3A_157 = arith.constant 2 : i32
        %add3A_158 = arith.addi %mul3A_72, %add3A_157 : i32
        %dma_wait3A_159 = arith.constant 0 : i32
        %dma_wait3A_160 = tpu.memref_slice %arg8[%add3A_158, %dma_wait3A_159] : memref<152x128xi32, #tpu.memory_space<vmem>> -> memref<1x128xi32, #tpu.memory_space<vmem>>
        %dma_wait3A_161 = tpu.memref_squeeze %dma_wait3A_160 : memref<1x128xi32, #tpu.memory_space<vmem>> -> memref<128xi32, #tpu.memory_space<vmem>>
        %dma_wait3A_162 = arith.constant 0 : i32
        %dma_wait3A_163 = arith.constant 0 : i32
        %dma_wait3A_164 = tpu.memref_slice %arg21[%dma_wait3A_162, %dma_wait3A_163] : memref<10240x64xf32, #tpu.memory_space<vmem_shared>> -> memref<10240x64xf32, #tpu.memory_space<vmem_shared>>
        tpu.wait_indirect_dma semaphore(%arg19 : memref<!tpu.dma_semaphore, #tpu.memory_space<semaphore_mem>>) src(%arg11 : memref<128x64xf32, #tpu.memory_space<vmem>>) dst(%dma_wait3A_164 : memref<10240x64xf32, #tpu.memory_space<vmem_shared>>)
        %add3A_165 = arith.constant 1 : i32
        %add3A_166 = arith.addi %scan3A_70, %add3A_165 : i32
        %lt3A_167 = arith.constant 38 : i32
        %lt3A_168 = arith.cmpi slt, %add3A_166, %lt3A_167 : i32
        %convert_element_type3A_169 = arith.extui %lt3A_168 : i1 to i32
        %cond3A_170 = arith.constant 0 : i32
        %cond3A_171 = arith.cmpi ne, %convert_element_type3A_169, %cond3A_170 : i32
        scf.if %cond3A_171 {
          %add3A_187 = arith.constant 4 : i32
          %add3A_188 = arith.addi %add3A_158, %add3A_187 : i32
          %dma_start3A_189 = arith.constant 0 : i32
          %dma_start3A_190 = tpu.memref_slice %arg7[%add3A_188, %dma_start3A_189] : memref<152x128xi32, #tpu.memory_space<vmem>> -> memref<1x128xi32, #tpu.memory_space<vmem>>
          %dma_start3A_191 = tpu.memref_squeeze %dma_start3A_190 : memref<1x128xi32, #tpu.memory_space<vmem>> -> memref<128xi32, #tpu.memory_space<vmem>>
          %dma_start3A_192 = arith.constant 0 : i32
          %dma_start3A_193 = arith.constant 0 : i32
          %dma_start3A_194 = tpu.memref_slice %arg2[%dma_start3A_192, %dma_start3A_193] : memref<10240x64xf32, #tpu.memory_space<hbm>> -> memref<10240x64xf32, #tpu.memory_space<hbm>>
          tpu.enqueue_indirect_dma source(%dma_start3A_194 : memref<10240x64xf32, #tpu.memory_space<hbm>>) target(%arg11 : memref<128x64xf32, #tpu.memory_space<vmem>>) offsets(%dma_start3A_191 : memref<128xi32, #tpu.memory_space<vmem>>) semaphore(%arg15 : memref<!tpu.dma_semaphore, #tpu.memory_space<semaphore_mem>>)
        } else {
        }
        %add3A_172 = arith.constant 3 : i32
        %add3A_173 = arith.addi %mul3A_72, %add3A_172 : i32
        %dma_wait3A_174 = arith.constant 0 : i32
        %dma_wait3A_175 = tpu.memref_slice %arg8[%add3A_173, %dma_wait3A_174] : memref<152x128xi32, #tpu.memory_space<vmem>> -> memref<1x128xi32, #tpu.memory_space<vmem>>
        %dma_wait3A_176 = tpu.memref_squeeze %dma_wait3A_175 : memref<1x128xi32, #tpu.memory_space<vmem>> -> memref<128xi32, #tpu.memory_space<vmem>>
        %dma_wait3A_177 = arith.constant 0 : i32
        %dma_wait3A_178 = arith.constant 0 : i32
        %dma_wait3A_179 = tpu.memref_slice %arg21[%dma_wait3A_177, %dma_wait3A_178] : memref<10240x64xf32, #tpu.memory_space<vmem_shared>> -> memref<10240x64xf32, #tpu.memory_space<vmem_shared>>
        tpu.wait_indirect_dma semaphore(%arg20 : memref<!tpu.dma_semaphore, #tpu.memory_space<semaphore_mem>>) src(%arg12 : memref<128x64xf32, #tpu.memory_space<vmem>>) dst(%dma_wait3A_179 : memref<10240x64xf32, #tpu.memory_space<vmem_shared>>)
        %add3A_180 = arith.constant 1 : i32
        %add3A_181 = arith.addi %scan3A_70, %add3A_180 : i32
        %lt3A_182 = arith.constant 38 : i32
        %lt3A_183 = arith.cmpi slt, %add3A_181, %lt3A_182 : i32
        %convert_element_type3A_184 = arith.extui %lt3A_183 : i1 to i32
        %cond3A_185 = arith.constant 0 : i32
        %cond3A_186 = arith.cmpi ne, %convert_element_type3A_184, %cond3A_185 : i32
        scf.if %cond3A_186 {
          %add3A_187 = arith.constant 4 : i32
          %add3A_188 = arith.addi %add3A_173, %add3A_187 : i32
          %dma_start3A_189 = arith.constant 0 : i32
          %dma_start3A_190 = tpu.memref_slice %arg7[%add3A_188, %dma_start3A_189] : memref<152x128xi32, #tpu.memory_space<vmem>> -> memref<1x128xi32, #tpu.memory_space<vmem>>
          %dma_start3A_191 = tpu.memref_squeeze %dma_start3A_190 : memref<1x128xi32, #tpu.memory_space<vmem>> -> memref<128xi32, #tpu.memory_space<vmem>>
          %dma_start3A_192 = arith.constant 0 : i32
          %dma_start3A_193 = arith.constant 0 : i32
          %dma_start3A_194 = tpu.memref_slice %arg2[%dma_start3A_192, %dma_start3A_193] : memref<10240x64xf32, #tpu.memory_space<hbm>> -> memref<10240x64xf32, #tpu.memory_space<hbm>>
          tpu.enqueue_indirect_dma source(%dma_start3A_194 : memref<10240x64xf32, #tpu.memory_space<hbm>>) target(%arg12 : memref<128x64xf32, #tpu.memory_space<vmem>>) offsets(%dma_start3A_191 : memref<128xi32, #tpu.memory_space<vmem>>) semaphore(%arg16 : memref<!tpu.dma_semaphore, #tpu.memory_space<semaphore_mem>>)
        } else {
        }
      }
      %scan3A_64 = arith.constant 38 : i32
      %barrier3A_65 = arith.constant 0 : index
      tpu.barrier barrier_id(%barrier3A_65)
      %mul3A_66 = arith.constant 640 : i32
      %mul3A_67 = arith.muli %arg1, %mul3A_66 : i32
      %mul3A_68 = arith.constant 640 : i32
      %mul3A_69 = arith.muli %arg1, %mul3A_68 : i32
      "tpu.region"() ({
        %run_scoped3A = tpu.sem_alloc : memref<!tpu.dma_semaphore, #tpu.memory_space<semaphore_mem>>
        %dma_start3A_70 = arith.constant 0 : i32
        %dma_start3A_71 = tpu.memref_slice %arg5[%mul3A_69, %dma_start3A_70] : memref<10240x64xf32, #tpu.memory_space<hbm>> -> memref<640x64xf32, #tpu.memory_space<hbm>>
        %dma_start3A_72 = arith.constant 0 : i32
        %dma_start3A_73 = tpu.memref_slice %arg21[%mul3A_67, %dma_start3A_72] : memref<10240x64xf32, #tpu.memory_space<vmem_shared>> -> memref<640x64xf32, #tpu.memory_space<vmem_shared>>
        tpu.enqueue_dma source(%dma_start3A_73 : memref<640x64xf32, #tpu.memory_space<vmem_shared>>) target(%dma_start3A_71 : memref<640x64xf32, #tpu.memory_space<hbm>>) target_semaphore(%run_scoped3A : memref<!tpu.dma_semaphore, #tpu.memory_space<semaphore_mem>>)
        %dma_wait3A = arith.constant 0 : i32
        %dma_wait3A_74 = tpu.memref_slice %arg5[%mul3A_69, %dma_wait3A] : memref<10240x64xf32, #tpu.memory_space<hbm>> -> memref<640x64xf32, #tpu.memory_space<hbm>>
        %dma_wait3A_75 = arith.constant 0 : i32
        %dma_wait3A_76 = tpu.memref_slice %arg21[%mul3A_67, %dma_wait3A_75] : memref<10240x64xf32, #tpu.memory_space<vmem_shared>> -> memref<640x64xf32, #tpu.memory_space<vmem_shared>>
        tpu.wait_dma2 semaphore(%run_scoped3A : memref<!tpu.dma_semaphore, #tpu.memory_space<semaphore_mem>>) src(%dma_wait3A_76 : memref<640x64xf32, #tpu.memory_space<vmem_shared>>) dst(%dma_wait3A_74 : memref<640x64xf32, #tpu.memory_space<hbm>>)
        tpu.yield
      }) : () -> ()
    } else {
    }
    %eq3A_25 = arith.constant 1 : i32
    %eq3A_26 = arith.cmpi eq, %arg0, %eq3A_25 : i32
    %convert_element_type3A_27 = arith.extui %eq3A_26 : i1 to i32
    %cond3A_28 = arith.constant 0 : i32
    %cond3A_29 = arith.cmpi ne, %convert_element_type3A_27, %cond3A_28 : i32
    scf.if %cond3A_29 {
      %mul3A_30 = arith.constant 8 : i32
      %mul3A_31 = arith.muli %arg1, %mul3A_30 : i32
      %add3A_32 = arith.constant 2432 : i32
      %add3A_33 = arith.addi %add3A_32, %mul3A_31 : i32
      "tpu.region"() ({
        %run_scoped3A = tpu.sem_alloc : memref<!tpu.dma_semaphore, #tpu.memory_space<semaphore_mem>>
        %dma_start3A_72 = arith.constant 0 : i32
        %dma_start3A_73 = arith.constant 0 : i32
        %dma_start3A_74 = tpu.memref_slice %arg7[%dma_start3A_72, %dma_start3A_73] : memref<152x128xi32, #tpu.memory_space<vmem>> -> memref<8x128xi32, #tpu.memory_space<vmem>>
        %dma_start3A_75 = arith.constant 0 : i32
        %dma_start3A_76 = tpu.memref_slice %arg3[%add3A_33, %dma_start3A_75] : memref<2560x128xi32, #tpu.memory_space<hbm>> -> memref<8x128xi32, #tpu.memory_space<hbm>>
        %dma_start3A_77 = arith.constant 0 : i32
        %dma_start3A_78 = arith.constant 0 : i32
        %dma_start3A_79 = tpu.memref_slice %arg7[%dma_start3A_77, %dma_start3A_78] : memref<152x128xi32, #tpu.memory_space<vmem>> -> memref<8x128xi32, #tpu.memory_space<vmem>>
        %dma_start3A_80 = arith.constant 0 : i32
        %dma_start3A_81 = tpu.memref_slice %arg3[%add3A_33, %dma_start3A_80] : memref<2560x128xi32, #tpu.memory_space<hbm>> -> memref<8x128xi32, #tpu.memory_space<hbm>>
        tpu.enqueue_dma source(%dma_start3A_81 : memref<8x128xi32, #tpu.memory_space<hbm>>) target(%dma_start3A_79 : memref<8x128xi32, #tpu.memory_space<vmem>>) target_semaphore(%run_scoped3A : memref<!tpu.dma_semaphore, #tpu.memory_space<semaphore_mem>>)
        %dma_wait3A = arith.constant 0 : i32
        %dma_wait3A_82 = arith.constant 0 : i32
        %dma_wait3A_83 = tpu.memref_slice %arg7[%dma_wait3A, %dma_wait3A_82] : memref<152x128xi32, #tpu.memory_space<vmem>> -> memref<8x128xi32, #tpu.memory_space<vmem>>
        %dma_wait3A_84 = arith.constant 0 : i32
        %dma_wait3A_85 = tpu.memref_slice %arg3[%add3A_33, %dma_wait3A_84] : memref<2560x128xi32, #tpu.memory_space<hbm>> -> memref<8x128xi32, #tpu.memory_space<hbm>>
        %dma_wait3A_86 = arith.constant 0 : i32
        %dma_wait3A_87 = arith.constant 0 : i32
        %dma_wait3A_88 = tpu.memref_slice %arg7[%dma_wait3A_86, %dma_wait3A_87] : memref<152x128xi32, #tpu.memory_space<vmem>> -> memref<8x128xi32, #tpu.memory_space<vmem>>
        %dma_wait3A_89 = arith.constant 0 : i32
        %dma_wait3A_90 = tpu.memref_slice %arg3[%add3A_33, %dma_wait3A_89] : memref<2560x128xi32, #tpu.memory_space<hbm>> -> memref<8x128xi32, #tpu.memory_space<hbm>>
        tpu.wait_dma2 semaphore(%run_scoped3A : memref<!tpu.dma_semaphore, #tpu.memory_space<semaphore_mem>>) src(%dma_wait3A_90 : memref<8x128xi32, #tpu.memory_space<hbm>>) dst(%dma_wait3A_88 : memref<8x128xi32, #tpu.memory_space<vmem>>)
        tpu.yield
      }) : () -> ()
      "tpu.region"() ({
        %run_scoped3A = tpu.sem_alloc : memref<!tpu.dma_semaphore, #tpu.memory_space<semaphore_mem>>
        %dma_start3A_72 = arith.constant 0 : i32
        %dma_start3A_73 = arith.constant 0 : i32
        %dma_start3A_74 = tpu.memref_slice %arg8[%dma_start3A_72, %dma_start3A_73] : memref<152x128xi32, #tpu.memory_space<vmem>> -> memref<8x128xi32, #tpu.memory_space<vmem>>
        %dma_start3A_75 = arith.constant 0 : i32
        %dma_start3A_76 = tpu.memref_slice %arg4[%add3A_33, %dma_start3A_75] : memref<2560x128xi32, #tpu.memory_space<hbm>> -> memref<8x128xi32, #tpu.memory_space<hbm>>
        %dma_start3A_77 = arith.constant 0 : i32
        %dma_start3A_78 = arith.constant 0 : i32
        %dma_start3A_79 = tpu.memref_slice %arg8[%dma_start3A_77, %dma_start3A_78] : memref<152x128xi32, #tpu.memory_space<vmem>> -> memref<8x128xi32, #tpu.memory_space<vmem>>
        %dma_start3A_80 = arith.constant 0 : i32
        %dma_start3A_81 = tpu.memref_slice %arg4[%add3A_33, %dma_start3A_80] : memref<2560x128xi32, #tpu.memory_space<hbm>> -> memref<8x128xi32, #tpu.memory_space<hbm>>
        tpu.enqueue_dma source(%dma_start3A_81 : memref<8x128xi32, #tpu.memory_space<hbm>>) target(%dma_start3A_79 : memref<8x128xi32, #tpu.memory_space<vmem>>) target_semaphore(%run_scoped3A : memref<!tpu.dma_semaphore, #tpu.memory_space<semaphore_mem>>)
        %dma_wait3A = arith.constant 0 : i32
        %dma_wait3A_82 = arith.constant 0 : i32
        %dma_wait3A_83 = tpu.memref_slice %arg8[%dma_wait3A, %dma_wait3A_82] : memref<152x128xi32, #tpu.memory_space<vmem>> -> memref<8x128xi32, #tpu.memory_space<vmem>>
        %dma_wait3A_84 = arith.constant 0 : i32
        %dma_wait3A_85 = tpu.memref_slice %arg4[%add3A_33, %dma_wait3A_84] : memref<2560x128xi32, #tpu.memory_space<hbm>> -> memref<8x128xi32, #tpu.memory_space<hbm>>
        %dma_wait3A_86 = arith.constant 0 : i32
        %dma_wait3A_87 = arith.constant 0 : i32
        %dma_wait3A_88 = tpu.memref_slice %arg8[%dma_wait3A_86, %dma_wait3A_87] : memref<152x128xi32, #tpu.memory_space<vmem>> -> memref<8x128xi32, #tpu.memory_space<vmem>>
        %dma_wait3A_89 = arith.constant 0 : i32
        %dma_wait3A_90 = tpu.memref_slice %arg4[%add3A_33, %dma_wait3A_89] : memref<2560x128xi32, #tpu.memory_space<hbm>> -> memref<8x128xi32, #tpu.memory_space<hbm>>
        tpu.wait_dma2 semaphore(%run_scoped3A : memref<!tpu.dma_semaphore, #tpu.memory_space<semaphore_mem>>) src(%dma_wait3A_90 : memref<8x128xi32, #tpu.memory_space<hbm>>) dst(%dma_wait3A_88 : memref<8x128xi32, #tpu.memory_space<vmem>>)
        tpu.yield
      }) : () -> ()
      %barrier3A = arith.constant 0 : index
      tpu.barrier barrier_id(%barrier3A)
      %dma_start3A = arith.constant 0 : i32
      %dma_start3A_34 = arith.constant 0 : i32
      %dma_start3A_35 = tpu.memref_slice %arg7[%dma_start3A, %dma_start3A_34] : memref<152x128xi32, #tpu.memory_space<vmem>> -> memref<1x128xi32, #tpu.memory_space<vmem>>
      %dma_start3A_36 = tpu.memref_squeeze %dma_start3A_35 : memref<1x128xi32, #tpu.memory_space<vmem>> -> memref<128xi32, #tpu.memory_space<vmem>>
      %dma_start3A_37 = arith.constant 0 : i32
      %dma_start3A_38 = arith.constant 0 : i32
      %dma_start3A_39 = tpu.memref_slice %arg2[%dma_start3A_37, %dma_start3A_38] : memref<10240x64xf32, #tpu.memory_space<hbm>> -> memref<10240x64xf32, #tpu.memory_space<hbm>>
      tpu.enqueue_indirect_dma source(%dma_start3A_39 : memref<10240x64xf32, #tpu.memory_space<hbm>>) target(%arg9 : memref<128x64xf32, #tpu.memory_space<vmem>>) offsets(%dma_start3A_36 : memref<128xi32, #tpu.memory_space<vmem>>) semaphore(%arg13 : memref<!tpu.dma_semaphore, #tpu.memory_space<semaphore_mem>>)
      %dma_start3A_40 = arith.constant 1 : i32
      %dma_start3A_41 = arith.constant 0 : i32
      %dma_start3A_42 = tpu.memref_slice %arg7[%dma_start3A_40, %dma_start3A_41] : memref<152x128xi32, #tpu.memory_space<vmem>> -> memref<1x128xi32, #tpu.memory_space<vmem>>
      %dma_start3A_43 = tpu.memref_squeeze %dma_start3A_42 : memref<1x128xi32, #tpu.memory_space<vmem>> -> memref<128xi32, #tpu.memory_space<vmem>>
      %dma_start3A_44 = arith.constant 0 : i32
      %dma_start3A_45 = arith.constant 0 : i32
      %dma_start3A_46 = tpu.memref_slice %arg2[%dma_start3A_44, %dma_start3A_45] : memref<10240x64xf32, #tpu.memory_space<hbm>> -> memref<10240x64xf32, #tpu.memory_space<hbm>>
      tpu.enqueue_indirect_dma source(%dma_start3A_46 : memref<10240x64xf32, #tpu.memory_space<hbm>>) target(%arg10 : memref<128x64xf32, #tpu.memory_space<vmem>>) offsets(%dma_start3A_43 : memref<128xi32, #tpu.memory_space<vmem>>) semaphore(%arg14 : memref<!tpu.dma_semaphore, #tpu.memory_space<semaphore_mem>>)
      %dma_start3A_47 = arith.constant 2 : i32
      %dma_start3A_48 = arith.constant 0 : i32
      %dma_start3A_49 = tpu.memref_slice %arg7[%dma_start3A_47, %dma_start3A_48] : memref<152x128xi32, #tpu.memory_space<vmem>> -> memref<1x128xi32, #tpu.memory_space<vmem>>
      %dma_start3A_50 = tpu.memref_squeeze %dma_start3A_49 : memref<1x128xi32, #tpu.memory_space<vmem>> -> memref<128xi32, #tpu.memory_space<vmem>>
      %dma_start3A_51 = arith.constant 0 : i32
      %dma_start3A_52 = arith.constant 0 : i32
      %dma_start3A_53 = tpu.memref_slice %arg2[%dma_start3A_51, %dma_start3A_52] : memref<10240x64xf32, #tpu.memory_space<hbm>> -> memref<10240x64xf32, #tpu.memory_space<hbm>>
      tpu.enqueue_indirect_dma source(%dma_start3A_53 : memref<10240x64xf32, #tpu.memory_space<hbm>>) target(%arg11 : memref<128x64xf32, #tpu.memory_space<vmem>>) offsets(%dma_start3A_50 : memref<128xi32, #tpu.memory_space<vmem>>) semaphore(%arg15 : memref<!tpu.dma_semaphore, #tpu.memory_space<semaphore_mem>>)
      %dma_start3A_54 = arith.constant 3 : i32
      %dma_start3A_55 = arith.constant 0 : i32
      %dma_start3A_56 = tpu.memref_slice %arg7[%dma_start3A_54, %dma_start3A_55] : memref<152x128xi32, #tpu.memory_space<vmem>> -> memref<1x128xi32, #tpu.memory_space<vmem>>
      %dma_start3A_57 = tpu.memref_squeeze %dma_start3A_56 : memref<1x128xi32, #tpu.memory_space<vmem>> -> memref<128xi32, #tpu.memory_space<vmem>>
      %dma_start3A_58 = arith.constant 0 : i32
      %dma_start3A_59 = arith.constant 0 : i32
      %dma_start3A_60 = tpu.memref_slice %arg2[%dma_start3A_58, %dma_start3A_59] : memref<10240x64xf32, #tpu.memory_space<hbm>> -> memref<10240x64xf32, #tpu.memory_space<hbm>>
      tpu.enqueue_indirect_dma source(%dma_start3A_60 : memref<10240x64xf32, #tpu.memory_space<hbm>>) target(%arg12 : memref<128x64xf32, #tpu.memory_space<vmem>>) offsets(%dma_start3A_57 : memref<128xi32, #tpu.memory_space<vmem>>) semaphore(%arg16 : memref<!tpu.dma_semaphore, #tpu.memory_space<semaphore_mem>>)
      %scan3A_61 = arith.constant 0 : i32
      %scan3A_62 = arith.constant 0 : i32
      %scan3A_63 = arith.constant 2 : i32
      %scan3A_64 = arith.addi %scan3A_62, %scan3A_63 : i32
      %scan3A_65 = arith.constant 1 : i32
      scf.for %scan3A_72 = %scan3A_62 to %scan3A_64 step %scan3A_65  : i32 {
        %mul3A_73 = arith.constant 4 : i32
        %mul3A_74 = arith.muli %scan3A_72, %mul3A_73 : i32
        %add3A_75 = arith.constant 0 : i32
        %add3A_76 = arith.addi %mul3A_74, %add3A_75 : i32
        %dma_wait3A = arith.constant 0 : i32
        %dma_wait3A_77 = tpu.memref_slice %arg7[%add3A_76, %dma_wait3A] : memref<152x128xi32, #tpu.memory_space<vmem>> -> memref<1x128xi32, #tpu.memory_space<vmem>>
        %dma_wait3A_78 = tpu.memref_squeeze %dma_wait3A_77 : memref<1x128xi32, #tpu.memory_space<vmem>> -> memref<128xi32, #tpu.memory_space<vmem>>
        %dma_wait3A_79 = arith.constant 0 : i32
        %dma_wait3A_80 = arith.constant 0 : i32
        %dma_wait3A_81 = tpu.memref_slice %arg2[%dma_wait3A_79, %dma_wait3A_80] : memref<10240x64xf32, #tpu.memory_space<hbm>> -> memref<10240x64xf32, #tpu.memory_space<hbm>>
        tpu.wait_indirect_dma semaphore(%arg13 : memref<!tpu.dma_semaphore, #tpu.memory_space<semaphore_mem>>) src(%dma_wait3A_81 : memref<10240x64xf32, #tpu.memory_space<hbm>>) dst(%arg9 : memref<128x64xf32, #tpu.memory_space<vmem>>)
        %dma_start3A_82 = arith.constant 0 : i32
        %dma_start3A_83 = tpu.memref_slice %arg8[%add3A_76, %dma_start3A_82] : memref<152x128xi32, #tpu.memory_space<vmem>> -> memref<1x128xi32, #tpu.memory_space<vmem>>
        %dma_start3A_84 = tpu.memref_squeeze %dma_start3A_83 : memref<1x128xi32, #tpu.memory_space<vmem>> -> memref<128xi32, #tpu.memory_space<vmem>>
        %dma_start3A_85 = arith.constant 0 : i32
        %dma_start3A_86 = arith.constant 0 : i32
        %dma_start3A_87 = tpu.memref_slice %arg21[%dma_start3A_85, %dma_start3A_86] : memref<10240x64xf32, #tpu.memory_space<vmem_shared>> -> memref<10240x64xf32, #tpu.memory_space<vmem_shared>>
        tpu.enqueue_indirect_dma source(%arg9 : memref<128x64xf32, #tpu.memory_space<vmem>>) target(%dma_start3A_87 : memref<10240x64xf32, #tpu.memory_space<vmem_shared>>) offsets(%dma_start3A_84 : memref<128xi32, #tpu.memory_space<vmem>>) semaphore(%arg17 : memref<!tpu.dma_semaphore, #tpu.memory_space<semaphore_mem>>) {add = true}
        %add3A_88 = arith.constant 1 : i32
        %add3A_89 = arith.addi %mul3A_74, %add3A_88 : i32
        %dma_wait3A_90 = arith.constant 0 : i32
        %dma_wait3A_91 = tpu.memref_slice %arg7[%add3A_89, %dma_wait3A_90] : memref<152x128xi32, #tpu.memory_space<vmem>> -> memref<1x128xi32, #tpu.memory_space<vmem>>
        %dma_wait3A_92 = tpu.memref_squeeze %dma_wait3A_91 : memref<1x128xi32, #tpu.memory_space<vmem>> -> memref<128xi32, #tpu.memory_space<vmem>>
        %dma_wait3A_93 = arith.constant 0 : i32
        %dma_wait3A_94 = arith.constant 0 : i32
        %dma_wait3A_95 = tpu.memref_slice %arg2[%dma_wait3A_93, %dma_wait3A_94] : memref<10240x64xf32, #tpu.memory_space<hbm>> -> memref<10240x64xf32, #tpu.memory_space<hbm>>
        tpu.wait_indirect_dma semaphore(%arg14 : memref<!tpu.dma_semaphore, #tpu.memory_space<semaphore_mem>>) src(%dma_wait3A_95 : memref<10240x64xf32, #tpu.memory_space<hbm>>) dst(%arg10 : memref<128x64xf32, #tpu.memory_space<vmem>>)
        %dma_start3A_96 = arith.constant 0 : i32
        %dma_start3A_97 = tpu.memref_slice %arg8[%add3A_89, %dma_start3A_96] : memref<152x128xi32, #tpu.memory_space<vmem>> -> memref<1x128xi32, #tpu.memory_space<vmem>>
        %dma_start3A_98 = tpu.memref_squeeze %dma_start3A_97 : memref<1x128xi32, #tpu.memory_space<vmem>> -> memref<128xi32, #tpu.memory_space<vmem>>
        %dma_start3A_99 = arith.constant 0 : i32
        %dma_start3A_100 = arith.constant 0 : i32
        %dma_start3A_101 = tpu.memref_slice %arg21[%dma_start3A_99, %dma_start3A_100] : memref<10240x64xf32, #tpu.memory_space<vmem_shared>> -> memref<10240x64xf32, #tpu.memory_space<vmem_shared>>
        tpu.enqueue_indirect_dma source(%arg10 : memref<128x64xf32, #tpu.memory_space<vmem>>) target(%dma_start3A_101 : memref<10240x64xf32, #tpu.memory_space<vmem_shared>>) offsets(%dma_start3A_98 : memref<128xi32, #tpu.memory_space<vmem>>) semaphore(%arg18 : memref<!tpu.dma_semaphore, #tpu.memory_space<semaphore_mem>>) {add = true}
        %add3A_102 = arith.constant 2 : i32
        %add3A_103 = arith.addi %mul3A_74, %add3A_102 : i32
        %dma_wait3A_104 = arith.constant 0 : i32
        %dma_wait3A_105 = tpu.memref_slice %arg7[%add3A_103, %dma_wait3A_104] : memref<152x128xi32, #tpu.memory_space<vmem>> -> memref<1x128xi32, #tpu.memory_space<vmem>>
        %dma_wait3A_106 = tpu.memref_squeeze %dma_wait3A_105 : memref<1x128xi32, #tpu.memory_space<vmem>> -> memref<128xi32, #tpu.memory_space<vmem>>
        %dma_wait3A_107 = arith.constant 0 : i32
        %dma_wait3A_108 = arith.constant 0 : i32
        %dma_wait3A_109 = tpu.memref_slice %arg2[%dma_wait3A_107, %dma_wait3A_108] : memref<10240x64xf32, #tpu.memory_space<hbm>> -> memref<10240x64xf32, #tpu.memory_space<hbm>>
        tpu.wait_indirect_dma semaphore(%arg15 : memref<!tpu.dma_semaphore, #tpu.memory_space<semaphore_mem>>) src(%dma_wait3A_109 : memref<10240x64xf32, #tpu.memory_space<hbm>>) dst(%arg11 : memref<128x64xf32, #tpu.memory_space<vmem>>)
        %dma_start3A_110 = arith.constant 0 : i32
        %dma_start3A_111 = tpu.memref_slice %arg8[%add3A_103, %dma_start3A_110] : memref<152x128xi32, #tpu.memory_space<vmem>> -> memref<1x128xi32, #tpu.memory_space<vmem>>
        %dma_start3A_112 = tpu.memref_squeeze %dma_start3A_111 : memref<1x128xi32, #tpu.memory_space<vmem>> -> memref<128xi32, #tpu.memory_space<vmem>>
        %dma_start3A_113 = arith.constant 0 : i32
        %dma_start3A_114 = arith.constant 0 : i32
        %dma_start3A_115 = tpu.memref_slice %arg21[%dma_start3A_113, %dma_start3A_114] : memref<10240x64xf32, #tpu.memory_space<vmem_shared>> -> memref<10240x64xf32, #tpu.memory_space<vmem_shared>>
        tpu.enqueue_indirect_dma source(%arg11 : memref<128x64xf32, #tpu.memory_space<vmem>>) target(%dma_start3A_115 : memref<10240x64xf32, #tpu.memory_space<vmem_shared>>) offsets(%dma_start3A_112 : memref<128xi32, #tpu.memory_space<vmem>>) semaphore(%arg19 : memref<!tpu.dma_semaphore, #tpu.memory_space<semaphore_mem>>) {add = true}
        %add3A_116 = arith.constant 3 : i32
        %add3A_117 = arith.addi %mul3A_74, %add3A_116 : i32
        %dma_wait3A_118 = arith.constant 0 : i32
        %dma_wait3A_119 = tpu.memref_slice %arg7[%add3A_117, %dma_wait3A_118] : memref<152x128xi32, #tpu.memory_space<vmem>> -> memref<1x128xi32, #tpu.memory_space<vmem>>
        %dma_wait3A_120 = tpu.memref_squeeze %dma_wait3A_119 : memref<1x128xi32, #tpu.memory_space<vmem>> -> memref<128xi32, #tpu.memory_space<vmem>>
        %dma_wait3A_121 = arith.constant 0 : i32
        %dma_wait3A_122 = arith.constant 0 : i32
        %dma_wait3A_123 = tpu.memref_slice %arg2[%dma_wait3A_121, %dma_wait3A_122] : memref<10240x64xf32, #tpu.memory_space<hbm>> -> memref<10240x64xf32, #tpu.memory_space<hbm>>
        tpu.wait_indirect_dma semaphore(%arg16 : memref<!tpu.dma_semaphore, #tpu.memory_space<semaphore_mem>>) src(%dma_wait3A_123 : memref<10240x64xf32, #tpu.memory_space<hbm>>) dst(%arg12 : memref<128x64xf32, #tpu.memory_space<vmem>>)
        %dma_start3A_124 = arith.constant 0 : i32
        %dma_start3A_125 = tpu.memref_slice %arg8[%add3A_117, %dma_start3A_124] : memref<152x128xi32, #tpu.memory_space<vmem>> -> memref<1x128xi32, #tpu.memory_space<vmem>>
        %dma_start3A_126 = tpu.memref_squeeze %dma_start3A_125 : memref<1x128xi32, #tpu.memory_space<vmem>> -> memref<128xi32, #tpu.memory_space<vmem>>
        %dma_start3A_127 = arith.constant 0 : i32
        %dma_start3A_128 = arith.constant 0 : i32
        %dma_start3A_129 = tpu.memref_slice %arg21[%dma_start3A_127, %dma_start3A_128] : memref<10240x64xf32, #tpu.memory_space<vmem_shared>> -> memref<10240x64xf32, #tpu.memory_space<vmem_shared>>
        tpu.enqueue_indirect_dma source(%arg12 : memref<128x64xf32, #tpu.memory_space<vmem>>) target(%dma_start3A_129 : memref<10240x64xf32, #tpu.memory_space<vmem_shared>>) offsets(%dma_start3A_126 : memref<128xi32, #tpu.memory_space<vmem>>) semaphore(%arg20 : memref<!tpu.dma_semaphore, #tpu.memory_space<semaphore_mem>>) {add = true}
        %add3A_130 = arith.constant 0 : i32
        %add3A_131 = arith.addi %mul3A_74, %add3A_130 : i32
        %dma_wait3A_132 = arith.constant 0 : i32
        %dma_wait3A_133 = tpu.memref_slice %arg8[%add3A_131, %dma_wait3A_132] : memref<152x128xi32, #tpu.memory_space<vmem>> -> memref<1x128xi32, #tpu.memory_space<vmem>>
        %dma_wait3A_134 = tpu.memref_squeeze %dma_wait3A_133 : memref<1x128xi32, #tpu.memory_space<vmem>> -> memref<128xi32, #tpu.memory_space<vmem>>
        %dma_wait3A_135 = arith.constant 0 : i32
        %dma_wait3A_136 = arith.constant 0 : i32
        %dma_wait3A_137 = tpu.memref_slice %arg21[%dma_wait3A_135, %dma_wait3A_136] : memref<10240x64xf32, #tpu.memory_space<vmem_shared>> -> memref<10240x64xf32, #tpu.memory_space<vmem_shared>>
        tpu.wait_indirect_dma semaphore(%arg17 : memref<!tpu.dma_semaphore, #tpu.memory_space<semaphore_mem>>) src(%arg9 : memref<128x64xf32, #tpu.memory_space<vmem>>) dst(%dma_wait3A_137 : memref<10240x64xf32, #tpu.memory_space<vmem_shared>>)
        %add3A_138 = arith.constant 1 : i32
        %add3A_139 = arith.addi %scan3A_72, %add3A_138 : i32
        %lt3A = arith.constant 2 : i32
        %lt3A_140 = arith.cmpi slt, %add3A_139, %lt3A : i32
        %convert_element_type3A_141 = arith.extui %lt3A_140 : i1 to i32
        %cond3A_142 = arith.constant 0 : i32
        %cond3A_143 = arith.cmpi ne, %convert_element_type3A_141, %cond3A_142 : i32
        scf.if %cond3A_143 {
          %add3A_189 = arith.constant 4 : i32
          %add3A_190 = arith.addi %add3A_131, %add3A_189 : i32
          %dma_start3A_191 = arith.constant 0 : i32
          %dma_start3A_192 = tpu.memref_slice %arg7[%add3A_190, %dma_start3A_191] : memref<152x128xi32, #tpu.memory_space<vmem>> -> memref<1x128xi32, #tpu.memory_space<vmem>>
          %dma_start3A_193 = tpu.memref_squeeze %dma_start3A_192 : memref<1x128xi32, #tpu.memory_space<vmem>> -> memref<128xi32, #tpu.memory_space<vmem>>
          %dma_start3A_194 = arith.constant 0 : i32
          %dma_start3A_195 = arith.constant 0 : i32
          %dma_start3A_196 = tpu.memref_slice %arg2[%dma_start3A_194, %dma_start3A_195] : memref<10240x64xf32, #tpu.memory_space<hbm>> -> memref<10240x64xf32, #tpu.memory_space<hbm>>
          tpu.enqueue_indirect_dma source(%dma_start3A_196 : memref<10240x64xf32, #tpu.memory_space<hbm>>) target(%arg9 : memref<128x64xf32, #tpu.memory_space<vmem>>) offsets(%dma_start3A_193 : memref<128xi32, #tpu.memory_space<vmem>>) semaphore(%arg13 : memref<!tpu.dma_semaphore, #tpu.memory_space<semaphore_mem>>)
        } else {
        }
        %add3A_144 = arith.constant 1 : i32
        %add3A_145 = arith.addi %mul3A_74, %add3A_144 : i32
        %dma_wait3A_146 = arith.constant 0 : i32
        %dma_wait3A_147 = tpu.memref_slice %arg8[%add3A_145, %dma_wait3A_146] : memref<152x128xi32, #tpu.memory_space<vmem>> -> memref<1x128xi32, #tpu.memory_space<vmem>>
        %dma_wait3A_148 = tpu.memref_squeeze %dma_wait3A_147 : memref<1x128xi32, #tpu.memory_space<vmem>> -> memref<128xi32, #tpu.memory_space<vmem>>
        %dma_wait3A_149 = arith.constant 0 : i32
        %dma_wait3A_150 = arith.constant 0 : i32
        %dma_wait3A_151 = tpu.memref_slice %arg21[%dma_wait3A_149, %dma_wait3A_150] : memref<10240x64xf32, #tpu.memory_space<vmem_shared>> -> memref<10240x64xf32, #tpu.memory_space<vmem_shared>>
        tpu.wait_indirect_dma semaphore(%arg18 : memref<!tpu.dma_semaphore, #tpu.memory_space<semaphore_mem>>) src(%arg10 : memref<128x64xf32, #tpu.memory_space<vmem>>) dst(%dma_wait3A_151 : memref<10240x64xf32, #tpu.memory_space<vmem_shared>>)
        %add3A_152 = arith.constant 1 : i32
        %add3A_153 = arith.addi %scan3A_72, %add3A_152 : i32
        %lt3A_154 = arith.constant 2 : i32
        %lt3A_155 = arith.cmpi slt, %add3A_153, %lt3A_154 : i32
        %convert_element_type3A_156 = arith.extui %lt3A_155 : i1 to i32
        %cond3A_157 = arith.constant 0 : i32
        %cond3A_158 = arith.cmpi ne, %convert_element_type3A_156, %cond3A_157 : i32
        scf.if %cond3A_158 {
          %add3A_189 = arith.constant 4 : i32
          %add3A_190 = arith.addi %add3A_145, %add3A_189 : i32
          %dma_start3A_191 = arith.constant 0 : i32
          %dma_start3A_192 = tpu.memref_slice %arg7[%add3A_190, %dma_start3A_191] : memref<152x128xi32, #tpu.memory_space<vmem>> -> memref<1x128xi32, #tpu.memory_space<vmem>>
          %dma_start3A_193 = tpu.memref_squeeze %dma_start3A_192 : memref<1x128xi32, #tpu.memory_space<vmem>> -> memref<128xi32, #tpu.memory_space<vmem>>
          %dma_start3A_194 = arith.constant 0 : i32
          %dma_start3A_195 = arith.constant 0 : i32
          %dma_start3A_196 = tpu.memref_slice %arg2[%dma_start3A_194, %dma_start3A_195] : memref<10240x64xf32, #tpu.memory_space<hbm>> -> memref<10240x64xf32, #tpu.memory_space<hbm>>
          tpu.enqueue_indirect_dma source(%dma_start3A_196 : memref<10240x64xf32, #tpu.memory_space<hbm>>) target(%arg10 : memref<128x64xf32, #tpu.memory_space<vmem>>) offsets(%dma_start3A_193 : memref<128xi32, #tpu.memory_space<vmem>>) semaphore(%arg14 : memref<!tpu.dma_semaphore, #tpu.memory_space<semaphore_mem>>)
        } else {
        }
        %add3A_159 = arith.constant 2 : i32
        %add3A_160 = arith.addi %mul3A_74, %add3A_159 : i32
        %dma_wait3A_161 = arith.constant 0 : i32
        %dma_wait3A_162 = tpu.memref_slice %arg8[%add3A_160, %dma_wait3A_161] : memref<152x128xi32, #tpu.memory_space<vmem>> -> memref<1x128xi32, #tpu.memory_space<vmem>>
        %dma_wait3A_163 = tpu.memref_squeeze %dma_wait3A_162 : memref<1x128xi32, #tpu.memory_space<vmem>> -> memref<128xi32, #tpu.memory_space<vmem>>
        %dma_wait3A_164 = arith.constant 0 : i32
        %dma_wait3A_165 = arith.constant 0 : i32
        %dma_wait3A_166 = tpu.memref_slice %arg21[%dma_wait3A_164, %dma_wait3A_165] : memref<10240x64xf32, #tpu.memory_space<vmem_shared>> -> memref<10240x64xf32, #tpu.memory_space<vmem_shared>>
        tpu.wait_indirect_dma semaphore(%arg19 : memref<!tpu.dma_semaphore, #tpu.memory_space<semaphore_mem>>) src(%arg11 : memref<128x64xf32, #tpu.memory_space<vmem>>) dst(%dma_wait3A_166 : memref<10240x64xf32, #tpu.memory_space<vmem_shared>>)
        %add3A_167 = arith.constant 1 : i32
        %add3A_168 = arith.addi %scan3A_72, %add3A_167 : i32
        %lt3A_169 = arith.constant 2 : i32
        %lt3A_170 = arith.cmpi slt, %add3A_168, %lt3A_169 : i32
        %convert_element_type3A_171 = arith.extui %lt3A_170 : i1 to i32
        %cond3A_172 = arith.constant 0 : i32
        %cond3A_173 = arith.cmpi ne, %convert_element_type3A_171, %cond3A_172 : i32
        scf.if %cond3A_173 {
          %add3A_189 = arith.constant 4 : i32
          %add3A_190 = arith.addi %add3A_160, %add3A_189 : i32
          %dma_start3A_191 = arith.constant 0 : i32
          %dma_start3A_192 = tpu.memref_slice %arg7[%add3A_190, %dma_start3A_191] : memref<152x128xi32, #tpu.memory_space<vmem>> -> memref<1x128xi32, #tpu.memory_space<vmem>>
          %dma_start3A_193 = tpu.memref_squeeze %dma_start3A_192 : memref<1x128xi32, #tpu.memory_space<vmem>> -> memref<128xi32, #tpu.memory_space<vmem>>
          %dma_start3A_194 = arith.constant 0 : i32
          %dma_start3A_195 = arith.constant 0 : i32
          %dma_start3A_196 = tpu.memref_slice %arg2[%dma_start3A_194, %dma_start3A_195] : memref<10240x64xf32, #tpu.memory_space<hbm>> -> memref<10240x64xf32, #tpu.memory_space<hbm>>
          tpu.enqueue_indirect_dma source(%dma_start3A_196 : memref<10240x64xf32, #tpu.memory_space<hbm>>) target(%arg11 : memref<128x64xf32, #tpu.memory_space<vmem>>) offsets(%dma_start3A_193 : memref<128xi32, #tpu.memory_space<vmem>>) semaphore(%arg15 : memref<!tpu.dma_semaphore, #tpu.memory_space<semaphore_mem>>)
        } else {
        }
        %add3A_174 = arith.constant 3 : i32
        %add3A_175 = arith.addi %mul3A_74, %add3A_174 : i32
        %dma_wait3A_176 = arith.constant 0 : i32
        %dma_wait3A_177 = tpu.memref_slice %arg8[%add3A_175, %dma_wait3A_176] : memref<152x128xi32, #tpu.memory_space<vmem>> -> memref<1x128xi32, #tpu.memory_space<vmem>>
        %dma_wait3A_178 = tpu.memref_squeeze %dma_wait3A_177 : memref<1x128xi32, #tpu.memory_space<vmem>> -> memref<128xi32, #tpu.memory_space<vmem>>
        %dma_wait3A_179 = arith.constant 0 : i32
        %dma_wait3A_180 = arith.constant 0 : i32
        %dma_wait3A_181 = tpu.memref_slice %arg21[%dma_wait3A_179, %dma_wait3A_180] : memref<10240x64xf32, #tpu.memory_space<vmem_shared>> -> memref<10240x64xf32, #tpu.memory_space<vmem_shared>>
        tpu.wait_indirect_dma semaphore(%arg20 : memref<!tpu.dma_semaphore, #tpu.memory_space<semaphore_mem>>) src(%arg12 : memref<128x64xf32, #tpu.memory_space<vmem>>) dst(%dma_wait3A_181 : memref<10240x64xf32, #tpu.memory_space<vmem_shared>>)
        %add3A_182 = arith.constant 1 : i32
        %add3A_183 = arith.addi %scan3A_72, %add3A_182 : i32
        %lt3A_184 = arith.constant 2 : i32
        %lt3A_185 = arith.cmpi slt, %add3A_183, %lt3A_184 : i32
        %convert_element_type3A_186 = arith.extui %lt3A_185 : i1 to i32
        %cond3A_187 = arith.constant 0 : i32
        %cond3A_188 = arith.cmpi ne, %convert_element_type3A_186, %cond3A_187 : i32
        scf.if %cond3A_188 {
          %add3A_189 = arith.constant 4 : i32
          %add3A_190 = arith.addi %add3A_175, %add3A_189 : i32
          %dma_start3A_191 = arith.constant 0 : i32
          %dma_start3A_192 = tpu.memref_slice %arg7[%add3A_190, %dma_start3A_191] : memref<152x128xi32, #tpu.memory_space<vmem>> -> memref<1x128xi32, #tpu.memory_space<vmem>>
          %dma_start3A_193 = tpu.memref_squeeze %dma_start3A_192 : memref<1x128xi32, #tpu.memory_space<vmem>> -> memref<128xi32, #tpu.memory_space<vmem>>
          %dma_start3A_194 = arith.constant 0 : i32
          %dma_start3A_195 = arith.constant 0 : i32
          %dma_start3A_196 = tpu.memref_slice %arg2[%dma_start3A_194, %dma_start3A_195] : memref<10240x64xf32, #tpu.memory_space<hbm>> -> memref<10240x64xf32, #tpu.memory_space<hbm>>
          tpu.enqueue_indirect_dma source(%dma_start3A_196 : memref<10240x64xf32, #tpu.memory_space<hbm>>) target(%arg12 : memref<128x64xf32, #tpu.memory_space<vmem>>) offsets(%dma_start3A_193 : memref<128xi32, #tpu.memory_space<vmem>>) semaphore(%arg16 : memref<!tpu.dma_semaphore, #tpu.memory_space<semaphore_mem>>)
        } else {
        }
      }
      %scan3A_66 = arith.constant 2 : i32
      %barrier3A_67 = arith.constant 0 : index
      tpu.barrier barrier_id(%barrier3A_67)
      %mul3A_68 = arith.constant 640 : i32
      %mul3A_69 = arith.muli %arg1, %mul3A_68 : i32
      %mul3A_70 = arith.constant 640 : i32
      %mul3A_71 = arith.muli %arg1, %mul3A_70 : i32
      "tpu.region"() ({
        %run_scoped3A = tpu.sem_alloc : memref<!tpu.dma_semaphore, #tpu.memory_space<semaphore_mem>>
        %dma_start3A_72 = arith.constant 0 : i32
        %dma_start3A_73 = tpu.memref_slice %arg6[%mul3A_71, %dma_start3A_72] : memref<10240x64xf32, #tpu.memory_space<hbm>> -> memref<640x64xf32, #tpu.memory_space<hbm>>
        %dma_start3A_74 = arith.constant 0 : i32
        %dma_start3A_75 = tpu.memref_slice %arg21[%mul3A_69, %dma_start3A_74] : memref<10240x64xf32, #tpu.memory_space<vmem_shared>> -> memref<640x64xf32, #tpu.memory_space<vmem_shared>>
        tpu.enqueue_dma source(%dma_start3A_75 : memref<640x64xf32, #tpu.memory_space<vmem_shared>>) target(%dma_start3A_73 : memref<640x64xf32, #tpu.memory_space<hbm>>) target_semaphore(%run_scoped3A : memref<!tpu.dma_semaphore, #tpu.memory_space<semaphore_mem>>)
        %dma_wait3A = arith.constant 0 : i32
        %dma_wait3A_76 = tpu.memref_slice %arg6[%mul3A_71, %dma_wait3A] : memref<10240x64xf32, #tpu.memory_space<hbm>> -> memref<640x64xf32, #tpu.memory_space<hbm>>
        %dma_wait3A_77 = arith.constant 0 : i32
        %dma_wait3A_78 = tpu.memref_slice %arg21[%mul3A_69, %dma_wait3A_77] : memref<10240x64xf32, #tpu.memory_space<vmem_shared>> -> memref<640x64xf32, #tpu.memory_space<vmem_shared>>
        tpu.wait_dma2 semaphore(%run_scoped3A : memref<!tpu.dma_semaphore, #tpu.memory_space<semaphore_mem>>) src(%dma_wait3A_78 : memref<640x64xf32, #tpu.memory_space<vmem_shared>>) dst(%dma_wait3A_76 : memref<640x64xf32, #tpu.memory_space<hbm>>)
        tpu.yield
      }) : () -> ()
    } else {
    }
    return
  }
}

#map = affine_map<(d0, d1) -> (0, 0)>
module attributes {stable_mosaic.version = 14 : i64} {
  func.func @agg(%arg0: i32, %arg1: i32, %arg2: memref<10240x64xf32, #tpu.memory_space<hbm>>, %arg3: memref<2560x128xi32, #tpu.memory_space<hbm>>, %arg4: memref<2560x128xi32, #tpu.memory_space<hbm>>, %arg5: memref<10240x64xf32, #tpu.memory_space<hbm>>, %arg6: memref<10240x64xf32, #tpu.memory_space<hbm>>, %arg7: memref<152x128xi32, #tpu.memory_space<vmem>>, %arg8: memref<152x128xi32, #tpu.memory_space<vmem>>, %arg9: memref<128x64xf32, #tpu.memory_space<vmem>>, %arg10: memref<128x64xf32, #tpu.memory_space<vmem>>, %arg11: memref<128x64xf32, #tpu.memory_space<vmem>>, %arg12: memref<128x64xf32, #tpu.memory_space<vmem>>, %arg13: memref<!tpu.dma_semaphore, #tpu.memory_space<semaphore_mem>>, %arg14: memref<!tpu.dma_semaphore, #tpu.memory_space<semaphore_mem>>, %arg15: memref<!tpu.dma_semaphore, #tpu.memory_space<semaphore_mem>>, %arg16: memref<!tpu.dma_semaphore, #tpu.memory_space<semaphore_mem>>, %arg17: memref<!tpu.dma_semaphore, #tpu.memory_space<semaphore_mem>>, %arg18: memref<!tpu.dma_semaphore, #tpu.memory_space<semaphore_mem>>, %arg19: memref<!tpu.dma_semaphore, #tpu.memory_space<semaphore_mem>>, %arg20: memref<!tpu.dma_semaphore, #tpu.memory_space<semaphore_mem>>, %arg21: memref<10240x64xf32, #tpu.memory_space<vmem_shared>>) attributes {dimension_semantics = [#tpu.dimension_semantics<core_parallel>, #tpu.dimension_semantics<subcore_parallel>], iteration_bounds = array<i64: 2, 16>, scalar_prefetch = 0 : i64, scratch_operands = 15 : i64, tpu.core_type = #tpu.core_type<sc_vector_subcore>, window_params = [{transform_indices = #map}, {transform_indices = #map}, {transform_indices = #map}, {transform_indices = #map}, {transform_indices = #map}]} {
    %scan3A = arith.constant 0 : i32
    %scan3A_0 = arith.constant 0 : i32
    %scan3A_1 = arith.constant 512 : i32
    %scan3A_2 = arith.addi %scan3A_0, %scan3A_1 : i32
    %scan3A_3 = arith.constant 1 : i32
    scf.for %scan3A_30 = %scan3A_0 to %scan3A_2 step %scan3A_3  : i32 {
      %broadcast_in_dim3A = arith.constant 0.000000e+00 : f32
      %broadcast_in_dim3A_31 = vector.broadcast %broadcast_in_dim3A : f32 to vector<16xf32>
      %jit3A = arith.constant 4 : i32
      %div3A = arith.divsi %scan3A_30, %jit3A : i32
      %sign3A = arith.constant 0 : i32
      %sign3A_32 = arith.cmpi sgt, %scan3A_30, %sign3A : i32
      %sign3A_33 = arith.extui %sign3A_32 : i1 to i32
      %sign3A_34 = arith.constant 0 : i32
      %sign3A_35 = arith.cmpi slt, %scan3A_30, %sign3A_34 : i32
      %sign3A_36 = arith.extui %sign3A_35 : i1 to i32
      %sign3A_37 = arith.subi %sign3A_33, %sign3A_36 : i32
      %sign3A_38 = arith.constant 0 : i32
      %sign3A_39 = arith.cmpi sgt, %jit3A, %sign3A_38 : i32
      %sign3A_40 = arith.extui %sign3A_39 : i1 to i32
      %sign3A_41 = arith.constant 0 : i32
      %sign3A_42 = arith.cmpi slt, %jit3A, %sign3A_41 : i32
      %sign3A_43 = arith.extui %sign3A_42 : i1 to i32
      %sign3A_44 = arith.subi %sign3A_40, %sign3A_43 : i32
      %ne3A = arith.cmpi ne, %sign3A_37, %sign3A_44 : i32
      %rem3A = arith.remsi %scan3A_30, %jit3A : i32
      %ne3A_45 = arith.constant 0 : i32
      %ne3A_46 = arith.cmpi ne, %rem3A, %ne3A_45 : i32
      %and3A = arith.andi %ne3A, %ne3A_46 : i1
      %sub3A = arith.constant 1 : i32
      %sub3A_47 = arith.subi %div3A, %sub3A : i32
      %select_n3A = arith.select %and3A, %sub3A_47, %div3A : i32
      %jit3A_48 = arith.constant 4 : i32
      %eq3A_49 = arith.constant 0 : i32
      %eq3A_50 = arith.cmpi eq, %jit3A_48, %eq3A_49 : i32
      %jit3A_51 = arith.constant 1 : i32
      %select_n3A_52 = arith.select %eq3A_50, %jit3A_51, %jit3A_48 : i32
      %rem3A_53 = arith.remsi %scan3A_30, %select_n3A_52 : i32
      %ne3A_54 = arith.constant 0 : i32
      %ne3A_55 = arith.cmpi ne, %rem3A_53, %ne3A_54 : i32
      %lt3A = arith.constant 0 : i32
      %lt3A_56 = arith.cmpi slt, %rem3A_53, %lt3A : i32
      %lt3A_57 = arith.constant 0 : i32
      %lt3A_58 = arith.cmpi slt, %select_n3A_52, %lt3A_57 : i32
      %ne3A_59 = arith.xori %lt3A_56, %lt3A_58 : i1
      %and3A_60 = arith.andi %ne3A_59, %ne3A_55 : i1
      %add3A_61 = arith.addi %rem3A_53, %select_n3A_52 : i32
      %select_n3A_62 = arith.select %and3A_60, %add3A_61, %rem3A_53 : i32
      %mul3A_63 = arith.constant 16 : i32
      %mul3A_64 = arith.muli %select_n3A_62, %mul3A_63 : i32
      %swap3A = arith.index_cast %select_n3A : i32 to index
      %swap3A_65 = arith.index_cast %mul3A_64 : i32 to index
      %swap3A_66 = tpu.vector_load %arg9[%swap3A, %swap3A_65] {strides = array<i32>} : memref<128x64xf32, #tpu.memory_space<vmem>>, vector<1x16xf32>,
      %swap3A_67 = vector.shape_cast %swap3A_66 : vector<1x16xf32> to vector<16xf32>
      %swap3A_68 = vector.shape_cast %broadcast_in_dim3A_31 : vector<16xf32> to vector<1x16xf32>
      tpu.vector_store %arg9[%swap3A, %swap3A_65], %swap3A_68 {strides = array<i32>} : memref<128x64xf32, #tpu.memory_space<vmem>>, vector<1x16xf32>,
    }
    %scan3A_4 = arith.constant 512 : i32
    %mul3A = arith.constant 640 : i32
    %mul3A_5 = arith.muli %arg1, %mul3A : i32
    %add3A = arith.constant 0 : i32
    %add3A_6 = arith.addi %mul3A_5, %add3A : i32
    "tpu.region"() ({
      %run_scoped3A = tpu.sem_alloc : memref<!tpu.dma_semaphore, #tpu.memory_space<semaphore_mem>>
      %dma_start3A = arith.constant 0 : i32
      %dma_start3A_30 = tpu.memref_slice %arg21[%add3A_6, %dma_start3A] : memref<10240x64xf32, #tpu.memory_space<vmem_shared>> -> memref<128x64xf32, #tpu.memory_space<vmem_shared>>
      %dma_start3A_31 = arith.constant 0 : i32
      %dma_start3A_32 = tpu.memref_slice %arg21[%add3A_6, %dma_start3A_31] : memref<10240x64xf32, #tpu.memory_space<vmem_shared>> -> memref<128x64xf32, #tpu.memory_space<vmem_shared>>
      tpu.enqueue_dma source(%arg9 : memref<128x64xf32, #tpu.memory_space<vmem>>) target(%dma_start3A_32 : memref<128x64xf32, #tpu.memory_space<vmem_shared>>) target_semaphore(%run_scoped3A : memref<!tpu.dma_semaphore, #tpu.memory_space<semaphore_mem>>)
      %dma_wait3A = arith.constant 0 : i32
      %dma_wait3A_33 = tpu.memref_slice %arg21[%add3A_6, %dma_wait3A] : memref<10240x64xf32, #tpu.memory_space<vmem_shared>> -> memref<128x64xf32, #tpu.memory_space<vmem_shared>>
      %dma_wait3A_34 = arith.constant 0 : i32
      %dma_wait3A_35 = tpu.memref_slice %arg21[%add3A_6, %dma_wait3A_34] : memref<10240x64xf32, #tpu.memory_space<vmem_shared>> -> memref<128x64xf32, #tpu.memory_space<vmem_shared>>
      tpu.wait_dma2 semaphore(%run_scoped3A : memref<!tpu.dma_semaphore, #tpu.memory_space<semaphore_mem>>) src(%arg9 : memref<128x64xf32, #tpu.memory_space<vmem>>) dst(%dma_wait3A_35 : memref<128x64xf32, #tpu.memory_space<vmem_shared>>)
      tpu.yield
    }) : () -> ()
    %mul3A_7 = arith.constant 640 : i32
    %mul3A_8 = arith.muli %arg1, %mul3A_7 : i32
    %add3A_9 = arith.constant 128 : i32
    %add3A_10 = arith.addi %mul3A_8, %add3A_9 : i32
    "tpu.region"() ({
      %run_scoped3A = tpu.sem_alloc : memref<!tpu.dma_semaphore, #tpu.memory_space<semaphore_mem>>
      %dma_start3A = arith.constant 0 : i32
      %dma_start3A_30 = tpu.memref_slice %arg21[%add3A_10, %dma_start3A] : memref<10240x64xf32, #tpu.memory_space<vmem_shared>> -> memref<128x64xf32, #tpu.memory_space<vmem_shared>>
      %dma_start3A_31 = arith.constant 0 : i32
      %dma_start3A_32 = tpu.memref_slice %arg21[%add3A_10, %dma_start3A_31] : memref<10240x64xf32, #tpu.memory_space<vmem_shared>> -> memref<128x64xf32, #tpu.memory_space<vmem_shared>>
      tpu.enqueue_dma source(%arg9 : memref<128x64xf32, #tpu.memory_space<vmem>>) target(%dma_start3A_32 : memref<128x64xf32, #tpu.memory_space<vmem_shared>>) target_semaphore(%run_scoped3A : memref<!tpu.dma_semaphore, #tpu.memory_space<semaphore_mem>>)
      %dma_wait3A = arith.constant 0 : i32
      %dma_wait3A_33 = tpu.memref_slice %arg21[%add3A_10, %dma_wait3A] : memref<10240x64xf32, #tpu.memory_space<vmem_shared>> -> memref<128x64xf32, #tpu.memory_space<vmem_shared>>
      %dma_wait3A_34 = arith.constant 0 : i32
      %dma_wait3A_35 = tpu.memref_slice %arg21[%add3A_10, %dma_wait3A_34] : memref<10240x64xf32, #tpu.memory_space<vmem_shared>> -> memref<128x64xf32, #tpu.memory_space<vmem_shared>>
      tpu.wait_dma2 semaphore(%run_scoped3A : memref<!tpu.dma_semaphore, #tpu.memory_space<semaphore_mem>>) src(%arg9 : memref<128x64xf32, #tpu.memory_space<vmem>>) dst(%dma_wait3A_35 : memref<128x64xf32, #tpu.memory_space<vmem_shared>>)
      tpu.yield
    }) : () -> ()
    %mul3A_11 = arith.constant 640 : i32
    %mul3A_12 = arith.muli %arg1, %mul3A_11 : i32
    %add3A_13 = arith.constant 256 : i32
    %add3A_14 = arith.addi %mul3A_12, %add3A_13 : i32
    "tpu.region"() ({
      %run_scoped3A = tpu.sem_alloc : memref<!tpu.dma_semaphore, #tpu.memory_space<semaphore_mem>>
      %dma_start3A = arith.constant 0 : i32
      %dma_start3A_30 = tpu.memref_slice %arg21[%add3A_14, %dma_start3A] : memref<10240x64xf32, #tpu.memory_space<vmem_shared>> -> memref<128x64xf32, #tpu.memory_space<vmem_shared>>
      %dma_start3A_31 = arith.constant 0 : i32
      %dma_start3A_32 = tpu.memref_slice %arg21[%add3A_14, %dma_start3A_31] : memref<10240x64xf32, #tpu.memory_space<vmem_shared>> -> memref<128x64xf32, #tpu.memory_space<vmem_shared>>
      tpu.enqueue_dma source(%arg9 : memref<128x64xf32, #tpu.memory_space<vmem>>) target(%dma_start3A_32 : memref<128x64xf32, #tpu.memory_space<vmem_shared>>) target_semaphore(%run_scoped3A : memref<!tpu.dma_semaphore, #tpu.memory_space<semaphore_mem>>)
      %dma_wait3A = arith.constant 0 : i32
      %dma_wait3A_33 = tpu.memref_slice %arg21[%add3A_14, %dma_wait3A] : memref<10240x64xf32, #tpu.memory_space<vmem_shared>> -> memref<128x64xf32, #tpu.memory_space<vmem_shared>>
      %dma_wait3A_34 = arith.constant 0 : i32
      %dma_wait3A_35 = tpu.memref_slice %arg21[%add3A_14, %dma_wait3A_34] : memref<10240x64xf32, #tpu.memory_space<vmem_shared>> -> memref<128x64xf32, #tpu.memory_space<vmem_shared>>
      tpu.wait_dma2 semaphore(%run_scoped3A : memref<!tpu.dma_semaphore, #tpu.memory_space<semaphore_mem>>) src(%arg9 : memref<128x64xf32, #tpu.memory_space<vmem>>) dst(%dma_wait3A_35 : memref<128x64xf32, #tpu.memory_space<vmem_shared>>)
      tpu.yield
    }) : () -> ()
    %mul3A_15 = arith.constant 640 : i32
    %mul3A_16 = arith.muli %arg1, %mul3A_15 : i32
    %add3A_17 = arith.constant 384 : i32
    %add3A_18 = arith.addi %mul3A_16, %add3A_17 : i32
    "tpu.region"() ({
      %run_scoped3A = tpu.sem_alloc : memref<!tpu.dma_semaphore, #tpu.memory_space<semaphore_mem>>
      %dma_start3A = arith.constant 0 : i32
      %dma_start3A_30 = tpu.memref_slice %arg21[%add3A_18, %dma_start3A] : memref<10240x64xf32, #tpu.memory_space<vmem_shared>> -> memref<128x64xf32, #tpu.memory_space<vmem_shared>>
      %dma_start3A_31 = arith.constant 0 : i32
      %dma_start3A_32 = tpu.memref_slice %arg21[%add3A_18, %dma_start3A_31] : memref<10240x64xf32, #tpu.memory_space<vmem_shared>> -> memref<128x64xf32, #tpu.memory_space<vmem_shared>>
      tpu.enqueue_dma source(%arg9 : memref<128x64xf32, #tpu.memory_space<vmem>>) target(%dma_start3A_32 : memref<128x64xf32, #tpu.memory_space<vmem_shared>>) target_semaphore(%run_scoped3A : memref<!tpu.dma_semaphore, #tpu.memory_space<semaphore_mem>>)
      %dma_wait3A = arith.constant 0 : i32
      %dma_wait3A_33 = tpu.memref_slice %arg21[%add3A_18, %dma_wait3A] : memref<10240x64xf32, #tpu.memory_space<vmem_shared>> -> memref<128x64xf32, #tpu.memory_space<vmem_shared>>
      %dma_wait3A_34 = arith.constant 0 : i32
      %dma_wait3A_35 = tpu.memref_slice %arg21[%add3A_18, %dma_wait3A_34] : memref<10240x64xf32, #tpu.memory_space<vmem_shared>> -> memref<128x64xf32, #tpu.memory_space<vmem_shared>>
      tpu.wait_dma2 semaphore(%run_scoped3A : memref<!tpu.dma_semaphore, #tpu.memory_space<semaphore_mem>>) src(%arg9 : memref<128x64xf32, #tpu.memory_space<vmem>>) dst(%dma_wait3A_35 : memref<128x64xf32, #tpu.memory_space<vmem_shared>>)
      tpu.yield
    }) : () -> ()
    %mul3A_19 = arith.constant 640 : i32
    %mul3A_20 = arith.muli %arg1, %mul3A_19 : i32
    %add3A_21 = arith.constant 512 : i32
    %add3A_22 = arith.addi %mul3A_20, %add3A_21 : i32
    "tpu.region"() ({
      %run_scoped3A = tpu.sem_alloc : memref<!tpu.dma_semaphore, #tpu.memory_space<semaphore_mem>>
      %dma_start3A = arith.constant 0 : i32
      %dma_start3A_30 = tpu.memref_slice %arg21[%add3A_22, %dma_start3A] : memref<10240x64xf32, #tpu.memory_space<vmem_shared>> -> memref<128x64xf32, #tpu.memory_space<vmem_shared>>
      %dma_start3A_31 = arith.constant 0 : i32
      %dma_start3A_32 = tpu.memref_slice %arg21[%add3A_22, %dma_start3A_31] : memref<10240x64xf32, #tpu.memory_space<vmem_shared>> -> memref<128x64xf32, #tpu.memory_space<vmem_shared>>
      tpu.enqueue_dma source(%arg9 : memref<128x64xf32, #tpu.memory_space<vmem>>) target(%dma_start3A_32 : memref<128x64xf32, #tpu.memory_space<vmem_shared>>) target_semaphore(%run_scoped3A : memref<!tpu.dma_semaphore, #tpu.memory_space<semaphore_mem>>)
      %dma_wait3A = arith.constant 0 : i32
      %dma_wait3A_33 = tpu.memref_slice %arg21[%add3A_22, %dma_wait3A] : memref<10240x64xf32, #tpu.memory_space<vmem_shared>> -> memref<128x64xf32, #tpu.memory_space<vmem_shared>>
      %dma_wait3A_34 = arith.constant 0 : i32
      %dma_wait3A_35 = tpu.memref_slice %arg21[%add3A_22, %dma_wait3A_34] : memref<10240x64xf32, #tpu.memory_space<vmem_shared>> -> memref<128x64xf32, #tpu.memory_space<vmem_shared>>
      tpu.wait_dma2 semaphore(%run_scoped3A : memref<!tpu.dma_semaphore, #tpu.memory_space<semaphore_mem>>) src(%arg9 : memref<128x64xf32, #tpu.memory_space<vmem>>) dst(%dma_wait3A_35 : memref<128x64xf32, #tpu.memory_space<vmem_shared>>)
      tpu.yield
    }) : () -> ()
    %eq3A = arith.constant 0 : i32
    %eq3A_23 = arith.cmpi eq, %arg0, %eq3A : i32
    %convert_element_type3A = arith.extui %eq3A_23 : i1 to i32
    %cond3A = arith.constant 0 : i32
    %cond3A_24 = arith.cmpi ne, %convert_element_type3A, %cond3A : i32
    scf.if %cond3A_24 {
      %mul3A_30 = arith.constant 152 : i32
      %mul3A_31 = arith.muli %arg1, %mul3A_30 : i32
      "tpu.region"() ({
        %run_scoped3A = tpu.sem_alloc : memref<!tpu.dma_semaphore, #tpu.memory_space<semaphore_mem>>
        %dma_start3A_70 = arith.constant 0 : i32
        %dma_start3A_71 = arith.constant 0 : i32
        %dma_start3A_72 = tpu.memref_slice %arg7[%dma_start3A_70, %dma_start3A_71] : memref<152x128xi32, #tpu.memory_space<vmem>> -> memref<152x128xi32, #tpu.memory_space<vmem>>
        %dma_start3A_73 = arith.constant 0 : i32
        %dma_start3A_74 = tpu.memref_slice %arg3[%mul3A_31, %dma_start3A_73] : memref<2560x128xi32, #tpu.memory_space<hbm>> -> memref<152x128xi32, #tpu.memory_space<hbm>>
        %dma_start3A_75 = arith.constant 0 : i32
        %dma_start3A_76 = arith.constant 0 : i32
        %dma_start3A_77 = tpu.memref_slice %arg7[%dma_start3A_75, %dma_start3A_76] : memref<152x128xi32, #tpu.memory_space<vmem>> -> memref<152x128xi32, #tpu.memory_space<vmem>>
        %dma_start3A_78 = arith.constant 0 : i32
        %dma_start3A_79 = tpu.memref_slice %arg3[%mul3A_31, %dma_start3A_78] : memref<2560x128xi32, #tpu.memory_space<hbm>> -> memref<152x128xi32, #tpu.memory_space<hbm>>
        tpu.enqueue_dma source(%dma_start3A_79 : memref<152x128xi32, #tpu.memory_space<hbm>>) target(%dma_start3A_77 : memref<152x128xi32, #tpu.memory_space<vmem>>) target_semaphore(%run_scoped3A : memref<!tpu.dma_semaphore, #tpu.memory_space<semaphore_mem>>)
        %dma_wait3A = arith.constant 0 : i32
        %dma_wait3A_80 = arith.constant 0 : i32
        %dma_wait3A_81 = tpu.memref_slice %arg7[%dma_wait3A, %dma_wait3A_80] : memref<152x128xi32, #tpu.memory_space<vmem>> -> memref<152x128xi32, #tpu.memory_space<vmem>>
        %dma_wait3A_82 = arith.constant 0 : i32
        %dma_wait3A_83 = tpu.memref_slice %arg3[%mul3A_31, %dma_wait3A_82] : memref<2560x128xi32, #tpu.memory_space<hbm>> -> memref<152x128xi32, #tpu.memory_space<hbm>>
        %dma_wait3A_84 = arith.constant 0 : i32
        %dma_wait3A_85 = arith.constant 0 : i32
        %dma_wait3A_86 = tpu.memref_slice %arg7[%dma_wait3A_84, %dma_wait3A_85] : memref<152x128xi32, #tpu.memory_space<vmem>> -> memref<152x128xi32, #tpu.memory_space<vmem>>
        %dma_wait3A_87 = arith.constant 0 : i32
        %dma_wait3A_88 = tpu.memref_slice %arg3[%mul3A_31, %dma_wait3A_87] : memref<2560x128xi32, #tpu.memory_space<hbm>> -> memref<152x128xi32, #tpu.memory_space<hbm>>
        tpu.wait_dma2 semaphore(%run_scoped3A : memref<!tpu.dma_semaphore, #tpu.memory_space<semaphore_mem>>) src(%dma_wait3A_88 : memref<152x128xi32, #tpu.memory_space<hbm>>) dst(%dma_wait3A_86 : memref<152x128xi32, #tpu.memory_space<vmem>>)
        tpu.yield
      }) : () -> ()
      "tpu.region"() ({
        %run_scoped3A = tpu.sem_alloc : memref<!tpu.dma_semaphore, #tpu.memory_space<semaphore_mem>>
        %dma_start3A_70 = arith.constant 0 : i32
        %dma_start3A_71 = arith.constant 0 : i32
        %dma_start3A_72 = tpu.memref_slice %arg8[%dma_start3A_70, %dma_start3A_71] : memref<152x128xi32, #tpu.memory_space<vmem>> -> memref<152x128xi32, #tpu.memory_space<vmem>>
        %dma_start3A_73 = arith.constant 0 : i32
        %dma_start3A_74 = tpu.memref_slice %arg4[%mul3A_31, %dma_start3A_73] : memref<2560x128xi32, #tpu.memory_space<hbm>> -> memref<152x128xi32, #tpu.memory_space<hbm>>
        %dma_start3A_75 = arith.constant 0 : i32
        %dma_start3A_76 = arith.constant 0 : i32
        %dma_start3A_77 = tpu.memref_slice %arg8[%dma_start3A_75, %dma_start3A_76] : memref<152x128xi32, #tpu.memory_space<vmem>> -> memref<152x128xi32, #tpu.memory_space<vmem>>
        %dma_start3A_78 = arith.constant 0 : i32
        %dma_start3A_79 = tpu.memref_slice %arg4[%mul3A_31, %dma_start3A_78] : memref<2560x128xi32, #tpu.memory_space<hbm>> -> memref<152x128xi32, #tpu.memory_space<hbm>>
        tpu.enqueue_dma source(%dma_start3A_79 : memref<152x128xi32, #tpu.memory_space<hbm>>) target(%dma_start3A_77 : memref<152x128xi32, #tpu.memory_space<vmem>>) target_semaphore(%run_scoped3A : memref<!tpu.dma_semaphore, #tpu.memory_space<semaphore_mem>>)
        %dma_wait3A = arith.constant 0 : i32
        %dma_wait3A_80 = arith.constant 0 : i32
        %dma_wait3A_81 = tpu.memref_slice %arg8[%dma_wait3A, %dma_wait3A_80] : memref<152x128xi32, #tpu.memory_space<vmem>> -> memref<152x128xi32, #tpu.memory_space<vmem>>
        %dma_wait3A_82 = arith.constant 0 : i32
        %dma_wait3A_83 = tpu.memref_slice %arg4[%mul3A_31, %dma_wait3A_82] : memref<2560x128xi32, #tpu.memory_space<hbm>> -> memref<152x128xi32, #tpu.memory_space<hbm>>
        %dma_wait3A_84 = arith.constant 0 : i32
        %dma_wait3A_85 = arith.constant 0 : i32
        %dma_wait3A_86 = tpu.memref_slice %arg8[%dma_wait3A_84, %dma_wait3A_85] : memref<152x128xi32, #tpu.memory_space<vmem>> -> memref<152x128xi32, #tpu.memory_space<vmem>>
        %dma_wait3A_87 = arith.constant 0 : i32
        %dma_wait3A_88 = tpu.memref_slice %arg4[%mul3A_31, %dma_wait3A_87] : memref<2560x128xi32, #tpu.memory_space<hbm>> -> memref<152x128xi32, #tpu.memory_space<hbm>>
        tpu.wait_dma2 semaphore(%run_scoped3A : memref<!tpu.dma_semaphore, #tpu.memory_space<semaphore_mem>>) src(%dma_wait3A_88 : memref<152x128xi32, #tpu.memory_space<hbm>>) dst(%dma_wait3A_86 : memref<152x128xi32, #tpu.memory_space<vmem>>)
        tpu.yield
      }) : () -> ()
      %barrier3A = arith.constant 0 : index
      tpu.barrier barrier_id(%barrier3A)
      %dma_start3A = arith.constant 0 : i32
      %dma_start3A_32 = arith.constant 0 : i32
      %dma_start3A_33 = tpu.memref_slice %arg7[%dma_start3A, %dma_start3A_32] : memref<152x128xi32, #tpu.memory_space<vmem>> -> memref<1x128xi32, #tpu.memory_space<vmem>>
      %dma_start3A_34 = tpu.memref_squeeze %dma_start3A_33 : memref<1x128xi32, #tpu.memory_space<vmem>> -> memref<128xi32, #tpu.memory_space<vmem>>
      %dma_start3A_35 = arith.constant 0 : i32
      %dma_start3A_36 = arith.constant 0 : i32
      %dma_start3A_37 = tpu.memref_slice %arg2[%dma_start3A_35, %dma_start3A_36] : memref<10240x64xf32, #tpu.memory_space<hbm>> -> memref<10240x64xf32, #tpu.memory_space<hbm>>
      tpu.enqueue_indirect_dma source(%dma_start3A_37 : memref<10240x64xf32, #tpu.memory_space<hbm>>) target(%arg9 : memref<128x64xf32, #tpu.memory_space<vmem>>) offsets(%dma_start3A_34 : memref<128xi32, #tpu.memory_space<vmem>>) semaphore(%arg13 : memref<!tpu.dma_semaphore, #tpu.memory_space<semaphore_mem>>)
      %dma_start3A_38 = arith.constant 1 : i32
      %dma_start3A_39 = arith.constant 0 : i32
      %dma_start3A_40 = tpu.memref_slice %arg7[%dma_start3A_38, %dma_start3A_39] : memref<152x128xi32, #tpu.memory_space<vmem>> -> memref<1x128xi32, #tpu.memory_space<vmem>>
      %dma_start3A_41 = tpu.memref_squeeze %dma_start3A_40 : memref<1x128xi32, #tpu.memory_space<vmem>> -> memref<128xi32, #tpu.memory_space<vmem>>
      %dma_start3A_42 = arith.constant 0 : i32
      %dma_start3A_43 = arith.constant 0 : i32
      %dma_start3A_44 = tpu.memref_slice %arg2[%dma_start3A_42, %dma_start3A_43] : memref<10240x64xf32, #tpu.memory_space<hbm>> -> memref<10240x64xf32, #tpu.memory_space<hbm>>
      tpu.enqueue_indirect_dma source(%dma_start3A_44 : memref<10240x64xf32, #tpu.memory_space<hbm>>) target(%arg10 : memref<128x64xf32, #tpu.memory_space<vmem>>) offsets(%dma_start3A_41 : memref<128xi32, #tpu.memory_space<vmem>>) semaphore(%arg14 : memref<!tpu.dma_semaphore, #tpu.memory_space<semaphore_mem>>)
      %dma_start3A_45 = arith.constant 2 : i32
      %dma_start3A_46 = arith.constant 0 : i32
      %dma_start3A_47 = tpu.memref_slice %arg7[%dma_start3A_45, %dma_start3A_46] : memref<152x128xi32, #tpu.memory_space<vmem>> -> memref<1x128xi32, #tpu.memory_space<vmem>>
      %dma_start3A_48 = tpu.memref_squeeze %dma_start3A_47 : memref<1x128xi32, #tpu.memory_space<vmem>> -> memref<128xi32, #tpu.memory_space<vmem>>
      %dma_start3A_49 = arith.constant 0 : i32
      %dma_start3A_50 = arith.constant 0 : i32
      %dma_start3A_51 = tpu.memref_slice %arg2[%dma_start3A_49, %dma_start3A_50] : memref<10240x64xf32, #tpu.memory_space<hbm>> -> memref<10240x64xf32, #tpu.memory_space<hbm>>
      tpu.enqueue_indirect_dma source(%dma_start3A_51 : memref<10240x64xf32, #tpu.memory_space<hbm>>) target(%arg11 : memref<128x64xf32, #tpu.memory_space<vmem>>) offsets(%dma_start3A_48 : memref<128xi32, #tpu.memory_space<vmem>>) semaphore(%arg15 : memref<!tpu.dma_semaphore, #tpu.memory_space<semaphore_mem>>)
      %dma_start3A_52 = arith.constant 3 : i32
      %dma_start3A_53 = arith.constant 0 : i32
      %dma_start3A_54 = tpu.memref_slice %arg7[%dma_start3A_52, %dma_start3A_53] : memref<152x128xi32, #tpu.memory_space<vmem>> -> memref<1x128xi32, #tpu.memory_space<vmem>>
      %dma_start3A_55 = tpu.memref_squeeze %dma_start3A_54 : memref<1x128xi32, #tpu.memory_space<vmem>> -> memref<128xi32, #tpu.memory_space<vmem>>
      %dma_start3A_56 = arith.constant 0 : i32
      %dma_start3A_57 = arith.constant 0 : i32
      %dma_start3A_58 = tpu.memref_slice %arg2[%dma_start3A_56, %dma_start3A_57] : memref<10240x64xf32, #tpu.memory_space<hbm>> -> memref<10240x64xf32, #tpu.memory_space<hbm>>
      tpu.enqueue_indirect_dma source(%dma_start3A_58 : memref<10240x64xf32, #tpu.memory_space<hbm>>) target(%arg12 : memref<128x64xf32, #tpu.memory_space<vmem>>) offsets(%dma_start3A_55 : memref<128xi32, #tpu.memory_space<vmem>>) semaphore(%arg16 : memref<!tpu.dma_semaphore, #tpu.memory_space<semaphore_mem>>)
      %scan3A_59 = arith.constant 0 : i32
      %scan3A_60 = arith.constant 0 : i32
      %scan3A_61 = arith.constant 38 : i32
      %scan3A_62 = arith.addi %scan3A_60, %scan3A_61 : i32
      %scan3A_63 = arith.constant 1 : i32
      scf.for %scan3A_70 = %scan3A_60 to %scan3A_62 step %scan3A_63  : i32 {
        %mul3A_71 = arith.constant 4 : i32
        %mul3A_72 = arith.muli %scan3A_70, %mul3A_71 : i32
        %add3A_73 = arith.constant 0 : i32
        %add3A_74 = arith.addi %mul3A_72, %add3A_73 : i32
        %dma_wait3A = arith.constant 0 : i32
        %dma_wait3A_75 = tpu.memref_slice %arg7[%add3A_74, %dma_wait3A] : memref<152x128xi32, #tpu.memory_space<vmem>> -> memref<1x128xi32, #tpu.memory_space<vmem>>
        %dma_wait3A_76 = tpu.memref_squeeze %dma_wait3A_75 : memref<1x128xi32, #tpu.memory_space<vmem>> -> memref<128xi32, #tpu.memory_space<vmem>>
        %dma_wait3A_77 = arith.constant 0 : i32
        %dma_wait3A_78 = arith.constant 0 : i32
        %dma_wait3A_79 = tpu.memref_slice %arg2[%dma_wait3A_77, %dma_wait3A_78] : memref<10240x64xf32, #tpu.memory_space<hbm>> -> memref<10240x64xf32, #tpu.memory_space<hbm>>
        tpu.wait_indirect_dma semaphore(%arg13 : memref<!tpu.dma_semaphore, #tpu.memory_space<semaphore_mem>>) src(%dma_wait3A_79 : memref<10240x64xf32, #tpu.memory_space<hbm>>) dst(%arg9 : memref<128x64xf32, #tpu.memory_space<vmem>>)
        %dma_start3A_80 = arith.constant 0 : i32
        %dma_start3A_81 = tpu.memref_slice %arg8[%add3A_74, %dma_start3A_80] : memref<152x128xi32, #tpu.memory_space<vmem>> -> memref<1x128xi32, #tpu.memory_space<vmem>>
        %dma_start3A_82 = tpu.memref_squeeze %dma_start3A_81 : memref<1x128xi32, #tpu.memory_space<vmem>> -> memref<128xi32, #tpu.memory_space<vmem>>
        %dma_start3A_83 = arith.constant 0 : i32
        %dma_start3A_84 = arith.constant 0 : i32
        %dma_start3A_85 = tpu.memref_slice %arg21[%dma_start3A_83, %dma_start3A_84] : memref<10240x64xf32, #tpu.memory_space<vmem_shared>> -> memref<10240x64xf32, #tpu.memory_space<vmem_shared>>
        tpu.enqueue_indirect_dma source(%arg9 : memref<128x64xf32, #tpu.memory_space<vmem>>) target(%dma_start3A_85 : memref<10240x64xf32, #tpu.memory_space<vmem_shared>>) offsets(%dma_start3A_82 : memref<128xi32, #tpu.memory_space<vmem>>) semaphore(%arg17 : memref<!tpu.dma_semaphore, #tpu.memory_space<semaphore_mem>>) {add = true}
        %add3A_86 = arith.constant 1 : i32
        %add3A_87 = arith.addi %mul3A_72, %add3A_86 : i32
        %dma_wait3A_88 = arith.constant 0 : i32
        %dma_wait3A_89 = tpu.memref_slice %arg7[%add3A_87, %dma_wait3A_88] : memref<152x128xi32, #tpu.memory_space<vmem>> -> memref<1x128xi32, #tpu.memory_space<vmem>>
        %dma_wait3A_90 = tpu.memref_squeeze %dma_wait3A_89 : memref<1x128xi32, #tpu.memory_space<vmem>> -> memref<128xi32, #tpu.memory_space<vmem>>
        %dma_wait3A_91 = arith.constant 0 : i32
        %dma_wait3A_92 = arith.constant 0 : i32
        %dma_wait3A_93 = tpu.memref_slice %arg2[%dma_wait3A_91, %dma_wait3A_92] : memref<10240x64xf32, #tpu.memory_space<hbm>> -> memref<10240x64xf32, #tpu.memory_space<hbm>>
        tpu.wait_indirect_dma semaphore(%arg14 : memref<!tpu.dma_semaphore, #tpu.memory_space<semaphore_mem>>) src(%dma_wait3A_93 : memref<10240x64xf32, #tpu.memory_space<hbm>>) dst(%arg10 : memref<128x64xf32, #tpu.memory_space<vmem>>)
        %dma_start3A_94 = arith.constant 0 : i32
        %dma_start3A_95 = tpu.memref_slice %arg8[%add3A_87, %dma_start3A_94] : memref<152x128xi32, #tpu.memory_space<vmem>> -> memref<1x128xi32, #tpu.memory_space<vmem>>
        %dma_start3A_96 = tpu.memref_squeeze %dma_start3A_95 : memref<1x128xi32, #tpu.memory_space<vmem>> -> memref<128xi32, #tpu.memory_space<vmem>>
        %dma_start3A_97 = arith.constant 0 : i32
        %dma_start3A_98 = arith.constant 0 : i32
        %dma_start3A_99 = tpu.memref_slice %arg21[%dma_start3A_97, %dma_start3A_98] : memref<10240x64xf32, #tpu.memory_space<vmem_shared>> -> memref<10240x64xf32, #tpu.memory_space<vmem_shared>>
        tpu.enqueue_indirect_dma source(%arg10 : memref<128x64xf32, #tpu.memory_space<vmem>>) target(%dma_start3A_99 : memref<10240x64xf32, #tpu.memory_space<vmem_shared>>) offsets(%dma_start3A_96 : memref<128xi32, #tpu.memory_space<vmem>>) semaphore(%arg18 : memref<!tpu.dma_semaphore, #tpu.memory_space<semaphore_mem>>) {add = true}
        %add3A_100 = arith.constant 2 : i32
        %add3A_101 = arith.addi %mul3A_72, %add3A_100 : i32
        %dma_wait3A_102 = arith.constant 0 : i32
        %dma_wait3A_103 = tpu.memref_slice %arg7[%add3A_101, %dma_wait3A_102] : memref<152x128xi32, #tpu.memory_space<vmem>> -> memref<1x128xi32, #tpu.memory_space<vmem>>
        %dma_wait3A_104 = tpu.memref_squeeze %dma_wait3A_103 : memref<1x128xi32, #tpu.memory_space<vmem>> -> memref<128xi32, #tpu.memory_space<vmem>>
        %dma_wait3A_105 = arith.constant 0 : i32
        %dma_wait3A_106 = arith.constant 0 : i32
        %dma_wait3A_107 = tpu.memref_slice %arg2[%dma_wait3A_105, %dma_wait3A_106] : memref<10240x64xf32, #tpu.memory_space<hbm>> -> memref<10240x64xf32, #tpu.memory_space<hbm>>
        tpu.wait_indirect_dma semaphore(%arg15 : memref<!tpu.dma_semaphore, #tpu.memory_space<semaphore_mem>>) src(%dma_wait3A_107 : memref<10240x64xf32, #tpu.memory_space<hbm>>) dst(%arg11 : memref<128x64xf32, #tpu.memory_space<vmem>>)
        %dma_start3A_108 = arith.constant 0 : i32
        %dma_start3A_109 = tpu.memref_slice %arg8[%add3A_101, %dma_start3A_108] : memref<152x128xi32, #tpu.memory_space<vmem>> -> memref<1x128xi32, #tpu.memory_space<vmem>>
        %dma_start3A_110 = tpu.memref_squeeze %dma_start3A_109 : memref<1x128xi32, #tpu.memory_space<vmem>> -> memref<128xi32, #tpu.memory_space<vmem>>
        %dma_start3A_111 = arith.constant 0 : i32
        %dma_start3A_112 = arith.constant 0 : i32
        %dma_start3A_113 = tpu.memref_slice %arg21[%dma_start3A_111, %dma_start3A_112] : memref<10240x64xf32, #tpu.memory_space<vmem_shared>> -> memref<10240x64xf32, #tpu.memory_space<vmem_shared>>
        tpu.enqueue_indirect_dma source(%arg11 : memref<128x64xf32, #tpu.memory_space<vmem>>) target(%dma_start3A_113 : memref<10240x64xf32, #tpu.memory_space<vmem_shared>>) offsets(%dma_start3A_110 : memref<128xi32, #tpu.memory_space<vmem>>) semaphore(%arg19 : memref<!tpu.dma_semaphore, #tpu.memory_space<semaphore_mem>>) {add = true}
        %add3A_114 = arith.constant 3 : i32
        %add3A_115 = arith.addi %mul3A_72, %add3A_114 : i32
        %dma_wait3A_116 = arith.constant 0 : i32
        %dma_wait3A_117 = tpu.memref_slice %arg7[%add3A_115, %dma_wait3A_116] : memref<152x128xi32, #tpu.memory_space<vmem>> -> memref<1x128xi32, #tpu.memory_space<vmem>>
        %dma_wait3A_118 = tpu.memref_squeeze %dma_wait3A_117 : memref<1x128xi32, #tpu.memory_space<vmem>> -> memref<128xi32, #tpu.memory_space<vmem>>
        %dma_wait3A_119 = arith.constant 0 : i32
        %dma_wait3A_120 = arith.constant 0 : i32
        %dma_wait3A_121 = tpu.memref_slice %arg2[%dma_wait3A_119, %dma_wait3A_120] : memref<10240x64xf32, #tpu.memory_space<hbm>> -> memref<10240x64xf32, #tpu.memory_space<hbm>>
        tpu.wait_indirect_dma semaphore(%arg16 : memref<!tpu.dma_semaphore, #tpu.memory_space<semaphore_mem>>) src(%dma_wait3A_121 : memref<10240x64xf32, #tpu.memory_space<hbm>>) dst(%arg12 : memref<128x64xf32, #tpu.memory_space<vmem>>)
        %dma_start3A_122 = arith.constant 0 : i32
        %dma_start3A_123 = tpu.memref_slice %arg8[%add3A_115, %dma_start3A_122] : memref<152x128xi32, #tpu.memory_space<vmem>> -> memref<1x128xi32, #tpu.memory_space<vmem>>
        %dma_start3A_124 = tpu.memref_squeeze %dma_start3A_123 : memref<1x128xi32, #tpu.memory_space<vmem>> -> memref<128xi32, #tpu.memory_space<vmem>>
        %dma_start3A_125 = arith.constant 0 : i32
        %dma_start3A_126 = arith.constant 0 : i32
        %dma_start3A_127 = tpu.memref_slice %arg21[%dma_start3A_125, %dma_start3A_126] : memref<10240x64xf32, #tpu.memory_space<vmem_shared>> -> memref<10240x64xf32, #tpu.memory_space<vmem_shared>>
        tpu.enqueue_indirect_dma source(%arg12 : memref<128x64xf32, #tpu.memory_space<vmem>>) target(%dma_start3A_127 : memref<10240x64xf32, #tpu.memory_space<vmem_shared>>) offsets(%dma_start3A_124 : memref<128xi32, #tpu.memory_space<vmem>>) semaphore(%arg20 : memref<!tpu.dma_semaphore, #tpu.memory_space<semaphore_mem>>) {add = true}
        %add3A_128 = arith.constant 0 : i32
        %add3A_129 = arith.addi %mul3A_72, %add3A_128 : i32
        %dma_wait3A_130 = arith.constant 0 : i32
        %dma_wait3A_131 = tpu.memref_slice %arg8[%add3A_129, %dma_wait3A_130] : memref<152x128xi32, #tpu.memory_space<vmem>> -> memref<1x128xi32, #tpu.memory_space<vmem>>
        %dma_wait3A_132 = tpu.memref_squeeze %dma_wait3A_131 : memref<1x128xi32, #tpu.memory_space<vmem>> -> memref<128xi32, #tpu.memory_space<vmem>>
        %dma_wait3A_133 = arith.constant 0 : i32
        %dma_wait3A_134 = arith.constant 0 : i32
        %dma_wait3A_135 = tpu.memref_slice %arg21[%dma_wait3A_133, %dma_wait3A_134] : memref<10240x64xf32, #tpu.memory_space<vmem_shared>> -> memref<10240x64xf32, #tpu.memory_space<vmem_shared>>
        tpu.wait_indirect_dma semaphore(%arg17 : memref<!tpu.dma_semaphore, #tpu.memory_space<semaphore_mem>>) src(%arg9 : memref<128x64xf32, #tpu.memory_space<vmem>>) dst(%dma_wait3A_135 : memref<10240x64xf32, #tpu.memory_space<vmem_shared>>)
        %add3A_136 = arith.constant 1 : i32
        %add3A_137 = arith.addi %scan3A_70, %add3A_136 : i32
        %lt3A = arith.constant 38 : i32
        %lt3A_138 = arith.cmpi slt, %add3A_137, %lt3A : i32
        %convert_element_type3A_139 = arith.extui %lt3A_138 : i1 to i32
        %cond3A_140 = arith.constant 0 : i32
        %cond3A_141 = arith.cmpi ne, %convert_element_type3A_139, %cond3A_140 : i32
        scf.if %cond3A_141 {
          %add3A_187 = arith.constant 4 : i32
          %add3A_188 = arith.addi %add3A_129, %add3A_187 : i32
          %dma_start3A_189 = arith.constant 0 : i32
          %dma_start3A_190 = tpu.memref_slice %arg7[%add3A_188, %dma_start3A_189] : memref<152x128xi32, #tpu.memory_space<vmem>> -> memref<1x128xi32, #tpu.memory_space<vmem>>
          %dma_start3A_191 = tpu.memref_squeeze %dma_start3A_190 : memref<1x128xi32, #tpu.memory_space<vmem>> -> memref<128xi32, #tpu.memory_space<vmem>>
          %dma_start3A_192 = arith.constant 0 : i32
          %dma_start3A_193 = arith.constant 0 : i32
          %dma_start3A_194 = tpu.memref_slice %arg2[%dma_start3A_192, %dma_start3A_193] : memref<10240x64xf32, #tpu.memory_space<hbm>> -> memref<10240x64xf32, #tpu.memory_space<hbm>>
          tpu.enqueue_indirect_dma source(%dma_start3A_194 : memref<10240x64xf32, #tpu.memory_space<hbm>>) target(%arg9 : memref<128x64xf32, #tpu.memory_space<vmem>>) offsets(%dma_start3A_191 : memref<128xi32, #tpu.memory_space<vmem>>) semaphore(%arg13 : memref<!tpu.dma_semaphore, #tpu.memory_space<semaphore_mem>>)
        } else {
        }
        %add3A_142 = arith.constant 1 : i32
        %add3A_143 = arith.addi %mul3A_72, %add3A_142 : i32
        %dma_wait3A_144 = arith.constant 0 : i32
        %dma_wait3A_145 = tpu.memref_slice %arg8[%add3A_143, %dma_wait3A_144] : memref<152x128xi32, #tpu.memory_space<vmem>> -> memref<1x128xi32, #tpu.memory_space<vmem>>
        %dma_wait3A_146 = tpu.memref_squeeze %dma_wait3A_145 : memref<1x128xi32, #tpu.memory_space<vmem>> -> memref<128xi32, #tpu.memory_space<vmem>>
        %dma_wait3A_147 = arith.constant 0 : i32
        %dma_wait3A_148 = arith.constant 0 : i32
        %dma_wait3A_149 = tpu.memref_slice %arg21[%dma_wait3A_147, %dma_wait3A_148] : memref<10240x64xf32, #tpu.memory_space<vmem_shared>> -> memref<10240x64xf32, #tpu.memory_space<vmem_shared>>
        tpu.wait_indirect_dma semaphore(%arg18 : memref<!tpu.dma_semaphore, #tpu.memory_space<semaphore_mem>>) src(%arg10 : memref<128x64xf32, #tpu.memory_space<vmem>>) dst(%dma_wait3A_149 : memref<10240x64xf32, #tpu.memory_space<vmem_shared>>)
        %add3A_150 = arith.constant 1 : i32
        %add3A_151 = arith.addi %scan3A_70, %add3A_150 : i32
        %lt3A_152 = arith.constant 38 : i32
        %lt3A_153 = arith.cmpi slt, %add3A_151, %lt3A_152 : i32
        %convert_element_type3A_154 = arith.extui %lt3A_153 : i1 to i32
        %cond3A_155 = arith.constant 0 : i32
        %cond3A_156 = arith.cmpi ne, %convert_element_type3A_154, %cond3A_155 : i32
        scf.if %cond3A_156 {
          %add3A_187 = arith.constant 4 : i32
          %add3A_188 = arith.addi %add3A_143, %add3A_187 : i32
          %dma_start3A_189 = arith.constant 0 : i32
          %dma_start3A_190 = tpu.memref_slice %arg7[%add3A_188, %dma_start3A_189] : memref<152x128xi32, #tpu.memory_space<vmem>> -> memref<1x128xi32, #tpu.memory_space<vmem>>
          %dma_start3A_191 = tpu.memref_squeeze %dma_start3A_190 : memref<1x128xi32, #tpu.memory_space<vmem>> -> memref<128xi32, #tpu.memory_space<vmem>>
          %dma_start3A_192 = arith.constant 0 : i32
          %dma_start3A_193 = arith.constant 0 : i32
          %dma_start3A_194 = tpu.memref_slice %arg2[%dma_start3A_192, %dma_start3A_193] : memref<10240x64xf32, #tpu.memory_space<hbm>> -> memref<10240x64xf32, #tpu.memory_space<hbm>>
          tpu.enqueue_indirect_dma source(%dma_start3A_194 : memref<10240x64xf32, #tpu.memory_space<hbm>>) target(%arg10 : memref<128x64xf32, #tpu.memory_space<vmem>>) offsets(%dma_start3A_191 : memref<128xi32, #tpu.memory_space<vmem>>) semaphore(%arg14 : memref<!tpu.dma_semaphore, #tpu.memory_space<semaphore_mem>>)
        } else {
        }
        %add3A_157 = arith.constant 2 : i32
        %add3A_158 = arith.addi %mul3A_72, %add3A_157 : i32
        %dma_wait3A_159 = arith.constant 0 : i32
        %dma_wait3A_160 = tpu.memref_slice %arg8[%add3A_158, %dma_wait3A_159] : memref<152x128xi32, #tpu.memory_space<vmem>> -> memref<1x128xi32, #tpu.memory_space<vmem>>
        %dma_wait3A_161 = tpu.memref_squeeze %dma_wait3A_160 : memref<1x128xi32, #tpu.memory_space<vmem>> -> memref<128xi32, #tpu.memory_space<vmem>>
        %dma_wait3A_162 = arith.constant 0 : i32
        %dma_wait3A_163 = arith.constant 0 : i32
        %dma_wait3A_164 = tpu.memref_slice %arg21[%dma_wait3A_162, %dma_wait3A_163] : memref<10240x64xf32, #tpu.memory_space<vmem_shared>> -> memref<10240x64xf32, #tpu.memory_space<vmem_shared>>
        tpu.wait_indirect_dma semaphore(%arg19 : memref<!tpu.dma_semaphore, #tpu.memory_space<semaphore_mem>>) src(%arg11 : memref<128x64xf32, #tpu.memory_space<vmem>>) dst(%dma_wait3A_164 : memref<10240x64xf32, #tpu.memory_space<vmem_shared>>)
        %add3A_165 = arith.constant 1 : i32
        %add3A_166 = arith.addi %scan3A_70, %add3A_165 : i32
        %lt3A_167 = arith.constant 38 : i32
        %lt3A_168 = arith.cmpi slt, %add3A_166, %lt3A_167 : i32
        %convert_element_type3A_169 = arith.extui %lt3A_168 : i1 to i32
        %cond3A_170 = arith.constant 0 : i32
        %cond3A_171 = arith.cmpi ne, %convert_element_type3A_169, %cond3A_170 : i32
        scf.if %cond3A_171 {
          %add3A_187 = arith.constant 4 : i32
          %add3A_188 = arith.addi %add3A_158, %add3A_187 : i32
          %dma_start3A_189 = arith.constant 0 : i32
          %dma_start3A_190 = tpu.memref_slice %arg7[%add3A_188, %dma_start3A_189] : memref<152x128xi32, #tpu.memory_space<vmem>> -> memref<1x128xi32, #tpu.memory_space<vmem>>
          %dma_start3A_191 = tpu.memref_squeeze %dma_start3A_190 : memref<1x128xi32, #tpu.memory_space<vmem>> -> memref<128xi32, #tpu.memory_space<vmem>>
          %dma_start3A_192 = arith.constant 0 : i32
          %dma_start3A_193 = arith.constant 0 : i32
          %dma_start3A_194 = tpu.memref_slice %arg2[%dma_start3A_192, %dma_start3A_193] : memref<10240x64xf32, #tpu.memory_space<hbm>> -> memref<10240x64xf32, #tpu.memory_space<hbm>>
          tpu.enqueue_indirect_dma source(%dma_start3A_194 : memref<10240x64xf32, #tpu.memory_space<hbm>>) target(%arg11 : memref<128x64xf32, #tpu.memory_space<vmem>>) offsets(%dma_start3A_191 : memref<128xi32, #tpu.memory_space<vmem>>) semaphore(%arg15 : memref<!tpu.dma_semaphore, #tpu.memory_space<semaphore_mem>>)
        } else {
        }
        %add3A_172 = arith.constant 3 : i32
        %add3A_173 = arith.addi %mul3A_72, %add3A_172 : i32
        %dma_wait3A_174 = arith.constant 0 : i32
        %dma_wait3A_175 = tpu.memref_slice %arg8[%add3A_173, %dma_wait3A_174] : memref<152x128xi32, #tpu.memory_space<vmem>> -> memref<1x128xi32, #tpu.memory_space<vmem>>
        %dma_wait3A_176 = tpu.memref_squeeze %dma_wait3A_175 : memref<1x128xi32, #tpu.memory_space<vmem>> -> memref<128xi32, #tpu.memory_space<vmem>>
        %dma_wait3A_177 = arith.constant 0 : i32
        %dma_wait3A_178 = arith.constant 0 : i32
        %dma_wait3A_179 = tpu.memref_slice %arg21[%dma_wait3A_177, %dma_wait3A_178] : memref<10240x64xf32, #tpu.memory_space<vmem_shared>> -> memref<10240x64xf32, #tpu.memory_space<vmem_shared>>
        tpu.wait_indirect_dma semaphore(%arg20 : memref<!tpu.dma_semaphore, #tpu.memory_space<semaphore_mem>>) src(%arg12 : memref<128x64xf32, #tpu.memory_space<vmem>>) dst(%dma_wait3A_179 : memref<10240x64xf32, #tpu.memory_space<vmem_shared>>)
        %add3A_180 = arith.constant 1 : i32
        %add3A_181 = arith.addi %scan3A_70, %add3A_180 : i32
        %lt3A_182 = arith.constant 38 : i32
        %lt3A_183 = arith.cmpi slt, %add3A_181, %lt3A_182 : i32
        %convert_element_type3A_184 = arith.extui %lt3A_183 : i1 to i32
        %cond3A_185 = arith.constant 0 : i32
        %cond3A_186 = arith.cmpi ne, %convert_element_type3A_184, %cond3A_185 : i32
        scf.if %cond3A_186 {
          %add3A_187 = arith.constant 4 : i32
          %add3A_188 = arith.addi %add3A_173, %add3A_187 : i32
          %dma_start3A_189 = arith.constant 0 : i32
          %dma_start3A_190 = tpu.memref_slice %arg7[%add3A_188, %dma_start3A_189] : memref<152x128xi32, #tpu.memory_space<vmem>> -> memref<1x128xi32, #tpu.memory_space<vmem>>
          %dma_start3A_191 = tpu.memref_squeeze %dma_start3A_190 : memref<1x128xi32, #tpu.memory_space<vmem>> -> memref<128xi32, #tpu.memory_space<vmem>>
          %dma_start3A_192 = arith.constant 0 : i32
          %dma_start3A_193 = arith.constant 0 : i32
          %dma_start3A_194 = tpu.memref_slice %arg2[%dma_start3A_192, %dma_start3A_193] : memref<10240x64xf32, #tpu.memory_space<hbm>> -> memref<10240x64xf32, #tpu.memory_space<hbm>>
          tpu.enqueue_indirect_dma source(%dma_start3A_194 : memref<10240x64xf32, #tpu.memory_space<hbm>>) target(%arg12 : memref<128x64xf32, #tpu.memory_space<vmem>>) offsets(%dma_start3A_191 : memref<128xi32, #tpu.memory_space<vmem>>) semaphore(%arg16 : memref<!tpu.dma_semaphore, #tpu.memory_space<semaphore_mem>>)
        } else {
        }
      }
      %scan3A_64 = arith.constant 38 : i32
      %barrier3A_65 = arith.constant 0 : index
      tpu.barrier barrier_id(%barrier3A_65)
      %mul3A_66 = arith.constant 640 : i32
      %mul3A_67 = arith.muli %arg1, %mul3A_66 : i32
      %mul3A_68 = arith.constant 640 : i32
      %mul3A_69 = arith.muli %arg1, %mul3A_68 : i32
      "tpu.region"() ({
        %run_scoped3A = tpu.sem_alloc : memref<!tpu.dma_semaphore, #tpu.memory_space<semaphore_mem>>
        %dma_start3A_70 = arith.constant 0 : i32
        %dma_start3A_71 = tpu.memref_slice %arg5[%mul3A_69, %dma_start3A_70] : memref<10240x64xf32, #tpu.memory_space<hbm>> -> memref<640x64xf32, #tpu.memory_space<hbm>>
        %dma_start3A_72 = arith.constant 0 : i32
        %dma_start3A_73 = tpu.memref_slice %arg21[%mul3A_67, %dma_start3A_72] : memref<10240x64xf32, #tpu.memory_space<vmem_shared>> -> memref<640x64xf32, #tpu.memory_space<vmem_shared>>
        tpu.enqueue_dma source(%dma_start3A_73 : memref<640x64xf32, #tpu.memory_space<vmem_shared>>) target(%dma_start3A_71 : memref<640x64xf32, #tpu.memory_space<hbm>>) target_semaphore(%run_scoped3A : memref<!tpu.dma_semaphore, #tpu.memory_space<semaphore_mem>>)
        %dma_wait3A = arith.constant 0 : i32
        %dma_wait3A_74 = tpu.memref_slice %arg5[%mul3A_69, %dma_wait3A] : memref<10240x64xf32, #tpu.memory_space<hbm>> -> memref<640x64xf32, #tpu.memory_space<hbm>>
        %dma_wait3A_75 = arith.constant 0 : i32
        %dma_wait3A_76 = tpu.memref_slice %arg21[%mul3A_67, %dma_wait3A_75] : memref<10240x64xf32, #tpu.memory_space<vmem_shared>> -> memref<640x64xf32, #tpu.memory_space<vmem_shared>>
        tpu.wait_dma2 semaphore(%run_scoped3A : memref<!tpu.dma_semaphore, #tpu.memory_space<semaphore_mem>>) src(%dma_wait3A_76 : memref<640x64xf32, #tpu.memory_space<vmem_shared>>) dst(%dma_wait3A_74 : memref<640x64xf32, #tpu.memory_space<hbm>>)
        tpu.yield
      }) : () -> ()
    } else {
    }
    %eq3A_25 = arith.constant 1 : i32
    %eq3A_26 = arith.cmpi eq, %arg0, %eq3A_25 : i32
    %convert_element_type3A_27 = arith.extui %eq3A_26 : i1 to i32
    %cond3A_28 = arith.constant 0 : i32
    %cond3A_29 = arith.cmpi ne, %convert_element_type3A_27, %cond3A_28 : i32
    scf.if %cond3A_29 {
      %mul3A_30 = arith.constant 8 : i32
      %mul3A_31 = arith.muli %arg1, %mul3A_30 : i32
      %add3A_32 = arith.constant 2432 : i32
      %add3A_33 = arith.addi %add3A_32, %mul3A_31 : i32
      "tpu.region"() ({
        %run_scoped3A = tpu.sem_alloc : memref<!tpu.dma_semaphore, #tpu.memory_space<semaphore_mem>>
        %dma_start3A_72 = arith.constant 0 : i32
        %dma_start3A_73 = arith.constant 0 : i32
        %dma_start3A_74 = tpu.memref_slice %arg7[%dma_start3A_72, %dma_start3A_73] : memref<152x128xi32, #tpu.memory_space<vmem>> -> memref<8x128xi32, #tpu.memory_space<vmem>>
        %dma_start3A_75 = arith.constant 0 : i32
        %dma_start3A_76 = tpu.memref_slice %arg3[%add3A_33, %dma_start3A_75] : memref<2560x128xi32, #tpu.memory_space<hbm>> -> memref<8x128xi32, #tpu.memory_space<hbm>>
        %dma_start3A_77 = arith.constant 0 : i32
        %dma_start3A_78 = arith.constant 0 : i32
        %dma_start3A_79 = tpu.memref_slice %arg7[%dma_start3A_77, %dma_start3A_78] : memref<152x128xi32, #tpu.memory_space<vmem>> -> memref<8x128xi32, #tpu.memory_space<vmem>>
        %dma_start3A_80 = arith.constant 0 : i32
        %dma_start3A_81 = tpu.memref_slice %arg3[%add3A_33, %dma_start3A_80] : memref<2560x128xi32, #tpu.memory_space<hbm>> -> memref<8x128xi32, #tpu.memory_space<hbm>>
        tpu.enqueue_dma source(%dma_start3A_81 : memref<8x128xi32, #tpu.memory_space<hbm>>) target(%dma_start3A_79 : memref<8x128xi32, #tpu.memory_space<vmem>>) target_semaphore(%run_scoped3A : memref<!tpu.dma_semaphore, #tpu.memory_space<semaphore_mem>>)
        %dma_wait3A = arith.constant 0 : i32
        %dma_wait3A_82 = arith.constant 0 : i32
        %dma_wait3A_83 = tpu.memref_slice %arg7[%dma_wait3A, %dma_wait3A_82] : memref<152x128xi32, #tpu.memory_space<vmem>> -> memref<8x128xi32, #tpu.memory_space<vmem>>
        %dma_wait3A_84 = arith.constant 0 : i32
        %dma_wait3A_85 = tpu.memref_slice %arg3[%add3A_33, %dma_wait3A_84] : memref<2560x128xi32, #tpu.memory_space<hbm>> -> memref<8x128xi32, #tpu.memory_space<hbm>>
        %dma_wait3A_86 = arith.constant 0 : i32
        %dma_wait3A_87 = arith.constant 0 : i32
        %dma_wait3A_88 = tpu.memref_slice %arg7[%dma_wait3A_86, %dma_wait3A_87] : memref<152x128xi32, #tpu.memory_space<vmem>> -> memref<8x128xi32, #tpu.memory_space<vmem>>
        %dma_wait3A_89 = arith.constant 0 : i32
        %dma_wait3A_90 = tpu.memref_slice %arg3[%add3A_33, %dma_wait3A_89] : memref<2560x128xi32, #tpu.memory_space<hbm>> -> memref<8x128xi32, #tpu.memory_space<hbm>>
        tpu.wait_dma2 semaphore(%run_scoped3A : memref<!tpu.dma_semaphore, #tpu.memory_space<semaphore_mem>>) src(%dma_wait3A_90 : memref<8x128xi32, #tpu.memory_space<hbm>>) dst(%dma_wait3A_88 : memref<8x128xi32, #tpu.memory_space<vmem>>)
        tpu.yield
      }) : () -> ()
      "tpu.region"() ({
        %run_scoped3A = tpu.sem_alloc : memref<!tpu.dma_semaphore, #tpu.memory_space<semaphore_mem>>
        %dma_start3A_72 = arith.constant 0 : i32
        %dma_start3A_73 = arith.constant 0 : i32
        %dma_start3A_74 = tpu.memref_slice %arg8[%dma_start3A_72, %dma_start3A_73] : memref<152x128xi32, #tpu.memory_space<vmem>> -> memref<8x128xi32, #tpu.memory_space<vmem>>
        %dma_start3A_75 = arith.constant 0 : i32
        %dma_start3A_76 = tpu.memref_slice %arg4[%add3A_33, %dma_start3A_75] : memref<2560x128xi32, #tpu.memory_space<hbm>> -> memref<8x128xi32, #tpu.memory_space<hbm>>
        %dma_start3A_77 = arith.constant 0 : i32
        %dma_start3A_78 = arith.constant 0 : i32
        %dma_start3A_79 = tpu.memref_slice %arg8[%dma_start3A_77, %dma_start3A_78] : memref<152x128xi32, #tpu.memory_space<vmem>> -> memref<8x128xi32, #tpu.memory_space<vmem>>
        %dma_start3A_80 = arith.constant 0 : i32
        %dma_start3A_81 = tpu.memref_slice %arg4[%add3A_33, %dma_start3A_80] : memref<2560x128xi32, #tpu.memory_space<hbm>> -> memref<8x128xi32, #tpu.memory_space<hbm>>
        tpu.enqueue_dma source(%dma_start3A_81 : memref<8x128xi32, #tpu.memory_space<hbm>>) target(%dma_start3A_79 : memref<8x128xi32, #tpu.memory_space<vmem>>) target_semaphore(%run_scoped3A : memref<!tpu.dma_semaphore, #tpu.memory_space<semaphore_mem>>)
        %dma_wait3A = arith.constant 0 : i32
        %dma_wait3A_82 = arith.constant 0 : i32
        %dma_wait3A_83 = tpu.memref_slice %arg8[%dma_wait3A, %dma_wait3A_82] : memref<152x128xi32, #tpu.memory_space<vmem>> -> memref<8x128xi32, #tpu.memory_space<vmem>>
        %dma_wait3A_84 = arith.constant 0 : i32
        %dma_wait3A_85 = tpu.memref_slice %arg4[%add3A_33, %dma_wait3A_84] : memref<2560x128xi32, #tpu.memory_space<hbm>> -> memref<8x128xi32, #tpu.memory_space<hbm>>
        %dma_wait3A_86 = arith.constant 0 : i32
        %dma_wait3A_87 = arith.constant 0 : i32
        %dma_wait3A_88 = tpu.memref_slice %arg8[%dma_wait3A_86, %dma_wait3A_87] : memref<152x128xi32, #tpu.memory_space<vmem>> -> memref<8x128xi32, #tpu.memory_space<vmem>>
        %dma_wait3A_89 = arith.constant 0 : i32
        %dma_wait3A_90 = tpu.memref_slice %arg4[%add3A_33, %dma_wait3A_89] : memref<2560x128xi32, #tpu.memory_space<hbm>> -> memref<8x128xi32, #tpu.memory_space<hbm>>
        tpu.wait_dma2 semaphore(%run_scoped3A : memref<!tpu.dma_semaphore, #tpu.memory_space<semaphore_mem>>) src(%dma_wait3A_90 : memref<8x128xi32, #tpu.memory_space<hbm>>) dst(%dma_wait3A_88 : memref<8x128xi32, #tpu.memory_space<vmem>>)
        tpu.yield
      }) : () -> ()
      %barrier3A = arith.constant 0 : index
      tpu.barrier barrier_id(%barrier3A)
      %dma_start3A = arith.constant 0 : i32
      %dma_start3A_34 = arith.constant 0 : i32
      %dma_start3A_35 = tpu.memref_slice %arg7[%dma_start3A, %dma_start3A_34] : memref<152x128xi32, #tpu.memory_space<vmem>> -> memref<1x128xi32, #tpu.memory_space<vmem>>
      %dma_start3A_36 = tpu.memref_squeeze %dma_start3A_35 : memref<1x128xi32, #tpu.memory_space<vmem>> -> memref<128xi32, #tpu.memory_space<vmem>>
      %dma_start3A_37 = arith.constant 0 : i32
      %dma_start3A_38 = arith.constant 0 : i32
      %dma_start3A_39 = tpu.memref_slice %arg2[%dma_start3A_37, %dma_start3A_38] : memref<10240x64xf32, #tpu.memory_space<hbm>> -> memref<10240x64xf32, #tpu.memory_space<hbm>>
      tpu.enqueue_indirect_dma source(%dma_start3A_39 : memref<10240x64xf32, #tpu.memory_space<hbm>>) target(%arg9 : memref<128x64xf32, #tpu.memory_space<vmem>>) offsets(%dma_start3A_36 : memref<128xi32, #tpu.memory_space<vmem>>) semaphore(%arg13 : memref<!tpu.dma_semaphore, #tpu.memory_space<semaphore_mem>>)
      %dma_start3A_40 = arith.constant 1 : i32
      %dma_start3A_41 = arith.constant 0 : i32
      %dma_start3A_42 = tpu.memref_slice %arg7[%dma_start3A_40, %dma_start3A_41] : memref<152x128xi32, #tpu.memory_space<vmem>> -> memref<1x128xi32, #tpu.memory_space<vmem>>
      %dma_start3A_43 = tpu.memref_squeeze %dma_start3A_42 : memref<1x128xi32, #tpu.memory_space<vmem>> -> memref<128xi32, #tpu.memory_space<vmem>>
      %dma_start3A_44 = arith.constant 0 : i32
      %dma_start3A_45 = arith.constant 0 : i32
      %dma_start3A_46 = tpu.memref_slice %arg2[%dma_start3A_44, %dma_start3A_45] : memref<10240x64xf32, #tpu.memory_space<hbm>> -> memref<10240x64xf32, #tpu.memory_space<hbm>>
      tpu.enqueue_indirect_dma source(%dma_start3A_46 : memref<10240x64xf32, #tpu.memory_space<hbm>>) target(%arg10 : memref<128x64xf32, #tpu.memory_space<vmem>>) offsets(%dma_start3A_43 : memref<128xi32, #tpu.memory_space<vmem>>) semaphore(%arg14 : memref<!tpu.dma_semaphore, #tpu.memory_space<semaphore_mem>>)
      %dma_start3A_47 = arith.constant 2 : i32
      %dma_start3A_48 = arith.constant 0 : i32
      %dma_start3A_49 = tpu.memref_slice %arg7[%dma_start3A_47, %dma_start3A_48] : memref<152x128xi32, #tpu.memory_space<vmem>> -> memref<1x128xi32, #tpu.memory_space<vmem>>
      %dma_start3A_50 = tpu.memref_squeeze %dma_start3A_49 : memref<1x128xi32, #tpu.memory_space<vmem>> -> memref<128xi32, #tpu.memory_space<vmem>>
      %dma_start3A_51 = arith.constant 0 : i32
      %dma_start3A_52 = arith.constant 0 : i32
      %dma_start3A_53 = tpu.memref_slice %arg2[%dma_start3A_51, %dma_start3A_52] : memref<10240x64xf32, #tpu.memory_space<hbm>> -> memref<10240x64xf32, #tpu.memory_space<hbm>>
      tpu.enqueue_indirect_dma source(%dma_start3A_53 : memref<10240x64xf32, #tpu.memory_space<hbm>>) target(%arg11 : memref<128x64xf32, #tpu.memory_space<vmem>>) offsets(%dma_start3A_50 : memref<128xi32, #tpu.memory_space<vmem>>) semaphore(%arg15 : memref<!tpu.dma_semaphore, #tpu.memory_space<semaphore_mem>>)
      %dma_start3A_54 = arith.constant 3 : i32
      %dma_start3A_55 = arith.constant 0 : i32
      %dma_start3A_56 = tpu.memref_slice %arg7[%dma_start3A_54, %dma_start3A_55] : memref<152x128xi32, #tpu.memory_space<vmem>> -> memref<1x128xi32, #tpu.memory_space<vmem>>
      %dma_start3A_57 = tpu.memref_squeeze %dma_start3A_56 : memref<1x128xi32, #tpu.memory_space<vmem>> -> memref<128xi32, #tpu.memory_space<vmem>>
      %dma_start3A_58 = arith.constant 0 : i32
      %dma_start3A_59 = arith.constant 0 : i32
      %dma_start3A_60 = tpu.memref_slice %arg2[%dma_start3A_58, %dma_start3A_59] : memref<10240x64xf32, #tpu.memory_space<hbm>> -> memref<10240x64xf32, #tpu.memory_space<hbm>>
      tpu.enqueue_indirect_dma source(%dma_start3A_60 : memref<10240x64xf32, #tpu.memory_space<hbm>>) target(%arg12 : memref<128x64xf32, #tpu.memory_space<vmem>>) offsets(%dma_start3A_57 : memref<128xi32, #tpu.memory_space<vmem>>) semaphore(%arg16 : memref<!tpu.dma_semaphore, #tpu.memory_space<semaphore_mem>>)
      %scan3A_61 = arith.constant 0 : i32
      %scan3A_62 = arith.constant 0 : i32
      %scan3A_63 = arith.constant 2 : i32
      %scan3A_64 = arith.addi %scan3A_62, %scan3A_63 : i32
      %scan3A_65 = arith.constant 1 : i32
      scf.for %scan3A_72 = %scan3A_62 to %scan3A_64 step %scan3A_65  : i32 {
        %mul3A_73 = arith.constant 4 : i32
        %mul3A_74 = arith.muli %scan3A_72, %mul3A_73 : i32
        %add3A_75 = arith.constant 0 : i32
        %add3A_76 = arith.addi %mul3A_74, %add3A_75 : i32
        %dma_wait3A = arith.constant 0 : i32
        %dma_wait3A_77 = tpu.memref_slice %arg7[%add3A_76, %dma_wait3A] : memref<152x128xi32, #tpu.memory_space<vmem>> -> memref<1x128xi32, #tpu.memory_space<vmem>>
        %dma_wait3A_78 = tpu.memref_squeeze %dma_wait3A_77 : memref<1x128xi32, #tpu.memory_space<vmem>> -> memref<128xi32, #tpu.memory_space<vmem>>
        %dma_wait3A_79 = arith.constant 0 : i32
        %dma_wait3A_80 = arith.constant 0 : i32
        %dma_wait3A_81 = tpu.memref_slice %arg2[%dma_wait3A_79, %dma_wait3A_80] : memref<10240x64xf32, #tpu.memory_space<hbm>> -> memref<10240x64xf32, #tpu.memory_space<hbm>>
        tpu.wait_indirect_dma semaphore(%arg13 : memref<!tpu.dma_semaphore, #tpu.memory_space<semaphore_mem>>) src(%dma_wait3A_81 : memref<10240x64xf32, #tpu.memory_space<hbm>>) dst(%arg9 : memref<128x64xf32, #tpu.memory_space<vmem>>)
        %dma_start3A_82 = arith.constant 0 : i32
        %dma_start3A_83 = tpu.memref_slice %arg8[%add3A_76, %dma_start3A_82] : memref<152x128xi32, #tpu.memory_space<vmem>> -> memref<1x128xi32, #tpu.memory_space<vmem>>
        %dma_start3A_84 = tpu.memref_squeeze %dma_start3A_83 : memref<1x128xi32, #tpu.memory_space<vmem>> -> memref<128xi32, #tpu.memory_space<vmem>>
        %dma_start3A_85 = arith.constant 0 : i32
        %dma_start3A_86 = arith.constant 0 : i32
        %dma_start3A_87 = tpu.memref_slice %arg21[%dma_start3A_85, %dma_start3A_86] : memref<10240x64xf32, #tpu.memory_space<vmem_shared>> -> memref<10240x64xf32, #tpu.memory_space<vmem_shared>>
        tpu.enqueue_indirect_dma source(%arg9 : memref<128x64xf32, #tpu.memory_space<vmem>>) target(%dma_start3A_87 : memref<10240x64xf32, #tpu.memory_space<vmem_shared>>) offsets(%dma_start3A_84 : memref<128xi32, #tpu.memory_space<vmem>>) semaphore(%arg17 : memref<!tpu.dma_semaphore, #tpu.memory_space<semaphore_mem>>) {add = true}
        %add3A_88 = arith.constant 1 : i32
        %add3A_89 = arith.addi %mul3A_74, %add3A_88 : i32
        %dma_wait3A_90 = arith.constant 0 : i32
        %dma_wait3A_91 = tpu.memref_slice %arg7[%add3A_89, %dma_wait3A_90] : memref<152x128xi32, #tpu.memory_space<vmem>> -> memref<1x128xi32, #tpu.memory_space<vmem>>
        %dma_wait3A_92 = tpu.memref_squeeze %dma_wait3A_91 : memref<1x128xi32, #tpu.memory_space<vmem>> -> memref<128xi32, #tpu.memory_space<vmem>>
        %dma_wait3A_93 = arith.constant 0 : i32
        %dma_wait3A_94 = arith.constant 0 : i32
        %dma_wait3A_95 = tpu.memref_slice %arg2[%dma_wait3A_93, %dma_wait3A_94] : memref<10240x64xf32, #tpu.memory_space<hbm>> -> memref<10240x64xf32, #tpu.memory_space<hbm>>
        tpu.wait_indirect_dma semaphore(%arg14 : memref<!tpu.dma_semaphore, #tpu.memory_space<semaphore_mem>>) src(%dma_wait3A_95 : memref<10240x64xf32, #tpu.memory_space<hbm>>) dst(%arg10 : memref<128x64xf32, #tpu.memory_space<vmem>>)
        %dma_start3A_96 = arith.constant 0 : i32
        %dma_start3A_97 = tpu.memref_slice %arg8[%add3A_89, %dma_start3A_96] : memref<152x128xi32, #tpu.memory_space<vmem>> -> memref<1x128xi32, #tpu.memory_space<vmem>>
        %dma_start3A_98 = tpu.memref_squeeze %dma_start3A_97 : memref<1x128xi32, #tpu.memory_space<vmem>> -> memref<128xi32, #tpu.memory_space<vmem>>
        %dma_start3A_99 = arith.constant 0 : i32
        %dma_start3A_100 = arith.constant 0 : i32
        %dma_start3A_101 = tpu.memref_slice %arg21[%dma_start3A_99, %dma_start3A_100] : memref<10240x64xf32, #tpu.memory_space<vmem_shared>> -> memref<10240x64xf32, #tpu.memory_space<vmem_shared>>
        tpu.enqueue_indirect_dma source(%arg10 : memref<128x64xf32, #tpu.memory_space<vmem>>) target(%dma_start3A_101 : memref<10240x64xf32, #tpu.memory_space<vmem_shared>>) offsets(%dma_start3A_98 : memref<128xi32, #tpu.memory_space<vmem>>) semaphore(%arg18 : memref<!tpu.dma_semaphore, #tpu.memory_space<semaphore_mem>>) {add = true}
        %add3A_102 = arith.constant 2 : i32
        %add3A_103 = arith.addi %mul3A_74, %add3A_102 : i32
        %dma_wait3A_104 = arith.constant 0 : i32
        %dma_wait3A_105 = tpu.memref_slice %arg7[%add3A_103, %dma_wait3A_104] : memref<152x128xi32, #tpu.memory_space<vmem>> -> memref<1x128xi32, #tpu.memory_space<vmem>>
        %dma_wait3A_106 = tpu.memref_squeeze %dma_wait3A_105 : memref<1x128xi32, #tpu.memory_space<vmem>> -> memref<128xi32, #tpu.memory_space<vmem>>
        %dma_wait3A_107 = arith.constant 0 : i32
        %dma_wait3A_108 = arith.constant 0 : i32
        %dma_wait3A_109 = tpu.memref_slice %arg2[%dma_wait3A_107, %dma_wait3A_108] : memref<10240x64xf32, #tpu.memory_space<hbm>> -> memref<10240x64xf32, #tpu.memory_space<hbm>>
        tpu.wait_indirect_dma semaphore(%arg15 : memref<!tpu.dma_semaphore, #tpu.memory_space<semaphore_mem>>) src(%dma_wait3A_109 : memref<10240x64xf32, #tpu.memory_space<hbm>>) dst(%arg11 : memref<128x64xf32, #tpu.memory_space<vmem>>)
        %dma_start3A_110 = arith.constant 0 : i32
        %dma_start3A_111 = tpu.memref_slice %arg8[%add3A_103, %dma_start3A_110] : memref<152x128xi32, #tpu.memory_space<vmem>> -> memref<1x128xi32, #tpu.memory_space<vmem>>
        %dma_start3A_112 = tpu.memref_squeeze %dma_start3A_111 : memref<1x128xi32, #tpu.memory_space<vmem>> -> memref<128xi32, #tpu.memory_space<vmem>>
        %dma_start3A_113 = arith.constant 0 : i32
        %dma_start3A_114 = arith.constant 0 : i32
        %dma_start3A_115 = tpu.memref_slice %arg21[%dma_start3A_113, %dma_start3A_114] : memref<10240x64xf32, #tpu.memory_space<vmem_shared>> -> memref<10240x64xf32, #tpu.memory_space<vmem_shared>>
        tpu.enqueue_indirect_dma source(%arg11 : memref<128x64xf32, #tpu.memory_space<vmem>>) target(%dma_start3A_115 : memref<10240x64xf32, #tpu.memory_space<vmem_shared>>) offsets(%dma_start3A_112 : memref<128xi32, #tpu.memory_space<vmem>>) semaphore(%arg19 : memref<!tpu.dma_semaphore, #tpu.memory_space<semaphore_mem>>) {add = true}
        %add3A_116 = arith.constant 3 : i32
        %add3A_117 = arith.addi %mul3A_74, %add3A_116 : i32
        %dma_wait3A_118 = arith.constant 0 : i32
        %dma_wait3A_119 = tpu.memref_slice %arg7[%add3A_117, %dma_wait3A_118] : memref<152x128xi32, #tpu.memory_space<vmem>> -> memref<1x128xi32, #tpu.memory_space<vmem>>
        %dma_wait3A_120 = tpu.memref_squeeze %dma_wait3A_119 : memref<1x128xi32, #tpu.memory_space<vmem>> -> memref<128xi32, #tpu.memory_space<vmem>>
        %dma_wait3A_121 = arith.constant 0 : i32
        %dma_wait3A_122 = arith.constant 0 : i32
        %dma_wait3A_123 = tpu.memref_slice %arg2[%dma_wait3A_121, %dma_wait3A_122] : memref<10240x64xf32, #tpu.memory_space<hbm>> -> memref<10240x64xf32, #tpu.memory_space<hbm>>
        tpu.wait_indirect_dma semaphore(%arg16 : memref<!tpu.dma_semaphore, #tpu.memory_space<semaphore_mem>>) src(%dma_wait3A_123 : memref<10240x64xf32, #tpu.memory_space<hbm>>) dst(%arg12 : memref<128x64xf32, #tpu.memory_space<vmem>>)
        %dma_start3A_124 = arith.constant 0 : i32
        %dma_start3A_125 = tpu.memref_slice %arg8[%add3A_117, %dma_start3A_124] : memref<152x128xi32, #tpu.memory_space<vmem>> -> memref<1x128xi32, #tpu.memory_space<vmem>>
        %dma_start3A_126 = tpu.memref_squeeze %dma_start3A_125 : memref<1x128xi32, #tpu.memory_space<vmem>> -> memref<128xi32, #tpu.memory_space<vmem>>
        %dma_start3A_127 = arith.constant 0 : i32
        %dma_start3A_128 = arith.constant 0 : i32
        %dma_start3A_129 = tpu.memref_slice %arg21[%dma_start3A_127, %dma_start3A_128] : memref<10240x64xf32, #tpu.memory_space<vmem_shared>> -> memref<10240x64xf32, #tpu.memory_space<vmem_shared>>
        tpu.enqueue_indirect_dma source(%arg12 : memref<128x64xf32, #tpu.memory_space<vmem>>) target(%dma_start3A_129 : memref<10240x64xf32, #tpu.memory_space<vmem_shared>>) offsets(%dma_start3A_126 : memref<128xi32, #tpu.memory_space<vmem>>) semaphore(%arg20 : memref<!tpu.dma_semaphore, #tpu.memory_space<semaphore_mem>>) {add = true}
        %add3A_130 = arith.constant 0 : i32
        %add3A_131 = arith.addi %mul3A_74, %add3A_130 : i32
        %dma_wait3A_132 = arith.constant 0 : i32
        %dma_wait3A_133 = tpu.memref_slice %arg8[%add3A_131, %dma_wait3A_132] : memref<152x128xi32, #tpu.memory_space<vmem>> -> memref<1x128xi32, #tpu.memory_space<vmem>>
        %dma_wait3A_134 = tpu.memref_squeeze %dma_wait3A_133 : memref<1x128xi32, #tpu.memory_space<vmem>> -> memref<128xi32, #tpu.memory_space<vmem>>
        %dma_wait3A_135 = arith.constant 0 : i32
        %dma_wait3A_136 = arith.constant 0 : i32
        %dma_wait3A_137 = tpu.memref_slice %arg21[%dma_wait3A_135, %dma_wait3A_136] : memref<10240x64xf32, #tpu.memory_space<vmem_shared>> -> memref<10240x64xf32, #tpu.memory_space<vmem_shared>>
        tpu.wait_indirect_dma semaphore(%arg17 : memref<!tpu.dma_semaphore, #tpu.memory_space<semaphore_mem>>) src(%arg9 : memref<128x64xf32, #tpu.memory_space<vmem>>) dst(%dma_wait3A_137 : memref<10240x64xf32, #tpu.memory_space<vmem_shared>>)
        %add3A_138 = arith.constant 1 : i32
        %add3A_139 = arith.addi %scan3A_72, %add3A_138 : i32
        %lt3A = arith.constant 2 : i32
        %lt3A_140 = arith.cmpi slt, %add3A_139, %lt3A : i32
        %convert_element_type3A_141 = arith.extui %lt3A_140 : i1 to i32
        %cond3A_142 = arith.constant 0 : i32
        %cond3A_143 = arith.cmpi ne, %convert_element_type3A_141, %cond3A_142 : i32
        scf.if %cond3A_143 {
          %add3A_189 = arith.constant 4 : i32
          %add3A_190 = arith.addi %add3A_131, %add3A_189 : i32
          %dma_start3A_191 = arith.constant 0 : i32
          %dma_start3A_192 = tpu.memref_slice %arg7[%add3A_190, %dma_start3A_191] : memref<152x128xi32, #tpu.memory_space<vmem>> -> memref<1x128xi32, #tpu.memory_space<vmem>>
          %dma_start3A_193 = tpu.memref_squeeze %dma_start3A_192 : memref<1x128xi32, #tpu.memory_space<vmem>> -> memref<128xi32, #tpu.memory_space<vmem>>
          %dma_start3A_194 = arith.constant 0 : i32
          %dma_start3A_195 = arith.constant 0 : i32
          %dma_start3A_196 = tpu.memref_slice %arg2[%dma_start3A_194, %dma_start3A_195] : memref<10240x64xf32, #tpu.memory_space<hbm>> -> memref<10240x64xf32, #tpu.memory_space<hbm>>
          tpu.enqueue_indirect_dma source(%dma_start3A_196 : memref<10240x64xf32, #tpu.memory_space<hbm>>) target(%arg9 : memref<128x64xf32, #tpu.memory_space<vmem>>) offsets(%dma_start3A_193 : memref<128xi32, #tpu.memory_space<vmem>>) semaphore(%arg13 : memref<!tpu.dma_semaphore, #tpu.memory_space<semaphore_mem>>)
        } else {
        }
        %add3A_144 = arith.constant 1 : i32
        %add3A_145 = arith.addi %mul3A_74, %add3A_144 : i32
        %dma_wait3A_146 = arith.constant 0 : i32
        %dma_wait3A_147 = tpu.memref_slice %arg8[%add3A_145, %dma_wait3A_146] : memref<152x128xi32, #tpu.memory_space<vmem>> -> memref<1x128xi32, #tpu.memory_space<vmem>>
        %dma_wait3A_148 = tpu.memref_squeeze %dma_wait3A_147 : memref<1x128xi32, #tpu.memory_space<vmem>> -> memref<128xi32, #tpu.memory_space<vmem>>
        %dma_wait3A_149 = arith.constant 0 : i32
        %dma_wait3A_150 = arith.constant 0 : i32
        %dma_wait3A_151 = tpu.memref_slice %arg21[%dma_wait3A_149, %dma_wait3A_150] : memref<10240x64xf32, #tpu.memory_space<vmem_shared>> -> memref<10240x64xf32, #tpu.memory_space<vmem_shared>>
        tpu.wait_indirect_dma semaphore(%arg18 : memref<!tpu.dma_semaphore, #tpu.memory_space<semaphore_mem>>) src(%arg10 : memref<128x64xf32, #tpu.memory_space<vmem>>) dst(%dma_wait3A_151 : memref<10240x64xf32, #tpu.memory_space<vmem_shared>>)
        %add3A_152 = arith.constant 1 : i32
        %add3A_153 = arith.addi %scan3A_72, %add3A_152 : i32
        %lt3A_154 = arith.constant 2 : i32
        %lt3A_155 = arith.cmpi slt, %add3A_153, %lt3A_154 : i32
        %convert_element_type3A_156 = arith.extui %lt3A_155 : i1 to i32
        %cond3A_157 = arith.constant 0 : i32
        %cond3A_158 = arith.cmpi ne, %convert_element_type3A_156, %cond3A_157 : i32
        scf.if %cond3A_158 {
          %add3A_189 = arith.constant 4 : i32
          %add3A_190 = arith.addi %add3A_145, %add3A_189 : i32
          %dma_start3A_191 = arith.constant 0 : i32
          %dma_start3A_192 = tpu.memref_slice %arg7[%add3A_190, %dma_start3A_191] : memref<152x128xi32, #tpu.memory_space<vmem>> -> memref<1x128xi32, #tpu.memory_space<vmem>>
          %dma_start3A_193 = tpu.memref_squeeze %dma_start3A_192 : memref<1x128xi32, #tpu.memory_space<vmem>> -> memref<128xi32, #tpu.memory_space<vmem>>
          %dma_start3A_194 = arith.constant 0 : i32
          %dma_start3A_195 = arith.constant 0 : i32
          %dma_start3A_196 = tpu.memref_slice %arg2[%dma_start3A_194, %dma_start3A_195] : memref<10240x64xf32, #tpu.memory_space<hbm>> -> memref<10240x64xf32, #tpu.memory_space<hbm>>
          tpu.enqueue_indirect_dma source(%dma_start3A_196 : memref<10240x64xf32, #tpu.memory_space<hbm>>) target(%arg10 : memref<128x64xf32, #tpu.memory_space<vmem>>) offsets(%dma_start3A_193 : memref<128xi32, #tpu.memory_space<vmem>>) semaphore(%arg14 : memref<!tpu.dma_semaphore, #tpu.memory_space<semaphore_mem>>)
        } else {
        }
        %add3A_159 = arith.constant 2 : i32
        %add3A_160 = arith.addi %mul3A_74, %add3A_159 : i32
        %dma_wait3A_161 = arith.constant 0 : i32
        %dma_wait3A_162 = tpu.memref_slice %arg8[%add3A_160, %dma_wait3A_161] : memref<152x128xi32, #tpu.memory_space<vmem>> -> memref<1x128xi32, #tpu.memory_space<vmem>>
        %dma_wait3A_163 = tpu.memref_squeeze %dma_wait3A_162 : memref<1x128xi32, #tpu.memory_space<vmem>> -> memref<128xi32, #tpu.memory_space<vmem>>
        %dma_wait3A_164 = arith.constant 0 : i32
        %dma_wait3A_165 = arith.constant 0 : i32
        %dma_wait3A_166 = tpu.memref_slice %arg21[%dma_wait3A_164, %dma_wait3A_165] : memref<10240x64xf32, #tpu.memory_space<vmem_shared>> -> memref<10240x64xf32, #tpu.memory_space<vmem_shared>>
        tpu.wait_indirect_dma semaphore(%arg19 : memref<!tpu.dma_semaphore, #tpu.memory_space<semaphore_mem>>) src(%arg11 : memref<128x64xf32, #tpu.memory_space<vmem>>) dst(%dma_wait3A_166 : memref<10240x64xf32, #tpu.memory_space<vmem_shared>>)
        %add3A_167 = arith.constant 1 : i32
        %add3A_168 = arith.addi %scan3A_72, %add3A_167 : i32
        %lt3A_169 = arith.constant 2 : i32
        %lt3A_170 = arith.cmpi slt, %add3A_168, %lt3A_169 : i32
        %convert_element_type3A_171 = arith.extui %lt3A_170 : i1 to i32
        %cond3A_172 = arith.constant 0 : i32
        %cond3A_173 = arith.cmpi ne, %convert_element_type3A_171, %cond3A_172 : i32
        scf.if %cond3A_173 {
          %add3A_189 = arith.constant 4 : i32
          %add3A_190 = arith.addi %add3A_160, %add3A_189 : i32
          %dma_start3A_191 = arith.constant 0 : i32
          %dma_start3A_192 = tpu.memref_slice %arg7[%add3A_190, %dma_start3A_191] : memref<152x128xi32, #tpu.memory_space<vmem>> -> memref<1x128xi32, #tpu.memory_space<vmem>>
          %dma_start3A_193 = tpu.memref_squeeze %dma_start3A_192 : memref<1x128xi32, #tpu.memory_space<vmem>> -> memref<128xi32, #tpu.memory_space<vmem>>
          %dma_start3A_194 = arith.constant 0 : i32
          %dma_start3A_195 = arith.constant 0 : i32
          %dma_start3A_196 = tpu.memref_slice %arg2[%dma_start3A_194, %dma_start3A_195] : memref<10240x64xf32, #tpu.memory_space<hbm>> -> memref<10240x64xf32, #tpu.memory_space<hbm>>
          tpu.enqueue_indirect_dma source(%dma_start3A_196 : memref<10240x64xf32, #tpu.memory_space<hbm>>) target(%arg11 : memref<128x64xf32, #tpu.memory_space<vmem>>) offsets(%dma_start3A_193 : memref<128xi32, #tpu.memory_space<vmem>>) semaphore(%arg15 : memref<!tpu.dma_semaphore, #tpu.memory_space<semaphore_mem>>)
        } else {
        }
        %add3A_174 = arith.constant 3 : i32
        %add3A_175 = arith.addi %mul3A_74, %add3A_174 : i32
        %dma_wait3A_176 = arith.constant 0 : i32
        %dma_wait3A_177 = tpu.memref_slice %arg8[%add3A_175, %dma_wait3A_176] : memref<152x128xi32, #tpu.memory_space<vmem>> -> memref<1x128xi32, #tpu.memory_space<vmem>>
        %dma_wait3A_178 = tpu.memref_squeeze %dma_wait3A_177 : memref<1x128xi32, #tpu.memory_space<vmem>> -> memref<128xi32, #tpu.memory_space<vmem>>
        %dma_wait3A_179 = arith.constant 0 : i32
        %dma_wait3A_180 = arith.constant 0 : i32
        %dma_wait3A_181 = tpu.memref_slice %arg21[%dma_wait3A_179, %dma_wait3A_180] : memref<10240x64xf32, #tpu.memory_space<vmem_shared>> -> memref<10240x64xf32, #tpu.memory_space<vmem_shared>>
        tpu.wait_indirect_dma semaphore(%arg20 : memref<!tpu.dma_semaphore, #tpu.memory_space<semaphore_mem>>) src(%arg12 : memref<128x64xf32, #tpu.memory_space<vmem>>) dst(%dma_wait3A_181 : memref<10240x64xf32, #tpu.memory_space<vmem_shared>>)
        %add3A_182 = arith.constant 1 : i32
        %add3A_183 = arith.addi %scan3A_72, %add3A_182 : i32
        %lt3A_184 = arith.constant 2 : i32
        %lt3A_185 = arith.cmpi slt, %add3A_183, %lt3A_184 : i32
        %convert_element_type3A_186 = arith.extui %lt3A_185 : i1 to i32
        %cond3A_187 = arith.constant 0 : i32
        %cond3A_188 = arith.cmpi ne, %convert_element_type3A_186, %cond3A_187 : i32
        scf.if %cond3A_188 {
          %add3A_189 = arith.constant 4 : i32
          %add3A_190 = arith.addi %add3A_175, %add3A_189 : i32
          %dma_start3A_191 = arith.constant 0 : i32
          %dma_start3A_192 = tpu.memref_slice %arg7[%add3A_190, %dma_start3A_191] : memref<152x128xi32, #tpu.memory_space<vmem>> -> memref<1x128xi32, #tpu.memory_space<vmem>>
          %dma_start3A_193 = tpu.memref_squeeze %dma_start3A_192 : memref<1x128xi32, #tpu.memory_space<vmem>> -> memref<128xi32, #tpu.memory_space<vmem>>
          %dma_start3A_194 = arith.constant 0 : i32
          %dma_start3A_195 = arith.constant 0 : i32
          %dma_start3A_196 = tpu.memref_slice %arg2[%dma_start3A_194, %dma_start3A_195] : memref<10240x64xf32, #tpu.memory_space<hbm>> -> memref<10240x64xf32, #tpu.memory_space<hbm>>
          tpu.enqueue_indirect_dma source(%dma_start3A_196 : memref<10240x64xf32, #tpu.memory_space<hbm>>) target(%arg12 : memref<128x64xf32, #tpu.memory_space<vmem>>) offsets(%dma_start3A_193 : memref<128xi32, #tpu.memory_space<vmem>>) semaphore(%arg16 : memref<!tpu.dma_semaphore, #tpu.memory_space<semaphore_mem>>)
        } else {
        }
      }
      %scan3A_66 = arith.constant 2 : i32
      %barrier3A_67 = arith.constant 0 : index
      tpu.barrier barrier_id(%barrier3A_67)
      %mul3A_68 = arith.constant 640 : i32
      %mul3A_69 = arith.muli %arg1, %mul3A_68 : i32
      %mul3A_70 = arith.constant 640 : i32
      %mul3A_71 = arith.muli %arg1, %mul3A_70 : i32
      "tpu.region"() ({
        %run_scoped3A = tpu.sem_alloc : memref<!tpu.dma_semaphore, #tpu.memory_space<semaphore_mem>>
        %dma_start3A_72 = arith.constant 0 : i32
        %dma_start3A_73 = tpu.memref_slice %arg6[%mul3A_71, %dma_start3A_72] : memref<10240x64xf32, #tpu.memory_space<hbm>> -> memref<640x64xf32, #tpu.memory_space<hbm>>
        %dma_start3A_74 = arith.constant 0 : i32
        %dma_start3A_75 = tpu.memref_slice %arg21[%mul3A_69, %dma_start3A_74] : memref<10240x64xf32, #tpu.memory_space<vmem_shared>> -> memref<640x64xf32, #tpu.memory_space<vmem_shared>>
        tpu.enqueue_dma source(%dma_start3A_75 : memref<640x64xf32, #tpu.memory_space<vmem_shared>>) target(%dma_start3A_73 : memref<640x64xf32, #tpu.memory_space<hbm>>) target_semaphore(%run_scoped3A : memref<!tpu.dma_semaphore, #tpu.memory_space<semaphore_mem>>)
        %dma_wait3A = arith.constant 0 : i32
        %dma_wait3A_76 = tpu.memref_slice %arg6[%mul3A_71, %dma_wait3A] : memref<10240x64xf32, #tpu.memory_space<hbm>> -> memref<640x64xf32, #tpu.memory_space<hbm>>
        %dma_wait3A_77 = arith.constant 0 : i32
        %dma_wait3A_78 = tpu.memref_slice %arg21[%mul3A_69, %dma_wait3A_77] : memref<10240x64xf32, #tpu.memory_space<vmem_shared>> -> memref<640x64xf32, #tpu.memory_space<vmem_shared>>
        tpu.wait_dma2 semaphore(%run_scoped3A : memref<!tpu.dma_semaphore, #tpu.memory_space<semaphore_mem>>) src(%dma_wait3A_78 : memref<640x64xf32, #tpu.memory_space<vmem_shared>>) dst(%dma_wait3A_76 : memref<640x64xf32, #tpu.memory_space<hbm>>)
        tpu.yield
      }) : () -> ()
    } else {
    }
    return
  }
}

#map = affine_map<(d0, d1) -> (0, 0)>
#map1 = affine_map<(d0, d1) -> (0, 0, 0)>
module attributes {stable_mosaic.version = 14 : i64} {
  func.func @deg(%arg0: i32, %arg1: i32, %arg2: memref<2560x128xi32, #tpu.memory_space<hbm>>, %arg3: memref<128x16xf32, #tpu.memory_space<hbm>>, %arg4: memref<2x10240x16xf32, #tpu.memory_space<hbm>>, %arg5: memref<80x128xi32, #tpu.memory_space<vmem>>, %arg6: memref<128x16xf32, #tpu.memory_space<vmem>>, %arg7: memref<128x16xf32, #tpu.memory_space<vmem>>, %arg8: memref<10240x16xf32, #tpu.memory_space<vmem_shared>>) attributes {dimension_semantics = [#tpu.dimension_semantics<core_parallel>, #tpu.dimension_semantics<subcore_parallel>], iteration_bounds = array<i64: 2, 16>, scalar_prefetch = 0 : i64, scratch_operands = 4 : i64, tpu.core_type = #tpu.core_type<sc_vector_subcore>, window_params = [{transform_indices = #map}, {transform_indices = #map}, {transform_indices = #map1}]} {
    %mul3A = arith.constant 16 : i32
    %mul3A_0 = arith.muli %arg0, %mul3A : i32
    %add3A = arith.addi %mul3A_0, %arg1 : i32
    %scan3A = arith.constant 0 : i32
    %scan3A_1 = arith.constant 0 : i32
    %scan3A_2 = arith.constant 128 : i32
    %scan3A_3 = arith.addi %scan3A_1, %scan3A_2 : i32
    %scan3A_4 = arith.constant 1 : i32
    scf.for %scan3A_39 = %scan3A_1 to %scan3A_3 step %scan3A_4  : i32 {
      %broadcast_in_dim3A = arith.constant 0.000000e+00 : f32
      %broadcast_in_dim3A_40 = vector.broadcast %broadcast_in_dim3A : f32 to vector<16xf32>
      %jit3A = arith.constant 1 : i32
      %div3A = arith.divsi %scan3A_39, %jit3A : i32
      %sign3A = arith.constant 0 : i32
      %sign3A_41 = arith.cmpi sgt, %scan3A_39, %sign3A : i32
      %sign3A_42 = arith.extui %sign3A_41 : i1 to i32
      %sign3A_43 = arith.constant 0 : i32
      %sign3A_44 = arith.cmpi slt, %scan3A_39, %sign3A_43 : i32
      %sign3A_45 = arith.extui %sign3A_44 : i1 to i32
      %sign3A_46 = arith.subi %sign3A_42, %sign3A_45 : i32
      %sign3A_47 = arith.constant 0 : i32
      %sign3A_48 = arith.cmpi sgt, %jit3A, %sign3A_47 : i32
      %sign3A_49 = arith.extui %sign3A_48 : i1 to i32
      %sign3A_50 = arith.constant 0 : i32
      %sign3A_51 = arith.cmpi slt, %jit3A, %sign3A_50 : i32
      %sign3A_52 = arith.extui %sign3A_51 : i1 to i32
      %sign3A_53 = arith.subi %sign3A_49, %sign3A_52 : i32
      %ne3A = arith.cmpi ne, %sign3A_46, %sign3A_53 : i32
      %rem3A = arith.remsi %scan3A_39, %jit3A : i32
      %ne3A_54 = arith.constant 0 : i32
      %ne3A_55 = arith.cmpi ne, %rem3A, %ne3A_54 : i32
      %and3A = arith.andi %ne3A, %ne3A_55 : i1
      %sub3A = arith.constant 1 : i32
      %sub3A_56 = arith.subi %div3A, %sub3A : i32
      %select_n3A = arith.select %and3A, %sub3A_56, %div3A : i32
      %jit3A_57 = arith.constant 1 : i32
      %eq3A = arith.constant 0 : i32
      %eq3A_58 = arith.cmpi eq, %jit3A_57, %eq3A : i32
      %jit3A_59 = arith.constant 1 : i32
      %select_n3A_60 = arith.select %eq3A_58, %jit3A_59, %jit3A_57 : i32
      %rem3A_61 = arith.remsi %scan3A_39, %select_n3A_60 : i32
      %ne3A_62 = arith.constant 0 : i32
      %ne3A_63 = arith.cmpi ne, %rem3A_61, %ne3A_62 : i32
      %lt3A = arith.constant 0 : i32
      %lt3A_64 = arith.cmpi slt, %rem3A_61, %lt3A : i32
      %lt3A_65 = arith.constant 0 : i32
      %lt3A_66 = arith.cmpi slt, %select_n3A_60, %lt3A_65 : i32
      %ne3A_67 = arith.xori %lt3A_64, %lt3A_66 : i1
      %and3A_68 = arith.andi %ne3A_67, %ne3A_63 : i1
      %add3A_69 = arith.addi %rem3A_61, %select_n3A_60 : i32
      %select_n3A_70 = arith.select %and3A_68, %add3A_69, %rem3A_61 : i32
      %mul3A_71 = arith.constant 16 : i32
      %mul3A_72 = arith.muli %select_n3A_70, %mul3A_71 : i32
      %swap3A = arith.index_cast %select_n3A : i32 to index
      %swap3A_73 = arith.index_cast %mul3A_72 : i32 to index
      %swap3A_74 = tpu.vector_load %arg7[%swap3A, %swap3A_73] {strides = array<i32>} : memref<128x16xf32, #tpu.memory_space<vmem>>, vector<1x16xf32>,
      %swap3A_75 = vector.shape_cast %swap3A_74 : vector<1x16xf32> to vector<16xf32>
      %swap3A_76 = vector.shape_cast %broadcast_in_dim3A_40 : vector<16xf32> to vector<1x16xf32>
      tpu.vector_store %arg7[%swap3A, %swap3A_73], %swap3A_76 {strides = array<i32>} : memref<128x16xf32, #tpu.memory_space<vmem>>, vector<1x16xf32>,
    }
    %scan3A_5 = arith.constant 128 : i32
    %mul3A_6 = arith.constant 640 : i32
    %mul3A_7 = arith.muli %arg1, %mul3A_6 : i32
    %add3A_8 = arith.constant 0 : i32
    %add3A_9 = arith.addi %mul3A_7, %add3A_8 : i32
    "tpu.region"() ({
      %run_scoped3A = tpu.sem_alloc : memref<!tpu.dma_semaphore, #tpu.memory_space<semaphore_mem>>
      %dma_start3A = arith.constant 0 : i32
      %dma_start3A_39 = tpu.memref_slice %arg8[%add3A_9, %dma_start3A] : memref<10240x16xf32, #tpu.memory_space<vmem_shared>> -> memref<128x16xf32, #tpu.memory_space<vmem_shared>>
      %dma_start3A_40 = arith.constant 0 : i32
      %dma_start3A_41 = tpu.memref_slice %arg8[%add3A_9, %dma_start3A_40] : memref<10240x16xf32, #tpu.memory_space<vmem_shared>> -> memref<128x16xf32, #tpu.memory_space<vmem_shared>>
      tpu.enqueue_dma source(%arg7 : memref<128x16xf32, #tpu.memory_space<vmem>>) target(%dma_start3A_41 : memref<128x16xf32, #tpu.memory_space<vmem_shared>>) target_semaphore(%run_scoped3A : memref<!tpu.dma_semaphore, #tpu.memory_space<semaphore_mem>>)
      %dma_wait3A = arith.constant 0 : i32
      %dma_wait3A_42 = tpu.memref_slice %arg8[%add3A_9, %dma_wait3A] : memref<10240x16xf32, #tpu.memory_space<vmem_shared>> -> memref<128x16xf32, #tpu.memory_space<vmem_shared>>
      %dma_wait3A_43 = arith.constant 0 : i32
      %dma_wait3A_44 = tpu.memref_slice %arg8[%add3A_9, %dma_wait3A_43] : memref<10240x16xf32, #tpu.memory_space<vmem_shared>> -> memref<128x16xf32, #tpu.memory_space<vmem_shared>>
      tpu.wait_dma2 semaphore(%run_scoped3A : memref<!tpu.dma_semaphore, #tpu.memory_space<semaphore_mem>>) src(%arg7 : memref<128x16xf32, #tpu.memory_space<vmem>>) dst(%dma_wait3A_44 : memref<128x16xf32, #tpu.memory_space<vmem_shared>>)
      tpu.yield
    }) : () -> ()
    %mul3A_10 = arith.constant 640 : i32
    %mul3A_11 = arith.muli %arg1, %mul3A_10 : i32
    %add3A_12 = arith.constant 128 : i32
    %add3A_13 = arith.addi %mul3A_11, %add3A_12 : i32
    "tpu.region"() ({
      %run_scoped3A = tpu.sem_alloc : memref<!tpu.dma_semaphore, #tpu.memory_space<semaphore_mem>>
      %dma_start3A = arith.constant 0 : i32
      %dma_start3A_39 = tpu.memref_slice %arg8[%add3A_13, %dma_start3A] : memref<10240x16xf32, #tpu.memory_space<vmem_shared>> -> memref<128x16xf32, #tpu.memory_space<vmem_shared>>
      %dma_start3A_40 = arith.constant 0 : i32
      %dma_start3A_41 = tpu.memref_slice %arg8[%add3A_13, %dma_start3A_40] : memref<10240x16xf32, #tpu.memory_space<vmem_shared>> -> memref<128x16xf32, #tpu.memory_space<vmem_shared>>
      tpu.enqueue_dma source(%arg7 : memref<128x16xf32, #tpu.memory_space<vmem>>) target(%dma_start3A_41 : memref<128x16xf32, #tpu.memory_space<vmem_shared>>) target_semaphore(%run_scoped3A : memref<!tpu.dma_semaphore, #tpu.memory_space<semaphore_mem>>)
      %dma_wait3A = arith.constant 0 : i32
      %dma_wait3A_42 = tpu.memref_slice %arg8[%add3A_13, %dma_wait3A] : memref<10240x16xf32, #tpu.memory_space<vmem_shared>> -> memref<128x16xf32, #tpu.memory_space<vmem_shared>>
      %dma_wait3A_43 = arith.constant 0 : i32
      %dma_wait3A_44 = tpu.memref_slice %arg8[%add3A_13, %dma_wait3A_43] : memref<10240x16xf32, #tpu.memory_space<vmem_shared>> -> memref<128x16xf32, #tpu.memory_space<vmem_shared>>
      tpu.wait_dma2 semaphore(%run_scoped3A : memref<!tpu.dma_semaphore, #tpu.memory_space<semaphore_mem>>) src(%arg7 : memref<128x16xf32, #tpu.memory_space<vmem>>) dst(%dma_wait3A_44 : memref<128x16xf32, #tpu.memory_space<vmem_shared>>)
      tpu.yield
    }) : () -> ()
    %mul3A_14 = arith.constant 640 : i32
    %mul3A_15 = arith.muli %arg1, %mul3A_14 : i32
    %add3A_16 = arith.constant 256 : i32
    %add3A_17 = arith.addi %mul3A_15, %add3A_16 : i32
    "tpu.region"() ({
      %run_scoped3A = tpu.sem_alloc : memref<!tpu.dma_semaphore, #tpu.memory_space<semaphore_mem>>
      %dma_start3A = arith.constant 0 : i32
      %dma_start3A_39 = tpu.memref_slice %arg8[%add3A_17, %dma_start3A] : memref<10240x16xf32, #tpu.memory_space<vmem_shared>> -> memref<128x16xf32, #tpu.memory_space<vmem_shared>>
      %dma_start3A_40 = arith.constant 0 : i32
      %dma_start3A_41 = tpu.memref_slice %arg8[%add3A_17, %dma_start3A_40] : memref<10240x16xf32, #tpu.memory_space<vmem_shared>> -> memref<128x16xf32, #tpu.memory_space<vmem_shared>>
      tpu.enqueue_dma source(%arg7 : memref<128x16xf32, #tpu.memory_space<vmem>>) target(%dma_start3A_41 : memref<128x16xf32, #tpu.memory_space<vmem_shared>>) target_semaphore(%run_scoped3A : memref<!tpu.dma_semaphore, #tpu.memory_space<semaphore_mem>>)
      %dma_wait3A = arith.constant 0 : i32
      %dma_wait3A_42 = tpu.memref_slice %arg8[%add3A_17, %dma_wait3A] : memref<10240x16xf32, #tpu.memory_space<vmem_shared>> -> memref<128x16xf32, #tpu.memory_space<vmem_shared>>
      %dma_wait3A_43 = arith.constant 0 : i32
      %dma_wait3A_44 = tpu.memref_slice %arg8[%add3A_17, %dma_wait3A_43] : memref<10240x16xf32, #tpu.memory_space<vmem_shared>> -> memref<128x16xf32, #tpu.memory_space<vmem_shared>>
      tpu.wait_dma2 semaphore(%run_scoped3A : memref<!tpu.dma_semaphore, #tpu.memory_space<semaphore_mem>>) src(%arg7 : memref<128x16xf32, #tpu.memory_space<vmem>>) dst(%dma_wait3A_44 : memref<128x16xf32, #tpu.memory_space<vmem_shared>>)
      tpu.yield
    }) : () -> ()
    %mul3A_18 = arith.constant 640 : i32
    %mul3A_19 = arith.muli %arg1, %mul3A_18 : i32
    %add3A_20 = arith.constant 384 : i32
    %add3A_21 = arith.addi %mul3A_19, %add3A_20 : i32
    "tpu.region"() ({
      %run_scoped3A = tpu.sem_alloc : memref<!tpu.dma_semaphore, #tpu.memory_space<semaphore_mem>>
      %dma_start3A = arith.constant 0 : i32
      %dma_start3A_39 = tpu.memref_slice %arg8[%add3A_21, %dma_start3A] : memref<10240x16xf32, #tpu.memory_space<vmem_shared>> -> memref<128x16xf32, #tpu.memory_space<vmem_shared>>
      %dma_start3A_40 = arith.constant 0 : i32
      %dma_start3A_41 = tpu.memref_slice %arg8[%add3A_21, %dma_start3A_40] : memref<10240x16xf32, #tpu.memory_space<vmem_shared>> -> memref<128x16xf32, #tpu.memory_space<vmem_shared>>
      tpu.enqueue_dma source(%arg7 : memref<128x16xf32, #tpu.memory_space<vmem>>) target(%dma_start3A_41 : memref<128x16xf32, #tpu.memory_space<vmem_shared>>) target_semaphore(%run_scoped3A : memref<!tpu.dma_semaphore, #tpu.memory_space<semaphore_mem>>)
      %dma_wait3A = arith.constant 0 : i32
      %dma_wait3A_42 = tpu.memref_slice %arg8[%add3A_21, %dma_wait3A] : memref<10240x16xf32, #tpu.memory_space<vmem_shared>> -> memref<128x16xf32, #tpu.memory_space<vmem_shared>>
      %dma_wait3A_43 = arith.constant 0 : i32
      %dma_wait3A_44 = tpu.memref_slice %arg8[%add3A_21, %dma_wait3A_43] : memref<10240x16xf32, #tpu.memory_space<vmem_shared>> -> memref<128x16xf32, #tpu.memory_space<vmem_shared>>
      tpu.wait_dma2 semaphore(%run_scoped3A : memref<!tpu.dma_semaphore, #tpu.memory_space<semaphore_mem>>) src(%arg7 : memref<128x16xf32, #tpu.memory_space<vmem>>) dst(%dma_wait3A_44 : memref<128x16xf32, #tpu.memory_space<vmem_shared>>)
      tpu.yield
    }) : () -> ()
    %mul3A_22 = arith.constant 640 : i32
    %mul3A_23 = arith.muli %arg1, %mul3A_22 : i32
    %add3A_24 = arith.constant 512 : i32
    %add3A_25 = arith.addi %mul3A_23, %add3A_24 : i32
    "tpu.region"() ({
      %run_scoped3A = tpu.sem_alloc : memref<!tpu.dma_semaphore, #tpu.memory_space<semaphore_mem>>
      %dma_start3A = arith.constant 0 : i32
      %dma_start3A_39 = tpu.memref_slice %arg8[%add3A_25, %dma_start3A] : memref<10240x16xf32, #tpu.memory_space<vmem_shared>> -> memref<128x16xf32, #tpu.memory_space<vmem_shared>>
      %dma_start3A_40 = arith.constant 0 : i32
      %dma_start3A_41 = tpu.memref_slice %arg8[%add3A_25, %dma_start3A_40] : memref<10240x16xf32, #tpu.memory_space<vmem_shared>> -> memref<128x16xf32, #tpu.memory_space<vmem_shared>>
      tpu.enqueue_dma source(%arg7 : memref<128x16xf32, #tpu.memory_space<vmem>>) target(%dma_start3A_41 : memref<128x16xf32, #tpu.memory_space<vmem_shared>>) target_semaphore(%run_scoped3A : memref<!tpu.dma_semaphore, #tpu.memory_space<semaphore_mem>>)
      %dma_wait3A = arith.constant 0 : i32
      %dma_wait3A_42 = tpu.memref_slice %arg8[%add3A_25, %dma_wait3A] : memref<10240x16xf32, #tpu.memory_space<vmem_shared>> -> memref<128x16xf32, #tpu.memory_space<vmem_shared>>
      %dma_wait3A_43 = arith.constant 0 : i32
      %dma_wait3A_44 = tpu.memref_slice %arg8[%add3A_25, %dma_wait3A_43] : memref<10240x16xf32, #tpu.memory_space<vmem_shared>> -> memref<128x16xf32, #tpu.memory_space<vmem_shared>>
      tpu.wait_dma2 semaphore(%run_scoped3A : memref<!tpu.dma_semaphore, #tpu.memory_space<semaphore_mem>>) src(%arg7 : memref<128x16xf32, #tpu.memory_space<vmem>>) dst(%dma_wait3A_44 : memref<128x16xf32, #tpu.memory_space<vmem_shared>>)
      tpu.yield
    }) : () -> ()
    %mul3A_26 = arith.constant 80 : i32
    %mul3A_27 = arith.muli %add3A, %mul3A_26 : i32
    "tpu.region"() ({
      %run_scoped3A = tpu.sem_alloc : memref<!tpu.dma_semaphore, #tpu.memory_space<semaphore_mem>>
      %dma_start3A = arith.constant 0 : i32
      %dma_start3A_39 = tpu.memref_slice %arg2[%mul3A_27, %dma_start3A] : memref<2560x128xi32, #tpu.memory_space<hbm>> -> memref<80x128xi32, #tpu.memory_space<hbm>>
      %dma_start3A_40 = arith.constant 0 : i32
      %dma_start3A_41 = tpu.memref_slice %arg2[%mul3A_27, %dma_start3A_40] : memref<2560x128xi32, #tpu.memory_space<hbm>> -> memref<80x128xi32, #tpu.memory_space<hbm>>
      tpu.enqueue_dma source(%dma_start3A_41 : memref<80x128xi32, #tpu.memory_space<hbm>>) target(%arg5 : memref<80x128xi32, #tpu.memory_space<vmem>>) target_semaphore(%run_scoped3A : memref<!tpu.dma_semaphore, #tpu.memory_space<semaphore_mem>>)
      %dma_wait3A = arith.constant 0 : i32
      %dma_wait3A_42 = tpu.memref_slice %arg2[%mul3A_27, %dma_wait3A] : memref<2560x128xi32, #tpu.memory_space<hbm>> -> memref<80x128xi32, #tpu.memory_space<hbm>>
      %dma_wait3A_43 = arith.constant 0 : i32
      %dma_wait3A_44 = tpu.memref_slice %arg2[%mul3A_27, %dma_wait3A_43] : memref<2560x128xi32, #tpu.memory_space<hbm>> -> memref<80x128xi32, #tpu.memory_space<hbm>>
      tpu.wait_dma2 semaphore(%run_scoped3A : memref<!tpu.dma_semaphore, #tpu.memory_space<semaphore_mem>>) src(%dma_wait3A_44 : memref<80x128xi32, #tpu.memory_space<hbm>>) dst(%arg5 : memref<80x128xi32, #tpu.memory_space<vmem>>)
      tpu.yield
    }) : () -> ()
    "tpu.region"() ({
      %run_scoped3A = tpu.sem_alloc : memref<!tpu.dma_semaphore, #tpu.memory_space<semaphore_mem>>
      tpu.enqueue_dma source(%arg3 : memref<128x16xf32, #tpu.memory_space<hbm>>) target(%arg6 : memref<128x16xf32, #tpu.memory_space<vmem>>) target_semaphore(%run_scoped3A : memref<!tpu.dma_semaphore, #tpu.memory_space<semaphore_mem>>)
      tpu.wait_dma2 semaphore(%run_scoped3A : memref<!tpu.dma_semaphore, #tpu.memory_space<semaphore_mem>>) src(%arg3 : memref<128x16xf32, #tpu.memory_space<hbm>>) dst(%arg6 : memref<128x16xf32, #tpu.memory_space<vmem>>)
      tpu.yield
    }) : () -> ()
    %barrier3A = arith.constant 0 : index
    tpu.barrier barrier_id(%barrier3A)
    %scan3A_28 = arith.constant 0 : i32
    %scan3A_29 = arith.constant 0 : i32
    %scan3A_30 = arith.constant 80 : i32
    %scan3A_31 = arith.addi %scan3A_29, %scan3A_30 : i32
    %scan3A_32 = arith.constant 1 : i32
    scf.for %scan3A_39 = %scan3A_29 to %scan3A_31 step %scan3A_32  : i32 {
      "tpu.region"() ({
        %run_scoped3A = tpu.sem_alloc : memref<!tpu.dma_semaphore, #tpu.memory_space<semaphore_mem>>
        %dma_start3A = arith.constant 0 : i32
        %dma_start3A_40 = tpu.memref_slice %arg5[%scan3A_39, %dma_start3A] : memref<80x128xi32, #tpu.memory_space<vmem>> -> memref<1x128xi32, #tpu.memory_space<vmem>>
        %dma_start3A_41 = tpu.memref_squeeze %dma_start3A_40 : memref<1x128xi32, #tpu.memory_space<vmem>> -> memref<128xi32, #tpu.memory_space<vmem>>
        %dma_start3A_42 = arith.constant 0 : i32
        %dma_start3A_43 = arith.constant 0 : i32
        %dma_start3A_44 = tpu.memref_slice %arg8[%dma_start3A_42, %dma_start3A_43] : memref<10240x16xf32, #tpu.memory_space<vmem_shared>> -> memref<10240x16xf32, #tpu.memory_space<vmem_shared>>
        tpu.enqueue_indirect_dma source(%arg6 : memref<128x16xf32, #tpu.memory_space<vmem>>) target(%dma_start3A_44 : memref<10240x16xf32, #tpu.memory_space<vmem_shared>>) offsets(%dma_start3A_41 : memref<128xi32, #tpu.memory_space<vmem>>) semaphore(%run_scoped3A : memref<!tpu.dma_semaphore, #tpu.memory_space<semaphore_mem>>) {add = true}
        %dma_wait3A = arith.constant 0 : i32
        %dma_wait3A_45 = tpu.memref_slice %arg5[%scan3A_39, %dma_wait3A] : memref<80x128xi32, #tpu.memory_space<vmem>> -> memref<1x128xi32, #tpu.memory_space<vmem>>
        %dma_wait3A_46 = tpu.memref_squeeze %dma_wait3A_45 : memref<1x128xi32, #tpu.memory_space<vmem>> -> memref<128xi32, #tpu.memory_space<vmem>>
        %dma_wait3A_47 = arith.constant 0 : i32
        %dma_wait3A_48 = arith.constant 0 : i32
        %dma_wait3A_49 = tpu.memref_slice %arg8[%dma_wait3A_47, %dma_wait3A_48] : memref<10240x16xf32, #tpu.memory_space<vmem_shared>> -> memref<10240x16xf32, #tpu.memory_space<vmem_shared>>
        tpu.wait_indirect_dma semaphore(%run_scoped3A : memref<!tpu.dma_semaphore, #tpu.memory_space<semaphore_mem>>) src(%arg6 : memref<128x16xf32, #tpu.memory_space<vmem>>) dst(%dma_wait3A_49 : memref<10240x16xf32, #tpu.memory_space<vmem_shared>>)
        tpu.yield
      }) : () -> ()
    }
    %scan3A_33 = arith.constant 80 : i32
    %barrier3A_34 = arith.constant 0 : index
    tpu.barrier barrier_id(%barrier3A_34)
    %mul3A_35 = arith.constant 640 : i32
    %mul3A_36 = arith.muli %arg1, %mul3A_35 : i32
    %mul3A_37 = arith.constant 640 : i32
    %mul3A_38 = arith.muli %arg1, %mul3A_37 : i32
    "tpu.region"() ({
      %run_scoped3A = tpu.sem_alloc : memref<!tpu.dma_semaphore, #tpu.memory_space<semaphore_mem>>
      %dma_start3A = arith.constant 0 : i32
      %dma_start3A_39 = tpu.memref_slice %arg4[%arg0, %mul3A_38, %dma_start3A] : memref<2x10240x16xf32, #tpu.memory_space<hbm>> -> memref<1x640x16xf32, #tpu.memory_space<hbm>>
      %dma_start3A_40 = tpu.memref_squeeze %dma_start3A_39 : memref<1x640x16xf32, #tpu.memory_space<hbm>> -> memref<640x16xf32, #tpu.memory_space<hbm>>
      %dma_start3A_41 = arith.constant 0 : i32
      %dma_start3A_42 = tpu.memref_slice %arg8[%mul3A_36, %dma_start3A_41] : memref<10240x16xf32, #tpu.memory_space<vmem_shared>> -> memref<640x16xf32, #tpu.memory_space<vmem_shared>>
      tpu.enqueue_dma source(%dma_start3A_42 : memref<640x16xf32, #tpu.memory_space<vmem_shared>>) target(%dma_start3A_40 : memref<640x16xf32, #tpu.memory_space<hbm>>) target_semaphore(%run_scoped3A : memref<!tpu.dma_semaphore, #tpu.memory_space<semaphore_mem>>)
      %dma_wait3A = arith.constant 0 : i32
      %dma_wait3A_43 = tpu.memref_slice %arg4[%arg0, %mul3A_38, %dma_wait3A] : memref<2x10240x16xf32, #tpu.memory_space<hbm>> -> memref<1x640x16xf32, #tpu.memory_space<hbm>>
      %dma_wait3A_44 = tpu.memref_squeeze %dma_wait3A_43 : memref<1x640x16xf32, #tpu.memory_space<hbm>> -> memref<640x16xf32, #tpu.memory_space<hbm>>
      %dma_wait3A_45 = arith.constant 0 : i32
      %dma_wait3A_46 = tpu.memref_slice %arg8[%mul3A_36, %dma_wait3A_45] : memref<10240x16xf32, #tpu.memory_space<vmem_shared>> -> memref<640x16xf32, #tpu.memory_space<vmem_shared>>
      tpu.wait_dma2 semaphore(%run_scoped3A : memref<!tpu.dma_semaphore, #tpu.memory_space<semaphore_mem>>) src(%dma_wait3A_46 : memref<640x16xf32, #tpu.memory_space<vmem_shared>>) dst(%dma_wait3A_44 : memref<640x16xf32, #tpu.memory_space<hbm>>)
      tpu.yield
    }) : () -> ()
    return
  }
}

#map = affine_map<(d0, d1) -> (0, 0)>
module attributes {stable_mosaic.version = 14 : i64} {
  func.func @agg(%arg0: i32, %arg1: i32, %arg2: memref<10240x64xf32, #tpu.memory_space<hbm>>, %arg3: memref<2560x128xi32, #tpu.memory_space<hbm>>, %arg4: memref<2560x128xi32, #tpu.memory_space<hbm>>, %arg5: memref<10240x64xf32, #tpu.memory_space<hbm>>, %arg6: memref<10240x64xf32, #tpu.memory_space<hbm>>, %arg7: memref<152x128xi32, #tpu.memory_space<vmem>>, %arg8: memref<152x128xi32, #tpu.memory_space<vmem>>, %arg9: memref<128x64xf32, #tpu.memory_space<vmem>>, %arg10: memref<128x64xf32, #tpu.memory_space<vmem>>, %arg11: memref<128x64xf32, #tpu.memory_space<vmem>>, %arg12: memref<128x64xf32, #tpu.memory_space<vmem>>, %arg13: memref<!tpu.dma_semaphore, #tpu.memory_space<semaphore_mem>>, %arg14: memref<!tpu.dma_semaphore, #tpu.memory_space<semaphore_mem>>, %arg15: memref<!tpu.dma_semaphore, #tpu.memory_space<semaphore_mem>>, %arg16: memref<!tpu.dma_semaphore, #tpu.memory_space<semaphore_mem>>, %arg17: memref<!tpu.dma_semaphore, #tpu.memory_space<semaphore_mem>>, %arg18: memref<!tpu.dma_semaphore, #tpu.memory_space<semaphore_mem>>, %arg19: memref<!tpu.dma_semaphore, #tpu.memory_space<semaphore_mem>>, %arg20: memref<!tpu.dma_semaphore, #tpu.memory_space<semaphore_mem>>, %arg21: memref<10240x64xf32, #tpu.memory_space<vmem_shared>>) attributes {dimension_semantics = [#tpu.dimension_semantics<core_parallel>, #tpu.dimension_semantics<subcore_parallel>], iteration_bounds = array<i64: 2, 16>, scalar_prefetch = 0 : i64, scratch_operands = 15 : i64, tpu.core_type = #tpu.core_type<sc_vector_subcore>, window_params = [{transform_indices = #map}, {transform_indices = #map}, {transform_indices = #map}, {transform_indices = #map}, {transform_indices = #map}]} {
    %scan3A = arith.constant 0 : i32
    %scan3A_0 = arith.constant 0 : i32
    %scan3A_1 = arith.constant 512 : i32
    %scan3A_2 = arith.addi %scan3A_0, %scan3A_1 : i32
    %scan3A_3 = arith.constant 1 : i32
    scf.for %scan3A_30 = %scan3A_0 to %scan3A_2 step %scan3A_3  : i32 {
      %broadcast_in_dim3A = arith.constant 0.000000e+00 : f32
      %broadcast_in_dim3A_31 = vector.broadcast %broadcast_in_dim3A : f32 to vector<16xf32>
      %jit3A = arith.constant 4 : i32
      %div3A = arith.divsi %scan3A_30, %jit3A : i32
      %sign3A = arith.constant 0 : i32
      %sign3A_32 = arith.cmpi sgt, %scan3A_30, %sign3A : i32
      %sign3A_33 = arith.extui %sign3A_32 : i1 to i32
      %sign3A_34 = arith.constant 0 : i32
      %sign3A_35 = arith.cmpi slt, %scan3A_30, %sign3A_34 : i32
      %sign3A_36 = arith.extui %sign3A_35 : i1 to i32
      %sign3A_37 = arith.subi %sign3A_33, %sign3A_36 : i32
      %sign3A_38 = arith.constant 0 : i32
      %sign3A_39 = arith.cmpi sgt, %jit3A, %sign3A_38 : i32
      %sign3A_40 = arith.extui %sign3A_39 : i1 to i32
      %sign3A_41 = arith.constant 0 : i32
      %sign3A_42 = arith.cmpi slt, %jit3A, %sign3A_41 : i32
      %sign3A_43 = arith.extui %sign3A_42 : i1 to i32
      %sign3A_44 = arith.subi %sign3A_40, %sign3A_43 : i32
      %ne3A = arith.cmpi ne, %sign3A_37, %sign3A_44 : i32
      %rem3A = arith.remsi %scan3A_30, %jit3A : i32
      %ne3A_45 = arith.constant 0 : i32
      %ne3A_46 = arith.cmpi ne, %rem3A, %ne3A_45 : i32
      %and3A = arith.andi %ne3A, %ne3A_46 : i1
      %sub3A = arith.constant 1 : i32
      %sub3A_47 = arith.subi %div3A, %sub3A : i32
      %select_n3A = arith.select %and3A, %sub3A_47, %div3A : i32
      %jit3A_48 = arith.constant 4 : i32
      %eq3A_49 = arith.constant 0 : i32
      %eq3A_50 = arith.cmpi eq, %jit3A_48, %eq3A_49 : i32
      %jit3A_51 = arith.constant 1 : i32
      %select_n3A_52 = arith.select %eq3A_50, %jit3A_51, %jit3A_48 : i32
      %rem3A_53 = arith.remsi %scan3A_30, %select_n3A_52 : i32
      %ne3A_54 = arith.constant 0 : i32
      %ne3A_55 = arith.cmpi ne, %rem3A_53, %ne3A_54 : i32
      %lt3A = arith.constant 0 : i32
      %lt3A_56 = arith.cmpi slt, %rem3A_53, %lt3A : i32
      %lt3A_57 = arith.constant 0 : i32
      %lt3A_58 = arith.cmpi slt, %select_n3A_52, %lt3A_57 : i32
      %ne3A_59 = arith.xori %lt3A_56, %lt3A_58 : i1
      %and3A_60 = arith.andi %ne3A_59, %ne3A_55 : i1
      %add3A_61 = arith.addi %rem3A_53, %select_n3A_52 : i32
      %select_n3A_62 = arith.select %and3A_60, %add3A_61, %rem3A_53 : i32
      %mul3A_63 = arith.constant 16 : i32
      %mul3A_64 = arith.muli %select_n3A_62, %mul3A_63 : i32
      %swap3A = arith.index_cast %select_n3A : i32 to index
      %swap3A_65 = arith.index_cast %mul3A_64 : i32 to index
      %swap3A_66 = tpu.vector_load %arg9[%swap3A, %swap3A_65] {strides = array<i32>} : memref<128x64xf32, #tpu.memory_space<vmem>>, vector<1x16xf32>,
      %swap3A_67 = vector.shape_cast %swap3A_66 : vector<1x16xf32> to vector<16xf32>
      %swap3A_68 = vector.shape_cast %broadcast_in_dim3A_31 : vector<16xf32> to vector<1x16xf32>
      tpu.vector_store %arg9[%swap3A, %swap3A_65], %swap3A_68 {strides = array<i32>} : memref<128x64xf32, #tpu.memory_space<vmem>>, vector<1x16xf32>,
    }
    %scan3A_4 = arith.constant 512 : i32
    %mul3A = arith.constant 640 : i32
    %mul3A_5 = arith.muli %arg1, %mul3A : i32
    %add3A = arith.constant 0 : i32
    %add3A_6 = arith.addi %mul3A_5, %add3A : i32
    "tpu.region"() ({
      %run_scoped3A = tpu.sem_alloc : memref<!tpu.dma_semaphore, #tpu.memory_space<semaphore_mem>>
      %dma_start3A = arith.constant 0 : i32
      %dma_start3A_30 = tpu.memref_slice %arg21[%add3A_6, %dma_start3A] : memref<10240x64xf32, #tpu.memory_space<vmem_shared>> -> memref<128x64xf32, #tpu.memory_space<vmem_shared>>
      %dma_start3A_31 = arith.constant 0 : i32
      %dma_start3A_32 = tpu.memref_slice %arg21[%add3A_6, %dma_start3A_31] : memref<10240x64xf32, #tpu.memory_space<vmem_shared>> -> memref<128x64xf32, #tpu.memory_space<vmem_shared>>
      tpu.enqueue_dma source(%arg9 : memref<128x64xf32, #tpu.memory_space<vmem>>) target(%dma_start3A_32 : memref<128x64xf32, #tpu.memory_space<vmem_shared>>) target_semaphore(%run_scoped3A : memref<!tpu.dma_semaphore, #tpu.memory_space<semaphore_mem>>)
      %dma_wait3A = arith.constant 0 : i32
      %dma_wait3A_33 = tpu.memref_slice %arg21[%add3A_6, %dma_wait3A] : memref<10240x64xf32, #tpu.memory_space<vmem_shared>> -> memref<128x64xf32, #tpu.memory_space<vmem_shared>>
      %dma_wait3A_34 = arith.constant 0 : i32
      %dma_wait3A_35 = tpu.memref_slice %arg21[%add3A_6, %dma_wait3A_34] : memref<10240x64xf32, #tpu.memory_space<vmem_shared>> -> memref<128x64xf32, #tpu.memory_space<vmem_shared>>
      tpu.wait_dma2 semaphore(%run_scoped3A : memref<!tpu.dma_semaphore, #tpu.memory_space<semaphore_mem>>) src(%arg9 : memref<128x64xf32, #tpu.memory_space<vmem>>) dst(%dma_wait3A_35 : memref<128x64xf32, #tpu.memory_space<vmem_shared>>)
      tpu.yield
    }) : () -> ()
    %mul3A_7 = arith.constant 640 : i32
    %mul3A_8 = arith.muli %arg1, %mul3A_7 : i32
    %add3A_9 = arith.constant 128 : i32
    %add3A_10 = arith.addi %mul3A_8, %add3A_9 : i32
    "tpu.region"() ({
      %run_scoped3A = tpu.sem_alloc : memref<!tpu.dma_semaphore, #tpu.memory_space<semaphore_mem>>
      %dma_start3A = arith.constant 0 : i32
      %dma_start3A_30 = tpu.memref_slice %arg21[%add3A_10, %dma_start3A] : memref<10240x64xf32, #tpu.memory_space<vmem_shared>> -> memref<128x64xf32, #tpu.memory_space<vmem_shared>>
      %dma_start3A_31 = arith.constant 0 : i32
      %dma_start3A_32 = tpu.memref_slice %arg21[%add3A_10, %dma_start3A_31] : memref<10240x64xf32, #tpu.memory_space<vmem_shared>> -> memref<128x64xf32, #tpu.memory_space<vmem_shared>>
      tpu.enqueue_dma source(%arg9 : memref<128x64xf32, #tpu.memory_space<vmem>>) target(%dma_start3A_32 : memref<128x64xf32, #tpu.memory_space<vmem_shared>>) target_semaphore(%run_scoped3A : memref<!tpu.dma_semaphore, #tpu.memory_space<semaphore_mem>>)
      %dma_wait3A = arith.constant 0 : i32
      %dma_wait3A_33 = tpu.memref_slice %arg21[%add3A_10, %dma_wait3A] : memref<10240x64xf32, #tpu.memory_space<vmem_shared>> -> memref<128x64xf32, #tpu.memory_space<vmem_shared>>
      %dma_wait3A_34 = arith.constant 0 : i32
      %dma_wait3A_35 = tpu.memref_slice %arg21[%add3A_10, %dma_wait3A_34] : memref<10240x64xf32, #tpu.memory_space<vmem_shared>> -> memref<128x64xf32, #tpu.memory_space<vmem_shared>>
      tpu.wait_dma2 semaphore(%run_scoped3A : memref<!tpu.dma_semaphore, #tpu.memory_space<semaphore_mem>>) src(%arg9 : memref<128x64xf32, #tpu.memory_space<vmem>>) dst(%dma_wait3A_35 : memref<128x64xf32, #tpu.memory_space<vmem_shared>>)
      tpu.yield
    }) : () -> ()
    %mul3A_11 = arith.constant 640 : i32
    %mul3A_12 = arith.muli %arg1, %mul3A_11 : i32
    %add3A_13 = arith.constant 256 : i32
    %add3A_14 = arith.addi %mul3A_12, %add3A_13 : i32
    "tpu.region"() ({
      %run_scoped3A = tpu.sem_alloc : memref<!tpu.dma_semaphore, #tpu.memory_space<semaphore_mem>>
      %dma_start3A = arith.constant 0 : i32
      %dma_start3A_30 = tpu.memref_slice %arg21[%add3A_14, %dma_start3A] : memref<10240x64xf32, #tpu.memory_space<vmem_shared>> -> memref<128x64xf32, #tpu.memory_space<vmem_shared>>
      %dma_start3A_31 = arith.constant 0 : i32
      %dma_start3A_32 = tpu.memref_slice %arg21[%add3A_14, %dma_start3A_31] : memref<10240x64xf32, #tpu.memory_space<vmem_shared>> -> memref<128x64xf32, #tpu.memory_space<vmem_shared>>
      tpu.enqueue_dma source(%arg9 : memref<128x64xf32, #tpu.memory_space<vmem>>) target(%dma_start3A_32 : memref<128x64xf32, #tpu.memory_space<vmem_shared>>) target_semaphore(%run_scoped3A : memref<!tpu.dma_semaphore, #tpu.memory_space<semaphore_mem>>)
      %dma_wait3A = arith.constant 0 : i32
      %dma_wait3A_33 = tpu.memref_slice %arg21[%add3A_14, %dma_wait3A] : memref<10240x64xf32, #tpu.memory_space<vmem_shared>> -> memref<128x64xf32, #tpu.memory_space<vmem_shared>>
      %dma_wait3A_34 = arith.constant 0 : i32
      %dma_wait3A_35 = tpu.memref_slice %arg21[%add3A_14, %dma_wait3A_34] : memref<10240x64xf32, #tpu.memory_space<vmem_shared>> -> memref<128x64xf32, #tpu.memory_space<vmem_shared>>
      tpu.wait_dma2 semaphore(%run_scoped3A : memref<!tpu.dma_semaphore, #tpu.memory_space<semaphore_mem>>) src(%arg9 : memref<128x64xf32, #tpu.memory_space<vmem>>) dst(%dma_wait3A_35 : memref<128x64xf32, #tpu.memory_space<vmem_shared>>)
      tpu.yield
    }) : () -> ()
    %mul3A_15 = arith.constant 640 : i32
    %mul3A_16 = arith.muli %arg1, %mul3A_15 : i32
    %add3A_17 = arith.constant 384 : i32
    %add3A_18 = arith.addi %mul3A_16, %add3A_17 : i32
    "tpu.region"() ({
      %run_scoped3A = tpu.sem_alloc : memref<!tpu.dma_semaphore, #tpu.memory_space<semaphore_mem>>
      %dma_start3A = arith.constant 0 : i32
      %dma_start3A_30 = tpu.memref_slice %arg21[%add3A_18, %dma_start3A] : memref<10240x64xf32, #tpu.memory_space<vmem_shared>> -> memref<128x64xf32, #tpu.memory_space<vmem_shared>>
      %dma_start3A_31 = arith.constant 0 : i32
      %dma_start3A_32 = tpu.memref_slice %arg21[%add3A_18, %dma_start3A_31] : memref<10240x64xf32, #tpu.memory_space<vmem_shared>> -> memref<128x64xf32, #tpu.memory_space<vmem_shared>>
      tpu.enqueue_dma source(%arg9 : memref<128x64xf32, #tpu.memory_space<vmem>>) target(%dma_start3A_32 : memref<128x64xf32, #tpu.memory_space<vmem_shared>>) target_semaphore(%run_scoped3A : memref<!tpu.dma_semaphore, #tpu.memory_space<semaphore_mem>>)
      %dma_wait3A = arith.constant 0 : i32
      %dma_wait3A_33 = tpu.memref_slice %arg21[%add3A_18, %dma_wait3A] : memref<10240x64xf32, #tpu.memory_space<vmem_shared>> -> memref<128x64xf32, #tpu.memory_space<vmem_shared>>
      %dma_wait3A_34 = arith.constant 0 : i32
      %dma_wait3A_35 = tpu.memref_slice %arg21[%add3A_18, %dma_wait3A_34] : memref<10240x64xf32, #tpu.memory_space<vmem_shared>> -> memref<128x64xf32, #tpu.memory_space<vmem_shared>>
      tpu.wait_dma2 semaphore(%run_scoped3A : memref<!tpu.dma_semaphore, #tpu.memory_space<semaphore_mem>>) src(%arg9 : memref<128x64xf32, #tpu.memory_space<vmem>>) dst(%dma_wait3A_35 : memref<128x64xf32, #tpu.memory_space<vmem_shared>>)
      tpu.yield
    }) : () -> ()
    %mul3A_19 = arith.constant 640 : i32
    %mul3A_20 = arith.muli %arg1, %mul3A_19 : i32
    %add3A_21 = arith.constant 512 : i32
    %add3A_22 = arith.addi %mul3A_20, %add3A_21 : i32
    "tpu.region"() ({
      %run_scoped3A = tpu.sem_alloc : memref<!tpu.dma_semaphore, #tpu.memory_space<semaphore_mem>>
      %dma_start3A = arith.constant 0 : i32
      %dma_start3A_30 = tpu.memref_slice %arg21[%add3A_22, %dma_start3A] : memref<10240x64xf32, #tpu.memory_space<vmem_shared>> -> memref<128x64xf32, #tpu.memory_space<vmem_shared>>
      %dma_start3A_31 = arith.constant 0 : i32
      %dma_start3A_32 = tpu.memref_slice %arg21[%add3A_22, %dma_start3A_31] : memref<10240x64xf32, #tpu.memory_space<vmem_shared>> -> memref<128x64xf32, #tpu.memory_space<vmem_shared>>
      tpu.enqueue_dma source(%arg9 : memref<128x64xf32, #tpu.memory_space<vmem>>) target(%dma_start3A_32 : memref<128x64xf32, #tpu.memory_space<vmem_shared>>) target_semaphore(%run_scoped3A : memref<!tpu.dma_semaphore, #tpu.memory_space<semaphore_mem>>)
      %dma_wait3A = arith.constant 0 : i32
      %dma_wait3A_33 = tpu.memref_slice %arg21[%add3A_22, %dma_wait3A] : memref<10240x64xf32, #tpu.memory_space<vmem_shared>> -> memref<128x64xf32, #tpu.memory_space<vmem_shared>>
      %dma_wait3A_34 = arith.constant 0 : i32
      %dma_wait3A_35 = tpu.memref_slice %arg21[%add3A_22, %dma_wait3A_34] : memref<10240x64xf32, #tpu.memory_space<vmem_shared>> -> memref<128x64xf32, #tpu.memory_space<vmem_shared>>
      tpu.wait_dma2 semaphore(%run_scoped3A : memref<!tpu.dma_semaphore, #tpu.memory_space<semaphore_mem>>) src(%arg9 : memref<128x64xf32, #tpu.memory_space<vmem>>) dst(%dma_wait3A_35 : memref<128x64xf32, #tpu.memory_space<vmem_shared>>)
      tpu.yield
    }) : () -> ()
    %eq3A = arith.constant 0 : i32
    %eq3A_23 = arith.cmpi eq, %arg0, %eq3A : i32
    %convert_element_type3A = arith.extui %eq3A_23 : i1 to i32
    %cond3A = arith.constant 0 : i32
    %cond3A_24 = arith.cmpi ne, %convert_element_type3A, %cond3A : i32
    scf.if %cond3A_24 {
      %mul3A_30 = arith.constant 152 : i32
      %mul3A_31 = arith.muli %arg1, %mul3A_30 : i32
      "tpu.region"() ({
        %run_scoped3A = tpu.sem_alloc : memref<!tpu.dma_semaphore, #tpu.memory_space<semaphore_mem>>
        %dma_start3A_70 = arith.constant 0 : i32
        %dma_start3A_71 = arith.constant 0 : i32
        %dma_start3A_72 = tpu.memref_slice %arg7[%dma_start3A_70, %dma_start3A_71] : memref<152x128xi32, #tpu.memory_space<vmem>> -> memref<152x128xi32, #tpu.memory_space<vmem>>
        %dma_start3A_73 = arith.constant 0 : i32
        %dma_start3A_74 = tpu.memref_slice %arg3[%mul3A_31, %dma_start3A_73] : memref<2560x128xi32, #tpu.memory_space<hbm>> -> memref<152x128xi32, #tpu.memory_space<hbm>>
        %dma_start3A_75 = arith.constant 0 : i32
        %dma_start3A_76 = arith.constant 0 : i32
        %dma_start3A_77 = tpu.memref_slice %arg7[%dma_start3A_75, %dma_start3A_76] : memref<152x128xi32, #tpu.memory_space<vmem>> -> memref<152x128xi32, #tpu.memory_space<vmem>>
        %dma_start3A_78 = arith.constant 0 : i32
        %dma_start3A_79 = tpu.memref_slice %arg3[%mul3A_31, %dma_start3A_78] : memref<2560x128xi32, #tpu.memory_space<hbm>> -> memref<152x128xi32, #tpu.memory_space<hbm>>
        tpu.enqueue_dma source(%dma_start3A_79 : memref<152x128xi32, #tpu.memory_space<hbm>>) target(%dma_start3A_77 : memref<152x128xi32, #tpu.memory_space<vmem>>) target_semaphore(%run_scoped3A : memref<!tpu.dma_semaphore, #tpu.memory_space<semaphore_mem>>)
        %dma_wait3A = arith.constant 0 : i32
        %dma_wait3A_80 = arith.constant 0 : i32
        %dma_wait3A_81 = tpu.memref_slice %arg7[%dma_wait3A, %dma_wait3A_80] : memref<152x128xi32, #tpu.memory_space<vmem>> -> memref<152x128xi32, #tpu.memory_space<vmem>>
        %dma_wait3A_82 = arith.constant 0 : i32
        %dma_wait3A_83 = tpu.memref_slice %arg3[%mul3A_31, %dma_wait3A_82] : memref<2560x128xi32, #tpu.memory_space<hbm>> -> memref<152x128xi32, #tpu.memory_space<hbm>>
        %dma_wait3A_84 = arith.constant 0 : i32
        %dma_wait3A_85 = arith.constant 0 : i32
        %dma_wait3A_86 = tpu.memref_slice %arg7[%dma_wait3A_84, %dma_wait3A_85] : memref<152x128xi32, #tpu.memory_space<vmem>> -> memref<152x128xi32, #tpu.memory_space<vmem>>
        %dma_wait3A_87 = arith.constant 0 : i32
        %dma_wait3A_88 = tpu.memref_slice %arg3[%mul3A_31, %dma_wait3A_87] : memref<2560x128xi32, #tpu.memory_space<hbm>> -> memref<152x128xi32, #tpu.memory_space<hbm>>
        tpu.wait_dma2 semaphore(%run_scoped3A : memref<!tpu.dma_semaphore, #tpu.memory_space<semaphore_mem>>) src(%dma_wait3A_88 : memref<152x128xi32, #tpu.memory_space<hbm>>) dst(%dma_wait3A_86 : memref<152x128xi32, #tpu.memory_space<vmem>>)
        tpu.yield
      }) : () -> ()
      "tpu.region"() ({
        %run_scoped3A = tpu.sem_alloc : memref<!tpu.dma_semaphore, #tpu.memory_space<semaphore_mem>>
        %dma_start3A_70 = arith.constant 0 : i32
        %dma_start3A_71 = arith.constant 0 : i32
        %dma_start3A_72 = tpu.memref_slice %arg8[%dma_start3A_70, %dma_start3A_71] : memref<152x128xi32, #tpu.memory_space<vmem>> -> memref<152x128xi32, #tpu.memory_space<vmem>>
        %dma_start3A_73 = arith.constant 0 : i32
        %dma_start3A_74 = tpu.memref_slice %arg4[%mul3A_31, %dma_start3A_73] : memref<2560x128xi32, #tpu.memory_space<hbm>> -> memref<152x128xi32, #tpu.memory_space<hbm>>
        %dma_start3A_75 = arith.constant 0 : i32
        %dma_start3A_76 = arith.constant 0 : i32
        %dma_start3A_77 = tpu.memref_slice %arg8[%dma_start3A_75, %dma_start3A_76] : memref<152x128xi32, #tpu.memory_space<vmem>> -> memref<152x128xi32, #tpu.memory_space<vmem>>
        %dma_start3A_78 = arith.constant 0 : i32
        %dma_start3A_79 = tpu.memref_slice %arg4[%mul3A_31, %dma_start3A_78] : memref<2560x128xi32, #tpu.memory_space<hbm>> -> memref<152x128xi32, #tpu.memory_space<hbm>>
        tpu.enqueue_dma source(%dma_start3A_79 : memref<152x128xi32, #tpu.memory_space<hbm>>) target(%dma_start3A_77 : memref<152x128xi32, #tpu.memory_space<vmem>>) target_semaphore(%run_scoped3A : memref<!tpu.dma_semaphore, #tpu.memory_space<semaphore_mem>>)
        %dma_wait3A = arith.constant 0 : i32
        %dma_wait3A_80 = arith.constant 0 : i32
        %dma_wait3A_81 = tpu.memref_slice %arg8[%dma_wait3A, %dma_wait3A_80] : memref<152x128xi32, #tpu.memory_space<vmem>> -> memref<152x128xi32, #tpu.memory_space<vmem>>
        %dma_wait3A_82 = arith.constant 0 : i32
        %dma_wait3A_83 = tpu.memref_slice %arg4[%mul3A_31, %dma_wait3A_82] : memref<2560x128xi32, #tpu.memory_space<hbm>> -> memref<152x128xi32, #tpu.memory_space<hbm>>
        %dma_wait3A_84 = arith.constant 0 : i32
        %dma_wait3A_85 = arith.constant 0 : i32
        %dma_wait3A_86 = tpu.memref_slice %arg8[%dma_wait3A_84, %dma_wait3A_85] : memref<152x128xi32, #tpu.memory_space<vmem>> -> memref<152x128xi32, #tpu.memory_space<vmem>>
        %dma_wait3A_87 = arith.constant 0 : i32
        %dma_wait3A_88 = tpu.memref_slice %arg4[%mul3A_31, %dma_wait3A_87] : memref<2560x128xi32, #tpu.memory_space<hbm>> -> memref<152x128xi32, #tpu.memory_space<hbm>>
        tpu.wait_dma2 semaphore(%run_scoped3A : memref<!tpu.dma_semaphore, #tpu.memory_space<semaphore_mem>>) src(%dma_wait3A_88 : memref<152x128xi32, #tpu.memory_space<hbm>>) dst(%dma_wait3A_86 : memref<152x128xi32, #tpu.memory_space<vmem>>)
        tpu.yield
      }) : () -> ()
      %barrier3A = arith.constant 0 : index
      tpu.barrier barrier_id(%barrier3A)
      %dma_start3A = arith.constant 0 : i32
      %dma_start3A_32 = arith.constant 0 : i32
      %dma_start3A_33 = tpu.memref_slice %arg7[%dma_start3A, %dma_start3A_32] : memref<152x128xi32, #tpu.memory_space<vmem>> -> memref<1x128xi32, #tpu.memory_space<vmem>>
      %dma_start3A_34 = tpu.memref_squeeze %dma_start3A_33 : memref<1x128xi32, #tpu.memory_space<vmem>> -> memref<128xi32, #tpu.memory_space<vmem>>
      %dma_start3A_35 = arith.constant 0 : i32
      %dma_start3A_36 = arith.constant 0 : i32
      %dma_start3A_37 = tpu.memref_slice %arg2[%dma_start3A_35, %dma_start3A_36] : memref<10240x64xf32, #tpu.memory_space<hbm>> -> memref<10240x64xf32, #tpu.memory_space<hbm>>
      tpu.enqueue_indirect_dma source(%dma_start3A_37 : memref<10240x64xf32, #tpu.memory_space<hbm>>) target(%arg9 : memref<128x64xf32, #tpu.memory_space<vmem>>) offsets(%dma_start3A_34 : memref<128xi32, #tpu.memory_space<vmem>>) semaphore(%arg13 : memref<!tpu.dma_semaphore, #tpu.memory_space<semaphore_mem>>)
      %dma_start3A_38 = arith.constant 1 : i32
      %dma_start3A_39 = arith.constant 0 : i32
      %dma_start3A_40 = tpu.memref_slice %arg7[%dma_start3A_38, %dma_start3A_39] : memref<152x128xi32, #tpu.memory_space<vmem>> -> memref<1x128xi32, #tpu.memory_space<vmem>>
      %dma_start3A_41 = tpu.memref_squeeze %dma_start3A_40 : memref<1x128xi32, #tpu.memory_space<vmem>> -> memref<128xi32, #tpu.memory_space<vmem>>
      %dma_start3A_42 = arith.constant 0 : i32
      %dma_start3A_43 = arith.constant 0 : i32
      %dma_start3A_44 = tpu.memref_slice %arg2[%dma_start3A_42, %dma_start3A_43] : memref<10240x64xf32, #tpu.memory_space<hbm>> -> memref<10240x64xf32, #tpu.memory_space<hbm>>
      tpu.enqueue_indirect_dma source(%dma_start3A_44 : memref<10240x64xf32, #tpu.memory_space<hbm>>) target(%arg10 : memref<128x64xf32, #tpu.memory_space<vmem>>) offsets(%dma_start3A_41 : memref<128xi32, #tpu.memory_space<vmem>>) semaphore(%arg14 : memref<!tpu.dma_semaphore, #tpu.memory_space<semaphore_mem>>)
      %dma_start3A_45 = arith.constant 2 : i32
      %dma_start3A_46 = arith.constant 0 : i32
      %dma_start3A_47 = tpu.memref_slice %arg7[%dma_start3A_45, %dma_start3A_46] : memref<152x128xi32, #tpu.memory_space<vmem>> -> memref<1x128xi32, #tpu.memory_space<vmem>>
      %dma_start3A_48 = tpu.memref_squeeze %dma_start3A_47 : memref<1x128xi32, #tpu.memory_space<vmem>> -> memref<128xi32, #tpu.memory_space<vmem>>
      %dma_start3A_49 = arith.constant 0 : i32
      %dma_start3A_50 = arith.constant 0 : i32
      %dma_start3A_51 = tpu.memref_slice %arg2[%dma_start3A_49, %dma_start3A_50] : memref<10240x64xf32, #tpu.memory_space<hbm>> -> memref<10240x64xf32, #tpu.memory_space<hbm>>
      tpu.enqueue_indirect_dma source(%dma_start3A_51 : memref<10240x64xf32, #tpu.memory_space<hbm>>) target(%arg11 : memref<128x64xf32, #tpu.memory_space<vmem>>) offsets(%dma_start3A_48 : memref<128xi32, #tpu.memory_space<vmem>>) semaphore(%arg15 : memref<!tpu.dma_semaphore, #tpu.memory_space<semaphore_mem>>)
      %dma_start3A_52 = arith.constant 3 : i32
      %dma_start3A_53 = arith.constant 0 : i32
      %dma_start3A_54 = tpu.memref_slice %arg7[%dma_start3A_52, %dma_start3A_53] : memref<152x128xi32, #tpu.memory_space<vmem>> -> memref<1x128xi32, #tpu.memory_space<vmem>>
      %dma_start3A_55 = tpu.memref_squeeze %dma_start3A_54 : memref<1x128xi32, #tpu.memory_space<vmem>> -> memref<128xi32, #tpu.memory_space<vmem>>
      %dma_start3A_56 = arith.constant 0 : i32
      %dma_start3A_57 = arith.constant 0 : i32
      %dma_start3A_58 = tpu.memref_slice %arg2[%dma_start3A_56, %dma_start3A_57] : memref<10240x64xf32, #tpu.memory_space<hbm>> -> memref<10240x64xf32, #tpu.memory_space<hbm>>
      tpu.enqueue_indirect_dma source(%dma_start3A_58 : memref<10240x64xf32, #tpu.memory_space<hbm>>) target(%arg12 : memref<128x64xf32, #tpu.memory_space<vmem>>) offsets(%dma_start3A_55 : memref<128xi32, #tpu.memory_space<vmem>>) semaphore(%arg16 : memref<!tpu.dma_semaphore, #tpu.memory_space<semaphore_mem>>)
      %scan3A_59 = arith.constant 0 : i32
      %scan3A_60 = arith.constant 0 : i32
      %scan3A_61 = arith.constant 38 : i32
      %scan3A_62 = arith.addi %scan3A_60, %scan3A_61 : i32
      %scan3A_63 = arith.constant 1 : i32
      scf.for %scan3A_70 = %scan3A_60 to %scan3A_62 step %scan3A_63  : i32 {
        %mul3A_71 = arith.constant 4 : i32
        %mul3A_72 = arith.muli %scan3A_70, %mul3A_71 : i32
        %add3A_73 = arith.constant 0 : i32
        %add3A_74 = arith.addi %mul3A_72, %add3A_73 : i32
        %dma_wait3A = arith.constant 0 : i32
        %dma_wait3A_75 = tpu.memref_slice %arg7[%add3A_74, %dma_wait3A] : memref<152x128xi32, #tpu.memory_space<vmem>> -> memref<1x128xi32, #tpu.memory_space<vmem>>
        %dma_wait3A_76 = tpu.memref_squeeze %dma_wait3A_75 : memref<1x128xi32, #tpu.memory_space<vmem>> -> memref<128xi32, #tpu.memory_space<vmem>>
        %dma_wait3A_77 = arith.constant 0 : i32
        %dma_wait3A_78 = arith.constant 0 : i32
        %dma_wait3A_79 = tpu.memref_slice %arg2[%dma_wait3A_77, %dma_wait3A_78] : memref<10240x64xf32, #tpu.memory_space<hbm>> -> memref<10240x64xf32, #tpu.memory_space<hbm>>
        tpu.wait_indirect_dma semaphore(%arg13 : memref<!tpu.dma_semaphore, #tpu.memory_space<semaphore_mem>>) src(%dma_wait3A_79 : memref<10240x64xf32, #tpu.memory_space<hbm>>) dst(%arg9 : memref<128x64xf32, #tpu.memory_space<vmem>>)
        %dma_start3A_80 = arith.constant 0 : i32
        %dma_start3A_81 = tpu.memref_slice %arg8[%add3A_74, %dma_start3A_80] : memref<152x128xi32, #tpu.memory_space<vmem>> -> memref<1x128xi32, #tpu.memory_space<vmem>>
        %dma_start3A_82 = tpu.memref_squeeze %dma_start3A_81 : memref<1x128xi32, #tpu.memory_space<vmem>> -> memref<128xi32, #tpu.memory_space<vmem>>
        %dma_start3A_83 = arith.constant 0 : i32
        %dma_start3A_84 = arith.constant 0 : i32
        %dma_start3A_85 = tpu.memref_slice %arg21[%dma_start3A_83, %dma_start3A_84] : memref<10240x64xf32, #tpu.memory_space<vmem_shared>> -> memref<10240x64xf32, #tpu.memory_space<vmem_shared>>
        tpu.enqueue_indirect_dma source(%arg9 : memref<128x64xf32, #tpu.memory_space<vmem>>) target(%dma_start3A_85 : memref<10240x64xf32, #tpu.memory_space<vmem_shared>>) offsets(%dma_start3A_82 : memref<128xi32, #tpu.memory_space<vmem>>) semaphore(%arg17 : memref<!tpu.dma_semaphore, #tpu.memory_space<semaphore_mem>>) {add = true}
        %add3A_86 = arith.constant 1 : i32
        %add3A_87 = arith.addi %mul3A_72, %add3A_86 : i32
        %dma_wait3A_88 = arith.constant 0 : i32
        %dma_wait3A_89 = tpu.memref_slice %arg7[%add3A_87, %dma_wait3A_88] : memref<152x128xi32, #tpu.memory_space<vmem>> -> memref<1x128xi32, #tpu.memory_space<vmem>>
        %dma_wait3A_90 = tpu.memref_squeeze %dma_wait3A_89 : memref<1x128xi32, #tpu.memory_space<vmem>> -> memref<128xi32, #tpu.memory_space<vmem>>
        %dma_wait3A_91 = arith.constant 0 : i32
        %dma_wait3A_92 = arith.constant 0 : i32
        %dma_wait3A_93 = tpu.memref_slice %arg2[%dma_wait3A_91, %dma_wait3A_92] : memref<10240x64xf32, #tpu.memory_space<hbm>> -> memref<10240x64xf32, #tpu.memory_space<hbm>>
        tpu.wait_indirect_dma semaphore(%arg14 : memref<!tpu.dma_semaphore, #tpu.memory_space<semaphore_mem>>) src(%dma_wait3A_93 : memref<10240x64xf32, #tpu.memory_space<hbm>>) dst(%arg10 : memref<128x64xf32, #tpu.memory_space<vmem>>)
        %dma_start3A_94 = arith.constant 0 : i32
        %dma_start3A_95 = tpu.memref_slice %arg8[%add3A_87, %dma_start3A_94] : memref<152x128xi32, #tpu.memory_space<vmem>> -> memref<1x128xi32, #tpu.memory_space<vmem>>
        %dma_start3A_96 = tpu.memref_squeeze %dma_start3A_95 : memref<1x128xi32, #tpu.memory_space<vmem>> -> memref<128xi32, #tpu.memory_space<vmem>>
        %dma_start3A_97 = arith.constant 0 : i32
        %dma_start3A_98 = arith.constant 0 : i32
        %dma_start3A_99 = tpu.memref_slice %arg21[%dma_start3A_97, %dma_start3A_98] : memref<10240x64xf32, #tpu.memory_space<vmem_shared>> -> memref<10240x64xf32, #tpu.memory_space<vmem_shared>>
        tpu.enqueue_indirect_dma source(%arg10 : memref<128x64xf32, #tpu.memory_space<vmem>>) target(%dma_start3A_99 : memref<10240x64xf32, #tpu.memory_space<vmem_shared>>) offsets(%dma_start3A_96 : memref<128xi32, #tpu.memory_space<vmem>>) semaphore(%arg18 : memref<!tpu.dma_semaphore, #tpu.memory_space<semaphore_mem>>) {add = true}
        %add3A_100 = arith.constant 2 : i32
        %add3A_101 = arith.addi %mul3A_72, %add3A_100 : i32
        %dma_wait3A_102 = arith.constant 0 : i32
        %dma_wait3A_103 = tpu.memref_slice %arg7[%add3A_101, %dma_wait3A_102] : memref<152x128xi32, #tpu.memory_space<vmem>> -> memref<1x128xi32, #tpu.memory_space<vmem>>
        %dma_wait3A_104 = tpu.memref_squeeze %dma_wait3A_103 : memref<1x128xi32, #tpu.memory_space<vmem>> -> memref<128xi32, #tpu.memory_space<vmem>>
        %dma_wait3A_105 = arith.constant 0 : i32
        %dma_wait3A_106 = arith.constant 0 : i32
        %dma_wait3A_107 = tpu.memref_slice %arg2[%dma_wait3A_105, %dma_wait3A_106] : memref<10240x64xf32, #tpu.memory_space<hbm>> -> memref<10240x64xf32, #tpu.memory_space<hbm>>
        tpu.wait_indirect_dma semaphore(%arg15 : memref<!tpu.dma_semaphore, #tpu.memory_space<semaphore_mem>>) src(%dma_wait3A_107 : memref<10240x64xf32, #tpu.memory_space<hbm>>) dst(%arg11 : memref<128x64xf32, #tpu.memory_space<vmem>>)
        %dma_start3A_108 = arith.constant 0 : i32
        %dma_start3A_109 = tpu.memref_slice %arg8[%add3A_101, %dma_start3A_108] : memref<152x128xi32, #tpu.memory_space<vmem>> -> memref<1x128xi32, #tpu.memory_space<vmem>>
        %dma_start3A_110 = tpu.memref_squeeze %dma_start3A_109 : memref<1x128xi32, #tpu.memory_space<vmem>> -> memref<128xi32, #tpu.memory_space<vmem>>
        %dma_start3A_111 = arith.constant 0 : i32
        %dma_start3A_112 = arith.constant 0 : i32
        %dma_start3A_113 = tpu.memref_slice %arg21[%dma_start3A_111, %dma_start3A_112] : memref<10240x64xf32, #tpu.memory_space<vmem_shared>> -> memref<10240x64xf32, #tpu.memory_space<vmem_shared>>
        tpu.enqueue_indirect_dma source(%arg11 : memref<128x64xf32, #tpu.memory_space<vmem>>) target(%dma_start3A_113 : memref<10240x64xf32, #tpu.memory_space<vmem_shared>>) offsets(%dma_start3A_110 : memref<128xi32, #tpu.memory_space<vmem>>) semaphore(%arg19 : memref<!tpu.dma_semaphore, #tpu.memory_space<semaphore_mem>>) {add = true}
        %add3A_114 = arith.constant 3 : i32
        %add3A_115 = arith.addi %mul3A_72, %add3A_114 : i32
        %dma_wait3A_116 = arith.constant 0 : i32
        %dma_wait3A_117 = tpu.memref_slice %arg7[%add3A_115, %dma_wait3A_116] : memref<152x128xi32, #tpu.memory_space<vmem>> -> memref<1x128xi32, #tpu.memory_space<vmem>>
        %dma_wait3A_118 = tpu.memref_squeeze %dma_wait3A_117 : memref<1x128xi32, #tpu.memory_space<vmem>> -> memref<128xi32, #tpu.memory_space<vmem>>
        %dma_wait3A_119 = arith.constant 0 : i32
        %dma_wait3A_120 = arith.constant 0 : i32
        %dma_wait3A_121 = tpu.memref_slice %arg2[%dma_wait3A_119, %dma_wait3A_120] : memref<10240x64xf32, #tpu.memory_space<hbm>> -> memref<10240x64xf32, #tpu.memory_space<hbm>>
        tpu.wait_indirect_dma semaphore(%arg16 : memref<!tpu.dma_semaphore, #tpu.memory_space<semaphore_mem>>) src(%dma_wait3A_121 : memref<10240x64xf32, #tpu.memory_space<hbm>>) dst(%arg12 : memref<128x64xf32, #tpu.memory_space<vmem>>)
        %dma_start3A_122 = arith.constant 0 : i32
        %dma_start3A_123 = tpu.memref_slice %arg8[%add3A_115, %dma_start3A_122] : memref<152x128xi32, #tpu.memory_space<vmem>> -> memref<1x128xi32, #tpu.memory_space<vmem>>
        %dma_start3A_124 = tpu.memref_squeeze %dma_start3A_123 : memref<1x128xi32, #tpu.memory_space<vmem>> -> memref<128xi32, #tpu.memory_space<vmem>>
        %dma_start3A_125 = arith.constant 0 : i32
        %dma_start3A_126 = arith.constant 0 : i32
        %dma_start3A_127 = tpu.memref_slice %arg21[%dma_start3A_125, %dma_start3A_126] : memref<10240x64xf32, #tpu.memory_space<vmem_shared>> -> memref<10240x64xf32, #tpu.memory_space<vmem_shared>>
        tpu.enqueue_indirect_dma source(%arg12 : memref<128x64xf32, #tpu.memory_space<vmem>>) target(%dma_start3A_127 : memref<10240x64xf32, #tpu.memory_space<vmem_shared>>) offsets(%dma_start3A_124 : memref<128xi32, #tpu.memory_space<vmem>>) semaphore(%arg20 : memref<!tpu.dma_semaphore, #tpu.memory_space<semaphore_mem>>) {add = true}
        %add3A_128 = arith.constant 0 : i32
        %add3A_129 = arith.addi %mul3A_72, %add3A_128 : i32
        %dma_wait3A_130 = arith.constant 0 : i32
        %dma_wait3A_131 = tpu.memref_slice %arg8[%add3A_129, %dma_wait3A_130] : memref<152x128xi32, #tpu.memory_space<vmem>> -> memref<1x128xi32, #tpu.memory_space<vmem>>
        %dma_wait3A_132 = tpu.memref_squeeze %dma_wait3A_131 : memref<1x128xi32, #tpu.memory_space<vmem>> -> memref<128xi32, #tpu.memory_space<vmem>>
        %dma_wait3A_133 = arith.constant 0 : i32
        %dma_wait3A_134 = arith.constant 0 : i32
        %dma_wait3A_135 = tpu.memref_slice %arg21[%dma_wait3A_133, %dma_wait3A_134] : memref<10240x64xf32, #tpu.memory_space<vmem_shared>> -> memref<10240x64xf32, #tpu.memory_space<vmem_shared>>
        tpu.wait_indirect_dma semaphore(%arg17 : memref<!tpu.dma_semaphore, #tpu.memory_space<semaphore_mem>>) src(%arg9 : memref<128x64xf32, #tpu.memory_space<vmem>>) dst(%dma_wait3A_135 : memref<10240x64xf32, #tpu.memory_space<vmem_shared>>)
        %add3A_136 = arith.constant 1 : i32
        %add3A_137 = arith.addi %scan3A_70, %add3A_136 : i32
        %lt3A = arith.constant 38 : i32
        %lt3A_138 = arith.cmpi slt, %add3A_137, %lt3A : i32
        %convert_element_type3A_139 = arith.extui %lt3A_138 : i1 to i32
        %cond3A_140 = arith.constant 0 : i32
        %cond3A_141 = arith.cmpi ne, %convert_element_type3A_139, %cond3A_140 : i32
        scf.if %cond3A_141 {
          %add3A_187 = arith.constant 4 : i32
          %add3A_188 = arith.addi %add3A_129, %add3A_187 : i32
          %dma_start3A_189 = arith.constant 0 : i32
          %dma_start3A_190 = tpu.memref_slice %arg7[%add3A_188, %dma_start3A_189] : memref<152x128xi32, #tpu.memory_space<vmem>> -> memref<1x128xi32, #tpu.memory_space<vmem>>
          %dma_start3A_191 = tpu.memref_squeeze %dma_start3A_190 : memref<1x128xi32, #tpu.memory_space<vmem>> -> memref<128xi32, #tpu.memory_space<vmem>>
          %dma_start3A_192 = arith.constant 0 : i32
          %dma_start3A_193 = arith.constant 0 : i32
          %dma_start3A_194 = tpu.memref_slice %arg2[%dma_start3A_192, %dma_start3A_193] : memref<10240x64xf32, #tpu.memory_space<hbm>> -> memref<10240x64xf32, #tpu.memory_space<hbm>>
          tpu.enqueue_indirect_dma source(%dma_start3A_194 : memref<10240x64xf32, #tpu.memory_space<hbm>>) target(%arg9 : memref<128x64xf32, #tpu.memory_space<vmem>>) offsets(%dma_start3A_191 : memref<128xi32, #tpu.memory_space<vmem>>) semaphore(%arg13 : memref<!tpu.dma_semaphore, #tpu.memory_space<semaphore_mem>>)
        } else {
        }
        %add3A_142 = arith.constant 1 : i32
        %add3A_143 = arith.addi %mul3A_72, %add3A_142 : i32
        %dma_wait3A_144 = arith.constant 0 : i32
        %dma_wait3A_145 = tpu.memref_slice %arg8[%add3A_143, %dma_wait3A_144] : memref<152x128xi32, #tpu.memory_space<vmem>> -> memref<1x128xi32, #tpu.memory_space<vmem>>
        %dma_wait3A_146 = tpu.memref_squeeze %dma_wait3A_145 : memref<1x128xi32, #tpu.memory_space<vmem>> -> memref<128xi32, #tpu.memory_space<vmem>>
        %dma_wait3A_147 = arith.constant 0 : i32
        %dma_wait3A_148 = arith.constant 0 : i32
        %dma_wait3A_149 = tpu.memref_slice %arg21[%dma_wait3A_147, %dma_wait3A_148] : memref<10240x64xf32, #tpu.memory_space<vmem_shared>> -> memref<10240x64xf32, #tpu.memory_space<vmem_shared>>
        tpu.wait_indirect_dma semaphore(%arg18 : memref<!tpu.dma_semaphore, #tpu.memory_space<semaphore_mem>>) src(%arg10 : memref<128x64xf32, #tpu.memory_space<vmem>>) dst(%dma_wait3A_149 : memref<10240x64xf32, #tpu.memory_space<vmem_shared>>)
        %add3A_150 = arith.constant 1 : i32
        %add3A_151 = arith.addi %scan3A_70, %add3A_150 : i32
        %lt3A_152 = arith.constant 38 : i32
        %lt3A_153 = arith.cmpi slt, %add3A_151, %lt3A_152 : i32
        %convert_element_type3A_154 = arith.extui %lt3A_153 : i1 to i32
        %cond3A_155 = arith.constant 0 : i32
        %cond3A_156 = arith.cmpi ne, %convert_element_type3A_154, %cond3A_155 : i32
        scf.if %cond3A_156 {
          %add3A_187 = arith.constant 4 : i32
          %add3A_188 = arith.addi %add3A_143, %add3A_187 : i32
          %dma_start3A_189 = arith.constant 0 : i32
          %dma_start3A_190 = tpu.memref_slice %arg7[%add3A_188, %dma_start3A_189] : memref<152x128xi32, #tpu.memory_space<vmem>> -> memref<1x128xi32, #tpu.memory_space<vmem>>
          %dma_start3A_191 = tpu.memref_squeeze %dma_start3A_190 : memref<1x128xi32, #tpu.memory_space<vmem>> -> memref<128xi32, #tpu.memory_space<vmem>>
          %dma_start3A_192 = arith.constant 0 : i32
          %dma_start3A_193 = arith.constant 0 : i32
          %dma_start3A_194 = tpu.memref_slice %arg2[%dma_start3A_192, %dma_start3A_193] : memref<10240x64xf32, #tpu.memory_space<hbm>> -> memref<10240x64xf32, #tpu.memory_space<hbm>>
          tpu.enqueue_indirect_dma source(%dma_start3A_194 : memref<10240x64xf32, #tpu.memory_space<hbm>>) target(%arg10 : memref<128x64xf32, #tpu.memory_space<vmem>>) offsets(%dma_start3A_191 : memref<128xi32, #tpu.memory_space<vmem>>) semaphore(%arg14 : memref<!tpu.dma_semaphore, #tpu.memory_space<semaphore_mem>>)
        } else {
        }
        %add3A_157 = arith.constant 2 : i32
        %add3A_158 = arith.addi %mul3A_72, %add3A_157 : i32
        %dma_wait3A_159 = arith.constant 0 : i32
        %dma_wait3A_160 = tpu.memref_slice %arg8[%add3A_158, %dma_wait3A_159] : memref<152x128xi32, #tpu.memory_space<vmem>> -> memref<1x128xi32, #tpu.memory_space<vmem>>
        %dma_wait3A_161 = tpu.memref_squeeze %dma_wait3A_160 : memref<1x128xi32, #tpu.memory_space<vmem>> -> memref<128xi32, #tpu.memory_space<vmem>>
        %dma_wait3A_162 = arith.constant 0 : i32
        %dma_wait3A_163 = arith.constant 0 : i32
        %dma_wait3A_164 = tpu.memref_slice %arg21[%dma_wait3A_162, %dma_wait3A_163] : memref<10240x64xf32, #tpu.memory_space<vmem_shared>> -> memref<10240x64xf32, #tpu.memory_space<vmem_shared>>
        tpu.wait_indirect_dma semaphore(%arg19 : memref<!tpu.dma_semaphore, #tpu.memory_space<semaphore_mem>>) src(%arg11 : memref<128x64xf32, #tpu.memory_space<vmem>>) dst(%dma_wait3A_164 : memref<10240x64xf32, #tpu.memory_space<vmem_shared>>)
        %add3A_165 = arith.constant 1 : i32
        %add3A_166 = arith.addi %scan3A_70, %add3A_165 : i32
        %lt3A_167 = arith.constant 38 : i32
        %lt3A_168 = arith.cmpi slt, %add3A_166, %lt3A_167 : i32
        %convert_element_type3A_169 = arith.extui %lt3A_168 : i1 to i32
        %cond3A_170 = arith.constant 0 : i32
        %cond3A_171 = arith.cmpi ne, %convert_element_type3A_169, %cond3A_170 : i32
        scf.if %cond3A_171 {
          %add3A_187 = arith.constant 4 : i32
          %add3A_188 = arith.addi %add3A_158, %add3A_187 : i32
          %dma_start3A_189 = arith.constant 0 : i32
          %dma_start3A_190 = tpu.memref_slice %arg7[%add3A_188, %dma_start3A_189] : memref<152x128xi32, #tpu.memory_space<vmem>> -> memref<1x128xi32, #tpu.memory_space<vmem>>
          %dma_start3A_191 = tpu.memref_squeeze %dma_start3A_190 : memref<1x128xi32, #tpu.memory_space<vmem>> -> memref<128xi32, #tpu.memory_space<vmem>>
          %dma_start3A_192 = arith.constant 0 : i32
          %dma_start3A_193 = arith.constant 0 : i32
          %dma_start3A_194 = tpu.memref_slice %arg2[%dma_start3A_192, %dma_start3A_193] : memref<10240x64xf32, #tpu.memory_space<hbm>> -> memref<10240x64xf32, #tpu.memory_space<hbm>>
          tpu.enqueue_indirect_dma source(%dma_start3A_194 : memref<10240x64xf32, #tpu.memory_space<hbm>>) target(%arg11 : memref<128x64xf32, #tpu.memory_space<vmem>>) offsets(%dma_start3A_191 : memref<128xi32, #tpu.memory_space<vmem>>) semaphore(%arg15 : memref<!tpu.dma_semaphore, #tpu.memory_space<semaphore_mem>>)
        } else {
        }
        %add3A_172 = arith.constant 3 : i32
        %add3A_173 = arith.addi %mul3A_72, %add3A_172 : i32
        %dma_wait3A_174 = arith.constant 0 : i32
        %dma_wait3A_175 = tpu.memref_slice %arg8[%add3A_173, %dma_wait3A_174] : memref<152x128xi32, #tpu.memory_space<vmem>> -> memref<1x128xi32, #tpu.memory_space<vmem>>
        %dma_wait3A_176 = tpu.memref_squeeze %dma_wait3A_175 : memref<1x128xi32, #tpu.memory_space<vmem>> -> memref<128xi32, #tpu.memory_space<vmem>>
        %dma_wait3A_177 = arith.constant 0 : i32
        %dma_wait3A_178 = arith.constant 0 : i32
        %dma_wait3A_179 = tpu.memref_slice %arg21[%dma_wait3A_177, %dma_wait3A_178] : memref<10240x64xf32, #tpu.memory_space<vmem_shared>> -> memref<10240x64xf32, #tpu.memory_space<vmem_shared>>
        tpu.wait_indirect_dma semaphore(%arg20 : memref<!tpu.dma_semaphore, #tpu.memory_space<semaphore_mem>>) src(%arg12 : memref<128x64xf32, #tpu.memory_space<vmem>>) dst(%dma_wait3A_179 : memref<10240x64xf32, #tpu.memory_space<vmem_shared>>)
        %add3A_180 = arith.constant 1 : i32
        %add3A_181 = arith.addi %scan3A_70, %add3A_180 : i32
        %lt3A_182 = arith.constant 38 : i32
        %lt3A_183 = arith.cmpi slt, %add3A_181, %lt3A_182 : i32
        %convert_element_type3A_184 = arith.extui %lt3A_183 : i1 to i32
        %cond3A_185 = arith.constant 0 : i32
        %cond3A_186 = arith.cmpi ne, %convert_element_type3A_184, %cond3A_185 : i32
        scf.if %cond3A_186 {
          %add3A_187 = arith.constant 4 : i32
          %add3A_188 = arith.addi %add3A_173, %add3A_187 : i32
          %dma_start3A_189 = arith.constant 0 : i32
          %dma_start3A_190 = tpu.memref_slice %arg7[%add3A_188, %dma_start3A_189] : memref<152x128xi32, #tpu.memory_space<vmem>> -> memref<1x128xi32, #tpu.memory_space<vmem>>
          %dma_start3A_191 = tpu.memref_squeeze %dma_start3A_190 : memref<1x128xi32, #tpu.memory_space<vmem>> -> memref<128xi32, #tpu.memory_space<vmem>>
          %dma_start3A_192 = arith.constant 0 : i32
          %dma_start3A_193 = arith.constant 0 : i32
          %dma_start3A_194 = tpu.memref_slice %arg2[%dma_start3A_192, %dma_start3A_193] : memref<10240x64xf32, #tpu.memory_space<hbm>> -> memref<10240x64xf32, #tpu.memory_space<hbm>>
          tpu.enqueue_indirect_dma source(%dma_start3A_194 : memref<10240x64xf32, #tpu.memory_space<hbm>>) target(%arg12 : memref<128x64xf32, #tpu.memory_space<vmem>>) offsets(%dma_start3A_191 : memref<128xi32, #tpu.memory_space<vmem>>) semaphore(%arg16 : memref<!tpu.dma_semaphore, #tpu.memory_space<semaphore_mem>>)
        } else {
        }
      }
      %scan3A_64 = arith.constant 38 : i32
      %barrier3A_65 = arith.constant 0 : index
      tpu.barrier barrier_id(%barrier3A_65)
      %mul3A_66 = arith.constant 640 : i32
      %mul3A_67 = arith.muli %arg1, %mul3A_66 : i32
      %mul3A_68 = arith.constant 640 : i32
      %mul3A_69 = arith.muli %arg1, %mul3A_68 : i32
      "tpu.region"() ({
        %run_scoped3A = tpu.sem_alloc : memref<!tpu.dma_semaphore, #tpu.memory_space<semaphore_mem>>
        %dma_start3A_70 = arith.constant 0 : i32
        %dma_start3A_71 = tpu.memref_slice %arg5[%mul3A_69, %dma_start3A_70] : memref<10240x64xf32, #tpu.memory_space<hbm>> -> memref<640x64xf32, #tpu.memory_space<hbm>>
        %dma_start3A_72 = arith.constant 0 : i32
        %dma_start3A_73 = tpu.memref_slice %arg21[%mul3A_67, %dma_start3A_72] : memref<10240x64xf32, #tpu.memory_space<vmem_shared>> -> memref<640x64xf32, #tpu.memory_space<vmem_shared>>
        tpu.enqueue_dma source(%dma_start3A_73 : memref<640x64xf32, #tpu.memory_space<vmem_shared>>) target(%dma_start3A_71 : memref<640x64xf32, #tpu.memory_space<hbm>>) target_semaphore(%run_scoped3A : memref<!tpu.dma_semaphore, #tpu.memory_space<semaphore_mem>>)
        %dma_wait3A = arith.constant 0 : i32
        %dma_wait3A_74 = tpu.memref_slice %arg5[%mul3A_69, %dma_wait3A] : memref<10240x64xf32, #tpu.memory_space<hbm>> -> memref<640x64xf32, #tpu.memory_space<hbm>>
        %dma_wait3A_75 = arith.constant 0 : i32
        %dma_wait3A_76 = tpu.memref_slice %arg21[%mul3A_67, %dma_wait3A_75] : memref<10240x64xf32, #tpu.memory_space<vmem_shared>> -> memref<640x64xf32, #tpu.memory_space<vmem_shared>>
        tpu.wait_dma2 semaphore(%run_scoped3A : memref<!tpu.dma_semaphore, #tpu.memory_space<semaphore_mem>>) src(%dma_wait3A_76 : memref<640x64xf32, #tpu.memory_space<vmem_shared>>) dst(%dma_wait3A_74 : memref<640x64xf32, #tpu.memory_space<hbm>>)
        tpu.yield
      }) : () -> ()
    } else {
    }
    %eq3A_25 = arith.constant 1 : i32
    %eq3A_26 = arith.cmpi eq, %arg0, %eq3A_25 : i32
    %convert_element_type3A_27 = arith.extui %eq3A_26 : i1 to i32
    %cond3A_28 = arith.constant 0 : i32
    %cond3A_29 = arith.cmpi ne, %convert_element_type3A_27, %cond3A_28 : i32
    scf.if %cond3A_29 {
      %mul3A_30 = arith.constant 8 : i32
      %mul3A_31 = arith.muli %arg1, %mul3A_30 : i32
      %add3A_32 = arith.constant 2432 : i32
      %add3A_33 = arith.addi %add3A_32, %mul3A_31 : i32
      "tpu.region"() ({
        %run_scoped3A = tpu.sem_alloc : memref<!tpu.dma_semaphore, #tpu.memory_space<semaphore_mem>>
        %dma_start3A_72 = arith.constant 0 : i32
        %dma_start3A_73 = arith.constant 0 : i32
        %dma_start3A_74 = tpu.memref_slice %arg7[%dma_start3A_72, %dma_start3A_73] : memref<152x128xi32, #tpu.memory_space<vmem>> -> memref<8x128xi32, #tpu.memory_space<vmem>>
        %dma_start3A_75 = arith.constant 0 : i32
        %dma_start3A_76 = tpu.memref_slice %arg3[%add3A_33, %dma_start3A_75] : memref<2560x128xi32, #tpu.memory_space<hbm>> -> memref<8x128xi32, #tpu.memory_space<hbm>>
        %dma_start3A_77 = arith.constant 0 : i32
        %dma_start3A_78 = arith.constant 0 : i32
        %dma_start3A_79 = tpu.memref_slice %arg7[%dma_start3A_77, %dma_start3A_78] : memref<152x128xi32, #tpu.memory_space<vmem>> -> memref<8x128xi32, #tpu.memory_space<vmem>>
        %dma_start3A_80 = arith.constant 0 : i32
        %dma_start3A_81 = tpu.memref_slice %arg3[%add3A_33, %dma_start3A_80] : memref<2560x128xi32, #tpu.memory_space<hbm>> -> memref<8x128xi32, #tpu.memory_space<hbm>>
        tpu.enqueue_dma source(%dma_start3A_81 : memref<8x128xi32, #tpu.memory_space<hbm>>) target(%dma_start3A_79 : memref<8x128xi32, #tpu.memory_space<vmem>>) target_semaphore(%run_scoped3A : memref<!tpu.dma_semaphore, #tpu.memory_space<semaphore_mem>>)
        %dma_wait3A = arith.constant 0 : i32
        %dma_wait3A_82 = arith.constant 0 : i32
        %dma_wait3A_83 = tpu.memref_slice %arg7[%dma_wait3A, %dma_wait3A_82] : memref<152x128xi32, #tpu.memory_space<vmem>> -> memref<8x128xi32, #tpu.memory_space<vmem>>
        %dma_wait3A_84 = arith.constant 0 : i32
        %dma_wait3A_85 = tpu.memref_slice %arg3[%add3A_33, %dma_wait3A_84] : memref<2560x128xi32, #tpu.memory_space<hbm>> -> memref<8x128xi32, #tpu.memory_space<hbm>>
        %dma_wait3A_86 = arith.constant 0 : i32
        %dma_wait3A_87 = arith.constant 0 : i32
        %dma_wait3A_88 = tpu.memref_slice %arg7[%dma_wait3A_86, %dma_wait3A_87] : memref<152x128xi32, #tpu.memory_space<vmem>> -> memref<8x128xi32, #tpu.memory_space<vmem>>
        %dma_wait3A_89 = arith.constant 0 : i32
        %dma_wait3A_90 = tpu.memref_slice %arg3[%add3A_33, %dma_wait3A_89] : memref<2560x128xi32, #tpu.memory_space<hbm>> -> memref<8x128xi32, #tpu.memory_space<hbm>>
        tpu.wait_dma2 semaphore(%run_scoped3A : memref<!tpu.dma_semaphore, #tpu.memory_space<semaphore_mem>>) src(%dma_wait3A_90 : memref<8x128xi32, #tpu.memory_space<hbm>>) dst(%dma_wait3A_88 : memref<8x128xi32, #tpu.memory_space<vmem>>)
        tpu.yield
      }) : () -> ()
      "tpu.region"() ({
        %run_scoped3A = tpu.sem_alloc : memref<!tpu.dma_semaphore, #tpu.memory_space<semaphore_mem>>
        %dma_start3A_72 = arith.constant 0 : i32
        %dma_start3A_73 = arith.constant 0 : i32
        %dma_start3A_74 = tpu.memref_slice %arg8[%dma_start3A_72, %dma_start3A_73] : memref<152x128xi32, #tpu.memory_space<vmem>> -> memref<8x128xi32, #tpu.memory_space<vmem>>
        %dma_start3A_75 = arith.constant 0 : i32
        %dma_start3A_76 = tpu.memref_slice %arg4[%add3A_33, %dma_start3A_75] : memref<2560x128xi32, #tpu.memory_space<hbm>> -> memref<8x128xi32, #tpu.memory_space<hbm>>
        %dma_start3A_77 = arith.constant 0 : i32
        %dma_start3A_78 = arith.constant 0 : i32
        %dma_start3A_79 = tpu.memref_slice %arg8[%dma_start3A_77, %dma_start3A_78] : memref<152x128xi32, #tpu.memory_space<vmem>> -> memref<8x128xi32, #tpu.memory_space<vmem>>
        %dma_start3A_80 = arith.constant 0 : i32
        %dma_start3A_81 = tpu.memref_slice %arg4[%add3A_33, %dma_start3A_80] : memref<2560x128xi32, #tpu.memory_space<hbm>> -> memref<8x128xi32, #tpu.memory_space<hbm>>
        tpu.enqueue_dma source(%dma_start3A_81 : memref<8x128xi32, #tpu.memory_space<hbm>>) target(%dma_start3A_79 : memref<8x128xi32, #tpu.memory_space<vmem>>) target_semaphore(%run_scoped3A : memref<!tpu.dma_semaphore, #tpu.memory_space<semaphore_mem>>)
        %dma_wait3A = arith.constant 0 : i32
        %dma_wait3A_82 = arith.constant 0 : i32
        %dma_wait3A_83 = tpu.memref_slice %arg8[%dma_wait3A, %dma_wait3A_82] : memref<152x128xi32, #tpu.memory_space<vmem>> -> memref<8x128xi32, #tpu.memory_space<vmem>>
        %dma_wait3A_84 = arith.constant 0 : i32
        %dma_wait3A_85 = tpu.memref_slice %arg4[%add3A_33, %dma_wait3A_84] : memref<2560x128xi32, #tpu.memory_space<hbm>> -> memref<8x128xi32, #tpu.memory_space<hbm>>
        %dma_wait3A_86 = arith.constant 0 : i32
        %dma_wait3A_87 = arith.constant 0 : i32
        %dma_wait3A_88 = tpu.memref_slice %arg8[%dma_wait3A_86, %dma_wait3A_87] : memref<152x128xi32, #tpu.memory_space<vmem>> -> memref<8x128xi32, #tpu.memory_space<vmem>>
        %dma_wait3A_89 = arith.constant 0 : i32
        %dma_wait3A_90 = tpu.memref_slice %arg4[%add3A_33, %dma_wait3A_89] : memref<2560x128xi32, #tpu.memory_space<hbm>> -> memref<8x128xi32, #tpu.memory_space<hbm>>
        tpu.wait_dma2 semaphore(%run_scoped3A : memref<!tpu.dma_semaphore, #tpu.memory_space<semaphore_mem>>) src(%dma_wait3A_90 : memref<8x128xi32, #tpu.memory_space<hbm>>) dst(%dma_wait3A_88 : memref<8x128xi32, #tpu.memory_space<vmem>>)
        tpu.yield
      }) : () -> ()
      %barrier3A = arith.constant 0 : index
      tpu.barrier barrier_id(%barrier3A)
      %dma_start3A = arith.constant 0 : i32
      %dma_start3A_34 = arith.constant 0 : i32
      %dma_start3A_35 = tpu.memref_slice %arg7[%dma_start3A, %dma_start3A_34] : memref<152x128xi32, #tpu.memory_space<vmem>> -> memref<1x128xi32, #tpu.memory_space<vmem>>
      %dma_start3A_36 = tpu.memref_squeeze %dma_start3A_35 : memref<1x128xi32, #tpu.memory_space<vmem>> -> memref<128xi32, #tpu.memory_space<vmem>>
      %dma_start3A_37 = arith.constant 0 : i32
      %dma_start3A_38 = arith.constant 0 : i32
      %dma_start3A_39 = tpu.memref_slice %arg2[%dma_start3A_37, %dma_start3A_38] : memref<10240x64xf32, #tpu.memory_space<hbm>> -> memref<10240x64xf32, #tpu.memory_space<hbm>>
      tpu.enqueue_indirect_dma source(%dma_start3A_39 : memref<10240x64xf32, #tpu.memory_space<hbm>>) target(%arg9 : memref<128x64xf32, #tpu.memory_space<vmem>>) offsets(%dma_start3A_36 : memref<128xi32, #tpu.memory_space<vmem>>) semaphore(%arg13 : memref<!tpu.dma_semaphore, #tpu.memory_space<semaphore_mem>>)
      %dma_start3A_40 = arith.constant 1 : i32
      %dma_start3A_41 = arith.constant 0 : i32
      %dma_start3A_42 = tpu.memref_slice %arg7[%dma_start3A_40, %dma_start3A_41] : memref<152x128xi32, #tpu.memory_space<vmem>> -> memref<1x128xi32, #tpu.memory_space<vmem>>
      %dma_start3A_43 = tpu.memref_squeeze %dma_start3A_42 : memref<1x128xi32, #tpu.memory_space<vmem>> -> memref<128xi32, #tpu.memory_space<vmem>>
      %dma_start3A_44 = arith.constant 0 : i32
      %dma_start3A_45 = arith.constant 0 : i32
      %dma_start3A_46 = tpu.memref_slice %arg2[%dma_start3A_44, %dma_start3A_45] : memref<10240x64xf32, #tpu.memory_space<hbm>> -> memref<10240x64xf32, #tpu.memory_space<hbm>>
      tpu.enqueue_indirect_dma source(%dma_start3A_46 : memref<10240x64xf32, #tpu.memory_space<hbm>>) target(%arg10 : memref<128x64xf32, #tpu.memory_space<vmem>>) offsets(%dma_start3A_43 : memref<128xi32, #tpu.memory_space<vmem>>) semaphore(%arg14 : memref<!tpu.dma_semaphore, #tpu.memory_space<semaphore_mem>>)
      %dma_start3A_47 = arith.constant 2 : i32
      %dma_start3A_48 = arith.constant 0 : i32
      %dma_start3A_49 = tpu.memref_slice %arg7[%dma_start3A_47, %dma_start3A_48] : memref<152x128xi32, #tpu.memory_space<vmem>> -> memref<1x128xi32, #tpu.memory_space<vmem>>
      %dma_start3A_50 = tpu.memref_squeeze %dma_start3A_49 : memref<1x128xi32, #tpu.memory_space<vmem>> -> memref<128xi32, #tpu.memory_space<vmem>>
      %dma_start3A_51 = arith.constant 0 : i32
      %dma_start3A_52 = arith.constant 0 : i32
      %dma_start3A_53 = tpu.memref_slice %arg2[%dma_start3A_51, %dma_start3A_52] : memref<10240x64xf32, #tpu.memory_space<hbm>> -> memref<10240x64xf32, #tpu.memory_space<hbm>>
      tpu.enqueue_indirect_dma source(%dma_start3A_53 : memref<10240x64xf32, #tpu.memory_space<hbm>>) target(%arg11 : memref<128x64xf32, #tpu.memory_space<vmem>>) offsets(%dma_start3A_50 : memref<128xi32, #tpu.memory_space<vmem>>) semaphore(%arg15 : memref<!tpu.dma_semaphore, #tpu.memory_space<semaphore_mem>>)
      %dma_start3A_54 = arith.constant 3 : i32
      %dma_start3A_55 = arith.constant 0 : i32
      %dma_start3A_56 = tpu.memref_slice %arg7[%dma_start3A_54, %dma_start3A_55] : memref<152x128xi32, #tpu.memory_space<vmem>> -> memref<1x128xi32, #tpu.memory_space<vmem>>
      %dma_start3A_57 = tpu.memref_squeeze %dma_start3A_56 : memref<1x128xi32, #tpu.memory_space<vmem>> -> memref<128xi32, #tpu.memory_space<vmem>>
      %dma_start3A_58 = arith.constant 0 : i32
      %dma_start3A_59 = arith.constant 0 : i32
      %dma_start3A_60 = tpu.memref_slice %arg2[%dma_start3A_58, %dma_start3A_59] : memref<10240x64xf32, #tpu.memory_space<hbm>> -> memref<10240x64xf32, #tpu.memory_space<hbm>>
      tpu.enqueue_indirect_dma source(%dma_start3A_60 : memref<10240x64xf32, #tpu.memory_space<hbm>>) target(%arg12 : memref<128x64xf32, #tpu.memory_space<vmem>>) offsets(%dma_start3A_57 : memref<128xi32, #tpu.memory_space<vmem>>) semaphore(%arg16 : memref<!tpu.dma_semaphore, #tpu.memory_space<semaphore_mem>>)
      %scan3A_61 = arith.constant 0 : i32
      %scan3A_62 = arith.constant 0 : i32
      %scan3A_63 = arith.constant 2 : i32
      %scan3A_64 = arith.addi %scan3A_62, %scan3A_63 : i32
      %scan3A_65 = arith.constant 1 : i32
      scf.for %scan3A_72 = %scan3A_62 to %scan3A_64 step %scan3A_65  : i32 {
        %mul3A_73 = arith.constant 4 : i32
        %mul3A_74 = arith.muli %scan3A_72, %mul3A_73 : i32
        %add3A_75 = arith.constant 0 : i32
        %add3A_76 = arith.addi %mul3A_74, %add3A_75 : i32
        %dma_wait3A = arith.constant 0 : i32
        %dma_wait3A_77 = tpu.memref_slice %arg7[%add3A_76, %dma_wait3A] : memref<152x128xi32, #tpu.memory_space<vmem>> -> memref<1x128xi32, #tpu.memory_space<vmem>>
        %dma_wait3A_78 = tpu.memref_squeeze %dma_wait3A_77 : memref<1x128xi32, #tpu.memory_space<vmem>> -> memref<128xi32, #tpu.memory_space<vmem>>
        %dma_wait3A_79 = arith.constant 0 : i32
        %dma_wait3A_80 = arith.constant 0 : i32
        %dma_wait3A_81 = tpu.memref_slice %arg2[%dma_wait3A_79, %dma_wait3A_80] : memref<10240x64xf32, #tpu.memory_space<hbm>> -> memref<10240x64xf32, #tpu.memory_space<hbm>>
        tpu.wait_indirect_dma semaphore(%arg13 : memref<!tpu.dma_semaphore, #tpu.memory_space<semaphore_mem>>) src(%dma_wait3A_81 : memref<10240x64xf32, #tpu.memory_space<hbm>>) dst(%arg9 : memref<128x64xf32, #tpu.memory_space<vmem>>)
        %dma_start3A_82 = arith.constant 0 : i32
        %dma_start3A_83 = tpu.memref_slice %arg8[%add3A_76, %dma_start3A_82] : memref<152x128xi32, #tpu.memory_space<vmem>> -> memref<1x128xi32, #tpu.memory_space<vmem>>
        %dma_start3A_84 = tpu.memref_squeeze %dma_start3A_83 : memref<1x128xi32, #tpu.memory_space<vmem>> -> memref<128xi32, #tpu.memory_space<vmem>>
        %dma_start3A_85 = arith.constant 0 : i32
        %dma_start3A_86 = arith.constant 0 : i32
        %dma_start3A_87 = tpu.memref_slice %arg21[%dma_start3A_85, %dma_start3A_86] : memref<10240x64xf32, #tpu.memory_space<vmem_shared>> -> memref<10240x64xf32, #tpu.memory_space<vmem_shared>>
        tpu.enqueue_indirect_dma source(%arg9 : memref<128x64xf32, #tpu.memory_space<vmem>>) target(%dma_start3A_87 : memref<10240x64xf32, #tpu.memory_space<vmem_shared>>) offsets(%dma_start3A_84 : memref<128xi32, #tpu.memory_space<vmem>>) semaphore(%arg17 : memref<!tpu.dma_semaphore, #tpu.memory_space<semaphore_mem>>) {add = true}
        %add3A_88 = arith.constant 1 : i32
        %add3A_89 = arith.addi %mul3A_74, %add3A_88 : i32
        %dma_wait3A_90 = arith.constant 0 : i32
        %dma_wait3A_91 = tpu.memref_slice %arg7[%add3A_89, %dma_wait3A_90] : memref<152x128xi32, #tpu.memory_space<vmem>> -> memref<1x128xi32, #tpu.memory_space<vmem>>
        %dma_wait3A_92 = tpu.memref_squeeze %dma_wait3A_91 : memref<1x128xi32, #tpu.memory_space<vmem>> -> memref<128xi32, #tpu.memory_space<vmem>>
        %dma_wait3A_93 = arith.constant 0 : i32
        %dma_wait3A_94 = arith.constant 0 : i32
        %dma_wait3A_95 = tpu.memref_slice %arg2[%dma_wait3A_93, %dma_wait3A_94] : memref<10240x64xf32, #tpu.memory_space<hbm>> -> memref<10240x64xf32, #tpu.memory_space<hbm>>
        tpu.wait_indirect_dma semaphore(%arg14 : memref<!tpu.dma_semaphore, #tpu.memory_space<semaphore_mem>>) src(%dma_wait3A_95 : memref<10240x64xf32, #tpu.memory_space<hbm>>) dst(%arg10 : memref<128x64xf32, #tpu.memory_space<vmem>>)
        %dma_start3A_96 = arith.constant 0 : i32
        %dma_start3A_97 = tpu.memref_slice %arg8[%add3A_89, %dma_start3A_96] : memref<152x128xi32, #tpu.memory_space<vmem>> -> memref<1x128xi32, #tpu.memory_space<vmem>>
        %dma_start3A_98 = tpu.memref_squeeze %dma_start3A_97 : memref<1x128xi32, #tpu.memory_space<vmem>> -> memref<128xi32, #tpu.memory_space<vmem>>
        %dma_start3A_99 = arith.constant 0 : i32
        %dma_start3A_100 = arith.constant 0 : i32
        %dma_start3A_101 = tpu.memref_slice %arg21[%dma_start3A_99, %dma_start3A_100] : memref<10240x64xf32, #tpu.memory_space<vmem_shared>> -> memref<10240x64xf32, #tpu.memory_space<vmem_shared>>
        tpu.enqueue_indirect_dma source(%arg10 : memref<128x64xf32, #tpu.memory_space<vmem>>) target(%dma_start3A_101 : memref<10240x64xf32, #tpu.memory_space<vmem_shared>>) offsets(%dma_start3A_98 : memref<128xi32, #tpu.memory_space<vmem>>) semaphore(%arg18 : memref<!tpu.dma_semaphore, #tpu.memory_space<semaphore_mem>>) {add = true}
        %add3A_102 = arith.constant 2 : i32
        %add3A_103 = arith.addi %mul3A_74, %add3A_102 : i32
        %dma_wait3A_104 = arith.constant 0 : i32
        %dma_wait3A_105 = tpu.memref_slice %arg7[%add3A_103, %dma_wait3A_104] : memref<152x128xi32, #tpu.memory_space<vmem>> -> memref<1x128xi32, #tpu.memory_space<vmem>>
        %dma_wait3A_106 = tpu.memref_squeeze %dma_wait3A_105 : memref<1x128xi32, #tpu.memory_space<vmem>> -> memref<128xi32, #tpu.memory_space<vmem>>
        %dma_wait3A_107 = arith.constant 0 : i32
        %dma_wait3A_108 = arith.constant 0 : i32
        %dma_wait3A_109 = tpu.memref_slice %arg2[%dma_wait3A_107, %dma_wait3A_108] : memref<10240x64xf32, #tpu.memory_space<hbm>> -> memref<10240x64xf32, #tpu.memory_space<hbm>>
        tpu.wait_indirect_dma semaphore(%arg15 : memref<!tpu.dma_semaphore, #tpu.memory_space<semaphore_mem>>) src(%dma_wait3A_109 : memref<10240x64xf32, #tpu.memory_space<hbm>>) dst(%arg11 : memref<128x64xf32, #tpu.memory_space<vmem>>)
        %dma_start3A_110 = arith.constant 0 : i32
        %dma_start3A_111 = tpu.memref_slice %arg8[%add3A_103, %dma_start3A_110] : memref<152x128xi32, #tpu.memory_space<vmem>> -> memref<1x128xi32, #tpu.memory_space<vmem>>
        %dma_start3A_112 = tpu.memref_squeeze %dma_start3A_111 : memref<1x128xi32, #tpu.memory_space<vmem>> -> memref<128xi32, #tpu.memory_space<vmem>>
        %dma_start3A_113 = arith.constant 0 : i32
        %dma_start3A_114 = arith.constant 0 : i32
        %dma_start3A_115 = tpu.memref_slice %arg21[%dma_start3A_113, %dma_start3A_114] : memref<10240x64xf32, #tpu.memory_space<vmem_shared>> -> memref<10240x64xf32, #tpu.memory_space<vmem_shared>>
        tpu.enqueue_indirect_dma source(%arg11 : memref<128x64xf32, #tpu.memory_space<vmem>>) target(%dma_start3A_115 : memref<10240x64xf32, #tpu.memory_space<vmem_shared>>) offsets(%dma_start3A_112 : memref<128xi32, #tpu.memory_space<vmem>>) semaphore(%arg19 : memref<!tpu.dma_semaphore, #tpu.memory_space<semaphore_mem>>) {add = true}
        %add3A_116 = arith.constant 3 : i32
        %add3A_117 = arith.addi %mul3A_74, %add3A_116 : i32
        %dma_wait3A_118 = arith.constant 0 : i32
        %dma_wait3A_119 = tpu.memref_slice %arg7[%add3A_117, %dma_wait3A_118] : memref<152x128xi32, #tpu.memory_space<vmem>> -> memref<1x128xi32, #tpu.memory_space<vmem>>
        %dma_wait3A_120 = tpu.memref_squeeze %dma_wait3A_119 : memref<1x128xi32, #tpu.memory_space<vmem>> -> memref<128xi32, #tpu.memory_space<vmem>>
        %dma_wait3A_121 = arith.constant 0 : i32
        %dma_wait3A_122 = arith.constant 0 : i32
        %dma_wait3A_123 = tpu.memref_slice %arg2[%dma_wait3A_121, %dma_wait3A_122] : memref<10240x64xf32, #tpu.memory_space<hbm>> -> memref<10240x64xf32, #tpu.memory_space<hbm>>
        tpu.wait_indirect_dma semaphore(%arg16 : memref<!tpu.dma_semaphore, #tpu.memory_space<semaphore_mem>>) src(%dma_wait3A_123 : memref<10240x64xf32, #tpu.memory_space<hbm>>) dst(%arg12 : memref<128x64xf32, #tpu.memory_space<vmem>>)
        %dma_start3A_124 = arith.constant 0 : i32
        %dma_start3A_125 = tpu.memref_slice %arg8[%add3A_117, %dma_start3A_124] : memref<152x128xi32, #tpu.memory_space<vmem>> -> memref<1x128xi32, #tpu.memory_space<vmem>>
        %dma_start3A_126 = tpu.memref_squeeze %dma_start3A_125 : memref<1x128xi32, #tpu.memory_space<vmem>> -> memref<128xi32, #tpu.memory_space<vmem>>
        %dma_start3A_127 = arith.constant 0 : i32
        %dma_start3A_128 = arith.constant 0 : i32
        %dma_start3A_129 = tpu.memref_slice %arg21[%dma_start3A_127, %dma_start3A_128] : memref<10240x64xf32, #tpu.memory_space<vmem_shared>> -> memref<10240x64xf32, #tpu.memory_space<vmem_shared>>
        tpu.enqueue_indirect_dma source(%arg12 : memref<128x64xf32, #tpu.memory_space<vmem>>) target(%dma_start3A_129 : memref<10240x64xf32, #tpu.memory_space<vmem_shared>>) offsets(%dma_start3A_126 : memref<128xi32, #tpu.memory_space<vmem>>) semaphore(%arg20 : memref<!tpu.dma_semaphore, #tpu.memory_space<semaphore_mem>>) {add = true}
        %add3A_130 = arith.constant 0 : i32
        %add3A_131 = arith.addi %mul3A_74, %add3A_130 : i32
        %dma_wait3A_132 = arith.constant 0 : i32
        %dma_wait3A_133 = tpu.memref_slice %arg8[%add3A_131, %dma_wait3A_132] : memref<152x128xi32, #tpu.memory_space<vmem>> -> memref<1x128xi32, #tpu.memory_space<vmem>>
        %dma_wait3A_134 = tpu.memref_squeeze %dma_wait3A_133 : memref<1x128xi32, #tpu.memory_space<vmem>> -> memref<128xi32, #tpu.memory_space<vmem>>
        %dma_wait3A_135 = arith.constant 0 : i32
        %dma_wait3A_136 = arith.constant 0 : i32
        %dma_wait3A_137 = tpu.memref_slice %arg21[%dma_wait3A_135, %dma_wait3A_136] : memref<10240x64xf32, #tpu.memory_space<vmem_shared>> -> memref<10240x64xf32, #tpu.memory_space<vmem_shared>>
        tpu.wait_indirect_dma semaphore(%arg17 : memref<!tpu.dma_semaphore, #tpu.memory_space<semaphore_mem>>) src(%arg9 : memref<128x64xf32, #tpu.memory_space<vmem>>) dst(%dma_wait3A_137 : memref<10240x64xf32, #tpu.memory_space<vmem_shared>>)
        %add3A_138 = arith.constant 1 : i32
        %add3A_139 = arith.addi %scan3A_72, %add3A_138 : i32
        %lt3A = arith.constant 2 : i32
        %lt3A_140 = arith.cmpi slt, %add3A_139, %lt3A : i32
        %convert_element_type3A_141 = arith.extui %lt3A_140 : i1 to i32
        %cond3A_142 = arith.constant 0 : i32
        %cond3A_143 = arith.cmpi ne, %convert_element_type3A_141, %cond3A_142 : i32
        scf.if %cond3A_143 {
          %add3A_189 = arith.constant 4 : i32
          %add3A_190 = arith.addi %add3A_131, %add3A_189 : i32
          %dma_start3A_191 = arith.constant 0 : i32
          %dma_start3A_192 = tpu.memref_slice %arg7[%add3A_190, %dma_start3A_191] : memref<152x128xi32, #tpu.memory_space<vmem>> -> memref<1x128xi32, #tpu.memory_space<vmem>>
          %dma_start3A_193 = tpu.memref_squeeze %dma_start3A_192 : memref<1x128xi32, #tpu.memory_space<vmem>> -> memref<128xi32, #tpu.memory_space<vmem>>
          %dma_start3A_194 = arith.constant 0 : i32
          %dma_start3A_195 = arith.constant 0 : i32
          %dma_start3A_196 = tpu.memref_slice %arg2[%dma_start3A_194, %dma_start3A_195] : memref<10240x64xf32, #tpu.memory_space<hbm>> -> memref<10240x64xf32, #tpu.memory_space<hbm>>
          tpu.enqueue_indirect_dma source(%dma_start3A_196 : memref<10240x64xf32, #tpu.memory_space<hbm>>) target(%arg9 : memref<128x64xf32, #tpu.memory_space<vmem>>) offsets(%dma_start3A_193 : memref<128xi32, #tpu.memory_space<vmem>>) semaphore(%arg13 : memref<!tpu.dma_semaphore, #tpu.memory_space<semaphore_mem>>)
        } else {
        }
        %add3A_144 = arith.constant 1 : i32
        %add3A_145 = arith.addi %mul3A_74, %add3A_144 : i32
        %dma_wait3A_146 = arith.constant 0 : i32
        %dma_wait3A_147 = tpu.memref_slice %arg8[%add3A_145, %dma_wait3A_146] : memref<152x128xi32, #tpu.memory_space<vmem>> -> memref<1x128xi32, #tpu.memory_space<vmem>>
        %dma_wait3A_148 = tpu.memref_squeeze %dma_wait3A_147 : memref<1x128xi32, #tpu.memory_space<vmem>> -> memref<128xi32, #tpu.memory_space<vmem>>
        %dma_wait3A_149 = arith.constant 0 : i32
        %dma_wait3A_150 = arith.constant 0 : i32
        %dma_wait3A_151 = tpu.memref_slice %arg21[%dma_wait3A_149, %dma_wait3A_150] : memref<10240x64xf32, #tpu.memory_space<vmem_shared>> -> memref<10240x64xf32, #tpu.memory_space<vmem_shared>>
        tpu.wait_indirect_dma semaphore(%arg18 : memref<!tpu.dma_semaphore, #tpu.memory_space<semaphore_mem>>) src(%arg10 : memref<128x64xf32, #tpu.memory_space<vmem>>) dst(%dma_wait3A_151 : memref<10240x64xf32, #tpu.memory_space<vmem_shared>>)
        %add3A_152 = arith.constant 1 : i32
        %add3A_153 = arith.addi %scan3A_72, %add3A_152 : i32
        %lt3A_154 = arith.constant 2 : i32
        %lt3A_155 = arith.cmpi slt, %add3A_153, %lt3A_154 : i32
        %convert_element_type3A_156 = arith.extui %lt3A_155 : i1 to i32
        %cond3A_157 = arith.constant 0 : i32
        %cond3A_158 = arith.cmpi ne, %convert_element_type3A_156, %cond3A_157 : i32
        scf.if %cond3A_158 {
          %add3A_189 = arith.constant 4 : i32
          %add3A_190 = arith.addi %add3A_145, %add3A_189 : i32
          %dma_start3A_191 = arith.constant 0 : i32
          %dma_start3A_192 = tpu.memref_slice %arg7[%add3A_190, %dma_start3A_191] : memref<152x128xi32, #tpu.memory_space<vmem>> -> memref<1x128xi32, #tpu.memory_space<vmem>>
          %dma_start3A_193 = tpu.memref_squeeze %dma_start3A_192 : memref<1x128xi32, #tpu.memory_space<vmem>> -> memref<128xi32, #tpu.memory_space<vmem>>
          %dma_start3A_194 = arith.constant 0 : i32
          %dma_start3A_195 = arith.constant 0 : i32
          %dma_start3A_196 = tpu.memref_slice %arg2[%dma_start3A_194, %dma_start3A_195] : memref<10240x64xf32, #tpu.memory_space<hbm>> -> memref<10240x64xf32, #tpu.memory_space<hbm>>
          tpu.enqueue_indirect_dma source(%dma_start3A_196 : memref<10240x64xf32, #tpu.memory_space<hbm>>) target(%arg10 : memref<128x64xf32, #tpu.memory_space<vmem>>) offsets(%dma_start3A_193 : memref<128xi32, #tpu.memory_space<vmem>>) semaphore(%arg14 : memref<!tpu.dma_semaphore, #tpu.memory_space<semaphore_mem>>)
        } else {
        }
        %add3A_159 = arith.constant 2 : i32
        %add3A_160 = arith.addi %mul3A_74, %add3A_159 : i32
        %dma_wait3A_161 = arith.constant 0 : i32
        %dma_wait3A_162 = tpu.memref_slice %arg8[%add3A_160, %dma_wait3A_161] : memref<152x128xi32, #tpu.memory_space<vmem>> -> memref<1x128xi32, #tpu.memory_space<vmem>>
        %dma_wait3A_163 = tpu.memref_squeeze %dma_wait3A_162 : memref<1x128xi32, #tpu.memory_space<vmem>> -> memref<128xi32, #tpu.memory_space<vmem>>
        %dma_wait3A_164 = arith.constant 0 : i32
        %dma_wait3A_165 = arith.constant 0 : i32
        %dma_wait3A_166 = tpu.memref_slice %arg21[%dma_wait3A_164, %dma_wait3A_165] : memref<10240x64xf32, #tpu.memory_space<vmem_shared>> -> memref<10240x64xf32, #tpu.memory_space<vmem_shared>>
        tpu.wait_indirect_dma semaphore(%arg19 : memref<!tpu.dma_semaphore, #tpu.memory_space<semaphore_mem>>) src(%arg11 : memref<128x64xf32, #tpu.memory_space<vmem>>) dst(%dma_wait3A_166 : memref<10240x64xf32, #tpu.memory_space<vmem_shared>>)
        %add3A_167 = arith.constant 1 : i32
        %add3A_168 = arith.addi %scan3A_72, %add3A_167 : i32
        %lt3A_169 = arith.constant 2 : i32
        %lt3A_170 = arith.cmpi slt, %add3A_168, %lt3A_169 : i32
        %convert_element_type3A_171 = arith.extui %lt3A_170 : i1 to i32
        %cond3A_172 = arith.constant 0 : i32
        %cond3A_173 = arith.cmpi ne, %convert_element_type3A_171, %cond3A_172 : i32
        scf.if %cond3A_173 {
          %add3A_189 = arith.constant 4 : i32
          %add3A_190 = arith.addi %add3A_160, %add3A_189 : i32
          %dma_start3A_191 = arith.constant 0 : i32
          %dma_start3A_192 = tpu.memref_slice %arg7[%add3A_190, %dma_start3A_191] : memref<152x128xi32, #tpu.memory_space<vmem>> -> memref<1x128xi32, #tpu.memory_space<vmem>>
          %dma_start3A_193 = tpu.memref_squeeze %dma_start3A_192 : memref<1x128xi32, #tpu.memory_space<vmem>> -> memref<128xi32, #tpu.memory_space<vmem>>
          %dma_start3A_194 = arith.constant 0 : i32
          %dma_start3A_195 = arith.constant 0 : i32
          %dma_start3A_196 = tpu.memref_slice %arg2[%dma_start3A_194, %dma_start3A_195] : memref<10240x64xf32, #tpu.memory_space<hbm>> -> memref<10240x64xf32, #tpu.memory_space<hbm>>
          tpu.enqueue_indirect_dma source(%dma_start3A_196 : memref<10240x64xf32, #tpu.memory_space<hbm>>) target(%arg11 : memref<128x64xf32, #tpu.memory_space<vmem>>) offsets(%dma_start3A_193 : memref<128xi32, #tpu.memory_space<vmem>>) semaphore(%arg15 : memref<!tpu.dma_semaphore, #tpu.memory_space<semaphore_mem>>)
        } else {
        }
        %add3A_174 = arith.constant 3 : i32
        %add3A_175 = arith.addi %mul3A_74, %add3A_174 : i32
        %dma_wait3A_176 = arith.constant 0 : i32
        %dma_wait3A_177 = tpu.memref_slice %arg8[%add3A_175, %dma_wait3A_176] : memref<152x128xi32, #tpu.memory_space<vmem>> -> memref<1x128xi32, #tpu.memory_space<vmem>>
        %dma_wait3A_178 = tpu.memref_squeeze %dma_wait3A_177 : memref<1x128xi32, #tpu.memory_space<vmem>> -> memref<128xi32, #tpu.memory_space<vmem>>
        %dma_wait3A_179 = arith.constant 0 : i32
        %dma_wait3A_180 = arith.constant 0 : i32
        %dma_wait3A_181 = tpu.memref_slice %arg21[%dma_wait3A_179, %dma_wait3A_180] : memref<10240x64xf32, #tpu.memory_space<vmem_shared>> -> memref<10240x64xf32, #tpu.memory_space<vmem_shared>>
        tpu.wait_indirect_dma semaphore(%arg20 : memref<!tpu.dma_semaphore, #tpu.memory_space<semaphore_mem>>) src(%arg12 : memref<128x64xf32, #tpu.memory_space<vmem>>) dst(%dma_wait3A_181 : memref<10240x64xf32, #tpu.memory_space<vmem_shared>>)
        %add3A_182 = arith.constant 1 : i32
        %add3A_183 = arith.addi %scan3A_72, %add3A_182 : i32
        %lt3A_184 = arith.constant 2 : i32
        %lt3A_185 = arith.cmpi slt, %add3A_183, %lt3A_184 : i32
        %convert_element_type3A_186 = arith.extui %lt3A_185 : i1 to i32
        %cond3A_187 = arith.constant 0 : i32
        %cond3A_188 = arith.cmpi ne, %convert_element_type3A_186, %cond3A_187 : i32
        scf.if %cond3A_188 {
          %add3A_189 = arith.constant 4 : i32
          %add3A_190 = arith.addi %add3A_175, %add3A_189 : i32
          %dma_start3A_191 = arith.constant 0 : i32
          %dma_start3A_192 = tpu.memref_slice %arg7[%add3A_190, %dma_start3A_191] : memref<152x128xi32, #tpu.memory_space<vmem>> -> memref<1x128xi32, #tpu.memory_space<vmem>>
          %dma_start3A_193 = tpu.memref_squeeze %dma_start3A_192 : memref<1x128xi32, #tpu.memory_space<vmem>> -> memref<128xi32, #tpu.memory_space<vmem>>
          %dma_start3A_194 = arith.constant 0 : i32
          %dma_start3A_195 = arith.constant 0 : i32
          %dma_start3A_196 = tpu.memref_slice %arg2[%dma_start3A_194, %dma_start3A_195] : memref<10240x64xf32, #tpu.memory_space<hbm>> -> memref<10240x64xf32, #tpu.memory_space<hbm>>
          tpu.enqueue_indirect_dma source(%dma_start3A_196 : memref<10240x64xf32, #tpu.memory_space<hbm>>) target(%arg12 : memref<128x64xf32, #tpu.memory_space<vmem>>) offsets(%dma_start3A_193 : memref<128xi32, #tpu.memory_space<vmem>>) semaphore(%arg16 : memref<!tpu.dma_semaphore, #tpu.memory_space<semaphore_mem>>)
        } else {
        }
      }
      %scan3A_66 = arith.constant 2 : i32
      %barrier3A_67 = arith.constant 0 : index
      tpu.barrier barrier_id(%barrier3A_67)
      %mul3A_68 = arith.constant 640 : i32
      %mul3A_69 = arith.muli %arg1, %mul3A_68 : i32
      %mul3A_70 = arith.constant 640 : i32
      %mul3A_71 = arith.muli %arg1, %mul3A_70 : i32
      "tpu.region"() ({
        %run_scoped3A = tpu.sem_alloc : memref<!tpu.dma_semaphore, #tpu.memory_space<semaphore_mem>>
        %dma_start3A_72 = arith.constant 0 : i32
        %dma_start3A_73 = tpu.memref_slice %arg6[%mul3A_71, %dma_start3A_72] : memref<10240x64xf32, #tpu.memory_space<hbm>> -> memref<640x64xf32, #tpu.memory_space<hbm>>
        %dma_start3A_74 = arith.constant 0 : i32
        %dma_start3A_75 = tpu.memref_slice %arg21[%mul3A_69, %dma_start3A_74] : memref<10240x64xf32, #tpu.memory_space<vmem_shared>> -> memref<640x64xf32, #tpu.memory_space<vmem_shared>>
        tpu.enqueue_dma source(%dma_start3A_75 : memref<640x64xf32, #tpu.memory_space<vmem_shared>>) target(%dma_start3A_73 : memref<640x64xf32, #tpu.memory_space<hbm>>) target_semaphore(%run_scoped3A : memref<!tpu.dma_semaphore, #tpu.memory_space<semaphore_mem>>)
        %dma_wait3A = arith.constant 0 : i32
        %dma_wait3A_76 = tpu.memref_slice %arg6[%mul3A_71, %dma_wait3A] : memref<10240x64xf32, #tpu.memory_space<hbm>> -> memref<640x64xf32, #tpu.memory_space<hbm>>
        %dma_wait3A_77 = arith.constant 0 : i32
        %dma_wait3A_78 = tpu.memref_slice %arg21[%mul3A_69, %dma_wait3A_77] : memref<10240x64xf32, #tpu.memory_space<vmem_shared>> -> memref<640x64xf32, #tpu.memory_space<vmem_shared>>
        tpu.wait_dma2 semaphore(%run_scoped3A : memref<!tpu.dma_semaphore, #tpu.memory_space<semaphore_mem>>) src(%dma_wait3A_78 : memref<640x64xf32, #tpu.memory_space<vmem_shared>>) dst(%dma_wait3A_76 : memref<640x64xf32, #tpu.memory_space<hbm>>)
        tpu.yield
      }) : () -> ()
    } else {
    }
    return
  }
}

module attributes {stable_mosaic.version = 14 : i64} {
  func.func @_mm1_body(%arg0: i32, %arg1: memref<512x128xf32, #tpu.memory_space<vmem>>, %arg2: memref<128x64xf32, #tpu.memory_space<vmem>>, %arg3: memref<512x64xf32, #tpu.memory_space<vmem>>) attributes {dimension_semantics = [#tpu.dimension_semantics<arbitrary>], iteration_bounds = array<i64: 20>, scalar_prefetch = 0 : i64, scratch_operands = 0 : i64, tpu.core_type = #tpu.core_type<tc>, window_params = [{transform_indices = @transform_0, window_bounds = array<i64: 512, 128>}, {pipeline_mode = #tpu.pipeline_mode<synchronous>, transform_indices = @transform_1, window_bounds = array<i64: 128, 64>}, {transform_indices = @transform_2, window_bounds = array<i64: 512, 64>}]} {
    %get3A = arith.constant 0 : index
    %get3A_0 = arith.constant 0 : index
    %get3A_1 = vector.load %arg1[%get3A, %get3A_0] : memref<512x128xf32, #tpu.memory_space<vmem>>, vector<512x128xf32>
    %get3A_2 = arith.constant 0 : index
    %get3A_3 = arith.constant 0 : index
    %get3A_4 = vector.load %arg2[%get3A_2, %get3A_3] : memref<128x64xf32, #tpu.memory_space<vmem>>, vector<128x64xf32>
    %dot_general3A = arith.constant dense<0.000000e+00> : vector<512x64xf32>
    %dot_general3A_5 = tpu.matmul %get3A_1, %get3A_4, %dot_general3A {dimension_numbers = #tpu.dot_dimension_numbers<[1], [0], [0], [1], [0, 0, 1, 1], [], []>, transpose_lhs_hint = false} : vector<512x128xf32>, vector<128x64xf32>, vector<512x64xf32> -> vector<512x64xf32>
    %swap3A = arith.constant 0 : index
    %swap3A_6 = arith.constant 0 : index
    %swap3A_7 = vector.load %arg3[%swap3A, %swap3A_6] : memref<512x64xf32, #tpu.memory_space<vmem>>, vector<512x64xf32>
    tpu.vector_store %arg3[%swap3A, %swap3A_6], %dot_general3A_5 {strides = array<i32>} : memref<512x64xf32, #tpu.memory_space<vmem>>, vector<512x64xf32>,
    return
  }
  func.func @transform_0(%arg0: i32) -> (i32, i32) {
    %c0_i32 = arith.constant 0 : i32
    %c0_i32_0 = arith.constant 0 : i32
    return %arg0, %c0_i32 : i32, i32
  }
  func.func @transform_1(%arg0: i32) -> (i32, i32) {
    %c0_i32 = arith.constant 0 : i32
    %c0_i32_0 = arith.constant 0 : i32
    %c0_i32_1 = arith.constant 0 : i32
    return %c0_i32, %c0_i32_0 : i32, i32
  }
  func.func @transform_2(%arg0: i32) -> (i32, i32) {
    %c0_i32 = arith.constant 0 : i32
    %c0_i32_0 = arith.constant 0 : i32
    return %arg0, %c0_i32 : i32, i32
  }
}

module attributes {stable_mosaic.version = 14 : i64} {
  func.func @_dinv_body(%arg0: i32, %arg1: memref<2x512x16xf32, #tpu.memory_space<vmem>>, %arg2: memref<512x64xf32, #tpu.memory_space<vmem>>, %arg3: memref<512x1xf32, #tpu.memory_space<vmem>>, %arg4: memref<512x64xf32, #tpu.memory_space<vmem>>) attributes {dimension_semantics = [#tpu.dimension_semantics<arbitrary>], iteration_bounds = array<i64: 20>, scalar_prefetch = 0 : i64, scratch_operands = 0 : i64, tpu.core_type = #tpu.core_type<tc>, window_params = [{transform_indices = @transform_0, window_bounds = array<i64: 2, 512, 16>}, {transform_indices = @transform_1, window_bounds = array<i64: 512, 64>}, {transform_indices = @transform_2, window_bounds = array<i64: 512, 1>}, {transform_indices = @transform_3, window_bounds = array<i64: 512, 64>}]} {
    %get3A = arith.constant 0 : index
    %get3A_0 = arith.constant 0 : index
    %get3A_1 = arith.constant 0 : index
    %get3A_2 = vector.load %arg1[%get3A, %get3A_0, %get3A_1] : memref<2x512x16xf32, #tpu.memory_space<vmem>>, vector<1x512x1xf32>
    %get3A_3 = vector.shape_cast %get3A_2 : vector<1x512x1xf32> to vector<512x1xf32>
    %get3A_4 = arith.constant 1 : index
    %get3A_5 = arith.constant 0 : index
    %get3A_6 = arith.constant 0 : index
    %get3A_7 = vector.load %arg1[%get3A_4, %get3A_5, %get3A_6] : memref<2x512x16xf32, #tpu.memory_space<vmem>>, vector<1x512x1xf32>
    %get3A_8 = vector.shape_cast %get3A_7 : vector<1x512x1xf32> to vector<512x1xf32>
    %add3A = arith.addf %get3A_3, %get3A_8 : vector<512x1xf32>
    %add3A_9 = arith.constant 1.000000e+00 : f32
    %add3A_10 = vector.broadcast %add3A_9 : f32 to vector<512x1xf32>
    %add3A_11 = arith.addf %add3A, %add3A_10 : vector<512x1xf32>
    %rsqrt3A = math.rsqrt %add3A_11 : vector<512x1xf32>
    %swap3A = arith.constant 0 : index
    %swap3A_12 = arith.constant 0 : index
    %swap3A_13 = vector.load %arg3[%swap3A, %swap3A_12] : memref<512x1xf32, #tpu.memory_space<vmem>>, vector<512x1xf32>
    tpu.vector_store %arg3[%swap3A, %swap3A_12], %rsqrt3A {strides = array<i32>} : memref<512x1xf32, #tpu.memory_space<vmem>>, vector<512x1xf32>,
    %get3A_14 = arith.constant 0 : index
    %get3A_15 = arith.constant 0 : index
    %get3A_16 = vector.load %arg2[%get3A_14, %get3A_15] : memref<512x64xf32, #tpu.memory_space<vmem>>, vector<512x64xf32>
    %mul3A = vector.broadcast %rsqrt3A : vector<512x1xf32> to vector<512x64xf32>
    %mul3A_17 = arith.mulf %get3A_16, %mul3A : vector<512x64xf32>
    %swap3A_18 = arith.constant 0 : index
    %swap3A_19 = arith.constant 0 : index
    %swap3A_20 = vector.load %arg4[%swap3A_18, %swap3A_19] : memref<512x64xf32, #tpu.memory_space<vmem>>, vector<512x64xf32>
    tpu.vector_store %arg4[%swap3A_18, %swap3A_19], %mul3A_17 {strides = array<i32>} : memref<512x64xf32, #tpu.memory_space<vmem>>, vector<512x64xf32>,
    return
  }
  func.func @transform_0(%arg0: i32) -> (i32, i32, i32) {
    %c0_i32 = arith.constant 0 : i32
    %c0_i32_0 = arith.constant 0 : i32
    %c0_i32_1 = arith.constant 0 : i32
    return %c0_i32, %arg0, %c0_i32_0 : i32, i32, i32
  }
  func.func @transform_1(%arg0: i32) -> (i32, i32) {
    %c0_i32 = arith.constant 0 : i32
    %c0_i32_0 = arith.constant 0 : i32
    return %arg0, %c0_i32 : i32, i32
  }
  func.func @transform_2(%arg0: i32) -> (i32, i32) {
    %c0_i32 = arith.constant 0 : i32
    %c0_i32_0 = arith.constant 0 : i32
    return %arg0, %c0_i32 : i32, i32
  }
  func.func @transform_3(%arg0: i32) -> (i32, i32) {
    %c0_i32 = arith.constant 0 : i32
    %c0_i32_0 = arith.constant 0 : i32
    return %arg0, %c0_i32 : i32, i32
  }
}

module attributes {stable_mosaic.version = 14 : i64} {
  func.func @_mid_body(%arg0: i32, %arg1: memref<512x64xf32, #tpu.memory_space<vmem>>, %arg2: memref<512x64xf32, #tpu.memory_space<vmem>>, %arg3: memref<512x64xf32, #tpu.memory_space<vmem>>, %arg4: memref<512x1xf32, #tpu.memory_space<vmem>>, %arg5: memref<1x64xf32, #tpu.memory_space<vmem>>, %arg6: memref<64x64xf32, #tpu.memory_space<vmem>>, %arg7: memref<512x64xf32, #tpu.memory_space<vmem>>) attributes {dimension_semantics = [#tpu.dimension_semantics<arbitrary>], iteration_bounds = array<i64: 20>, scalar_prefetch = 0 : i64, scratch_operands = 0 : i64, tpu.core_type = #tpu.core_type<tc>, window_params = [{transform_indices = @transform_0, window_bounds = array<i64: 512, 64>}, {transform_indices = @transform_1, window_bounds = array<i64: 512, 64>}, {transform_indices = @transform_2, window_bounds = array<i64: 512, 64>}, {transform_indices = @transform_3, window_bounds = array<i64: 512, 1>}, {pipeline_mode = #tpu.pipeline_mode<synchronous>, transform_indices = @transform_4, window_bounds = array<i64: 1, 64>}, {pipeline_mode = #tpu.pipeline_mode<synchronous>, transform_indices = @transform_5, window_bounds = array<i64: 64, 64>}, {transform_indices = @transform_6, window_bounds = array<i64: 512, 64>}]} {
    %get3A = arith.constant 0 : index
    %get3A_0 = arith.constant 0 : index
    %get3A_1 = vector.load %arg4[%get3A, %get3A_0] : memref<512x1xf32, #tpu.memory_space<vmem>>, vector<512x1xf32>
    %get3A_2 = arith.constant 0 : index
    %get3A_3 = arith.constant 0 : index
    %get3A_4 = vector.load %arg1[%get3A_2, %get3A_3] : memref<512x64xf32, #tpu.memory_space<vmem>>, vector<512x64xf32>
    %get3A_5 = arith.constant 0 : index
    %get3A_6 = arith.constant 0 : index
    %get3A_7 = vector.load %arg2[%get3A_5, %get3A_6] : memref<512x64xf32, #tpu.memory_space<vmem>>, vector<512x64xf32>
    %add3A = arith.addf %get3A_4, %get3A_7 : vector<512x64xf32>
    %get3A_8 = arith.constant 0 : index
    %get3A_9 = arith.constant 0 : index
    %get3A_10 = vector.load %arg3[%get3A_8, %get3A_9] : memref<512x64xf32, #tpu.memory_space<vmem>>, vector<512x64xf32>
    %add3A_11 = arith.addf %add3A, %get3A_10 : vector<512x64xf32>
    %mul3A = vector.broadcast %get3A_1 : vector<512x1xf32> to vector<512x64xf32>
    %mul3A_12 = arith.mulf %add3A_11, %mul3A : vector<512x64xf32>
    %get3A_13 = arith.constant 0 : index
    %get3A_14 = arith.constant 0 : index
    %get3A_15 = vector.load %arg5[%get3A_13, %get3A_14] : memref<1x64xf32, #tpu.memory_space<vmem>>, vector<1x64xf32>
    %add3A_16 = vector.broadcast %get3A_15 : vector<1x64xf32> to vector<512x64xf32>
    %add3A_17 = arith.addf %mul3A_12, %add3A_16 : vector<512x64xf32>
    %max3A = arith.constant 0.000000e+00 : f32
    %max3A_18 = vector.broadcast %max3A : f32 to vector<512x64xf32>
    %max3A_19 = arith.maximumf %add3A_17, %max3A_18 : vector<512x64xf32>
    %mul3A_20 = vector.broadcast %get3A_1 : vector<512x1xf32> to vector<512x64xf32>
    %mul3A_21 = arith.mulf %max3A_19, %mul3A_20 : vector<512x64xf32>
    %get3A_22 = arith.constant 0 : index
    %get3A_23 = arith.constant 0 : index
    %get3A_24 = vector.load %arg6[%get3A_22, %get3A_23] : memref<64x64xf32, #tpu.memory_space<vmem>>, vector<64x64xf32>
    %dot_general3A = arith.constant dense<0.000000e+00> : vector<512x64xf32>
    %dot_general3A_25 = tpu.matmul %mul3A_21, %get3A_24, %dot_general3A {dimension_numbers = #tpu.dot_dimension_numbers<[1], [0], [0], [1], [0, 0, 1, 1], [], []>, transpose_lhs_hint = false} : vector<512x64xf32>, vector<64x64xf32>, vector<512x64xf32> -> vector<512x64xf32>
    %swap3A = arith.constant 0 : index
    %swap3A_26 = arith.constant 0 : index
    %swap3A_27 = vector.load %arg7[%swap3A, %swap3A_26] : memref<512x64xf32, #tpu.memory_space<vmem>>, vector<512x64xf32>
    tpu.vector_store %arg7[%swap3A, %swap3A_26], %dot_general3A_25 {strides = array<i32>} : memref<512x64xf32, #tpu.memory_space<vmem>>, vector<512x64xf32>,
    return
  }
  func.func @transform_0(%arg0: i32) -> (i32, i32) {
    %c0_i32 = arith.constant 0 : i32
    %c0_i32_0 = arith.constant 0 : i32
    return %arg0, %c0_i32 : i32, i32
  }
  func.func @transform_1(%arg0: i32) -> (i32, i32) {
    %c0_i32 = arith.constant 0 : i32
    %c0_i32_0 = arith.constant 0 : i32
    return %arg0, %c0_i32 : i32, i32
  }
  func.func @transform_2(%arg0: i32) -> (i32, i32) {
    %c0_i32 = arith.constant 0 : i32
    %c0_i32_0 = arith.constant 0 : i32
    return %arg0, %c0_i32 : i32, i32
  }
  func.func @transform_3(%arg0: i32) -> (i32, i32) {
    %c0_i32 = arith.constant 0 : i32
    %c0_i32_0 = arith.constant 0 : i32
    return %arg0, %c0_i32 : i32, i32
  }
  func.func @transform_4(%arg0: i32) -> (i32, i32) {
    %c0_i32 = arith.constant 0 : i32
    %c0_i32_0 = arith.constant 0 : i32
    %c0_i32_1 = arith.constant 0 : i32
    return %c0_i32, %c0_i32_0 : i32, i32
  }
  func.func @transform_5(%arg0: i32) -> (i32, i32) {
    %c0_i32 = arith.constant 0 : i32
    %c0_i32_0 = arith.constant 0 : i32
    %c0_i32_1 = arith.constant 0 : i32
    return %c0_i32, %c0_i32_0 : i32, i32
  }
  func.func @transform_6(%arg0: i32) -> (i32, i32) {
    %c0_i32 = arith.constant 0 : i32
    %c0_i32_0 = arith.constant 0 : i32
    return %arg0, %c0_i32 : i32, i32
  }
}

module attributes {stable_mosaic.version = 14 : i64} {
  func.func @_head_body(%arg0: memref<64x64xf32, #tpu.memory_space<vmem>>, %arg1: memref<64x1xf32, #tpu.memory_space<vmem>>, %arg2: memref<1x64xf32, #tpu.memory_space<vmem>>, %arg3: memref<1x64xf32, #tpu.memory_space<vmem>>, %arg4: memref<1x64xf32, #tpu.memory_space<vmem>>, %arg5: memref<1x64xf32, #tpu.memory_space<vmem>>, %arg6: memref<64x128xf32, #tpu.memory_space<vmem>>, %arg7: memref<1x128xf32, #tpu.memory_space<vmem>>, %arg8: memref<64x64xf32, #tpu.memory_space<vmem>>, %arg9: memref<64x128xf32, #tpu.memory_space<vmem>>) attributes {dimension_semantics = [], scalar_prefetch = 0 : i64, scratch_operands = 0 : i64, tpu.core_type = #tpu.core_type<tc>} {
    %get3A = arith.constant 0 : index
    %get3A_0 = arith.constant 0 : index
    %get3A_1 = vector.load %arg1[%get3A, %get3A_0] : memref<64x1xf32, #tpu.memory_space<vmem>>, vector<64x1xf32>
    %max3A = arith.constant 1.000000e+00 : f32
    %max3A_2 = vector.broadcast %max3A : f32 to vector<64x1xf32>
    %max3A_3 = arith.maximumf %get3A_1, %max3A_2 : vector<64x1xf32>
    %get3A_4 = arith.constant 0 : index
    %get3A_5 = arith.constant 0 : index
    %get3A_6 = vector.load %arg0[%get3A_4, %get3A_5] : memref<64x64xf32, #tpu.memory_space<vmem>>, vector<64x64xf32>
    %div3A = vector.broadcast %max3A_3 : vector<64x1xf32> to vector<64x64xf32>
    %div3A_7 = arith.divf %get3A_6, %div3A : vector<64x64xf32>
    %get3A_8 = arith.constant 0 : index
    %get3A_9 = arith.constant 0 : index
    %get3A_10 = vector.load %arg5[%get3A_8, %get3A_9] : memref<1x64xf32, #tpu.memory_space<vmem>>, vector<1x64xf32>
    %add3A = arith.constant 9.99999974E-6 : f32
    %add3A_11 = vector.broadcast %add3A : f32 to vector<1x64xf32>
    %add3A_12 = arith.addf %get3A_10, %add3A_11 : vector<1x64xf32>
    %rsqrt3A = math.rsqrt %add3A_12 : vector<1x64xf32>
    %get3A_13 = arith.constant 0 : index
    %get3A_14 = arith.constant 0 : index
    %get3A_15 = vector.load %arg2[%get3A_13, %get3A_14] : memref<1x64xf32, #tpu.memory_space<vmem>>, vector<1x64xf32>
    %mul3A = arith.mulf %rsqrt3A, %get3A_15 : vector<1x64xf32>
    %get3A_16 = arith.constant 0 : index
    %get3A_17 = arith.constant 0 : index
    %get3A_18 = vector.load %arg4[%get3A_16, %get3A_17] : memref<1x64xf32, #tpu.memory_space<vmem>>, vector<1x64xf32>
    %sub3A = vector.broadcast %get3A_18 : vector<1x64xf32> to vector<64x64xf32>
    %sub3A_19 = arith.subf %div3A_7, %sub3A : vector<64x64xf32>
    %mul3A_20 = vector.broadcast %mul3A : vector<1x64xf32> to vector<64x64xf32>
    %mul3A_21 = arith.mulf %sub3A_19, %mul3A_20 : vector<64x64xf32>
    %get3A_22 = arith.constant 0 : index
    %get3A_23 = arith.constant 0 : index
    %get3A_24 = vector.load %arg3[%get3A_22, %get3A_23] : memref<1x64xf32, #tpu.memory_space<vmem>>, vector<1x64xf32>
    %add3A_25 = vector.broadcast %get3A_24 : vector<1x64xf32> to vector<64x64xf32>
    %add3A_26 = arith.addf %mul3A_21, %add3A_25 : vector<64x64xf32>
    %swap3A = arith.constant 0 : index
    %swap3A_27 = arith.constant 0 : index
    %swap3A_28 = vector.load %arg8[%swap3A, %swap3A_27] : memref<64x64xf32, #tpu.memory_space<vmem>>, vector<64x64xf32>
    tpu.vector_store %arg8[%swap3A, %swap3A_27], %add3A_26 {strides = array<i32>} : memref<64x64xf32, #tpu.memory_space<vmem>>, vector<64x64xf32>,
    %get3A_29 = arith.constant 0 : index
    %get3A_30 = arith.constant 0 : index
    %get3A_31 = vector.load %arg6[%get3A_29, %get3A_30] : memref<64x128xf32, #tpu.memory_space<vmem>>, vector<64x128xf32>
    %dot_general3A = arith.constant dense<0.000000e+00> : vector<64x128xf32>
    %dot_general3A_32 = tpu.matmul %add3A_26, %get3A_31, %dot_general3A {dimension_numbers = #tpu.dot_dimension_numbers<[1], [0], [0], [1], [0, 0, 1, 1], [], []>, transpose_lhs_hint = false} : vector<64x64xf32>, vector<64x128xf32>, vector<64x128xf32> -> vector<64x128xf32>
    %get3A_33 = arith.constant 0 : index
    %get3A_34 = arith.constant 0 : index
    %get3A_35 = vector.load %arg7[%get3A_33, %get3A_34] : memref<1x128xf32, #tpu.memory_space<vmem>>, vector<1x128xf32>
    %add3A_36 = vector.broadcast %get3A_35 : vector<1x128xf32> to vector<64x128xf32>
    %add3A_37 = arith.addf %dot_general3A_32, %add3A_36 : vector<64x128xf32>
    %max3A_38 = arith.constant 0.000000e+00 : f32
    %max3A_39 = vector.broadcast %max3A_38 : f32 to vector<64x128xf32>
    %max3A_40 = arith.maximumf %add3A_37, %max3A_39 : vector<64x128xf32>
    %swap3A_41 = arith.constant 0 : index
    %swap3A_42 = arith.constant 0 : index
    %swap3A_43 = vector.load %arg9[%swap3A_41, %swap3A_42] : memref<64x128xf32, #tpu.memory_space<vmem>>, vector<64x128xf32>
    tpu.vector_store %arg9[%swap3A_41, %swap3A_42], %max3A_40 {strides = array<i32>} : memref<64x128xf32, #tpu.memory_space<vmem>>, vector<64x128xf32>,
    return
  }
}

module attributes {stable_mosaic.version = 14 : i64} {
  func.func @_pool_body(%arg0: i32, %arg1: memref<512x64xf32, #tpu.memory_space<vmem>>, %arg2: memref<512x64xf32, #tpu.memory_space<vmem>>, %arg3: memref<512x64xf32, #tpu.memory_space<vmem>>, %arg4: memref<512x1xf32, #tpu.memory_space<vmem>>, %arg5: memref<1x64xf32, #tpu.memory_space<vmem>>, %arg6: memref<512x1xi32, #tpu.memory_space<vmem>>, %arg7: memref<64x64xf32, #tpu.memory_space<vmem>>, %arg8: memref<64x1xf32, #tpu.memory_space<vmem>>) attributes {dimension_semantics = [#tpu.dimension_semantics<arbitrary>], iteration_bounds = array<i64: 20>, scalar_prefetch = 0 : i64, scratch_operands = 0 : i64, tpu.core_type = #tpu.core_type<tc>, window_params = [{transform_indices = @transform_0, window_bounds = array<i64: 512, 64>}, {transform_indices = @transform_1, window_bounds = array<i64: 512, 64>}, {transform_indices = @transform_2, window_bounds = array<i64: 512, 64>}, {transform_indices = @transform_3, window_bounds = array<i64: 512, 1>}, {pipeline_mode = #tpu.pipeline_mode<synchronous>, transform_indices = @transform_4, window_bounds = array<i64: 1, 64>}, {transform_indices = @transform_5, window_bounds = array<i64: 512, 1>}, {pipeline_mode = #tpu.pipeline_mode<synchronous>, transform_indices = @transform_6, window_bounds = array<i64: 64, 64>}, {pipeline_mode = #tpu.pipeline_mode<synchronous>, transform_indices = @transform_7, window_bounds = array<i64: 64, 1>}]} {
    %get3A = arith.constant 0 : index
    %get3A_0 = arith.constant 0 : index
    %get3A_1 = vector.load %arg4[%get3A, %get3A_0] : memref<512x1xf32, #tpu.memory_space<vmem>>, vector<512x1xf32>
    %get3A_2 = arith.constant 0 : index
    %get3A_3 = arith.constant 0 : index
    %get3A_4 = vector.load %arg1[%get3A_2, %get3A_3] : memref<512x64xf32, #tpu.memory_space<vmem>>, vector<512x64xf32>
    %get3A_5 = arith.constant 0 : index
    %get3A_6 = arith.constant 0 : index
    %get3A_7 = vector.load %arg2[%get3A_5, %get3A_6] : memref<512x64xf32, #tpu.memory_space<vmem>>, vector<512x64xf32>
    %add3A = arith.addf %get3A_4, %get3A_7 : vector<512x64xf32>
    %get3A_8 = arith.constant 0 : index
    %get3A_9 = arith.constant 0 : index
    %get3A_10 = vector.load %arg3[%get3A_8, %get3A_9] : memref<512x64xf32, #tpu.memory_space<vmem>>, vector<512x64xf32>
    %add3A_11 = arith.addf %add3A, %get3A_10 : vector<512x64xf32>
    %mul3A = vector.broadcast %get3A_1 : vector<512x1xf32> to vector<512x64xf32>
    %mul3A_12 = arith.mulf %add3A_11, %mul3A : vector<512x64xf32>
    %get3A_13 = arith.constant 0 : index
    %get3A_14 = arith.constant 0 : index
    %get3A_15 = vector.load %arg5[%get3A_13, %get3A_14] : memref<1x64xf32, #tpu.memory_space<vmem>>, vector<1x64xf32>
    %add3A_16 = vector.broadcast %get3A_15 : vector<1x64xf32> to vector<512x64xf32>
    %add3A_17 = arith.addf %mul3A_12, %add3A_16 : vector<512x64xf32>
    %max3A = arith.constant 0.000000e+00 : f32
    %max3A_18 = vector.broadcast %max3A : f32 to vector<512x64xf32>
    %max3A_19 = arith.maximumf %add3A_17, %max3A_18 : vector<512x64xf32>
    %get3A_20 = arith.constant 0 : index
    %get3A_21 = arith.constant 0 : index
    %get3A_22 = vector.load %arg6[%get3A_20, %get3A_21] : memref<512x1xi32, #tpu.memory_space<vmem>>, vector<512x1xi32>
    %iota3A = tpu.iota {dimensions = array<i32: 1>} : vector<512x64xi32>
    %eq3A = vector.broadcast %get3A_22 : vector<512x1xi32> to vector<512x64xi32>
    %eq3A_23 = arith.cmpi eq, %eq3A, %iota3A : vector<512x64xi32>
    %convert_element_type3A = arith.extui %eq3A_23 : vector<512x64xi1> to vector<512x64xi32>
    %convert_element_type3A_24 = arith.sitofp %convert_element_type3A : vector<512x64xi32> to vector<512x64xf32>
    %dot_general3A = arith.constant dense<0.000000e+00> : vector<64x64xf32>
    %dot_general3A_25 = tpu.matmul %convert_element_type3A_24, %max3A_19, %dot_general3A {dimension_numbers = #tpu.dot_dimension_numbers<[0], [0], [1], [1], [0, 1, 1, 1], [], []>, transpose_lhs_hint = false} : vector<512x64xf32>, vector<512x64xf32>, vector<64x64xf32> -> vector<64x64xf32>
    %broadcast_in_dim3A = arith.constant 1.000000e+00 : f32
    %broadcast_in_dim3A_26 = vector.broadcast %broadcast_in_dim3A : f32 to vector<512x1xf32>
    %dot_general3A_27 = arith.constant dense<0.000000e+00> : vector<64x1xf32>
    %dot_general3A_28 = tpu.matmul %convert_element_type3A_24, %broadcast_in_dim3A_26, %dot_general3A_27 {dimension_numbers = #tpu.dot_dimension_numbers<[0], [0], [1], [1], [0, 1, 1, 1], [], []>, transpose_lhs_hint = false} : vector<512x64xf32>, vector<512x1xf32>, vector<64x1xf32> -> vector<64x1xf32>
    %eq3A_29 = arith.constant 0 : i32
    %eq3A_30 = arith.cmpi eq, %arg0, %eq3A_29 : i32
    %convert_element_type3A_31 = arith.extui %eq3A_30 : i1 to i32
    %cond3A = arith.constant 0 : i32
    %cond3A_32 = arith.cmpi ne, %convert_element_type3A_31, %cond3A : i32
    scf.if %cond3A_32 {
      %swap3A = arith.constant 0 : index
      %swap3A_37 = arith.constant 0 : index
      %swap3A_38 = vector.load %arg7[%swap3A, %swap3A_37] : memref<64x64xf32, #tpu.memory_space<vmem>>, vector<64x64xf32>
      tpu.vector_store %arg7[%swap3A, %swap3A_37], %dot_general3A_25 {strides = array<i32>} : memref<64x64xf32, #tpu.memory_space<vmem>>, vector<64x64xf32>,
      %swap3A_39 = arith.constant 0 : index
      %swap3A_40 = arith.constant 0 : index
      %swap3A_41 = vector.load %arg8[%swap3A_39, %swap3A_40] : memref<64x1xf32, #tpu.memory_space<vmem>>, vector<64x1xf32>
      tpu.vector_store %arg8[%swap3A_39, %swap3A_40], %dot_general3A_28 {strides = array<i32>} : memref<64x1xf32, #tpu.memory_space<vmem>>, vector<64x1xf32>,
    } else {
    }
    %gt3A = arith.constant 0 : i32
    %gt3A_33 = arith.cmpi sgt, %arg0, %gt3A : i32
    %convert_element_type3A_34 = arith.extui %gt3A_33 : i1 to i32
    %cond3A_35 = arith.constant 0 : i32
    %cond3A_36 = arith.cmpi ne, %convert_element_type3A_34, %cond3A_35 : i32
    scf.if %cond3A_36 {
      %get3A_37 = arith.constant 0 : index
      %get3A_38 = arith.constant 0 : index
      %get3A_39 = vector.load %arg7[%get3A_37, %get3A_38] : memref<64x64xf32, #tpu.memory_space<vmem>>, vector<64x64xf32>
      %add3A_40 = arith.addf %get3A_39, %dot_general3A_25 : vector<64x64xf32>
      %swap3A = arith.constant 0 : index
      %swap3A_41 = arith.constant 0 : index
      %swap3A_42 = vector.load %arg7[%swap3A, %swap3A_41] : memref<64x64xf32, #tpu.memory_space<vmem>>, vector<64x64xf32>
      tpu.vector_store %arg7[%swap3A, %swap3A_41], %add3A_40 {strides = array<i32>} : memref<64x64xf32, #tpu.memory_space<vmem>>, vector<64x64xf32>,
      %get3A_43 = arith.constant 0 : index
      %get3A_44 = arith.constant 0 : index
      %get3A_45 = vector.load %arg8[%get3A_43, %get3A_44] : memref<64x1xf32, #tpu.memory_space<vmem>>, vector<64x1xf32>
      %add3A_46 = arith.addf %get3A_45, %dot_general3A_28 : vector<64x1xf32>
      %swap3A_47 = arith.constant 0 : index
      %swap3A_48 = arith.constant 0 : index
      %swap3A_49 = vector.load %arg8[%swap3A_47, %swap3A_48] : memref<64x1xf32, #tpu.memory_space<vmem>>, vector<64x1xf32>
      tpu.vector_store %arg8[%swap3A_47, %swap3A_48], %add3A_46 {strides = array<i32>} : memref<64x1xf32, #tpu.memory_space<vmem>>, vector<64x1xf32>,
    } else {
    }
    return
  }
  func.func @transform_0(%arg0: i32) -> (i32, i32) {
    %c0_i32 = arith.constant 0 : i32
    %c0_i32_0 = arith.constant 0 : i32
    return %arg0, %c0_i32 : i32, i32
  }
  func.func @transform_1(%arg0: i32) -> (i32, i32) {
    %c0_i32 = arith.constant 0 : i32
    %c0_i32_0 = arith.constant 0 : i32
    return %arg0, %c0_i32 : i32, i32
  }
  func.func @transform_2(%arg0: i32) -> (i32, i32) {
    %c0_i32 = arith.constant 0 : i32
    %c0_i32_0 = arith.constant 0 : i32
    return %arg0, %c0_i32 : i32, i32
  }
  func.func @transform_3(%arg0: i32) -> (i32, i32) {
    %c0_i32 = arith.constant 0 : i32
    %c0_i32_0 = arith.constant 0 : i32
    return %arg0, %c0_i32 : i32, i32
  }
  func.func @transform_4(%arg0: i32) -> (i32, i32) {
    %c0_i32 = arith.constant 0 : i32
    %c0_i32_0 = arith.constant 0 : i32
    %c0_i32_1 = arith.constant 0 : i32
    return %c0_i32, %c0_i32_0 : i32, i32
  }
  func.func @transform_5(%arg0: i32) -> (i32, i32) {
    %c0_i32 = arith.constant 0 : i32
    %c0_i32_0 = arith.constant 0 : i32
    return %arg0, %c0_i32 : i32, i32
  }
  func.func @transform_6(%arg0: i32) -> (i32, i32) {
    %c0_i32 = arith.constant 0 : i32
    %c0_i32_0 = arith.constant 0 : i32
    %c0_i32_1 = arith.constant 0 : i32
    return %c0_i32, %c0_i32_0 : i32, i32
  }
  func.func @transform_7(%arg0: i32) -> (i32, i32) {
    %c0_i32 = arith.constant 0 : i32
    %c0_i32_0 = arith.constant 0 : i32
    %c0_i32_1 = arith.constant 0 : i32
    return %c0_i32, %c0_i32_0 : i32, i32
  }
}

</mosaic_0001>

<sc_bundles>
// kernel: kernel.12.cloned.1.call-start
scs
__scs_entry_jumppad:
0x0: {  	(pc) =	sbr.rel $0x88, $3  }
0x1: {  	(tag) =	ssettag $0x0;
	lr =	simm.s32 $0x1  }
0x2: {  	[smem:$0x3F92] =	sst lr;
	_ =	strace $0xD0000000  }
0x3: {  	_ = 	snop  }
0x4: {  	_ = 	snop  }
0x5: {  	_ = 	snop  }
0x6: {  	_ = 	snop  }
0x7: {  	_ = 	snop  }
__scs_overlays_trampoline_lowered:
0x8: {  	[smem:$0x3FA1] =	sst s0  }
0x9: {  	[smem:$0x3FA2] =	sst s1  }
0xa: {  	[smem:$0x3FA3] =	sst s2  }
0xb: {  	[smem:$0x3FA4] =	sst s3  }
0xc: {  	[smem:$0x3FA5] =	sst s4  }
0xd: {  	[smem:$0x3FA6] =	sst s5  }
0xe: {  	[smem:$0x3FA7] =	sst s6  }
0xf: {  	[smem:$0x3FA8] =	sst s7  }
0x10: {  	[smem:$0x3FA9] =	sst s8  }
0x11: {  	[smem:$0x3FAA] =	sst s9;
	s0 =	simm.s32 @!p0 $0x0  }
0x12: {  	s1 =	sld [smem:$0x3F90];
	s0 =	simm.s32 @p0 $0x1  }
0x13: {  	[smem:$0x3FAB] =	sst s0;
	s0 =	simm.s32 @!p1 $0x0  }
0x14: {  	s2 =	sld [smem:$0x3F8F];
	s0 =	simm.s32 @p1 $0x1  }
0x15: {  	[smem:$0x3FAC] =	sst s0;
	s0 =	simm.s32 @!p2 $0x0  }
0x16: {  	s3 =	sld [smem:$0x3FDB];
	s0 =	simm.s32 @p2 $0x1  }
0x17: {  	s4 =	simm.s32 $0x1BF5;
	[smem:$0x3FAE] =	sst s0  }
0x18: {  	s0 =	sld [smem:$0x3F91];
	_ =	swait.ge [sflag:s4], $0x0  }
0x19: {  	s7 =	sld [smem:$0x3F92]  }
0x1a: {  	s8 =	sadd.s32 $0xFFFFE003, lr  }
0x1b: {  	s9 =	sadd.s32 $0xFFFFFEF7, lr;
	s5 =	simm.s32 $0xFFFFFFFF;
	p2 =	slt.u32 s8, $0xFFFFF086  }
0x1c: {  	p1 =	slt.u32 s9, $0xF7A;
	s5 =	simm.s32 @!p2 $0x0  }
0x1d: {  	s5 =	simm.s32 @p1 $0x1;
	p0 =	seq.s32 s7, s2  }
0x1e: {  	s7 =	smul.u32 @!p0 $0xF7A, s2;
	p2 =	seq.s32 @!p0 s5, $0x0  }
0x1f: {  	s9 =	smul.u32 $0xF7A, s1;
	s8 =	simm.s32 @!p0 $0x1BF5;
	p2 =	por !p2, p0  }
0x20: {  	[sflag:s8] =	ssyncset.s32 @!p0 $0xFFFFF086;
	s6 =	sadd.s32 @!p0 s3, s7;
	s7 =	simm.s32 @!p0 $0x108  }
0x21: {  	s3 =	sadd.s32 s3, s9;
	s6 =	sadd.s32 @!p0 $0x88, s6;
	s7 =	simm.s32 @p2 $0x1082  }
0x22: {  	[simem:s7], [sflag:s8] =	dma.local @!p0 [hbm:s6], $0xF7A  }
0x23: {  	s9 =	sor.u32 $0xD0000000, s2;
	s6 =	simm.s32 $0x108;
	_ =	swait.ge @!p0 [sflag:s8], $0x0  }
0x24: {  	s3 =	sadd.s32 $0x88, s3;
	s6 =	simm.s32 @!p1 $0x1082;
	[sflag:s4] =	ssyncset.s32 $0xFFFFF086  }
0x25: {  	[simem:s6], [sflag:s4] =	dma.local [hbm:s3], $0xF7A  }
0x26: {  	[smem:$0x3F92] =	sst s1;
	(tag) =	ssettag s2;
	_ =	strace s9  }
0x27: {  	s1 =	sld [smem:$0x3FA2]  }
0x28: {  	s2 =	sld [smem:$0x3FA3]  }
0x29: {  	s4 =	sld [smem:$0x3FA5]  }
0x2a: {  	p0 =	seq.s32 s5, $0x0;
	s5 =	sld [smem:$0x3FA6]  }
0x2b: {  	s6 =	sld [smem:$0x3FA7]  }
0x2c: {  	s7 =	sld [smem:$0x3FA8]  }
0x2d: {  	s3 =	simm.s32 $0x108;
	s8 =	sld [smem:$0x3FA9]  }
0x2e: {  	s3 =	simm.s32 @!p0 $0x1082;
	s9 =	sld [smem:$0x3FAA]  }
0x2f: {  	lr =	sadd.s32 s0, s3;
	s0 =	sld [smem:$0x3FA1]  }
0x30: {  	s3 =	sld [smem:$0x3FA4]  }
0x31: {  	[smem:$0x3FAD] =	sst s10  }
0x32: {  	s10 =	sld [smem:$0x3FAB];
	_ =	sdelay $0x3  }
0x33: {  	p0 =	seq.s32 s10, $0x1;
	s10 =	sld [smem:$0x3FAD];
	_ =	sdelay $0x3  }
0x34: {  	[smem:$0x3FAD] =	sst s10  }
0x35: {  	s10 =	sld [smem:$0x3FAC];
	_ =	sdelay $0x3  }
0x36: {  	p1 =	seq.s32 s10, $0x1;
	s10 =	sld [smem:$0x3FAD];
	_ =	sdelay $0x3  }
0x37: {  	[smem:$0x3FAD] =	sst s10  }
0x38: {  	s10 =	sld [smem:$0x3FAE]  }
0x39: {  	_ = 	snop;
	(pc) =	sbr.ind lr, $3  }
0x3a: {  	_ = 	snop  }
0x3b: {  	_ = 	snop  }
0x3c: {  	p2 =	seq.s32 s10, $0x1;
	s10 =	sld [smem:$0x3FAD]  }
0x3d: {  	_ =	shalt  }
0x3e: {  	_ =	shalt  }
0x3f: {  	_ =	shalt  }
0x40: {  	_ =	shalt  }
0x41: {  	_ =	shalt  }
0x42: {  	_ =	shalt  }
0x43: {  	_ =	shalt  }
0x44: {  	_ =	shalt  }
0x45: {  	_ =	shalt  }
0x46: {  	_ =	shalt  }
0x47: {  	_ =	shalt  }
0x48: {  	_ =	shalt  }
0x49: {  	_ =	shalt  }
0x4a: {  	_ =	shalt  }
0x4b: {  	_ =	shalt  }
0x4c: {  	_ =	shalt  }
0x4d: {  	_ =	shalt  }
0x4e: {  	_ =	shalt  }
0x4f: {  	_ =	shalt  }
0x50: {  	_ =	shalt  }
0x51: {  	_ =	shalt  }
0x52: {  	_ =	shalt  }
0x53: {  	_ =	shalt  }
0x54: {  	_ =	shalt  }
0x55: {  	_ =	shalt  }
0x56: {  	_ =	shalt  }
0x57: {  	_ =	shalt  }
0x58: {  	_ =	shalt  }
0x59: {  	_ =	shalt  }
0x5a: {  	_ =	shalt  }
0x5b: {  	_ =	shalt  }
0x5c: {  	_ =	shalt  }
0x5d: {  	_ =	shalt  }
0x5e: {  	_ =	shalt  }
0x5f: {  	_ =	shalt  }
0x60: {  	_ =	shalt  }
0x61: {  	_ =	shalt  }
0x62: {  	_ =	shalt  }
0x63: {  	_ =	shalt  }
0x64: {  	_ =	shalt  }
0x65: {  	_ =	shalt  }
0x66: {  	_ =	shalt  }
0x67: {  	_ =	shalt  }
0x68: {  	_ =	shalt  }
0x69: {  	_ =	shalt  }
0x6a: {  	_ =	shalt  }
0x6b: {  	_ =	shalt  }
0x6c: {  	_ =	shalt  }
0x6d: {  	_ =	shalt  }
0x6e: {  	_ =	shalt  }
0x6f: {  	_ =	shalt  }
0x70: {  	_ =	shalt  }
0x71: {  	_ =	shalt  }
0x72: {  	_ =	shalt  }
0x73: {  	_ =	shalt  }
0x74: {  	_ =	shalt  }
0x75: {  	_ =	shalt  }
0x76: {  	_ =	shalt  }
0x77: {  	_ =	shalt  }
0x78: {  	_ =	shalt  }
0x79: {  	_ =	shalt  }
0x7a: {  	_ =	shalt  }
0x7b: {  	_ =	shalt  }
0x7c: {  	_ =	shalt  }
0x7d: {  	_ =	shalt  }
0x7e: {  	_ =	shalt  }
0x7f: {  	_ =	shalt  }
0x80: {  	_ =	shalt  }
0x81: {  	_ =	shalt  }
0x82: {  	_ =	shalt  }
0x83: {  	_ =	shalt  }
0x84: {  	_ =	shalt  }
0x85: {  	_ =	shalt  }
0x86: {  	_ =	shalt  }
0x87: {  	_ =	shalt  }
.Lfunc_end0:
.L_simem_size_0:
called_computation_lowered:
.L_overlay_start_0:
0x88: {  	s2 =	sld [smem:$0x3FD9]  }
0x89: {  	s3 =	sld [smem:$0x3FFE];
	_ =	sdelay $0x1  }
0x8a: {  	s1 =	srdreg.scid  }
0x8b: {  	s0 =	sand.u32 $0x1, s1  }
0x8c: {  	s14 =	sshll.u32 s0, $0xA;
	s2 =	sadd.s32 s3, s2  }
0x8d: {  	s2 =	sadd.s32 s2, s14  }
0x8e: {  	[smem:$0x3FB9] =	sst s2  }
0x8f: {  	_ = 	snop  }
0x90: {  	s2 =	sld [smem:$0x3FD0];
	_ =	sdelay $0x2  }
0x91: {  	s15 =	simm.s32 $0xA;
	s4 =	simm.s32 $0x10  }
0x92: {  	[smem:s4], [sflag:s15] =	dma.local [hbm:s2], $0x1  }
0x93: {  	_ =	swait.eq [sflag:s15], $0x1  }
0x94: {  	[sflag:s15] =	ssyncset.done $0x0  }
0x95: {  	[sflag:s15] =	ssyncadd.s32 $0xFFFFFFFF  }
0x96: {  	s16 =	sld [smem:$0x10];
	(tm) =	ssettm $0x1  }
0x97: {  	s17 =	sld [smem:$0x3FFB];
	_ =	sdelay $0x3  }
0x98: {  	_ =	strace s17  }
0x99: {  	s3 =	sld [smem:$0x3FFC];
	_ =	sdelay $0x3  }
0x9a: {  	_ =	strace s3  }
0x9b: {  	s3 =	sld [smem:$0x3FFD];
	_ =	sdelay $0x3  }
0x9c: {  	_ =	strace s3  }
0x9d: {  	_ =	strace $0x8FFFFFFF  }
0x9e: {  	s18 =	sld [smem:$0x3FDB];
	_ =	sdelay $0x1  }
0x9f: {  	s19 =	simm.s32 $_scs_section_size  }
0xa0: {  	s5 =	simm.s32 $_size__tile_overlayer_lowered;
	s6 =	simm.s32 $_tile_overlayer_lowered  }
0xa1: {  	s22 =	simm.s32 $0x1BFF;
	s21 =	sshll.u32 s6, $0x1;
	s3 =	sadd.s32 s19, s18  }
0xa2: {  	s7 =	simm.s32 $0x0;
	s20 =	sshll.u32 s5, $0x1;
	s5 =	sadd.s32 s21, s3  }
0xa3: {  	[timem:s7], [sflag:s22] =	dma.local [hbm:s5], s20  }
0xa4: {  	_ =	swait.ge [sflag:s22], s20  }
0xa5: {  	s4 =	ssub.s32 $0x0, s20;
	[sflag:s22] =	ssyncset.done $0x0  }
0xa6: {  	[sflag:s22] =	ssyncadd.s32 s4;
	_ =	sdelay $0x1  }
0xa7: {  	s23 =	simm.s32 $0x1B8B  }
0xa8: {  	_ =	swait.ge [sflag:s23], $0x1  }
0xa9: {  	[sflag:s23] =	ssyncset.done $0x0  }
0xaa: {  	s25 =	simm.s32 $0x1B8E;
	s24 =	sld [smem:$0x3FFE];
	[sflag:s23] =	ssyncadd.s32 $0xFFFFFFFF  }
0xab: {  	s26 =	simm.s32 $execute0_lowered;
	[smem:$0x3FD2] =	sst s25  }
0xac: {  	s5 =	sshll.u32 s26, $0x1;
	_ =	strace $0x80000046;
	[dreg:$0x1] =	wrdreg $0xFFFFFFFF  }
0xad: {  	s28 =	simm.s32 $_size_execute0_lowered;
	s3 =	sadd.s32 s3, s5;
	[dreg:$0x0] =	wrdreg $0x0  }
0xae: {  	s5 =	sshll.u32 s28, $0x1;
	[dreg:$0x2] =	wrdreg s3  }
0xaf: {  	[dreg:$0x3] =	wrdreg s5  }
0xb0: {  	[dreg:$0x4] =	wrdreg $0xC0  }
0xb1: {  	_ =	task [dreg:s7], $0x5FFFF  }
0xb2: {  	[dreg:$0x1] =	wrdreg $0xFFFFFFFF  }
0xb3: {  	[dreg:$0x0] =	wrdreg $0x60  }
0xb4: {  	[dreg:$0x2] =	wrdreg s24  }
0xb5: {  	[dreg:$0x3] =	wrdreg s16  }
0xb6: {  	[dreg:$0x4] =	wrdreg $0x38000  }
0xb7: {  	[dreg:$0x5] =	wrdreg $0x9  }
0xb8: {  	_ =	task.clear_ibuf [dreg:s7], $0x6FFFF;
	_ =	strace $0x90000046  }
0xb9: {  	s29 =	simm.s32 $0x9;
	_ =	strace $0x80000048  }
0xba: {  	_ =	swait.ge [sflag:s29], $0x1  }
0xbb: {  	[sflag:s29] =	ssyncadd.s32 $0xFFFFFFFF  }
0xbc: {  	_ =	strace $0x90000048  }
0xbd: {  	_ =	sfence  }
0xbe: {  	s30 =	sld [smem:$0x0];
	_ =	sdelay $0x2  }
0xbf: {  	s31 =	sshll.u32 s1, $0xD;
	s1 =	sshrl.u32 s1, $0x2  }
0xc0: {  	s3 =	sand.u32 $0x4000, s31;
	s1 =	sadd.s32 s1, s30  }
0xc1: {  	s0 =	sor.u32 s3, s0;
	s1 =	sshll.u32 s1, $0x11  }
0xc2: {  	s0 =	sor.u32 s1, s0  }
0xc3: {  	s0 =	sadd.s32 $0x8F2B, s0  }
0xc4: {  	[sflag:s0] =	ssyncadd.remote.s32 $0x1  }
0xc5: {  	_ =	sfence.sel $0xFFFF  }
0xc6: {  	[dreg:$0x0] =	wrdreg $0xFFFFFFFF;
	(pc) =	sbr.abs _section_cstart, $3  }
0xc7: {  	[dreg:$0x1] =	wrdreg $0xFFFFFFFF  }
0xc8: {  	_ =	task.clear_ibuf [dreg:s7], $0x2FFFF;
	_ =	strace $0x9FFFFFFF  }
0xc9: {  	(tm) =	ssettm $0x7FFFFFFF  }
tec
execute0_lowered:
.L_overlay_start_1:
0x0: {  	(tag) =	ssettag $0x1  }
0x1: {  	s6 =	rddreg [dreg:$0x0]  }
0x2: {  	s2 =	rddreg [dreg:$0x1]  }
0x3: {  	s0 =	srdreg.scid;
	s3 =	rddreg [dreg:$0x2]  }
0x4: {  	s4 =	simm.s32 $0x0;
	s5 =	sand.u32 $0x1, s0;
	s0 =	stileid.u32  }
0x5: {  	s14 =	simm.s32 $0x1;
	s15 =	simm.s32 $0x2800;
	s8 =	smul.u32 $0x2800, s0  }
0x6: {  	s16 =	simm.s32 $0x80;
	[smem:$0x7FF] =	sst s4;
	s9 =	smul.u32 $0x28000, s5  }
0x7: {  	s1 =	sshll.u32 s5, $0x4;
	s10 =	smul.u32 $0xA000, s0;
	s5 =	ssub.s32 $0x2, s5  }
0x8: {  	s17 =	sshll.u32 s0, $0x6;
	s1 =	sor.u32 s0, s1;
	s30 =	sshrl.u32 s5, $0x1  }
0x9: {  	s17 =	sor.u32 $0x1C01, s17;
	s7 =	smul.u32 $0x500, s1;
	s1 =	rddreg [dreg:$0x3]  }
0xa: {  	_ =	strace $0x80000047;
	s29 =	sadd.s32 s8, s9;
	s10 =	sshrl.u32 s10, $0x2  }
0xb: {  	s13 =	ssub.s32 s5, s30;
	s5 =	sadd.s32 s8, s3;
	s31 =	sadd.s32 s10, s3  }
0xc: {  	s18 =	sshrl.u32 s5, $0x3;
	s11 =	sadd.s32 s7, s6;
	s7 =	sshrl.u32 s29, $0x3  }
0xd: {  	s8 =	sadd.s32 $0x1800, s31;
	s9 =	sadd.s32 $0x2000, s31;
	s12 =	sadd.s32 s7, s6  }
0xe: {  	s6 =	sadd.s32 $0x800, s31;
	s7 =	sadd.s32 $0x1000, s31;
	s10 =	sadd.s32 $0x4C00, s11  }
0xf: {  	v0 =	vimm.f32 $0.0e+00;
	s11 =	sadd.s32 $0xEC00, s12;
	s12 =	smax.u32 s13, $0x1;
	s13 =	simm.s32 $0x3000  }
.LBB2_1:
0x10: {  	s19 =	simm.s32 $0x40;
	s20 =	simm.s32 $0x0  }
.LBB2_2:
0x11: {  	p0 =	sne.s32 s19, $0x1FC0;
	[tilespmem:s20+$0x3000] =	vst v0;
	s20 =	smov.u32 s19;
	s19 =	sadd.s32 $0x40, s19  }
.Ltmp0:
0x12: {  	(pc) =	sbr.rel @p0 .LBB2_2-.Ltmp0, $2  }
0x13: {  	_ =	sdelay $0x2  }
0x14: {  	s20 =	sshra.s32 s20, $0x2  }
0x15: {  	[tilespmem:s20+$0x3000] =	vst v0  }
0x16: {  	[spmem:s5] =	stream.linear.scatter [tilespmem:s13], [sflag:$0x1], $0x800, $0x38;
	[tilespmem:$0x6000] =	vst v63  }
0x17: {  	_ =	swait.ge [sflag:s14], $0x800  }
0x18: {  	[sflag:s14] =	ssyncset.done $0x0  }
0x19: {  	[sflag:s14] =	ssyncadd.s32 $0xFFFFF800  }
0x1a: {  	[spmem:s6] =	stream.linear.scatter [tilespmem:s13], [sflag:$0x1], $0x800, $0x38;
	[tilespmem:$0x6000] =	vst v63  }
0x1b: {  	_ =	swait.ge [sflag:s14], $0x800  }
0x1c: {  	[sflag:s14] =	ssyncset.done $0x0  }
0x1d: {  	[sflag:s14] =	ssyncadd.s32 $0xFFFFF800  }
0x1e: {  	[spmem:s7] =	stream.linear.scatter [tilespmem:s13], [sflag:$0x1], $0x800, $0x38;
	[tilespmem:$0x6000] =	vst v63  }
0x1f: {  	_ =	swait.ge [sflag:s14], $0x800  }
0x20: {  	[sflag:s14] =	ssyncset.done $0x0  }
0x21: {  	[sflag:s14] =	ssyncadd.s32 $0xFFFFF800  }
0x22: {  	[spmem:s8] =	stream.linear.scatter [tilespmem:s13], [sflag:$0x1], $0x800, $0x38;
	[tilespmem:$0x6000] =	vst v63  }
0x23: {  	_ =	swait.ge [sflag:s14], $0x800  }
0x24: {  	[sflag:s14] =	ssyncset.done $0x0  }
0x25: {  	[sflag:s14] =	ssyncadd.s32 $0xFFFFF800  }
0x26: {  	[spmem:s9] =	stream.linear.scatter [tilespmem:s13], [sflag:$0x1], $0x800, $0x38;
	[tilespmem:$0x6000] =	vst v63  }
0x27: {  	_ =	swait.ge [sflag:s14], $0x800  }
0x28: {  	[sflag:s14] =	ssyncset.done $0x0  }
0x29: {  	s19 =	simm.s32 $0x0;
	[sflag:s14] =	ssyncadd.s32 $0xFFFFF800  }
0x2a: {  	[tilespmem:s19], [sflag:$0x1] =	stream.linear.gather [hbm4b:s10+s19], $0x2800, $0x38;
	[tilespmem:$0x6000] =	vst v63  }
0x2b: {  	_ =	swait.ge [sflag:s14], $0x2800  }
0x2c: {  	[sflag:s14] =	ssyncset.done $0x0  }
0x2d: {  	[sflag:s14] =	ssyncadd.s32 $0xFFFFD800  }
0x2e: {  	[tilespmem:s15], [sflag:$0x1] =	stream.linear.gather [hbm4b:s2+s19], $0x800, $0x38;
	[tilespmem:$0x6000] =	vst v63  }
0x2f: {  	_ =	swait.ge [sflag:s14], $0x800  }
0x30: {  	[sflag:s14] =	ssyncset.done $0x0  }
0x31: {  	[sflag:s14] =	ssyncadd.s32 $0xFFFFF800  }
0x32: {  	s31 =	simm.s32 $0x0;
	[bflag:$0x0] =	sbarrier.arrive $0xFFFF  }
0x33: {  	[spmem:s3] =	stream.indirect.scatter.add.f32 [tilespmem:s15], [sflag:$0x1], $0x10, s31, s16, $0xb8;
	[tilespmem:$0x6000] =	vst v63  }
0x34: {  	_ =	swait.ge [sflag:s14], $0x800  }
0x35: {  	s19 =	simm.s32 $0x200;
	[sflag:s14] =	ssyncset.done $0x0  }
.LBB2_4:
0x36: {  	s20 =	sshra.s32 s19, $0x2;
	[sflag:s14] =	ssyncadd.s32 $0xFFFFF800;
	p0 =	sne.s32 s19, $0x9E00  }
0x37: {  	[spmem:s3] =	stream.indirect.scatter.add.f32 [tilespmem:s15], [sflag:$0x1], $0x10, s20, s16, $0xb8;
	[tilespmem:$0x6000] =	vst v63  }
.Ltmp1:
0x38: {  	_ = 	snop;
	(pc) =	sbr.rel @p0 .LBB2_4-.Ltmp1, $4  }
0x39: {  	_ = 	snop  }
0x3a: {  	s19 =	sadd.s32 $0x200, s19  }
0x3b: {  	_ =	swait.ge [sflag:s14], $0x800  }
0x3c: {  	[sflag:s14] =	ssyncset.done $0x0  }
0x3d: {  	s4 =	sadd.s32 $0x1, s4  }
0x3e: {  	[sflag:s14] =	ssyncadd.s32 $0xFFFFF800;
	p0 =	sne.s32 s4, s12  }
.Ltmp2:
0x3f: {  	[bflag:$0x0] =	sbarrier.arrive $0xFFFF;
	(pc) =	sbr.rel @p0 .LBB2_1-.Ltmp2, $4  }
0x40: {  	[hbm:s11], [sflag:s17] =	dma.local [spmem:s18], $0x500  }
0x41: {  	_ =	swait.ge [sflag:s14], $0x500  }
0x42: {  	[sflag:s14] =	ssyncset.done $0x0  }
0x43: {  	[sflag:s14] =	ssyncadd.s32 $0xFFFFFB00  }
0x44: {  	_ =	sfence.sel $0x180000  }
0x45: {  	[bflag:$0x0] =	sbarrier.arrive $0xFFFF  }
0x46: {  	p0 =	sne.s32 s0, $0x0;
	_ =	strace $0x90000047  }
0x47: {  	s0 =	sadd.s32 @!p0 $0x100000, s1;
	[bflag:$0x2] =	sbarrier.arrive $0xFFFF  }
0x48: {  	[sflag:s0] =	ssyncadd.tile.s32 @!p0 $0x1;
	_ =	shalt  }
.Lfunc_end2:
_tile_overlayer_lowered:
.L_overlay_start_2:
0x49: {  	(tag) =	ssettag $0x2  }
0x4a: {  	s0 =	rddreg [dreg:$0x0];
	s2 =	stileid.u32  }
0x4b: {  	s1 =	rddreg [dreg:$0x1];
	p0 =	sne.s32 s2, $0x0  }
0x4c: {  	s3 =	rddreg [dreg:$0x2];
	[bflag:$0x3] =	sbarrier.arrive $0xFFFF;
	s2 =	simm.s32 @!p0 $0x1C01  }
0x4d: {  	[timem:s3], [sflag:s2] =	dma.local @!p0 [hbm:s0], s1  }
0x4e: {  	s0 =	simm.s32 @!p0 $0x1  }
0x4f: {  	_ =	swait.ge @!p0 [sflag:s0], s1  }
0x50: {  	s1 =	ssub.s32 @!p0 $0x0, s1;
	[sflag:s0] =	ssyncset.done @!p0 $0x0  }
0x51: {  	[sflag:s0] =	ssyncadd.s32 @!p0 s1  }
0x52: {  	[bflag:$0x3] =	sbarrier.arrive $0xFFFF  }
0x53: {  	_ =	shalt  }

// kernel: kernel.15.cloned.1.call-start
scs
__scs_entry_jumppad:
0x0: {  	(pc) =	sbr.rel $0x88, $3  }
0x1: {  	(tag) =	ssettag $0x0;
	lr =	simm.s32 $0x1  }
0x2: {  	[smem:$0x3F92] =	sst lr;
	_ =	strace $0xD0000000  }
0x3: {  	_ = 	snop  }
0x4: {  	_ = 	snop  }
0x5: {  	_ = 	snop  }
0x6: {  	_ = 	snop  }
0x7: {  	_ = 	snop  }
__scs_overlays_trampoline_lowered:
0x8: {  	[smem:$0x3FA1] =	sst s0  }
0x9: {  	[smem:$0x3FA2] =	sst s1  }
0xa: {  	[smem:$0x3FA3] =	sst s2  }
0xb: {  	[smem:$0x3FA4] =	sst s3  }
0xc: {  	[smem:$0x3FA5] =	sst s4  }
0xd: {  	[smem:$0x3FA6] =	sst s5  }
0xe: {  	[smem:$0x3FA7] =	sst s6  }
0xf: {  	[smem:$0x3FA8] =	sst s7  }
0x10: {  	[smem:$0x3FA9] =	sst s8  }
0x11: {  	[smem:$0x3FAA] =	sst s9;
	s0 =	simm.s32 @!p0 $0x0  }
0x12: {  	s1 =	sld [smem:$0x3F90];
	s0 =	simm.s32 @p0 $0x1  }
0x13: {  	[smem:$0x3FAB] =	sst s0;
	s0 =	simm.s32 @!p1 $0x0  }
0x14: {  	s2 =	sld [smem:$0x3F8F];
	s0 =	simm.s32 @p1 $0x1  }
0x15: {  	[smem:$0x3FAC] =	sst s0;
	s0 =	simm.s32 @!p2 $0x0  }
0x16: {  	s3 =	sld [smem:$0x3FDB];
	s0 =	simm.s32 @p2 $0x1  }
0x17: {  	s4 =	simm.s32 $0x1BF5;
	[smem:$0x3FAE] =	sst s0  }
0x18: {  	s0 =	sld [smem:$0x3F91];
	_ =	swait.ge [sflag:s4], $0x0  }
0x19: {  	s7 =	sld [smem:$0x3F92]  }
0x1a: {  	s8 =	sadd.s32 $0xFFFFE003, lr  }
0x1b: {  	s9 =	sadd.s32 $0xFFFFFEF7, lr;
	s5 =	simm.s32 $0xFFFFFFFF;
	p2 =	slt.u32 s8, $0xFFFFF086  }
0x1c: {  	p1 =	slt.u32 s9, $0xF7A;
	s5 =	simm.s32 @!p2 $0x0  }
0x1d: {  	s5 =	simm.s32 @p1 $0x1;
	p0 =	seq.s32 s7, s2  }
0x1e: {  	s7 =	smul.u32 @!p0 $0xF7A, s2;
	p2 =	seq.s32 @!p0 s5, $0x0  }
0x1f: {  	s9 =	smul.u32 $0xF7A, s1;
	s8 =	simm.s32 @!p0 $0x1BF5;
	p2 =	por !p2, p0  }
0x20: {  	[sflag:s8] =	ssyncset.s32 @!p0 $0xFFFFF086;
	s6 =	sadd.s32 @!p0 s3, s7;
	s7 =	simm.s32 @!p0 $0x108  }
0x21: {  	s3 =	sadd.s32 s3, s9;
	s6 =	sadd.s32 @!p0 $0x88, s6;
	s7 =	simm.s32 @p2 $0x1082  }
0x22: {  	[simem:s7], [sflag:s8] =	dma.local @!p0 [hbm:s6], $0xF7A  }
0x23: {  	s9 =	sor.u32 $0xD0000000, s2;
	s6 =	simm.s32 $0x108;
	_ =	swait.ge @!p0 [sflag:s8], $0x0  }
0x24: {  	s3 =	sadd.s32 $0x88, s3;
	s6 =	simm.s32 @!p1 $0x1082;
	[sflag:s4] =	ssyncset.s32 $0xFFFFF086  }
0x25: {  	[simem:s6], [sflag:s4] =	dma.local [hbm:s3], $0xF7A  }
0x26: {  	[smem:$0x3F92] =	sst s1;
	(tag) =	ssettag s2;
	_ =	strace s9  }
0x27: {  	s1 =	sld [smem:$0x3FA2]  }
0x28: {  	s2 =	sld [smem:$0x3FA3]  }
0x29: {  	s4 =	sld [smem:$0x3FA5]  }
0x2a: {  	p0 =	seq.s32 s5, $0x0;
	s5 =	sld [smem:$0x3FA6]  }
0x2b: {  	s6 =	sld [smem:$0x3FA7]  }
0x2c: {  	s7 =	sld [smem:$0x3FA8]  }
0x2d: {  	s3 =	simm.s32 $0x108;
	s8 =	sld [smem:$0x3FA9]  }
0x2e: {  	s3 =	simm.s32 @!p0 $0x1082;
	s9 =	sld [smem:$0x3FAA]  }
0x2f: {  	lr =	sadd.s32 s0, s3;
	s0 =	sld [smem:$0x3FA1]  }
0x30: {  	s3 =	sld [smem:$0x3FA4]  }
0x31: {  	[smem:$0x3FAD] =	sst s10  }
0x32: {  	s10 =	sld [smem:$0x3FAB];
	_ =	sdelay $0x3  }
0x33: {  	p0 =	seq.s32 s10, $0x1;
	s10 =	sld [smem:$0x3FAD];
	_ =	sdelay $0x3  }
0x34: {  	[smem:$0x3FAD] =	sst s10  }
0x35: {  	s10 =	sld [smem:$0x3FAC];
	_ =	sdelay $0x3  }
0x36: {  	p1 =	seq.s32 s10, $0x1;
	s10 =	sld [smem:$0x3FAD];
	_ =	sdelay $0x3  }
0x37: {  	[smem:$0x3FAD] =	sst s10  }
0x38: {  	s10 =	sld [smem:$0x3FAE]  }
0x39: {  	_ = 	snop;
	(pc) =	sbr.ind lr, $3  }
0x3a: {  	_ = 	snop  }
0x3b: {  	_ = 	snop  }
0x3c: {  	p2 =	seq.s32 s10, $0x1;
	s10 =	sld [smem:$0x3FAD]  }
0x3d: {  	_ =	shalt  }
0x3e: {  	_ =	shalt  }
0x3f: {  	_ =	shalt  }
0x40: {  	_ =	shalt  }
0x41: {  	_ =	shalt  }
0x42: {  	_ =	shalt  }
0x43: {  	_ =	shalt  }
0x44: {  	_ =	shalt  }
0x45: {  	_ =	shalt  }
0x46: {  	_ =	shalt  }
0x47: {  	_ =	shalt  }
0x48: {  	_ =	shalt  }
0x49: {  	_ =	shalt  }
0x4a: {  	_ =	shalt  }
0x4b: {  	_ =	shalt  }
0x4c: {  	_ =	shalt  }
0x4d: {  	_ =	shalt  }
0x4e: {  	_ =	shalt  }
0x4f: {  	_ =	shalt  }
0x50: {  	_ =	shalt  }
0x51: {  	_ =	shalt  }
0x52: {  	_ =	shalt  }
0x53: {  	_ =	shalt  }
0x54: {  	_ =	shalt  }
0x55: {  	_ =	shalt  }
0x56: {  	_ =	shalt  }
0x57: {  	_ =	shalt  }
0x58: {  	_ =	shalt  }
0x59: {  	_ =	shalt  }
0x5a: {  	_ =	shalt  }
0x5b: {  	_ =	shalt  }
0x5c: {  	_ =	shalt  }
0x5d: {  	_ =	shalt  }
0x5e: {  	_ =	shalt  }
0x5f: {  	_ =	shalt  }
0x60: {  	_ =	shalt  }
0x61: {  	_ =	shalt  }
0x62: {  	_ =	shalt  }
0x63: {  	_ =	shalt  }
0x64: {  	_ =	shalt  }
0x65: {  	_ =	shalt  }
0x66: {  	_ =	shalt  }
0x67: {  	_ =	shalt  }
0x68: {  	_ =	shalt  }
0x69: {  	_ =	shalt  }
0x6a: {  	_ =	shalt  }
0x6b: {  	_ =	shalt  }
0x6c: {  	_ =	shalt  }
0x6d: {  	_ =	shalt  }
0x6e: {  	_ =	shalt  }
0x6f: {  	_ =	shalt  }
0x70: {  	_ =	shalt  }
0x71: {  	_ =	shalt  }
0x72: {  	_ =	shalt  }
0x73: {  	_ =	shalt  }
0x74: {  	_ =	shalt  }
0x75: {  	_ =	shalt  }
0x76: {  	_ =	shalt  }
0x77: {  	_ =	shalt  }
0x78: {  	_ =	shalt  }
0x79: {  	_ =	shalt  }
0x7a: {  	_ =	shalt  }
0x7b: {  	_ =	shalt  }
0x7c: {  	_ =	shalt  }
0x7d: {  	_ =	shalt  }
0x7e: {  	_ =	shalt  }
0x7f: {  	_ =	shalt  }
0x80: {  	_ =	shalt  }
0x81: {  	_ =	shalt  }
0x82: {  	_ =	shalt  }
0x83: {  	_ =	shalt  }
0x84: {  	_ =	shalt  }
0x85: {  	_ =	shalt  }
0x86: {  	_ =	shalt  }
0x87: {  	_ =	shalt  }
.Lfunc_end0:
.L_simem_size_0:
called_computation.1_lowered:
.L_overlay_start_0:
0x88: {  	s2 =	sld [smem:$0x3FD9]  }
0x89: {  	s3 =	sld [smem:$0x3FFE];
	_ =	sdelay $0x1  }
0x8a: {  	s1 =	srdreg.scid  }
0x8b: {  	s0 =	sand.u32 $0x1, s1  }
0x8c: {  	s16 =	sshll.u32 s0, $0xA;
	s2 =	sadd.s32 s3, s2  }
0x8d: {  	s2 =	sadd.s32 s2, s16  }
0x8e: {  	[smem:$0x3FB9] =	sst s2  }
0x8f: {  	_ = 	snop  }
0x90: {  	(tm) =	ssettm $0x1  }
0x91: {  	s17 =	sld [smem:$0x3FFB];
	_ =	sdelay $0x3  }
0x92: {  	_ =	strace s17  }
0x93: {  	s2 =	sld [smem:$0x3FFC];
	_ =	sdelay $0x3  }
0x94: {  	_ =	strace s2  }
0x95: {  	s2 =	sld [smem:$0x3FFD];
	_ =	sdelay $0x3  }
0x96: {  	_ =	strace s2  }
0x97: {  	_ =	strace $0x8FFFFFFF  }
0x98: {  	s18 =	sld [smem:$0x3FDB];
	_ =	sdelay $0x1  }
0x99: {  	s19 =	simm.s32 $_scs_section_size  }
0x9a: {  	s4 =	simm.s32 $_size__tile_overlayer_lowered;
	s5 =	simm.s32 $_tile_overlayer_lowered  }
0x9b: {  	s22 =	simm.s32 $0x1BFF;
	s21 =	sshll.u32 s5, $0x1;
	s2 =	sadd.s32 s19, s18  }
0x9c: {  	s6 =	simm.s32 $0x0;
	s20 =	sshll.u32 s4, $0x1;
	s4 =	sadd.s32 s21, s2  }
0x9d: {  	[timem:s6], [sflag:s22] =	dma.local [hbm:s4], s20  }
0x9e: {  	_ =	swait.ge [sflag:s22], s20  }
0x9f: {  	s3 =	ssub.s32 $0x0, s20;
	[sflag:s22] =	ssyncset.done $0x0  }
0xa0: {  	[sflag:s22] =	ssyncadd.s32 s3;
	_ =	sdelay $0x1  }
0xa1: {  	s23 =	simm.s32 $0x1B8B  }
0xa2: {  	_ =	swait.ge [sflag:s23], $0x1  }
0xa3: {  	[sflag:s23] =	ssyncset.done $0x0  }
0xa4: {  	s25 =	simm.s32 $0x1B8E;
	s24 =	sld [smem:$0x3FFE];
	[sflag:s23] =	ssyncadd.s32 $0xFFFFFFFF  }
0xa5: {  	s26 =	simm.s32 $execute0_lowered;
	[smem:$0x3FD2] =	sst s25  }
0xa6: {  	s4 =	sshll.u32 s26, $0x1;
	_ =	strace $0x80000049;
	[dreg:$0x1] =	wrdreg $0xFFFFFFFF  }
0xa7: {  	s28 =	simm.s32 $_size_execute0_lowered;
	s2 =	sadd.s32 s2, s4;
	[dreg:$0x0] =	wrdreg $0x0  }
0xa8: {  	s4 =	sshll.u32 s28, $0x1;
	[dreg:$0x2] =	wrdreg s2  }
0xa9: {  	[dreg:$0x3] =	wrdreg s4  }
0xaa: {  	[dreg:$0x4] =	wrdreg $0xC0  }
0xab: {  	_ =	task [dreg:s6], $0x5FFFF  }
0xac: {  	[dreg:$0x1] =	wrdreg $0xFFFFFFFF  }
0xad: {  	[dreg:$0x0] =	wrdreg $0x60  }
0xae: {  	[dreg:$0x2] =	wrdreg s24  }
0xaf: {  	[dreg:$0x3] =	wrdreg $0x118000  }
0xb0: {  	[dreg:$0x4] =	wrdreg $0x9  }
0xb1: {  	_ =	task.clear_ibuf [dreg:s6], $0x5FFFF;
	_ =	strace $0x90000049  }
0xb2: {  	s29 =	simm.s32 $0x9;
	_ =	strace $0x8000004B  }
0xb3: {  	_ =	swait.ge [sflag:s29], $0x1  }
0xb4: {  	[sflag:s29] =	ssyncadd.s32 $0xFFFFFFFF  }
0xb5: {  	_ =	strace $0x9000004B  }
0xb6: {  	_ =	sfence  }
0xb7: {  	s30 =	sld [smem:$0x0];
	_ =	sdelay $0x2  }
0xb8: {  	s31 =	sshll.u32 s1, $0xD;
	s1 =	sshrl.u32 s1, $0x2  }
0xb9: {  	s3 =	sand.u32 $0x4000, s31;
	s1 =	sadd.s32 s1, s30  }
0xba: {  	s0 =	sor.u32 s3, s0;
	s1 =	sshll.u32 s1, $0x11  }
0xbb: {  	s0 =	sor.u32 s1, s0  }
0xbc: {  	s0 =	sadd.s32 $0x8F2B, s0  }
0xbd: {  	[sflag:s0] =	ssyncadd.remote.s32 $0x1  }
0xbe: {  	_ =	sfence.sel $0xFFFF  }
0xbf: {  	[dreg:$0x0] =	wrdreg $0xFFFFFFFF;
	(pc) =	sbr.abs _section_cstart, $3  }
0xc0: {  	[dreg:$0x1] =	wrdreg $0xFFFFFFFF  }
0xc1: {  	_ =	task.clear_ibuf [dreg:s6], $0x2FFFF;
	_ =	strace $0x9FFFFFFF  }
0xc2: {  	(tm) =	ssettm $0x7FFFFFFF  }
0xc3: {  	_ =	shalt  }
tec
execute0_lowered:
.L_overlay_start_1:
0x0: {  	(tag) =	ssettag $0x1  }
0x1: {  	s0 =	rddreg [dreg:$0x0]  }
0x2: {  	s1 =	rddreg [dreg:$0x1];
	s2 =	simm.s32 $0x0;
	s5 =	srdreg.scid  }
0x3: {  	s14 =	stileid.u32;
	s18 =	simm.s32 $0x9800;
	s19 =	simm.s32 $0x9  }
0x4: {  	s20 =	simm.s32 $0x4C00;
	s21 =	simm.s32 $0x80;
	s28 =	simm.s32 $0x1  }
0x5: {  	s29 =	simm.s32 $0x2;
	s31 =	simm.s32 $0x3;
	s30 =	simm.s32 $0x4  }
0x6: {  	[smem:$0x7FF] =	sst s2;
	s4 =	sadd.s32 $0x4AC00, s0;
	s3 =	sadd.s32 $0x18C00, s0  }
0x7: {  	s6 =	sadd.s32 $0x4C00, s0;
	s5 =	sand.u32 $0x1, s5;
	s7 =	smul.u32 $0x28000, s14  }
0x8: {  	s8 =	sadd.s32 $0x72C00, s0;
	s12 =	smul.u32 $0xA000, s14;
	s0 =	sadd.s32 $0x5EC00, s0  }
0x9: {  	s13 =	smul.u32 $0x980, s14;
	_ =	strace $0x8000004A;
	[dreg:$0x3] =	wrdreg s8  }
0xa: {  	s14 =	sshll.u32 s14, $0x7;
	s22 =	ssub.s32 $0x2, s5;
	[dreg:$0x4] =	wrdreg s0  }
0xb: {  	p0 =	seq.s32 s5, $0x1;
	s25 =	sor.u32 $0x9800, s14;
	s5 =	simm.s32 $0x6  }
0xc: {  	s23 =	sshrl.u32 s22, $0x1;
	s9 =	sshrl.u32 s7, $0x2;
	s7 =	sadd.s32 s12, s1  }
0xd: {  	s24 =	sadd.s32 s3, s13;
	s13 =	sadd.s32 s6, s13;
	s14 =	sshrl.u32 s12, $0x3  }
0xe: {  	s3 =	sadd.s32 s3, s25;
	s26 =	sadd.s32 s6, s25;
	[dreg:$0x5] =	wrdreg s24  }
0xf: {  	s6 =	simm.s32 $0x7;
	s12 =	simm.s32 $0x8;
	[dreg:$0x6] =	wrdreg s13  }
.Ltmp0:
0x10: {  	s0 =	ssub.s32 s22, s23;
	[dreg:$0x7] =	wrdreg s3;
	(pc) =	sbr.rel .LBB2_1-.Ltmp0, $4  }
0x11: {  	s11 =	sadd.s32 s9, s1;
	[dreg:$0x8] =	wrdreg s26;
	s22 =	simm.s32 $0xB800  }
0x12: {  	s24 =	simm.s32 $0xD800;
	s26 =	simm.s32 $0xF800;
	s23 =	simm.s32 $0x0  }
0x13: {  	s8 =	sadd.s32 $0x2000, s11;
	s9 =	sadd.s32 $0x4000, s11;
	s10 =	sadd.s32 $0x6000, s11  }
0x14: {  	v0 =	vimm.f32 $0.0e+00;
	s11 =	sadd.s32 $0x8000, s11;
	s17 =	smax.u32 s0, $0x1;
	s0 =	simm.s32 $0x5  }
.LBB2_7:
0x15: {  	s3 =	rddreg [dreg:$0x7]  }
0x16: {  	[tilespmem:s2], [sflag:$0x9] =	stream.linear.gather [hbm4b:s3+s2], $0x400, $0x38;
	[tilespmem:$0x1B800] =	vst v63  }
0x17: {  	_ =	swait.ge [sflag:s19], $0x400  }
0x18: {  	[sflag:s19] =	ssyncset.done $0x0  }
0x19: {  	s16 =	rddreg [dreg:$0x8];
	[sflag:s19] =	ssyncadd.s32 $0xFFFFFC00  }
0x1a: {  	[tilespmem:s20], [sflag:$0x9] =	stream.linear.gather [hbm4b:s16+s2], $0x400, $0x38;
	[tilespmem:$0x1B800] =	vst v63  }
0x1b: {  	_ =	swait.ge [sflag:s19], $0x400  }
0x1c: {  	[sflag:s19] =	ssyncset.done $0x0  }
0x1d: {  	[sflag:s19] =	ssyncadd.s32 $0xFFFFFC00  }
0x1e: {  	[bflag:$0x0] =	sbarrier.arrive $0xFFFF  }
0x1f: {  	[tilespmem:s18], [sflag:$0x1] =	stream.indirect.gather [hbm4b:s4+s21], $0x40, s2, s21, $0xb8;
	[tilespmem:$0x1B800] =	vst v63  }
0x20: {  	_ = 	snop  }
0x21: {  	[tilespmem:s22], [sflag:$0x2] =	stream.indirect.gather [hbm4b:s4+s21], $0x40, s21, s21, $0xb8;
	[tilespmem:$0x1B800] =	vst v63  }
0x22: {  	s25 =	simm.s32 $0x100  }
0x23: {  	[tilespmem:s24], [sflag:$0x3] =	stream.indirect.gather [hbm4b:s4+s21], $0x40, s25, s21, $0xb8;
	[tilespmem:$0x1B800] =	vst v63  }
0x24: {  	s13 =	simm.s32 $0x180  }
0x25: {  	[tilespmem:s26], [sflag:$0x4] =	stream.indirect.gather [hbm4b:s4+s21], $0x40, s13, s21, $0xb8;
	[tilespmem:$0x1B800] =	vst v63  }
0x26: {  	_ =	swait.ge [sflag:s28], $0x2000  }
0x27: {  	[sflag:s28] =	ssyncset.done $0x0  }
0x28: {  	[sflag:s28] =	ssyncadd.s32 $0xFFFFE000  }
0x29: {  	[spmem:s1] =	stream.indirect.scatter.add.f32 [tilespmem:s18], [sflag:$0x5], $0x40, s20, s21, $0xb8;
	[tilespmem:$0x1B800] =	vst v63  }
0x2a: {  	_ =	swait.ge [sflag:s29], $0x2000  }
0x2b: {  	[sflag:s29] =	ssyncset.done $0x0  }
0x2c: {  	s15 =	simm.s32 $0x4C80;
	[sflag:s29] =	ssyncadd.s32 $0xFFFFE000  }
0x2d: {  	[spmem:s1] =	stream.indirect.scatter.add.f32 [tilespmem:s22], [sflag:$0x6], $0x40, s15, s21, $0xb8;
	[tilespmem:$0x1B800] =	vst v63  }
0x2e: {  	_ =	swait.ge [sflag:s31], $0x2000  }
0x2f: {  	[sflag:s31] =	ssyncset.done $0x0  }
0x30: {  	s16 =	simm.s32 $0x4D00;
	[sflag:s31] =	ssyncadd.s32 $0xFFFFE000  }
0x31: {  	[spmem:s1] =	stream.indirect.scatter.add.f32 [tilespmem:s24], [sflag:$0x7], $0x40, s16, s21, $0xb8;
	[tilespmem:$0x1B800] =	vst v63  }
0x32: {  	_ =	swait.ge [sflag:s30], $0x2000  }
0x33: {  	[sflag:s30] =	ssyncset.done $0x0  }
0x34: {  	s25 =	simm.s32 $0x4D80;
	[sflag:s30] =	ssyncadd.s32 $0xFFFFE000  }
0x35: {  	[spmem:s1] =	stream.indirect.scatter.add.f32 [tilespmem:s26], [sflag:$0x8], $0x40, s25, s21, $0xb8;
	[tilespmem:$0x1B800] =	vst v63  }
0x36: {  	_ =	swait.ge [sflag:s0], $0x2000  }
0x37: {  	[sflag:s0] =	ssyncset.done $0x0  }
0x38: {  	s13 =	simm.s32 $0x200;
	[sflag:s0] =	ssyncadd.s32 $0xFFFFE000  }
0x39: {  	[tilespmem:s18], [sflag:$0x1] =	stream.indirect.gather [hbm4b:s4+s21], $0x40, s13, s21, $0xb8;
	[tilespmem:$0x1B800] =	vst v63  }
0x3a: {  	_ =	swait.ge [sflag:s5], $0x2000  }
0x3b: {  	[sflag:s5] =	ssyncset.done $0x0  }
0x3c: {  	s15 =	simm.s32 $0x280;
	[sflag:s5] =	ssyncadd.s32 $0xFFFFE000  }
0x3d: {  	[tilespmem:s22], [sflag:$0x2] =	stream.indirect.gather [hbm4b:s4+s21], $0x40, s15, s21, $0xb8;
	[tilespmem:$0x1B800] =	vst v63  }
0x3e: {  	_ =	swait.ge [sflag:s6], $0x2000  }
0x3f: {  	[sflag:s6] =	ssyncset.done $0x0  }
0x40: {  	s16 =	simm.s32 $0x300;
	[sflag:s6] =	ssyncadd.s32 $0xFFFFE000  }
0x41: {  	[tilespmem:s24], [sflag:$0x3] =	stream.indirect.gather [hbm4b:s4+s21], $0x40, s16, s21, $0xb8;
	[tilespmem:$0x1B800] =	vst v63  }
0x42: {  	_ =	swait.ge [sflag:s12], $0x2000  }
0x43: {  	s3 =	simm.s32 $0x4E00;
	[sflag:s12] =	ssyncset.done $0x0  }
0x44: {  	s25 =	simm.s32 $0x380;
	s15 =	simm.s32 $0x4F80;
	[sflag:s12] =	ssyncadd.s32 $0xFFFFE000  }
0x45: {  	[tilespmem:s26], [sflag:$0x4] =	stream.indirect.gather [hbm4b:s4+s21], $0x40, s25, s21, $0xb8;
	[tilespmem:$0x1B800] =	vst v63  }
0x46: {  	s16 =	simm.s32 $0x4E80;
	s13 =	rddreg [dreg:$0x4];
	s25 =	simm.s32 $0x4F00  }
.LBB2_8:
0x47: {  	_ =	swait.ge [sflag:s28], $0x2000  }
0x48: {  	[sflag:s28] =	ssyncset.done $0x0  }
0x49: {  	[sflag:s28] =	ssyncadd.s32 $0xFFFFE000  }
0x4a: {  	[spmem:s1] =	stream.indirect.scatter.add.f32 [tilespmem:s18], [sflag:$0x5], $0x40, s3, s21, $0xb8;
	[tilespmem:$0x1B800] =	vst v63  }
0x4b: {  	_ =	swait.ge [sflag:s29], $0x2000  }
0x4c: {  	[sflag:s29] =	ssyncset.done $0x0  }
0x4d: {  	[sflag:s29] =	ssyncadd.s32 $0xFFFFE000  }
0x4e: {  	[spmem:s1] =	stream.indirect.scatter.add.f32 [tilespmem:s22], [sflag:$0x6], $0x40, s16, s21, $0xb8;
	[tilespmem:$0x1B800] =	vst v63  }
0x4f: {  	_ =	swait.ge [sflag:s31], $0x2000  }
0x50: {  	[sflag:s31] =	ssyncset.done $0x0  }
0x51: {  	[sflag:s31] =	ssyncadd.s32 $0xFFFFE000  }
0x52: {  	[spmem:s1] =	stream.indirect.scatter.add.f32 [tilespmem:s24], [sflag:$0x7], $0x40, s25, s21, $0xb8;
	[tilespmem:$0x1B800] =	vst v63  }
0x53: {  	_ =	swait.ge [sflag:s30], $0x2000  }
0x54: {  	[sflag:s30] =	ssyncset.done $0x0  }
0x55: {  	[sflag:s30] =	ssyncadd.s32 $0xFFFFE000  }
0x56: {  	[spmem:s1] =	stream.indirect.scatter.add.f32 [tilespmem:s26], [sflag:$0x8], $0x40, s15, s21, $0xb8;
	[tilespmem:$0x1B800] =	vst v63  }
0x57: {  	_ =	swait.ge [sflag:s0], $0x2000  }
0x58: {  	[sflag:s0] =	ssyncset.done $0x0  }
0x59: {  	[sflag:s0] =	ssyncadd.s32 $0xFFFFE000  }
0x5a: {  	_ =	swait.ge [sflag:s5], $0x2000  }
0x5b: {  	[sflag:s5] =	ssyncset.done $0x0  }
0x5c: {  	[sflag:s5] =	ssyncadd.s32 $0xFFFFE000  }
0x5d: {  	_ =	swait.ge [sflag:s6], $0x2000  }
0x5e: {  	[sflag:s6] =	ssyncset.done $0x0  }
0x5f: {  	s23 =	sadd.s32 $0x1, s23;
	[sflag:s6] =	ssyncadd.s32 $0xFFFFE000  }
0x60: {  	p1 =	sne.s32 s23, s17;
	_ =	swait.ge [sflag:s12], $0x2000  }
0x61: {  	s16 =	stileid.u32;
	s25 =	sshrl.u32 s7, $0x3;
	[sflag:s12] =	ssyncset.done $0x0  }
0x62: {  	s15 =	sadd.s32 s13, s14;
	s13 =	sshll.u32 s16, $0x6;
	[sflag:s12] =	ssyncadd.s32 $0xFFFFE000  }
.Ltmp1:
0x63: {  	s13 =	sor.u32 $0x1C09, s13;
	[bflag:$0x0] =	sbarrier.arrive $0xFFFF;
	(pc) =	sbr.rel @!p1 .LBB2_9-.Ltmp1, $4  }
0x64: {  	[hbm:s15], [sflag:s13] =	dma.local [spmem:s25], $0x1400  }
0x65: {  	_ =	swait.ge [sflag:s19], $0x1400  }
0x66: {  	[sflag:s19] =	ssyncset.done $0x0  }
0x67: {  	[sflag:s19] =	ssyncadd.s32 $0xFFFFEC00  }
.LBB2_1:
0x68: {  	s3 =	sand.u32 $0x7F00, s2  }
0x69: {  	s15 =	sand.u32 $0x30, s2;
	s3 =	sshrl.u32 s3, $0x2  }
0x6a: {  	s13 =	simm.s32 $0x40;
	s16 =	sor.u32 s15, s3;
	s15 =	simm.s32 $0x0  }
.LBB2_2:
0x6b: {  	p1 =	sne.s32 s13, $0x7FC0  }
0x6c: {  	[tilespmem:s16+$0x9800] =	vst v0;
	s15 =	sadd.s32 $0x10, s15;
	s3 =	smov.u32 s13;
	s13 =	sadd.s32 $0x40, s13  }
.Ltmp2:
0x6d: {  	(pc) =	sbr.rel @p1 .LBB2_2-.Ltmp2, $4  }
0x6e: {  	_ = 	snop  }
0x6f: {  	s3 =	sand.u32 $0x7F00, s3  }
0x70: {  	s16 =	sand.u32 $0x30, s15;
	s3 =	sshrl.u32 s3, $0x2  }
0x71: {  	s16 =	sor.u32 s16, s3  }
0x72: {  	[tilespmem:s16+$0x9800] =	vst v0  }
0x73: {  	[spmem:s7] =	stream.linear.scatter [tilespmem:s18], [sflag:$0x9], $0x2000, $0x38;
	[tilespmem:$0x1B800] =	vst v63  }
0x74: {  	_ =	swait.ge [sflag:s19], $0x2000  }
0x75: {  	[sflag:s19] =	ssyncset.done $0x0  }
0x76: {  	[sflag:s19] =	ssyncadd.s32 $0xFFFFE000  }
0x77: {  	[spmem:s8] =	stream.linear.scatter [tilespmem:s18], [sflag:$0x9], $0x2000, $0x38;
	[tilespmem:$0x1B800] =	vst v63  }
0x78: {  	_ =	swait.ge [sflag:s19], $0x2000  }
0x79: {  	[sflag:s19] =	ssyncset.done $0x0  }
0x7a: {  	[sflag:s19] =	ssyncadd.s32 $0xFFFFE000  }
0x7b: {  	[spmem:s9] =	stream.linear.scatter [tilespmem:s18], [sflag:$0x9], $0x2000, $0x38;
	[tilespmem:$0x1B800] =	vst v63  }
0x7c: {  	_ =	swait.ge [sflag:s19], $0x2000  }
0x7d: {  	[sflag:s19] =	ssyncset.done $0x0  }
0x7e: {  	[sflag:s19] =	ssyncadd.s32 $0xFFFFE000  }
0x7f: {  	[spmem:s10] =	stream.linear.scatter [tilespmem:s18], [sflag:$0x9], $0x2000, $0x38;
	[tilespmem:$0x1B800] =	vst v63  }
0x80: {  	_ =	swait.ge [sflag:s19], $0x2000  }
0x81: {  	[sflag:s19] =	ssyncset.done $0x0  }
.Ltmp3:
0x82: {  	[sflag:s19] =	ssyncadd.s32 $0xFFFFE000;
	(pc) =	sbr.rel @p0 .LBB2_7-.Ltmp3, $4  }
0x83: {  	[spmem:s11] =	stream.linear.scatter [tilespmem:s18], [sflag:$0x9], $0x2000, $0x38;
	[tilespmem:$0x1B800] =	vst v63  }
0x84: {  	_ =	swait.ge [sflag:s19], $0x2000  }
0x85: {  	[sflag:s19] =	ssyncset.done $0x0  }
0x86: {  	[sflag:s19] =	ssyncadd.s32 $0xFFFFE000  }
0x87: {  	s3 =	simm.s32 $0x0;
	s13 =	rddreg [dreg:$0x5]  }
0x88: {  	[tilespmem:s3], [sflag:$0x9] =	stream.linear.gather [hbm4b:s13+s3], $0x4C00, $0x38;
	[tilespmem:$0x1B800] =	vst v63  }
0x89: {  	_ =	swait.ge [sflag:s19], $0x4C00  }
0x8a: {  	[sflag:s19] =	ssyncset.done $0x0  }
0x8b: {  	s16 =	rddreg [dreg:$0x6];
	[sflag:s19] =	ssyncadd.s32 $0xFFFFB400  }
0x8c: {  	[tilespmem:s20], [sflag:$0x9] =	stream.linear.gather [hbm4b:s16+s3], $0x4C00, $0x38;
	[tilespmem:$0x1B800] =	vst v63  }
0x8d: {  	_ =	swait.ge [sflag:s19], $0x4C00  }
0x8e: {  	[sflag:s19] =	ssyncset.done $0x0  }
0x8f: {  	[sflag:s19] =	ssyncadd.s32 $0xFFFFB400  }
0x90: {  	[bflag:$0x0] =	sbarrier.arrive $0xFFFF  }
0x91: {  	[tilespmem:s18], [sflag:$0x1] =	stream.indirect.gather [hbm4b:s4+s21], $0x40, s3, s21, $0xb8;
	[tilespmem:$0x1B800] =	vst v63  }
0x92: {  	_ = 	snop  }
0x93: {  	[tilespmem:s22], [sflag:$0x2] =	stream.indirect.gather [hbm4b:s4+s21], $0x40, s21, s21, $0xb8;
	[tilespmem:$0x1B800] =	vst v63  }
0x94: {  	s25 =	simm.s32 $0x100  }
0x95: {  	[tilespmem:s24], [sflag:$0x3] =	stream.indirect.gather [hbm4b:s4+s21], $0x40, s25, s21, $0xb8;
	[tilespmem:$0x1B800] =	vst v63  }
0x96: {  	s13 =	simm.s32 $0x180  }
0x97: {  	[tilespmem:s26], [sflag:$0x4] =	stream.indirect.gather [hbm4b:s4+s21], $0x40, s13, s21, $0xb8;
	[tilespmem:$0x1B800] =	vst v63  }
0x98: {  	_ =	swait.ge [sflag:s28], $0x2000  }
0x99: {  	[sflag:s28] =	ssyncset.done $0x0  }
0x9a: {  	s15 =	simm.s32 $0x4C00;
	[sflag:s28] =	ssyncadd.s32 $0xFFFFE000  }
0x9b: {  	[spmem:s1] =	stream.indirect.scatter.add.f32 [tilespmem:s18], [sflag:$0x5], $0x40, s15, s21, $0xb8;
	[tilespmem:$0x1B800] =	vst v63  }
0x9c: {  	_ =	swait.ge [sflag:s29], $0x2000  }
0x9d: {  	[sflag:s29] =	ssyncset.done $0x0  }
0x9e: {  	s16 =	simm.s32 $0x4C80;
	[sflag:s29] =	ssyncadd.s32 $0xFFFFE000  }
0x9f: {  	[spmem:s1] =	stream.indirect.scatter.add.f32 [tilespmem:s22], [sflag:$0x6], $0x40, s16, s21, $0xb8;
	[tilespmem:$0x1B800] =	vst v63  }
0xa0: {  	_ =	swait.ge [sflag:s31], $0x2000  }
0xa1: {  	[sflag:s31] =	ssyncset.done $0x0  }
0xa2: {  	s25 =	simm.s32 $0x4D00;
	[sflag:s31] =	ssyncadd.s32 $0xFFFFE000  }
0xa3: {  	[spmem:s1] =	stream.indirect.scatter.add.f32 [tilespmem:s24], [sflag:$0x7], $0x40, s25, s21, $0xb8;
	[tilespmem:$0x1B800] =	vst v63  }
0xa4: {  	_ =	swait.ge [sflag:s30], $0x2000  }
0xa5: {  	[sflag:s30] =	ssyncset.done $0x0  }
0xa6: {  	s13 =	simm.s32 $0x4D80;
	[sflag:s30] =	ssyncadd.s32 $0xFFFFE000  }
0xa7: {  	[spmem:s1] =	stream.indirect.scatter.add.f32 [tilespmem:s26], [sflag:$0x8], $0x40, s13, s21, $0xb8;
	[tilespmem:$0x1B800] =	vst v63  }
0xa8: {  	_ =	swait.ge [sflag:s0], $0x2000  }
0xa9: {  	[sflag:s0] =	ssyncset.done $0x0  }
0xaa: {  	s15 =	simm.s32 $0x200;
	[sflag:s0] =	ssyncadd.s32 $0xFFFFE000  }
0xab: {  	[tilespmem:s18], [sflag:$0x1] =	stream.indirect.gather [hbm4b:s4+s21], $0x40, s15, s21, $0xb8;
	[tilespmem:$0x1B800] =	vst v63  }
0xac: {  	_ =	swait.ge [sflag:s5], $0x2000  }
0xad: {  	[sflag:s5] =	ssyncset.done $0x0  }
0xae: {  	s16 =	simm.s32 $0x280;
	[sflag:s5] =	ssyncadd.s32 $0xFFFFE000  }
0xaf: {  	[tilespmem:s22], [sflag:$0x2] =	stream.indirect.gather [hbm4b:s4+s21], $0x40, s16, s21, $0xb8;
	[tilespmem:$0x1B800] =	vst v63  }
0xb0: {  	_ =	swait.ge [sflag:s6], $0x2000  }
0xb1: {  	p1 =	por $0x0, $0x0;
	[sflag:s6] =	ssyncset.done $0x0  }
.Ltmp4:
0xb2: {  	s25 =	simm.s32 $0x300;
	[sflag:s6] =	ssyncadd.s32 $0xFFFFE000;
	(pc) =	sbr.rel @p1 .LBB2_6-.Ltmp4, $4  }
0xb3: {  	[tilespmem:s24], [sflag:$0x3] =	stream.indirect.gather [hbm4b:s4+s21], $0x40, s25, s21, $0xb8;
	[tilespmem:$0x1B800] =	vst v63  }
0xb4: {  	_ =	swait.ge [sflag:s12], $0x2000  }
0xb5: {  	[sflag:s12] =	ssyncset.done $0x0  }
0xb6: {  	s3 =	simm.s32 $0x380;
	s13 =	simm.s32 $0x800;
	[sflag:s12] =	ssyncadd.s32 $0xFFFFE000  }
.LBB2_5:
0xb7: {  	[tilespmem:s26], [sflag:$0x4] =	stream.indirect.gather [hbm4b:s4+s21], $0x40, s3, s21, $0xb8;
	[tilespmem:$0x1B800] =	vst v63  }
0xb8: {  	s3 =	smov.u32 s13  }
0xb9: {  	p1 =	seq.s32 s13, $0x12000;
	s13 =	sadd.s32 $0x800, s13;
	_ =	swait.ge [sflag:s28], $0x2000  }
0xba: {  	s15 =	sshra.s32 s3, $0x2;
	[sflag:s28] =	ssyncset.done $0x0  }
0xbb: {  	s3 =	sadd.s32 $0x4C00, s15;
	[sflag:s28] =	ssyncadd.s32 $0xFFFFE000  }
0xbc: {  	[spmem:s1] =	stream.indirect.scatter.add.f32 [tilespmem:s18], [sflag:$0x5], $0x40, s3, s21, $0xb8;
	[tilespmem:$0x1B800] =	vst v63  }
0xbd: {  	_ =	swait.ge [sflag:s29], $0x2000  }
0xbe: {  	[sflag:s29] =	ssyncset.done $0x0  }
0xbf: {  	s3 =	sadd.s32 $0x4C80, s15;
	[sflag:s29] =	ssyncadd.s32 $0xFFFFE000  }
0xc0: {  	[spmem:s1] =	stream.indirect.scatter.add.f32 [tilespmem:s22], [sflag:$0x6], $0x40, s3, s21, $0xb8;
	[tilespmem:$0x1B800] =	vst v63  }
0xc1: {  	_ =	swait.ge [sflag:s31], $0x2000  }
0xc2: {  	[sflag:s31] =	ssyncset.done $0x0  }
0xc3: {  	s3 =	sadd.s32 $0x4D00, s15;
	[sflag:s31] =	ssyncadd.s32 $0xFFFFE000  }
0xc4: {  	[spmem:s1] =	stream.indirect.scatter.add.f32 [tilespmem:s24], [sflag:$0x7], $0x40, s3, s21, $0xb8;
	[tilespmem:$0x1B800] =	vst v63  }
0xc5: {  	_ =	swait.ge [sflag:s30], $0x2000  }
0xc6: {  	[sflag:s30] =	ssyncset.done $0x0  }
0xc7: {  	s3 =	sadd.s32 $0x4D80, s15;
	[sflag:s30] =	ssyncadd.s32 $0xFFFFE000  }
0xc8: {  	[spmem:s1] =	stream.indirect.scatter.add.f32 [tilespmem:s26], [sflag:$0x8], $0x40, s3, s21, $0xb8;
	[tilespmem:$0x1B800] =	vst v63  }
0xc9: {  	_ =	swait.ge [sflag:s0], $0x2000  }
0xca: {  	[sflag:s0] =	ssyncset.done $0x0  }
0xcb: {  	s3 =	sadd.s32 $0x200, s15;
	[sflag:s0] =	ssyncadd.s32 $0xFFFFE000  }
0xcc: {  	[tilespmem:s18], [sflag:$0x1] =	stream.indirect.gather [hbm4b:s4+s21], $0x40, s3, s21, $0xb8;
	[tilespmem:$0x1B800] =	vst v63  }
0xcd: {  	_ =	swait.ge [sflag:s5], $0x2000  }
0xce: {  	[sflag:s5] =	ssyncset.done $0x0  }
0xcf: {  	s3 =	sadd.s32 $0x280, s15;
	[sflag:s5] =	ssyncadd.s32 $0xFFFFE000  }
0xd0: {  	[tilespmem:s22], [sflag:$0x2] =	stream.indirect.gather [hbm4b:s4+s21], $0x40, s3, s21, $0xb8;
	[tilespmem:$0x1B800] =	vst v63  }
0xd1: {  	_ =	swait.ge [sflag:s6], $0x2000  }
0xd2: {  	[sflag:s6] =	ssyncset.done $0x0  }
.Ltmp5:
0xd3: {  	s3 =	sadd.s32 $0x300, s15;
	[sflag:s6] =	ssyncadd.s32 $0xFFFFE000;
	(pc) =	sbr.rel @!p1 .LBB2_5-.Ltmp5, $4  }
0xd4: {  	[tilespmem:s24], [sflag:$0x3] =	stream.indirect.gather [hbm4b:s4+s21], $0x40, s3, s21, $0xb8;
	[tilespmem:$0x1B800] =	vst v63  }
0xd5: {  	_ =	swait.ge [sflag:s12], $0x2000  }
0xd6: {  	[sflag:s12] =	ssyncset.done $0x0  }
0xd7: {  	s3 =	sadd.s32 $0x380, s15;
	[sflag:s12] =	ssyncadd.s32 $0xFFFFE000  }
.LBB2_6:
.Ltmp6:
0xd8: {  	(pc) =	sbr.rel .LBB2_8-.Ltmp6, $4  }
0xd9: {  	_ = 	snop  }
0xda: {  	[tilespmem:s26], [sflag:$0x4] =	stream.indirect.gather [hbm4b:s4+s21], $0x40, s3, s21, $0xb8;
	[tilespmem:$0x1B800] =	vst v63  }
0xdb: {  	s15 =	simm.s32 $0x9780;
	s25 =	simm.s32 $0x9700  }
0xdc: {  	s16 =	simm.s32 $0x9680;
	s3 =	simm.s32 $0x9600;
	s13 =	rddreg [dreg:$0x3]  }
.LBB2_9:
0xdd: {  	_ =	sfence.sel $0x180000  }
0xde: {  	[bflag:$0x0] =	sbarrier.arrive $0xFFFF  }
0xdf: {  	_ =	strace $0x9000004A  }
0xe0: {  	s0 =	stileid.u32;
	[bflag:$0x2] =	sbarrier.arrive $0xFFFF  }
0xe1: {  	p0 =	sne.s32 s0, $0x0;
	s0 =	rddreg [dreg:$0x2]  }
0xe2: {  	s0 =	sadd.s32 @!p0 $0x100000, s0  }
0xe3: {  	[sflag:s0] =	ssyncadd.tile.s32 @!p0 $0x1;
	_ =	shalt  }
.Lfunc_end2:
_tile_overlayer_lowered:
.L_overlay_start_2:
0xe4: {  	(tag) =	ssettag $0x2  }
0xe5: {  	s0 =	rddreg [dreg:$0x0];
	s2 =	stileid.u32  }
0xe6: {  	s1 =	rddreg [dreg:$0x1];
	p0 =	sne.s32 s2, $0x0  }
0xe7: {  	s3 =	rddreg [dreg:$0x2];
	[bflag:$0x3] =	sbarrier.arrive $0xFFFF;
	s2 =	simm.s32 @!p0 $0x1C09  }
0xe8: {  	[timem:s3], [sflag:s2] =	dma.local @!p0 [hbm:s0], s1  }
0xe9: {  	s0 =	simm.s32 @!p0 $0x9  }
0xea: {  	_ =	swait.ge @!p0 [sflag:s0], s1  }
0xeb: {  	s1 =	ssub.s32 @!p0 $0x0, s1;
	[sflag:s0] =	ssyncset.done @!p0 $0x0  }
0xec: {  	[sflag:s0] =	ssyncadd.s32 @!p0 s1  }
0xed: {  	[bflag:$0x3] =	sbarrier.arrive $0xFFFF  }
0xee: {  	_ =	shalt  }

// kernel: kernel.18.cloned.1.call-start
scs
__scs_entry_jumppad:
0x0: {  	(pc) =	sbr.rel $0x88, $3  }
0x1: {  	(tag) =	ssettag $0x0;
	lr =	simm.s32 $0x1  }
0x2: {  	[smem:$0x3F92] =	sst lr;
	_ =	strace $0xD0000000  }
0x3: {  	_ = 	snop  }
0x4: {  	_ = 	snop  }
0x5: {  	_ = 	snop  }
0x6: {  	_ = 	snop  }
0x7: {  	_ = 	snop  }
__scs_overlays_trampoline_lowered:
0x8: {  	[smem:$0x3FA1] =	sst s0  }
0x9: {  	[smem:$0x3FA2] =	sst s1  }
0xa: {  	[smem:$0x3FA3] =	sst s2  }
0xb: {  	[smem:$0x3FA4] =	sst s3  }
0xc: {  	[smem:$0x3FA5] =	sst s4  }
0xd: {  	[smem:$0x3FA6] =	sst s5  }
0xe: {  	[smem:$0x3FA7] =	sst s6  }
0xf: {  	[smem:$0x3FA8] =	sst s7  }
0x10: {  	[smem:$0x3FA9] =	sst s8  }
0x11: {  	[smem:$0x3FAA] =	sst s9;
	s0 =	simm.s32 @!p0 $0x0  }
0x12: {  	s1 =	sld [smem:$0x3F90];
	s0 =	simm.s32 @p0 $0x1  }
0x13: {  	[smem:$0x3FAB] =	sst s0;
	s0 =	simm.s32 @!p1 $0x0  }
0x14: {  	s2 =	sld [smem:$0x3F8F];
	s0 =	simm.s32 @p1 $0x1  }
0x15: {  	[smem:$0x3FAC] =	sst s0;
	s0 =	simm.s32 @!p2 $0x0  }
0x16: {  	s3 =	sld [smem:$0x3FDB];
	s0 =	simm.s32 @p2 $0x1  }
0x17: {  	s4 =	simm.s32 $0x1BF5;
	[smem:$0x3FAE] =	sst s0  }
0x18: {  	s0 =	sld [smem:$0x3F91];
	_ =	swait.ge [sflag:s4], $0x0  }
0x19: {  	s7 =	sld [smem:$0x3F92]  }
0x1a: {  	s8 =	sadd.s32 $0xFFFFE003, lr  }
0x1b: {  	s9 =	sadd.s32 $0xFFFFFEF7, lr;
	s5 =	simm.s32 $0xFFFFFFFF;
	p2 =	slt.u32 s8, $0xFFFFF086  }
0x1c: {  	p1 =	slt.u32 s9, $0xF7A;
	s5 =	simm.s32 @!p2 $0x0  }
0x1d: {  	s5 =	simm.s32 @p1 $0x1;
	p0 =	seq.s32 s7, s2  }
0x1e: {  	s7 =	smul.u32 @!p0 $0xF7A, s2;
	p2 =	seq.s32 @!p0 s5, $0x0  }
0x1f: {  	s9 =	smul.u32 $0xF7A, s1;
	s8 =	simm.s32 @!p0 $0x1BF5;
	p2 =	por !p2, p0  }
0x20: {  	[sflag:s8] =	ssyncset.s32 @!p0 $0xFFFFF086;
	s6 =	sadd.s32 @!p0 s3, s7;
	s7 =	simm.s32 @!p0 $0x108  }
0x21: {  	s3 =	sadd.s32 s3, s9;
	s6 =	sadd.s32 @!p0 $0x88, s6;
	s7 =	simm.s32 @p2 $0x1082  }
0x22: {  	[simem:s7], [sflag:s8] =	dma.local @!p0 [hbm:s6], $0xF7A  }
0x23: {  	s9 =	sor.u32 $0xD0000000, s2;
	s6 =	simm.s32 $0x108;
	_ =	swait.ge @!p0 [sflag:s8], $0x0  }
0x24: {  	s3 =	sadd.s32 $0x88, s3;
	s6 =	simm.s32 @!p1 $0x1082;
	[sflag:s4] =	ssyncset.s32 $0xFFFFF086  }
0x25: {  	[simem:s6], [sflag:s4] =	dma.local [hbm:s3], $0xF7A  }
0x26: {  	[smem:$0x3F92] =	sst s1;
	(tag) =	ssettag s2;
	_ =	strace s9  }
0x27: {  	s1 =	sld [smem:$0x3FA2]  }
0x28: {  	s2 =	sld [smem:$0x3FA3]  }
0x29: {  	s4 =	sld [smem:$0x3FA5]  }
0x2a: {  	p0 =	seq.s32 s5, $0x0;
	s5 =	sld [smem:$0x3FA6]  }
0x2b: {  	s6 =	sld [smem:$0x3FA7]  }
0x2c: {  	s7 =	sld [smem:$0x3FA8]  }
0x2d: {  	s3 =	simm.s32 $0x108;
	s8 =	sld [smem:$0x3FA9]  }
0x2e: {  	s3 =	simm.s32 @!p0 $0x1082;
	s9 =	sld [smem:$0x3FAA]  }
0x2f: {  	lr =	sadd.s32 s0, s3;
	s0 =	sld [smem:$0x3FA1]  }
0x30: {  	s3 =	sld [smem:$0x3FA4]  }
0x31: {  	[smem:$0x3FAD] =	sst s10  }
0x32: {  	s10 =	sld [smem:$0x3FAB];
	_ =	sdelay $0x3  }
0x33: {  	p0 =	seq.s32 s10, $0x1;
	s10 =	sld [smem:$0x3FAD];
	_ =	sdelay $0x3  }
0x34: {  	[smem:$0x3FAD] =	sst s10  }
0x35: {  	s10 =	sld [smem:$0x3FAC];
	_ =	sdelay $0x3  }
0x36: {  	p1 =	seq.s32 s10, $0x1;
	s10 =	sld [smem:$0x3FAD];
	_ =	sdelay $0x3  }
0x37: {  	[smem:$0x3FAD] =	sst s10  }
0x38: {  	s10 =	sld [smem:$0x3FAE]  }
0x39: {  	_ = 	snop;
	(pc) =	sbr.ind lr, $3  }
0x3a: {  	_ = 	snop  }
0x3b: {  	_ = 	snop  }
0x3c: {  	p2 =	seq.s32 s10, $0x1;
	s10 =	sld [smem:$0x3FAD]  }
0x3d: {  	_ =	shalt  }
0x3e: {  	_ =	shalt  }
0x3f: {  	_ =	shalt  }
0x40: {  	_ =	shalt  }
0x41: {  	_ =	shalt  }
0x42: {  	_ =	shalt  }
0x43: {  	_ =	shalt  }
0x44: {  	_ =	shalt  }
0x45: {  	_ =	shalt  }
0x46: {  	_ =	shalt  }
0x47: {  	_ =	shalt  }
0x48: {  	_ =	shalt  }
0x49: {  	_ =	shalt  }
0x4a: {  	_ =	shalt  }
0x4b: {  	_ =	shalt  }
0x4c: {  	_ =	shalt  }
0x4d: {  	_ =	shalt  }
0x4e: {  	_ =	shalt  }
0x4f: {  	_ =	shalt  }
0x50: {  	_ =	shalt  }
0x51: {  	_ =	shalt  }
0x52: {  	_ =	shalt  }
0x53: {  	_ =	shalt  }
0x54: {  	_ =	shalt  }
0x55: {  	_ =	shalt  }
0x56: {  	_ =	shalt  }
0x57: {  	_ =	shalt  }
0x58: {  	_ =	shalt  }
0x59: {  	_ =	shalt  }
0x5a: {  	_ =	shalt  }
0x5b: {  	_ =	shalt  }
0x5c: {  	_ =	shalt  }
0x5d: {  	_ =	shalt  }
0x5e: {  	_ =	shalt  }
0x5f: {  	_ =	shalt  }
0x60: {  	_ =	shalt  }
0x61: {  	_ =	shalt  }
0x62: {  	_ =	shalt  }
0x63: {  	_ =	shalt  }
0x64: {  	_ =	shalt  }
0x65: {  	_ =	shalt  }
0x66: {  	_ =	shalt  }
0x67: {  	_ =	shalt  }
0x68: {  	_ =	shalt  }
0x69: {  	_ =	shalt  }
0x6a: {  	_ =	shalt  }
0x6b: {  	_ =	shalt  }
0x6c: {  	_ =	shalt  }
0x6d: {  	_ =	shalt  }
0x6e: {  	_ =	shalt  }
0x6f: {  	_ =	shalt  }
0x70: {  	_ =	shalt  }
0x71: {  	_ =	shalt  }
0x72: {  	_ =	shalt  }
0x73: {  	_ =	shalt  }
0x74: {  	_ =	shalt  }
0x75: {  	_ =	shalt  }
0x76: {  	_ =	shalt  }
0x77: {  	_ =	shalt  }
0x78: {  	_ =	shalt  }
0x79: {  	_ =	shalt  }
0x7a: {  	_ =	shalt  }
0x7b: {  	_ =	shalt  }
0x7c: {  	_ =	shalt  }
0x7d: {  	_ =	shalt  }
0x7e: {  	_ =	shalt  }
0x7f: {  	_ =	shalt  }
0x80: {  	_ =	shalt  }
0x81: {  	_ =	shalt  }
0x82: {  	_ =	shalt  }
0x83: {  	_ =	shalt  }
0x84: {  	_ =	shalt  }
0x85: {  	_ =	shalt  }
0x86: {  	_ =	shalt  }
0x87: {  	_ =	shalt  }
.Lfunc_end0:
.L_simem_size_0:
called_computation.2_lowered:
.L_overlay_start_0:
0x88: {  	s2 =	sld [smem:$0x3FD9]  }
0x89: {  	s3 =	sld [smem:$0x3FFE];
	_ =	sdelay $0x1  }
0x8a: {  	s1 =	srdreg.scid  }
0x8b: {  	s0 =	sand.u32 $0x1, s1  }
0x8c: {  	s16 =	sshll.u32 s0, $0xA;
	s2 =	sadd.s32 s3, s2  }
0x8d: {  	s2 =	sadd.s32 s2, s16  }
0x8e: {  	[smem:$0x3FB9] =	sst s2  }
0x8f: {  	_ = 	snop  }
0x90: {  	(tm) =	ssettm $0x1  }
0x91: {  	s17 =	sld [smem:$0x3FFB];
	_ =	sdelay $0x3  }
0x92: {  	_ =	strace s17  }
0x93: {  	s2 =	sld [smem:$0x3FFC];
	_ =	sdelay $0x3  }
0x94: {  	_ =	strace s2  }
0x95: {  	s2 =	sld [smem:$0x3FFD];
	_ =	sdelay $0x3  }
0x96: {  	_ =	strace s2  }
0x97: {  	_ =	strace $0x8FFFFFFF  }
0x98: {  	s18 =	sld [smem:$0x3FDB];
	_ =	sdelay $0x1  }
0x99: {  	s19 =	simm.s32 $_scs_section_size  }
0x9a: {  	s4 =	simm.s32 $_size__tile_overlayer_lowered;
	s5 =	simm.s32 $_tile_overlayer_lowered  }
0x9b: {  	s22 =	simm.s32 $0x1BFF;
	s21 =	sshll.u32 s5, $0x1;
	s2 =	sadd.s32 s19, s18  }
0x9c: {  	s6 =	simm.s32 $0x0;
	s20 =	sshll.u32 s4, $0x1;
	s4 =	sadd.s32 s21, s2  }
0x9d: {  	[timem:s6], [sflag:s22] =	dma.local [hbm:s4], s20  }
0x9e: {  	_ =	swait.ge [sflag:s22], s20  }
0x9f: {  	s3 =	ssub.s32 $0x0, s20;
	[sflag:s22] =	ssyncset.done $0x0  }
0xa0: {  	[sflag:s22] =	ssyncadd.s32 s3;
	_ =	sdelay $0x1  }
0xa1: {  	s23 =	simm.s32 $0x1B8B  }
0xa2: {  	_ =	swait.ge [sflag:s23], $0x1  }
0xa3: {  	[sflag:s23] =	ssyncset.done $0x0  }
0xa4: {  	s25 =	simm.s32 $0x1B8E;
	s24 =	sld [smem:$0x3FFE];
	[sflag:s23] =	ssyncadd.s32 $0xFFFFFFFF  }
0xa5: {  	s26 =	simm.s32 $execute0_lowered;
	[smem:$0x3FD2] =	sst s25  }
0xa6: {  	s4 =	sshll.u32 s26, $0x1;
	_ =	strace $0x8000004C;
	[dreg:$0x1] =	wrdreg $0xFFFFFFFF  }
0xa7: {  	s28 =	simm.s32 $_size_execute0_lowered;
	s2 =	sadd.s32 s2, s4;
	[dreg:$0x0] =	wrdreg $0x0  }
0xa8: {  	s4 =	sshll.u32 s28, $0x1;
	[dreg:$0x2] =	wrdreg s2  }
0xa9: {  	[dreg:$0x3] =	wrdreg s4  }
0xaa: {  	[dreg:$0x4] =	wrdreg $0xC0  }
0xab: {  	_ =	task [dreg:s6], $0x5FFFF  }
0xac: {  	[dreg:$0x1] =	wrdreg $0xFFFFFFFF  }
0xad: {  	[dreg:$0x0] =	wrdreg $0x60  }
0xae: {  	[dreg:$0x2] =	wrdreg s24  }
0xaf: {  	[dreg:$0x3] =	wrdreg $0x118000  }
0xb0: {  	[dreg:$0x4] =	wrdreg $0x9  }
0xb1: {  	_ =	task.clear_ibuf [dreg:s6], $0x5FFFF;
	_ =	strace $0x9000004C  }
0xb2: {  	s29 =	simm.s32 $0x9;
	_ =	strace $0x8000004E  }
0xb3: {  	_ =	swait.ge [sflag:s29], $0x1  }
0xb4: {  	[sflag:s29] =	ssyncadd.s32 $0xFFFFFFFF  }
0xb5: {  	_ =	strace $0x9000004E  }
0xb6: {  	_ =	sfence  }
0xb7: {  	s30 =	sld [smem:$0x0];
	_ =	sdelay $0x2  }
0xb8: {  	s31 =	sshll.u32 s1, $0xD;
	s1 =	sshrl.u32 s1, $0x2  }
0xb9: {  	s3 =	sand.u32 $0x4000, s31;
	s1 =	sadd.s32 s1, s30  }
0xba: {  	s0 =	sor.u32 s3, s0;
	s1 =	sshll.u32 s1, $0x11  }
0xbb: {  	s0 =	sor.u32 s1, s0  }
0xbc: {  	s0 =	sadd.s32 $0x8F2B, s0  }
0xbd: {  	[sflag:s0] =	ssyncadd.remote.s32 $0x1  }
0xbe: {  	_ =	sfence.sel $0xFFFF  }
0xbf: {  	[dreg:$0x0] =	wrdreg $0xFFFFFFFF;
	(pc) =	sbr.abs _section_cstart, $3  }
0xc0: {  	[dreg:$0x1] =	wrdreg $0xFFFFFFFF  }
0xc1: {  	_ =	task.clear_ibuf [dreg:s6], $0x2FFFF;
	_ =	strace $0x9FFFFFFF  }
0xc2: {  	(tm) =	ssettm $0x7FFFFFFF  }
0xc3: {  	_ =	shalt  }
tec
execute0_lowered:
.L_overlay_start_1:
0x0: {  	(tag) =	ssettag $0x1  }
0x1: {  	s0 =	rddreg [dreg:$0x0]  }
0x2: {  	s1 =	rddreg [dreg:$0x1];
	s2 =	simm.s32 $0x0;
	s5 =	srdreg.scid  }
0x3: {  	s14 =	stileid.u32;
	s18 =	simm.s32 $0x9800;
	s19 =	simm.s32 $0x9  }
0x4: {  	s20 =	simm.s32 $0x4C00;
	s21 =	simm.s32 $0x80;
	s28 =	simm.s32 $0x1  }
0x5: {  	s29 =	simm.s32 $0x2;
	s31 =	simm.s32 $0x3;
	s30 =	simm.s32 $0x4  }
0x6: {  	[smem:$0x7FF] =	sst s2;
	s4 =	sadd.s32 $0x4AC00, s0;
	s3 =	sadd.s32 $0x18C00, s0  }
0x7: {  	s6 =	sadd.s32 $0x4C00, s0;
	s5 =	sand.u32 $0x1, s5;
	s7 =	smul.u32 $0x28000, s14  }
0x8: {  	s8 =	sadd.s32 $0x72C00, s0;
	s12 =	smul.u32 $0xA000, s14;
	s0 =	sadd.s32 $0x5EC00, s0  }
0x9: {  	s13 =	smul.u32 $0x980, s14;
	_ =	strace $0x8000004D;
	[dreg:$0x3] =	wrdreg s8  }
0xa: {  	s14 =	sshll.u32 s14, $0x7;
	s22 =	ssub.s32 $0x2, s5;
	[dreg:$0x4] =	wrdreg s0  }
0xb: {  	p0 =	seq.s32 s5, $0x1;
	s25 =	sor.u32 $0x9800, s14;
	s5 =	simm.s32 $0x6  }
0xc: {  	s23 =	sshrl.u32 s22, $0x1;
	s9 =	sshrl.u32 s7, $0x2;
	s7 =	sadd.s32 s12, s1  }
0xd: {  	s24 =	sadd.s32 s3, s13;
	s13 =	sadd.s32 s6, s13;
	s14 =	sshrl.u32 s12, $0x3  }
0xe: {  	s3 =	sadd.s32 s3, s25;
	s26 =	sadd.s32 s6, s25;
	[dreg:$0x5] =	wrdreg s24  }
0xf: {  	s6 =	simm.s32 $0x7;
	s12 =	simm.s32 $0x8;
	[dreg:$0x6] =	wrdreg s13  }
.Ltmp0:
0x10: {  	s0 =	ssub.s32 s22, s23;
	[dreg:$0x7] =	wrdreg s3;
	(pc) =	sbr.rel .LBB2_1-.Ltmp0, $4  }
0x11: {  	s11 =	sadd.s32 s9, s1;
	[dreg:$0x8] =	wrdreg s26;
	s22 =	simm.s32 $0xB800  }
0x12: {  	s24 =	simm.s32 $0xD800;
	s26 =	simm.s32 $0xF800;
	s23 =	simm.s32 $0x0  }
0x13: {  	s8 =	sadd.s32 $0x2000, s11;
	s9 =	sadd.s32 $0x4000, s11;
	s10 =	sadd.s32 $0x6000, s11  }
0x14: {  	v0 =	vimm.f32 $0.0e+00;
	s11 =	sadd.s32 $0x8000, s11;
	s17 =	smax.u32 s0, $0x1;
	s0 =	simm.s32 $0x5  }
.LBB2_7:
0x15: {  	s3 =	rddreg [dreg:$0x7]  }
0x16: {  	[tilespmem:s2], [sflag:$0x9] =	stream.linear.gather [hbm4b:s3+s2], $0x400, $0x38;
	[tilespmem:$0x1B800] =	vst v63  }
0x17: {  	_ =	swait.ge [sflag:s19], $0x400  }
0x18: {  	[sflag:s19] =	ssyncset.done $0x0  }
0x19: {  	s16 =	rddreg [dreg:$0x8];
	[sflag:s19] =	ssyncadd.s32 $0xFFFFFC00  }
0x1a: {  	[tilespmem:s20], [sflag:$0x9] =	stream.linear.gather [hbm4b:s16+s2], $0x400, $0x38;
	[tilespmem:$0x1B800] =	vst v63  }
0x1b: {  	_ =	swait.ge [sflag:s19], $0x400  }
0x1c: {  	[sflag:s19] =	ssyncset.done $0x0  }
0x1d: {  	[sflag:s19] =	ssyncadd.s32 $0xFFFFFC00  }
0x1e: {  	[bflag:$0x0] =	sbarrier.arrive $0xFFFF  }
0x1f: {  	[tilespmem:s18], [sflag:$0x1] =	stream.indirect.gather [hbm4b:s4+s21], $0x40, s2, s21, $0xb8;
	[tilespmem:$0x1B800] =	vst v63  }
0x20: {  	_ = 	snop  }
0x21: {  	[tilespmem:s22], [sflag:$0x2] =	stream.indirect.gather [hbm4b:s4+s21], $0x40, s21, s21, $0xb8;
	[tilespmem:$0x1B800] =	vst v63  }
0x22: {  	s25 =	simm.s32 $0x100  }
0x23: {  	[tilespmem:s24], [sflag:$0x3] =	stream.indirect.gather [hbm4b:s4+s21], $0x40, s25, s21, $0xb8;
	[tilespmem:$0x1B800] =	vst v63  }
0x24: {  	s13 =	simm.s32 $0x180  }
0x25: {  	[tilespmem:s26], [sflag:$0x4] =	stream.indirect.gather [hbm4b:s4+s21], $0x40, s13, s21, $0xb8;
	[tilespmem:$0x1B800] =	vst v63  }
0x26: {  	_ =	swait.ge [sflag:s28], $0x2000  }
0x27: {  	[sflag:s28] =	ssyncset.done $0x0  }
0x28: {  	[sflag:s28] =	ssyncadd.s32 $0xFFFFE000  }
0x29: {  	[spmem:s1] =	stream.indirect.scatter.add.f32 [tilespmem:s18], [sflag:$0x5], $0x40, s20, s21, $0xb8;
	[tilespmem:$0x1B800] =	vst v63  }
0x2a: {  	_ =	swait.ge [sflag:s29], $0x2000  }
0x2b: {  	[sflag:s29] =	ssyncset.done $0x0  }
0x2c: {  	s15 =	simm.s32 $0x4C80;
	[sflag:s29] =	ssyncadd.s32 $0xFFFFE000  }
0x2d: {  	[spmem:s1] =	stream.indirect.scatter.add.f32 [tilespmem:s22], [sflag:$0x6], $0x40, s15, s21, $0xb8;
	[tilespmem:$0x1B800] =	vst v63  }
0x2e: {  	_ =	swait.ge [sflag:s31], $0x2000  }
0x2f: {  	[sflag:s31] =	ssyncset.done $0x0  }
0x30: {  	s16 =	simm.s32 $0x4D00;
	[sflag:s31] =	ssyncadd.s32 $0xFFFFE000  }
0x31: {  	[spmem:s1] =	stream.indirect.scatter.add.f32 [tilespmem:s24], [sflag:$0x7], $0x40, s16, s21, $0xb8;
	[tilespmem:$0x1B800] =	vst v63  }
0x32: {  	_ =	swait.ge [sflag:s30], $0x2000  }
0x33: {  	[sflag:s30] =	ssyncset.done $0x0  }
0x34: {  	s25 =	simm.s32 $0x4D80;
	[sflag:s30] =	ssyncadd.s32 $0xFFFFE000  }
0x35: {  	[spmem:s1] =	stream.indirect.scatter.add.f32 [tilespmem:s26], [sflag:$0x8], $0x40, s25, s21, $0xb8;
	[tilespmem:$0x1B800] =	vst v63  }
0x36: {  	_ =	swait.ge [sflag:s0], $0x2000  }
0x37: {  	[sflag:s0] =	ssyncset.done $0x0  }
0x38: {  	s13 =	simm.s32 $0x200;
	[sflag:s0] =	ssyncadd.s32 $0xFFFFE000  }
0x39: {  	[tilespmem:s18], [sflag:$0x1] =	stream.indirect.gather [hbm4b:s4+s21], $0x40, s13, s21, $0xb8;
	[tilespmem:$0x1B800] =	vst v63  }
0x3a: {  	_ =	swait.ge [sflag:s5], $0x2000  }
0x3b: {  	[sflag:s5] =	ssyncset.done $0x0  }
0x3c: {  	s15 =	simm.s32 $0x280;
	[sflag:s5] =	ssyncadd.s32 $0xFFFFE000  }
0x3d: {  	[tilespmem:s22], [sflag:$0x2] =	stream.indirect.gather [hbm4b:s4+s21], $0x40, s15, s21, $0xb8;
	[tilespmem:$0x1B800] =	vst v63  }
0x3e: {  	_ =	swait.ge [sflag:s6], $0x2000  }
0x3f: {  	[sflag:s6] =	ssyncset.done $0x0  }
0x40: {  	s16 =	simm.s32 $0x300;
	[sflag:s6] =	ssyncadd.s32 $0xFFFFE000  }
0x41: {  	[tilespmem:s24], [sflag:$0x3] =	stream.indirect.gather [hbm4b:s4+s21], $0x40, s16, s21, $0xb8;
	[tilespmem:$0x1B800] =	vst v63  }
0x42: {  	_ =	swait.ge [sflag:s12], $0x2000  }
0x43: {  	s3 =	simm.s32 $0x4E00;
	[sflag:s12] =	ssyncset.done $0x0  }
0x44: {  	s25 =	simm.s32 $0x380;
	s15 =	simm.s32 $0x4F80;
	[sflag:s12] =	ssyncadd.s32 $0xFFFFE000  }
0x45: {  	[tilespmem:s26], [sflag:$0x4] =	stream.indirect.gather [hbm4b:s4+s21], $0x40, s25, s21, $0xb8;
	[tilespmem:$0x1B800] =	vst v63  }
0x46: {  	s16 =	simm.s32 $0x4E80;
	s13 =	rddreg [dreg:$0x4];
	s25 =	simm.s32 $0x4F00  }
.LBB2_8:
0x47: {  	_ =	swait.ge [sflag:s28], $0x2000  }
0x48: {  	[sflag:s28] =	ssyncset.done $0x0  }
0x49: {  	[sflag:s28] =	ssyncadd.s32 $0xFFFFE000  }
0x4a: {  	[spmem:s1] =	stream.indirect.scatter.add.f32 [tilespmem:s18], [sflag:$0x5], $0x40, s3, s21, $0xb8;
	[tilespmem:$0x1B800] =	vst v63  }
0x4b: {  	_ =	swait.ge [sflag:s29], $0x2000  }
0x4c: {  	[sflag:s29] =	ssyncset.done $0x0  }
0x4d: {  	[sflag:s29] =	ssyncadd.s32 $0xFFFFE000  }
0x4e: {  	[spmem:s1] =	stream.indirect.scatter.add.f32 [tilespmem:s22], [sflag:$0x6], $0x40, s16, s21, $0xb8;
	[tilespmem:$0x1B800] =	vst v63  }
0x4f: {  	_ =	swait.ge [sflag:s31], $0x2000  }
0x50: {  	[sflag:s31] =	ssyncset.done $0x0  }
0x51: {  	[sflag:s31] =	ssyncadd.s32 $0xFFFFE000  }
0x52: {  	[spmem:s1] =	stream.indirect.scatter.add.f32 [tilespmem:s24], [sflag:$0x7], $0x40, s25, s21, $0xb8;
	[tilespmem:$0x1B800] =	vst v63  }
0x53: {  	_ =	swait.ge [sflag:s30], $0x2000  }
0x54: {  	[sflag:s30] =	ssyncset.done $0x0  }
0x55: {  	[sflag:s30] =	ssyncadd.s32 $0xFFFFE000  }
0x56: {  	[spmem:s1] =	stream.indirect.scatter.add.f32 [tilespmem:s26], [sflag:$0x8], $0x40, s15, s21, $0xb8;
	[tilespmem:$0x1B800] =	vst v63  }
0x57: {  	_ =	swait.ge [sflag:s0], $0x2000  }
0x58: {  	[sflag:s0] =	ssyncset.done $0x0  }
0x59: {  	[sflag:s0] =	ssyncadd.s32 $0xFFFFE000  }
0x5a: {  	_ =	swait.ge [sflag:s5], $0x2000  }
0x5b: {  	[sflag:s5] =	ssyncset.done $0x0  }
0x5c: {  	[sflag:s5] =	ssyncadd.s32 $0xFFFFE000  }
0x5d: {  	_ =	swait.ge [sflag:s6], $0x2000  }
0x5e: {  	[sflag:s6] =	ssyncset.done $0x0  }
0x5f: {  	s23 =	sadd.s32 $0x1, s23;
	[sflag:s6] =	ssyncadd.s32 $0xFFFFE000  }
0x60: {  	p1 =	sne.s32 s23, s17;
	_ =	swait.ge [sflag:s12], $0x2000  }
0x61: {  	s16 =	stileid.u32;
	s25 =	sshrl.u32 s7, $0x3;
	[sflag:s12] =	ssyncset.done $0x0  }
0x62: {  	s15 =	sadd.s32 s13, s14;
	s13 =	sshll.u32 s16, $0x6;
	[sflag:s12] =	ssyncadd.s32 $0xFFFFE000  }
.Ltmp1:
0x63: {  	s13 =	sor.u32 $0x1C09, s13;
	[bflag:$0x0] =	sbarrier.arrive $0xFFFF;
	(pc) =	sbr.rel @!p1 .LBB2_9-.Ltmp1, $4  }
0x64: {  	[hbm:s15], [sflag:s13] =	dma.local [spmem:s25], $0x1400  }
0x65: {  	_ =	swait.ge [sflag:s19], $0x1400  }
0x66: {  	[sflag:s19] =	ssyncset.done $0x0  }
0x67: {  	[sflag:s19] =	ssyncadd.s32 $0xFFFFEC00  }
.LBB2_1:
0x68: {  	s3 =	sand.u32 $0x7F00, s2  }
0x69: {  	s15 =	sand.u32 $0x30, s2;
	s3 =	sshrl.u32 s3, $0x2  }
0x6a: {  	s13 =	simm.s32 $0x40;
	s16 =	sor.u32 s15, s3;
	s15 =	simm.s32 $0x0  }
.LBB2_2:
0x6b: {  	p1 =	sne.s32 s13, $0x7FC0  }
0x6c: {  	[tilespmem:s16+$0x9800] =	vst v0;
	s15 =	sadd.s32 $0x10, s15;
	s3 =	smov.u32 s13;
	s13 =	sadd.s32 $0x40, s13  }
.Ltmp2:
0x6d: {  	(pc) =	sbr.rel @p1 .LBB2_2-.Ltmp2, $4  }
0x6e: {  	_ = 	snop  }
0x6f: {  	s3 =	sand.u32 $0x7F00, s3  }
0x70: {  	s16 =	sand.u32 $0x30, s15;
	s3 =	sshrl.u32 s3, $0x2  }
0x71: {  	s16 =	sor.u32 s16, s3  }
0x72: {  	[tilespmem:s16+$0x9800] =	vst v0  }
0x73: {  	[spmem:s7] =	stream.linear.scatter [tilespmem:s18], [sflag:$0x9], $0x2000, $0x38;
	[tilespmem:$0x1B800] =	vst v63  }
0x74: {  	_ =	swait.ge [sflag:s19], $0x2000  }
0x75: {  	[sflag:s19] =	ssyncset.done $0x0  }
0x76: {  	[sflag:s19] =	ssyncadd.s32 $0xFFFFE000  }
0x77: {  	[spmem:s8] =	stream.linear.scatter [tilespmem:s18], [sflag:$0x9], $0x2000, $0x38;
	[tilespmem:$0x1B800] =	vst v63  }
0x78: {  	_ =	swait.ge [sflag:s19], $0x2000  }
0x79: {  	[sflag:s19] =	ssyncset.done $0x0  }
0x7a: {  	[sflag:s19] =	ssyncadd.s32 $0xFFFFE000  }
0x7b: {  	[spmem:s9] =	stream.linear.scatter [tilespmem:s18], [sflag:$0x9], $0x2000, $0x38;
	[tilespmem:$0x1B800] =	vst v63  }
0x7c: {  	_ =	swait.ge [sflag:s19], $0x2000  }
0x7d: {  	[sflag:s19] =	ssyncset.done $0x0  }
0x7e: {  	[sflag:s19] =	ssyncadd.s32 $0xFFFFE000  }
0x7f: {  	[spmem:s10] =	stream.linear.scatter [tilespmem:s18], [sflag:$0x9], $0x2000, $0x38;
	[tilespmem:$0x1B800] =	vst v63  }
0x80: {  	_ =	swait.ge [sflag:s19], $0x2000  }
0x81: {  	[sflag:s19] =	ssyncset.done $0x0  }
.Ltmp3:
0x82: {  	[sflag:s19] =	ssyncadd.s32 $0xFFFFE000;
	(pc) =	sbr.rel @p0 .LBB2_7-.Ltmp3, $4  }
0x83: {  	[spmem:s11] =	stream.linear.scatter [tilespmem:s18], [sflag:$0x9], $0x2000, $0x38;
	[tilespmem:$0x1B800] =	vst v63  }
0x84: {  	_ =	swait.ge [sflag:s19], $0x2000  }
0x85: {  	[sflag:s19] =	ssyncset.done $0x0  }
0x86: {  	[sflag:s19] =	ssyncadd.s32 $0xFFFFE000  }
0x87: {  	s3 =	simm.s32 $0x0;
	s13 =	rddreg [dreg:$0x5]  }
0x88: {  	[tilespmem:s3], [sflag:$0x9] =	stream.linear.gather [hbm4b:s13+s3], $0x4C00, $0x38;
	[tilespmem:$0x1B800] =	vst v63  }
0x89: {  	_ =	swait.ge [sflag:s19], $0x4C00  }
0x8a: {  	[sflag:s19] =	ssyncset.done $0x0  }
0x8b: {  	s16 =	rddreg [dreg:$0x6];
	[sflag:s19] =	ssyncadd.s32 $0xFFFFB400  }
0x8c: {  	[tilespmem:s20], [sflag:$0x9] =	stream.linear.gather [hbm4b:s16+s3], $0x4C00, $0x38;
	[tilespmem:$0x1B800] =	vst v63  }
0x8d: {  	_ =	swait.ge [sflag:s19], $0x4C00  }
0x8e: {  	[sflag:s19] =	ssyncset.done $0x0  }
0x8f: {  	[sflag:s19] =	ssyncadd.s32 $0xFFFFB400  }
0x90: {  	[bflag:$0x0] =	sbarrier.arrive $0xFFFF  }
0x91: {  	[tilespmem:s18], [sflag:$0x1] =	stream.indirect.gather [hbm4b:s4+s21], $0x40, s3, s21, $0xb8;
	[tilespmem:$0x1B800] =	vst v63  }
0x92: {  	_ = 	snop  }
0x93: {  	[tilespmem:s22], [sflag:$0x2] =	stream.indirect.gather [hbm4b:s4+s21], $0x40, s21, s21, $0xb8;
	[tilespmem:$0x1B800] =	vst v63  }
0x94: {  	s25 =	simm.s32 $0x100  }
0x95: {  	[tilespmem:s24], [sflag:$0x3] =	stream.indirect.gather [hbm4b:s4+s21], $0x40, s25, s21, $0xb8;
	[tilespmem:$0x1B800] =	vst v63  }
0x96: {  	s13 =	simm.s32 $0x180  }
0x97: {  	[tilespmem:s26], [sflag:$0x4] =	stream.indirect.gather [hbm4b:s4+s21], $0x40, s13, s21, $0xb8;
	[tilespmem:$0x1B800] =	vst v63  }
0x98: {  	_ =	swait.ge [sflag:s28], $0x2000  }
0x99: {  	[sflag:s28] =	ssyncset.done $0x0  }
0x9a: {  	s15 =	simm.s32 $0x4C00;
	[sflag:s28] =	ssyncadd.s32 $0xFFFFE000  }
0x9b: {  	[spmem:s1] =	stream.indirect.scatter.add.f32 [tilespmem:s18], [sflag:$0x5], $0x40, s15, s21, $0xb8;
	[tilespmem:$0x1B800] =	vst v63  }
0x9c: {  	_ =	swait.ge [sflag:s29], $0x2000  }
0x9d: {  	[sflag:s29] =	ssyncset.done $0x0  }
0x9e: {  	s16 =	simm.s32 $0x4C80;
	[sflag:s29] =	ssyncadd.s32 $0xFFFFE000  }
0x9f: {  	[spmem:s1] =	stream.indirect.scatter.add.f32 [tilespmem:s22], [sflag:$0x6], $0x40, s16, s21, $0xb8;
	[tilespmem:$0x1B800] =	vst v63  }
0xa0: {  	_ =	swait.ge [sflag:s31], $0x2000  }
0xa1: {  	[sflag:s31] =	ssyncset.done $0x0  }
0xa2: {  	s25 =	simm.s32 $0x4D00;
	[sflag:s31] =	ssyncadd.s32 $0xFFFFE000  }
0xa3: {  	[spmem:s1] =	stream.indirect.scatter.add.f32 [tilespmem:s24], [sflag:$0x7], $0x40, s25, s21, $0xb8;
	[tilespmem:$0x1B800] =	vst v63  }
0xa4: {  	_ =	swait.ge [sflag:s30], $0x2000  }
0xa5: {  	[sflag:s30] =	ssyncset.done $0x0  }
0xa6: {  	s13 =	simm.s32 $0x4D80;
	[sflag:s30] =	ssyncadd.s32 $0xFFFFE000  }
0xa7: {  	[spmem:s1] =	stream.indirect.scatter.add.f32 [tilespmem:s26], [sflag:$0x8], $0x40, s13, s21, $0xb8;
	[tilespmem:$0x1B800] =	vst v63  }
0xa8: {  	_ =	swait.ge [sflag:s0], $0x2000  }
0xa9: {  	[sflag:s0] =	ssyncset.done $0x0  }
0xaa: {  	s15 =	simm.s32 $0x200;
	[sflag:s0] =	ssyncadd.s32 $0xFFFFE000  }
0xab: {  	[tilespmem:s18], [sflag:$0x1] =	stream.indirect.gather [hbm4b:s4+s21], $0x40, s15, s21, $0xb8;
	[tilespmem:$0x1B800] =	vst v63  }
0xac: {  	_ =	swait.ge [sflag:s5], $0x2000  }
0xad: {  	[sflag:s5] =	ssyncset.done $0x0  }
0xae: {  	s16 =	simm.s32 $0x280;
	[sflag:s5] =	ssyncadd.s32 $0xFFFFE000  }
0xaf: {  	[tilespmem:s22], [sflag:$0x2] =	stream.indirect.gather [hbm4b:s4+s21], $0x40, s16, s21, $0xb8;
	[tilespmem:$0x1B800] =	vst v63  }
0xb0: {  	_ =	swait.ge [sflag:s6], $0x2000  }
0xb1: {  	p1 =	por $0x0, $0x0;
	[sflag:s6] =	ssyncset.done $0x0  }
.Ltmp4:
0xb2: {  	s25 =	simm.s32 $0x300;
	[sflag:s6] =	ssyncadd.s32 $0xFFFFE000;
	(pc) =	sbr.rel @p1 .LBB2_6-.Ltmp4, $4  }
0xb3: {  	[tilespmem:s24], [sflag:$0x3] =	stream.indirect.gather [hbm4b:s4+s21], $0x40, s25, s21, $0xb8;
	[tilespmem:$0x1B800] =	vst v63  }
0xb4: {  	_ =	swait.ge [sflag:s12], $0x2000  }
0xb5: {  	[sflag:s12] =	ssyncset.done $0x0  }
0xb6: {  	s3 =	simm.s32 $0x380;
	s13 =	simm.s32 $0x800;
	[sflag:s12] =	ssyncadd.s32 $0xFFFFE000  }
.LBB2_5:
0xb7: {  	[tilespmem:s26], [sflag:$0x4] =	stream.indirect.gather [hbm4b:s4+s21], $0x40, s3, s21, $0xb8;
	[tilespmem:$0x1B800] =	vst v63  }
0xb8: {  	s3 =	smov.u32 s13  }
0xb9: {  	p1 =	seq.s32 s13, $0x12000;
	s13 =	sadd.s32 $0x800, s13;
	_ =	swait.ge [sflag:s28], $0x2000  }
0xba: {  	s15 =	sshra.s32 s3, $0x2;
	[sflag:s28] =	ssyncset.done $0x0  }
0xbb: {  	s3 =	sadd.s32 $0x4C00, s15;
	[sflag:s28] =	ssyncadd.s32 $0xFFFFE000  }
0xbc: {  	[spmem:s1] =	stream.indirect.scatter.add.f32 [tilespmem:s18], [sflag:$0x5], $0x40, s3, s21, $0xb8;
	[tilespmem:$0x1B800] =	vst v63  }
0xbd: {  	_ =	swait.ge [sflag:s29], $0x2000  }
0xbe: {  	[sflag:s29] =	ssyncset.done $0x0  }
0xbf: {  	s3 =	sadd.s32 $0x4C80, s15;
	[sflag:s29] =	ssyncadd.s32 $0xFFFFE000  }
0xc0: {  	[spmem:s1] =	stream.indirect.scatter.add.f32 [tilespmem:s22], [sflag:$0x6], $0x40, s3, s21, $0xb8;
	[tilespmem:$0x1B800] =	vst v63  }
0xc1: {  	_ =	swait.ge [sflag:s31], $0x2000  }
0xc2: {  	[sflag:s31] =	ssyncset.done $0x0  }
0xc3: {  	s3 =	sadd.s32 $0x4D00, s15;
	[sflag:s31] =	ssyncadd.s32 $0xFFFFE000  }
0xc4: {  	[spmem:s1] =	stream.indirect.scatter.add.f32 [tilespmem:s24], [sflag:$0x7], $0x40, s3, s21, $0xb8;
	[tilespmem:$0x1B800] =	vst v63  }
0xc5: {  	_ =	swait.ge [sflag:s30], $0x2000  }
0xc6: {  	[sflag:s30] =	ssyncset.done $0x0  }
0xc7: {  	s3 =	sadd.s32 $0x4D80, s15;
	[sflag:s30] =	ssyncadd.s32 $0xFFFFE000  }
0xc8: {  	[spmem:s1] =	stream.indirect.scatter.add.f32 [tilespmem:s26], [sflag:$0x8], $0x40, s3, s21, $0xb8;
	[tilespmem:$0x1B800] =	vst v63  }
0xc9: {  	_ =	swait.ge [sflag:s0], $0x2000  }
0xca: {  	[sflag:s0] =	ssyncset.done $0x0  }
0xcb: {  	s3 =	sadd.s32 $0x200, s15;
	[sflag:s0] =	ssyncadd.s32 $0xFFFFE000  }
0xcc: {  	[tilespmem:s18], [sflag:$0x1] =	stream.indirect.gather [hbm4b:s4+s21], $0x40, s3, s21, $0xb8;
	[tilespmem:$0x1B800] =	vst v63  }
0xcd: {  	_ =	swait.ge [sflag:s5], $0x2000  }
0xce: {  	[sflag:s5] =	ssyncset.done $0x0  }
0xcf: {  	s3 =	sadd.s32 $0x280, s15;
	[sflag:s5] =	ssyncadd.s32 $0xFFFFE000  }
0xd0: {  	[tilespmem:s22], [sflag:$0x2] =	stream.indirect.gather [hbm4b:s4+s21], $0x40, s3, s21, $0xb8;
	[tilespmem:$0x1B800] =	vst v63  }
0xd1: {  	_ =	swait.ge [sflag:s6], $0x2000  }
0xd2: {  	[sflag:s6] =	ssyncset.done $0x0  }
.Ltmp5:
0xd3: {  	s3 =	sadd.s32 $0x300, s15;
	[sflag:s6] =	ssyncadd.s32 $0xFFFFE000;
	(pc) =	sbr.rel @!p1 .LBB2_5-.Ltmp5, $4  }
0xd4: {  	[tilespmem:s24], [sflag:$0x3] =	stream.indirect.gather [hbm4b:s4+s21], $0x40, s3, s21, $0xb8;
	[tilespmem:$0x1B800] =	vst v63  }
0xd5: {  	_ =	swait.ge [sflag:s12], $0x2000  }
0xd6: {  	[sflag:s12] =	ssyncset.done $0x0  }
0xd7: {  	s3 =	sadd.s32 $0x380, s15;
	[sflag:s12] =	ssyncadd.s32 $0xFFFFE000  }
.LBB2_6:
.Ltmp6:
0xd8: {  	(pc) =	sbr.rel .LBB2_8-.Ltmp6, $4  }
0xd9: {  	_ = 	snop  }
0xda: {  	[tilespmem:s26], [sflag:$0x4] =	stream.indirect.gather [hbm4b:s4+s21], $0x40, s3, s21, $0xb8;
	[tilespmem:$0x1B800] =	vst v63  }
0xdb: {  	s15 =	simm.s32 $0x9780;
	s25 =	simm.s32 $0x9700  }
0xdc: {  	s16 =	simm.s32 $0x9680;
	s3 =	simm.s32 $0x9600;
	s13 =	rddreg [dreg:$0x3]  }
.LBB2_9:
0xdd: {  	_ =	sfence.sel $0x180000  }
0xde: {  	[bflag:$0x0] =	sbarrier.arrive $0xFFFF  }
0xdf: {  	_ =	strace $0x9000004D  }
0xe0: {  	s0 =	stileid.u32;
	[bflag:$0x2] =	sbarrier.arrive $0xFFFF  }
0xe1: {  	p0 =	sne.s32 s0, $0x0;
	s0 =	rddreg [dreg:$0x2]  }
0xe2: {  	s0 =	sadd.s32 @!p0 $0x100000, s0  }
0xe3: {  	[sflag:s0] =	ssyncadd.tile.s32 @!p0 $0x1;
	_ =	shalt  }
.Lfunc_end2:
_tile_overlayer_lowered:
.L_overlay_start_2:
0xe4: {  	(tag) =	ssettag $0x2  }
0xe5: {  	s0 =	rddreg [dreg:$0x0];
	s2 =	stileid.u32  }
0xe6: {  	s1 =	rddreg [dreg:$0x1];
	p0 =	sne.s32 s2, $0x0  }
0xe7: {  	s3 =	rddreg [dreg:$0x2];
	[bflag:$0x3] =	sbarrier.arrive $0xFFFF;
	s2 =	simm.s32 @!p0 $0x1C09  }
0xe8: {  	[timem:s3], [sflag:s2] =	dma.local @!p0 [hbm:s0], s1  }
0xe9: {  	s0 =	simm.s32 @!p0 $0x9  }
0xea: {  	_ =	swait.ge @!p0 [sflag:s0], s1  }
0xeb: {  	s1 =	ssub.s32 @!p0 $0x0, s1;
	[sflag:s0] =	ssyncset.done @!p0 $0x0  }
0xec: {  	[sflag:s0] =	ssyncadd.s32 @!p0 s1  }
0xed: {  	[bflag:$0x3] =	sbarrier.arrive $0xFFFF  }
0xee: {  	_ =	shalt  }

// kernel: kernel.21.cloned.1.call-start
scs
__scs_entry_jumppad:
0x0: {  	(pc) =	sbr.rel $0x88, $3  }
0x1: {  	(tag) =	ssettag $0x0;
	lr =	simm.s32 $0x1  }
0x2: {  	[smem:$0x3F92] =	sst lr;
	_ =	strace $0xD0000000  }
0x3: {  	_ = 	snop  }
0x4: {  	_ = 	snop  }
0x5: {  	_ = 	snop  }
0x6: {  	_ = 	snop  }
0x7: {  	_ = 	snop  }
__scs_overlays_trampoline_lowered:
0x8: {  	[smem:$0x3FA1] =	sst s0  }
0x9: {  	[smem:$0x3FA2] =	sst s1  }
0xa: {  	[smem:$0x3FA3] =	sst s2  }
0xb: {  	[smem:$0x3FA4] =	sst s3  }
0xc: {  	[smem:$0x3FA5] =	sst s4  }
0xd: {  	[smem:$0x3FA6] =	sst s5  }
0xe: {  	[smem:$0x3FA7] =	sst s6  }
0xf: {  	[smem:$0x3FA8] =	sst s7  }
0x10: {  	[smem:$0x3FA9] =	sst s8  }
0x11: {  	[smem:$0x3FAA] =	sst s9;
	s0 =	simm.s32 @!p0 $0x0  }
0x12: {  	s1 =	sld [smem:$0x3F90];
	s0 =	simm.s32 @p0 $0x1  }
0x13: {  	[smem:$0x3FAB] =	sst s0;
	s0 =	simm.s32 @!p1 $0x0  }
0x14: {  	s2 =	sld [smem:$0x3F8F];
	s0 =	simm.s32 @p1 $0x1  }
0x15: {  	[smem:$0x3FAC] =	sst s0;
	s0 =	simm.s32 @!p2 $0x0  }
0x16: {  	s3 =	sld [smem:$0x3FDB];
	s0 =	simm.s32 @p2 $0x1  }
0x17: {  	s4 =	simm.s32 $0x1BF5;
	[smem:$0x3FAE] =	sst s0  }
0x18: {  	s0 =	sld [smem:$0x3F91];
	_ =	swait.ge [sflag:s4], $0x0  }
0x19: {  	s7 =	sld [smem:$0x3F92]  }
0x1a: {  	s8 =	sadd.s32 $0xFFFFE003, lr  }
0x1b: {  	s9 =	sadd.s32 $0xFFFFFEF7, lr;
	s5 =	simm.s32 $0xFFFFFFFF;
	p2 =	slt.u32 s8, $0xFFFFF086  }
0x1c: {  	p1 =	slt.u32 s9, $0xF7A;
	s5 =	simm.s32 @!p2 $0x0  }
0x1d: {  	s5 =	simm.s32 @p1 $0x1;
	p0 =	seq.s32 s7, s2  }
0x1e: {  	s7 =	smul.u32 @!p0 $0xF7A, s2;
	p2 =	seq.s32 @!p0 s5, $0x0  }
0x1f: {  	s9 =	smul.u32 $0xF7A, s1;
	s8 =	simm.s32 @!p0 $0x1BF5;
	p2 =	por !p2, p0  }
0x20: {  	[sflag:s8] =	ssyncset.s32 @!p0 $0xFFFFF086;
	s6 =	sadd.s32 @!p0 s3, s7;
	s7 =	simm.s32 @!p0 $0x108  }
0x21: {  	s3 =	sadd.s32 s3, s9;
	s6 =	sadd.s32 @!p0 $0x88, s6;
	s7 =	simm.s32 @p2 $0x1082  }
0x22: {  	[simem:s7], [sflag:s8] =	dma.local @!p0 [hbm:s6], $0xF7A  }
0x23: {  	s9 =	sor.u32 $0xD0000000, s2;
	s6 =	simm.s32 $0x108;
	_ =	swait.ge @!p0 [sflag:s8], $0x0  }
0x24: {  	s3 =	sadd.s32 $0x88, s3;
	s6 =	simm.s32 @!p1 $0x1082;
	[sflag:s4] =	ssyncset.s32 $0xFFFFF086  }
0x25: {  	[simem:s6], [sflag:s4] =	dma.local [hbm:s3], $0xF7A  }
0x26: {  	[smem:$0x3F92] =	sst s1;
	(tag) =	ssettag s2;
	_ =	strace s9  }
0x27: {  	s1 =	sld [smem:$0x3FA2]  }
0x28: {  	s2 =	sld [smem:$0x3FA3]  }
0x29: {  	s4 =	sld [smem:$0x3FA5]  }
0x2a: {  	p0 =	seq.s32 s5, $0x0;
	s5 =	sld [smem:$0x3FA6]  }
0x2b: {  	s6 =	sld [smem:$0x3FA7]  }
0x2c: {  	s7 =	sld [smem:$0x3FA8]  }
0x2d: {  	s3 =	simm.s32 $0x108;
	s8 =	sld [smem:$0x3FA9]  }
0x2e: {  	s3 =	simm.s32 @!p0 $0x1082;
	s9 =	sld [smem:$0x3FAA]  }
0x2f: {  	lr =	sadd.s32 s0, s3;
	s0 =	sld [smem:$0x3FA1]  }
0x30: {  	s3 =	sld [smem:$0x3FA4]  }
0x31: {  	[smem:$0x3FAD] =	sst s10  }
0x32: {  	s10 =	sld [smem:$0x3FAB];
	_ =	sdelay $0x3  }
0x33: {  	p0 =	seq.s32 s10, $0x1;
	s10 =	sld [smem:$0x3FAD];
	_ =	sdelay $0x3  }
0x34: {  	[smem:$0x3FAD] =	sst s10  }
0x35: {  	s10 =	sld [smem:$0x3FAC];
	_ =	sdelay $0x3  }
0x36: {  	p1 =	seq.s32 s10, $0x1;
	s10 =	sld [smem:$0x3FAD];
	_ =	sdelay $0x3  }
0x37: {  	[smem:$0x3FAD] =	sst s10  }
0x38: {  	s10 =	sld [smem:$0x3FAE]  }
0x39: {  	_ = 	snop;
	(pc) =	sbr.ind lr, $3  }
0x3a: {  	_ = 	snop  }
0x3b: {  	_ = 	snop  }
0x3c: {  	p2 =	seq.s32 s10, $0x1;
	s10 =	sld [smem:$0x3FAD]  }
0x3d: {  	_ =	shalt  }
0x3e: {  	_ =	shalt  }
0x3f: {  	_ =	shalt  }
0x40: {  	_ =	shalt  }
0x41: {  	_ =	shalt  }
0x42: {  	_ =	shalt  }
0x43: {  	_ =	shalt  }
0x44: {  	_ =	shalt  }
0x45: {  	_ =	shalt  }
0x46: {  	_ =	shalt  }
0x47: {  	_ =	shalt  }
0x48: {  	_ =	shalt  }
0x49: {  	_ =	shalt  }
0x4a: {  	_ =	shalt  }
0x4b: {  	_ =	shalt  }
0x4c: {  	_ =	shalt  }
0x4d: {  	_ =	shalt  }
0x4e: {  	_ =	shalt  }
0x4f: {  	_ =	shalt  }
0x50: {  	_ =	shalt  }
0x51: {  	_ =	shalt  }
0x52: {  	_ =	shalt  }
0x53: {  	_ =	shalt  }
0x54: {  	_ =	shalt  }
0x55: {  	_ =	shalt  }
0x56: {  	_ =	shalt  }
0x57: {  	_ =	shalt  }
0x58: {  	_ =	shalt  }
0x59: {  	_ =	shalt  }
0x5a: {  	_ =	shalt  }
0x5b: {  	_ =	shalt  }
0x5c: {  	_ =	shalt  }
0x5d: {  	_ =	shalt  }
0x5e: {  	_ =	shalt  }
0x5f: {  	_ =	shalt  }
0x60: {  	_ =	shalt  }
0x61: {  	_ =	shalt  }
0x62: {  	_ =	shalt  }
0x63: {  	_ =	shalt  }
0x64: {  	_ =	shalt  }
0x65: {  	_ =	shalt  }
0x66: {  	_ =	shalt  }
0x67: {  	_ =	shalt  }
0x68: {  	_ =	shalt  }
0x69: {  	_ =	shalt  }
0x6a: {  	_ =	shalt  }
0x6b: {  	_ =	shalt  }
0x6c: {  	_ =	shalt  }
0x6d: {  	_ =	shalt  }
0x6e: {  	_ =	shalt  }
0x6f: {  	_ =	shalt  }
0x70: {  	_ =	shalt  }
0x71: {  	_ =	shalt  }
0x72: {  	_ =	shalt  }
0x73: {  	_ =	shalt  }
0x74: {  	_ =	shalt  }
0x75: {  	_ =	shalt  }
0x76: {  	_ =	shalt  }
0x77: {  	_ =	shalt  }
0x78: {  	_ =	shalt  }
0x79: {  	_ =	shalt  }
0x7a: {  	_ =	shalt  }
0x7b: {  	_ =	shalt  }
0x7c: {  	_ =	shalt  }
0x7d: {  	_ =	shalt  }
0x7e: {  	_ =	shalt  }
0x7f: {  	_ =	shalt  }
0x80: {  	_ =	shalt  }
0x81: {  	_ =	shalt  }
0x82: {  	_ =	shalt  }
0x83: {  	_ =	shalt  }
0x84: {  	_ =	shalt  }
0x85: {  	_ =	shalt  }
0x86: {  	_ =	shalt  }
0x87: {  	_ =	shalt  }
.Lfunc_end0:
.L_simem_size_0:
called_computation.3_lowered:
.L_overlay_start_0:
0x88: {  	s2 =	sld [smem:$0x3FD9]  }
0x89: {  	s3 =	sld [smem:$0x3FFE];
	_ =	sdelay $0x1  }
0x8a: {  	s1 =	srdreg.scid  }
0x8b: {  	s0 =	sand.u32 $0x1, s1  }
0x8c: {  	s16 =	sshll.u32 s0, $0xA;
	s2 =	sadd.s32 s3, s2  }
0x8d: {  	s2 =	sadd.s32 s2, s16  }
0x8e: {  	[smem:$0x3FB9] =	sst s2  }
0x8f: {  	_ = 	snop  }
0x90: {  	(tm) =	ssettm $0x1  }
0x91: {  	s17 =	sld [smem:$0x3FFB];
	_ =	sdelay $0x3  }
0x92: {  	_ =	strace s17  }
0x93: {  	s2 =	sld [smem:$0x3FFC];
	_ =	sdelay $0x3  }
0x94: {  	_ =	strace s2  }
0x95: {  	s2 =	sld [smem:$0x3FFD];
	_ =	sdelay $0x3  }
0x96: {  	_ =	strace s2  }
0x97: {  	_ =	strace $0x8FFFFFFF  }
0x98: {  	s18 =	sld [smem:$0x3FDB];
	_ =	sdelay $0x1  }
0x99: {  	s19 =	simm.s32 $_scs_section_size  }
0x9a: {  	s4 =	simm.s32 $_size__tile_overlayer_lowered;
	s5 =	simm.s32 $_tile_overlayer_lowered  }
0x9b: {  	s22 =	simm.s32 $0x1BFF;
	s21 =	sshll.u32 s5, $0x1;
	s2 =	sadd.s32 s19, s18  }
0x9c: {  	s6 =	simm.s32 $0x0;
	s20 =	sshll.u32 s4, $0x1;
	s4 =	sadd.s32 s21, s2  }
0x9d: {  	[timem:s6], [sflag:s22] =	dma.local [hbm:s4], s20  }
0x9e: {  	_ =	swait.ge [sflag:s22], s20  }
0x9f: {  	s3 =	ssub.s32 $0x0, s20;
	[sflag:s22] =	ssyncset.done $0x0  }
0xa0: {  	[sflag:s22] =	ssyncadd.s32 s3;
	_ =	sdelay $0x1  }
0xa1: {  	s23 =	simm.s32 $0x1B8B  }
0xa2: {  	_ =	swait.ge [sflag:s23], $0x1  }
0xa3: {  	[sflag:s23] =	ssyncset.done $0x0  }
0xa4: {  	s25 =	simm.s32 $0x1B8E;
	s24 =	sld [smem:$0x3FFE];
	[sflag:s23] =	ssyncadd.s32 $0xFFFFFFFF  }
0xa5: {  	s26 =	simm.s32 $execute0_lowered;
	[smem:$0x3FD2] =	sst s25  }
0xa6: {  	s4 =	sshll.u32 s26, $0x1;
	_ =	strace $0x8000004F;
	[dreg:$0x1] =	wrdreg $0xFFFFFFFF  }
0xa7: {  	s28 =	simm.s32 $_size_execute0_lowered;
	s2 =	sadd.s32 s2, s4;
	[dreg:$0x0] =	wrdreg $0x0  }
0xa8: {  	s4 =	sshll.u32 s28, $0x1;
	[dreg:$0x2] =	wrdreg s2  }
0xa9: {  	[dreg:$0x3] =	wrdreg s4  }
0xaa: {  	[dreg:$0x4] =	wrdreg $0xC0  }
0xab: {  	_ =	task [dreg:s6], $0x5FFFF  }
0xac: {  	[dreg:$0x1] =	wrdreg $0xFFFFFFFF  }
0xad: {  	[dreg:$0x0] =	wrdreg $0x60  }
0xae: {  	[dreg:$0x2] =	wrdreg s24  }
0xaf: {  	[dreg:$0x3] =	wrdreg $0x118000  }
0xb0: {  	[dreg:$0x4] =	wrdreg $0x9  }
0xb1: {  	_ =	task.clear_ibuf [dreg:s6], $0x5FFFF;
	_ =	strace $0x9000004F  }
0xb2: {  	s29 =	simm.s32 $0x9;
	_ =	strace $0x80000051  }
0xb3: {  	_ =	swait.ge [sflag:s29], $0x1  }
0xb4: {  	[sflag:s29] =	ssyncadd.s32 $0xFFFFFFFF  }
0xb5: {  	_ =	strace $0x90000051  }
0xb6: {  	_ =	sfence  }
0xb7: {  	s30 =	sld [smem:$0x0];
	_ =	sdelay $0x2  }
0xb8: {  	s31 =	sshll.u32 s1, $0xD;
	s1 =	sshrl.u32 s1, $0x2  }
0xb9: {  	s3 =	sand.u32 $0x4000, s31;
	s1 =	sadd.s32 s1, s30  }
0xba: {  	s0 =	sor.u32 s3, s0;
	s1 =	sshll.u32 s1, $0x11  }
0xbb: {  	s0 =	sor.u32 s1, s0  }
0xbc: {  	s0 =	sadd.s32 $0x8F2B, s0  }
0xbd: {  	[sflag:s0] =	ssyncadd.remote.s32 $0x1  }
0xbe: {  	_ =	sfence.sel $0xFFFF  }
0xbf: {  	[dreg:$0x0] =	wrdreg $0xFFFFFFFF;
	(pc) =	sbr.abs _section_cstart, $3  }
0xc0: {  	[dreg:$0x1] =	wrdreg $0xFFFFFFFF  }
0xc1: {  	_ =	task.clear_ibuf [dreg:s6], $0x2FFFF;
	_ =	strace $0x9FFFFFFF  }
0xc2: {  	(tm) =	ssettm $0x7FFFFFFF  }
0xc3: {  	_ =	shalt  }
tec
execute0_lowered:
.L_overlay_start_1:
0x0: {  	(tag) =	ssettag $0x1  }
0x1: {  	s0 =	rddreg [dreg:$0x0]  }
0x2: {  	s1 =	rddreg [dreg:$0x1];
	s2 =	simm.s32 $0x0;
	s5 =	srdreg.scid  }
0x3: {  	s14 =	stileid.u32;
	s18 =	simm.s32 $0x9800;
	s19 =	simm.s32 $0x9  }
0x4: {  	s20 =	simm.s32 $0x4C00;
	s21 =	simm.s32 $0x80;
	s28 =	simm.s32 $0x1  }
0x5: {  	s29 =	simm.s32 $0x2;
	s31 =	simm.s32 $0x3;
	s30 =	simm.s32 $0x4  }
0x6: {  	[smem:$0x7FF] =	sst s2;
	s4 =	sadd.s32 $0x4AC00, s0;
	s3 =	sadd.s32 $0x18C00, s0  }
0x7: {  	s6 =	sadd.s32 $0x4C00, s0;
	s5 =	sand.u32 $0x1, s5;
	s7 =	smul.u32 $0x28000, s14  }
0x8: {  	s8 =	sadd.s32 $0x72C00, s0;
	s12 =	smul.u32 $0xA000, s14;
	s0 =	sadd.s32 $0x5EC00, s0  }
0x9: {  	s13 =	smul.u32 $0x980, s14;
	_ =	strace $0x80000050;
	[dreg:$0x3] =	wrdreg s8  }
0xa: {  	s14 =	sshll.u32 s14, $0x7;
	s22 =	ssub.s32 $0x2, s5;
	[dreg:$0x4] =	wrdreg s0  }
0xb: {  	p0 =	seq.s32 s5, $0x1;
	s25 =	sor.u32 $0x9800, s14;
	s5 =	simm.s32 $0x6  }
0xc: {  	s23 =	sshrl.u32 s22, $0x1;
	s9 =	sshrl.u32 s7, $0x2;
	s7 =	sadd.s32 s12, s1  }
0xd: {  	s24 =	sadd.s32 s3, s13;
	s13 =	sadd.s32 s6, s13;
	s14 =	sshrl.u32 s12, $0x3  }
0xe: {  	s3 =	sadd.s32 s3, s25;
	s26 =	sadd.s32 s6, s25;
	[dreg:$0x5] =	wrdreg s24  }
0xf: {  	s6 =	simm.s32 $0x7;
	s12 =	simm.s32 $0x8;
	[dreg:$0x6] =	wrdreg s13  }
.Ltmp0:
0x10: {  	s0 =	ssub.s32 s22, s23;
	[dreg:$0x7] =	wrdreg s3;
	(pc) =	sbr.rel .LBB2_1-.Ltmp0, $4  }
0x11: {  	s11 =	sadd.s32 s9, s1;
	[dreg:$0x8] =	wrdreg s26;
	s22 =	simm.s32 $0xB800  }
0x12: {  	s24 =	simm.s32 $0xD800;
	s26 =	simm.s32 $0xF800;
	s23 =	simm.s32 $0x0  }
0x13: {  	s8 =	sadd.s32 $0x2000, s11;
	s9 =	sadd.s32 $0x4000, s11;
	s10 =	sadd.s32 $0x6000, s11  }
0x14: {  	v0 =	vimm.f32 $0.0e+00;
	s11 =	sadd.s32 $0x8000, s11;
	s17 =	smax.u32 s0, $0x1;
	s0 =	simm.s32 $0x5  }
.LBB2_7:
0x15: {  	s3 =	rddreg [dreg:$0x7]  }
0x16: {  	[tilespmem:s2], [sflag:$0x9] =	stream.linear.gather [hbm4b:s3+s2], $0x400, $0x38;
	[tilespmem:$0x1B800] =	vst v63  }
0x17: {  	_ =	swait.ge [sflag:s19], $0x400  }
0x18: {  	[sflag:s19] =	ssyncset.done $0x0  }
0x19: {  	s16 =	rddreg [dreg:$0x8];
	[sflag:s19] =	ssyncadd.s32 $0xFFFFFC00  }
0x1a: {  	[tilespmem:s20], [sflag:$0x9] =	stream.linear.gather [hbm4b:s16+s2], $0x400, $0x38;
	[tilespmem:$0x1B800] =	vst v63  }
0x1b: {  	_ =	swait.ge [sflag:s19], $0x400  }
0x1c: {  	[sflag:s19] =	ssyncset.done $0x0  }
0x1d: {  	[sflag:s19] =	ssyncadd.s32 $0xFFFFFC00  }
0x1e: {  	[bflag:$0x0] =	sbarrier.arrive $0xFFFF  }
0x1f: {  	[tilespmem:s18], [sflag:$0x1] =	stream.indirect.gather [hbm4b:s4+s21], $0x40, s2, s21, $0xb8;
	[tilespmem:$0x1B800] =	vst v63  }
0x20: {  	_ = 	snop  }
0x21: {  	[tilespmem:s22], [sflag:$0x2] =	stream.indirect.gather [hbm4b:s4+s21], $0x40, s21, s21, $0xb8;
	[tilespmem:$0x1B800] =	vst v63  }
0x22: {  	s25 =	simm.s32 $0x100  }
0x23: {  	[tilespmem:s24], [sflag:$0x3] =	stream.indirect.gather [hbm4b:s4+s21], $0x40, s25, s21, $0xb8;
	[tilespmem:$0x1B800] =	vst v63  }
0x24: {  	s13 =	simm.s32 $0x180  }
0x25: {  	[tilespmem:s26], [sflag:$0x4] =	stream.indirect.gather [hbm4b:s4+s21], $0x40, s13, s21, $0xb8;
	[tilespmem:$0x1B800] =	vst v63  }
0x26: {  	_ =	swait.ge [sflag:s28], $0x2000  }
0x27: {  	[sflag:s28] =	ssyncset.done $0x0  }
0x28: {  	[sflag:s28] =	ssyncadd.s32 $0xFFFFE000  }
0x29: {  	[spmem:s1] =	stream.indirect.scatter.add.f32 [tilespmem:s18], [sflag:$0x5], $0x40, s20, s21, $0xb8;
	[tilespmem:$0x1B800] =	vst v63  }
0x2a: {  	_ =	swait.ge [sflag:s29], $0x2000  }
0x2b: {  	[sflag:s29] =	ssyncset.done $0x0  }
0x2c: {  	s15 =	simm.s32 $0x4C80;
	[sflag:s29] =	ssyncadd.s32 $0xFFFFE000  }
0x2d: {  	[spmem:s1] =	stream.indirect.scatter.add.f32 [tilespmem:s22], [sflag:$0x6], $0x40, s15, s21, $0xb8;
	[tilespmem:$0x1B800] =	vst v63  }
0x2e: {  	_ =	swait.ge [sflag:s31], $0x2000  }
0x2f: {  	[sflag:s31] =	ssyncset.done $0x0  }
0x30: {  	s16 =	simm.s32 $0x4D00;
	[sflag:s31] =	ssyncadd.s32 $0xFFFFE000  }
0x31: {  	[spmem:s1] =	stream.indirect.scatter.add.f32 [tilespmem:s24], [sflag:$0x7], $0x40, s16, s21, $0xb8;
	[tilespmem:$0x1B800] =	vst v63  }
0x32: {  	_ =	swait.ge [sflag:s30], $0x2000  }
0x33: {  	[sflag:s30] =	ssyncset.done $0x0  }
0x34: {  	s25 =	simm.s32 $0x4D80;
	[sflag:s30] =	ssyncadd.s32 $0xFFFFE000  }
0x35: {  	[spmem:s1] =	stream.indirect.scatter.add.f32 [tilespmem:s26], [sflag:$0x8], $0x40, s25, s21, $0xb8;
	[tilespmem:$0x1B800] =	vst v63  }
0x36: {  	_ =	swait.ge [sflag:s0], $0x2000  }
0x37: {  	[sflag:s0] =	ssyncset.done $0x0  }
0x38: {  	s13 =	simm.s32 $0x200;
	[sflag:s0] =	ssyncadd.s32 $0xFFFFE000  }
0x39: {  	[tilespmem:s18], [sflag:$0x1] =	stream.indirect.gather [hbm4b:s4+s21], $0x40, s13, s21, $0xb8;
	[tilespmem:$0x1B800] =	vst v63  }
0x3a: {  	_ =	swait.ge [sflag:s5], $0x2000  }
0x3b: {  	[sflag:s5] =	ssyncset.done $0x0  }
0x3c: {  	s15 =	simm.s32 $0x280;
	[sflag:s5] =	ssyncadd.s32 $0xFFFFE000  }
0x3d: {  	[tilespmem:s22], [sflag:$0x2] =	stream.indirect.gather [hbm4b:s4+s21], $0x40, s15, s21, $0xb8;
	[tilespmem:$0x1B800] =	vst v63  }
0x3e: {  	_ =	swait.ge [sflag:s6], $0x2000  }
0x3f: {  	[sflag:s6] =	ssyncset.done $0x0  }
0x40: {  	s16 =	simm.s32 $0x300;
	[sflag:s6] =	ssyncadd.s32 $0xFFFFE000  }
0x41: {  	[tilespmem:s24], [sflag:$0x3] =	stream.indirect.gather [hbm4b:s4+s21], $0x40, s16, s21, $0xb8;
	[tilespmem:$0x1B800] =	vst v63  }
0x42: {  	_ =	swait.ge [sflag:s12], $0x2000  }
0x43: {  	s3 =	simm.s32 $0x4E00;
	[sflag:s12] =	ssyncset.done $0x0  }
0x44: {  	s25 =	simm.s32 $0x380;
	s15 =	simm.s32 $0x4F80;
	[sflag:s12] =	ssyncadd.s32 $0xFFFFE000  }
0x45: {  	[tilespmem:s26], [sflag:$0x4] =	stream.indirect.gather [hbm4b:s4+s21], $0x40, s25, s21, $0xb8;
	[tilespmem:$0x1B800] =	vst v63  }
0x46: {  	s16 =	simm.s32 $0x4E80;
	s13 =	rddreg [dreg:$0x4];
	s25 =	simm.s32 $0x4F00  }
.LBB2_8:
0x47: {  	_ =	swait.ge [sflag:s28], $0x2000  }
0x48: {  	[sflag:s28] =	ssyncset.done $0x0  }
0x49: {  	[sflag:s28] =	ssyncadd.s32 $0xFFFFE000  }
0x4a: {  	[spmem:s1] =	stream.indirect.scatter.add.f32 [tilespmem:s18], [sflag:$0x5], $0x40, s3, s21, $0xb8;
	[tilespmem:$0x1B800] =	vst v63  }
0x4b: {  	_ =	swait.ge [sflag:s29], $0x2000  }
0x4c: {  	[sflag:s29] =	ssyncset.done $0x0  }
0x4d: {  	[sflag:s29] =	ssyncadd.s32 $0xFFFFE000  }
0x4e: {  	[spmem:s1] =	stream.indirect.scatter.add.f32 [tilespmem:s22], [sflag:$0x6], $0x40, s16, s21, $0xb8;
	[tilespmem:$0x1B800] =	vst v63  }
0x4f: {  	_ =	swait.ge [sflag:s31], $0x2000  }
0x50: {  	[sflag:s31] =	ssyncset.done $0x0  }
0x51: {  	[sflag:s31] =	ssyncadd.s32 $0xFFFFE000  }
0x52: {  	[spmem:s1] =	stream.indirect.scatter.add.f32 [tilespmem:s24], [sflag:$0x7], $0x40, s25, s21, $0xb8;
	[tilespmem:$0x1B800] =	vst v63  }
0x53: {  	_ =	swait.ge [sflag:s30], $0x2000  }
0x54: {  	[sflag:s30] =	ssyncset.done $0x0  }
0x55: {  	[sflag:s30] =	ssyncadd.s32 $0xFFFFE000  }
0x56: {  	[spmem:s1] =	stream.indirect.scatter.add.f32 [tilespmem:s26], [sflag:$0x8], $0x40, s15, s21, $0xb8;
	[tilespmem:$0x1B800] =	vst v63  }
0x57: {  	_ =	swait.ge [sflag:s0], $0x2000  }
0x58: {  	[sflag:s0] =	ssyncset.done $0x0  }
0x59: {  	[sflag:s0] =	ssyncadd.s32 $0xFFFFE000  }
0x5a: {  	_ =	swait.ge [sflag:s5], $0x2000  }
0x5b: {  	[sflag:s5] =	ssyncset.done $0x0  }
0x5c: {  	[sflag:s5] =	ssyncadd.s32 $0xFFFFE000  }
0x5d: {  	_ =	swait.ge [sflag:s6], $0x2000  }
0x5e: {  	[sflag:s6] =	ssyncset.done $0x0  }
0x5f: {  	s23 =	sadd.s32 $0x1, s23;
	[sflag:s6] =	ssyncadd.s32 $0xFFFFE000  }
0x60: {  	p1 =	sne.s32 s23, s17;
	_ =	swait.ge [sflag:s12], $0x2000  }
0x61: {  	s16 =	stileid.u32;
	s25 =	sshrl.u32 s7, $0x3;
	[sflag:s12] =	ssyncset.done $0x0  }
0x62: {  	s15 =	sadd.s32 s13, s14;
	s13 =	sshll.u32 s16, $0x6;
	[sflag:s12] =	ssyncadd.s32 $0xFFFFE000  }
.Ltmp1:
0x63: {  	s13 =	sor.u32 $0x1C09, s13;
	[bflag:$0x0] =	sbarrier.arrive $0xFFFF;
	(pc) =	sbr.rel @!p1 .LBB2_9-.Ltmp1, $4  }
0x64: {  	[hbm:s15], [sflag:s13] =	dma.local [spmem:s25], $0x1400  }
0x65: {  	_ =	swait.ge [sflag:s19], $0x1400  }
0x66: {  	[sflag:s19] =	ssyncset.done $0x0  }
0x67: {  	[sflag:s19] =	ssyncadd.s32 $0xFFFFEC00  }
.LBB2_1:
0x68: {  	s3 =	sand.u32 $0x7F00, s2  }
0x69: {  	s15 =	sand.u32 $0x30, s2;
	s3 =	sshrl.u32 s3, $0x2  }
0x6a: {  	s13 =	simm.s32 $0x40;
	s16 =	sor.u32 s15, s3;
	s15 =	simm.s32 $0x0  }
.LBB2_2:
0x6b: {  	p1 =	sne.s32 s13, $0x7FC0  }
0x6c: {  	[tilespmem:s16+$0x9800] =	vst v0;
	s15 =	sadd.s32 $0x10, s15;
	s3 =	smov.u32 s13;
	s13 =	sadd.s32 $0x40, s13  }
.Ltmp2:
0x6d: {  	(pc) =	sbr.rel @p1 .LBB2_2-.Ltmp2, $4  }
0x6e: {  	_ = 	snop  }
0x6f: {  	s3 =	sand.u32 $0x7F00, s3  }
0x70: {  	s16 =	sand.u32 $0x30, s15;
	s3 =	sshrl.u32 s3, $0x2  }
0x71: {  	s16 =	sor.u32 s16, s3  }
0x72: {  	[tilespmem:s16+$0x9800] =	vst v0  }
0x73: {  	[spmem:s7] =	stream.linear.scatter [tilespmem:s18], [sflag:$0x9], $0x2000, $0x38;
	[tilespmem:$0x1B800] =	vst v63  }
0x74: {  	_ =	swait.ge [sflag:s19], $0x2000  }
0x75: {  	[sflag:s19] =	ssyncset.done $0x0  }
0x76: {  	[sflag:s19] =	ssyncadd.s32 $0xFFFFE000  }
0x77: {  	[spmem:s8] =	stream.linear.scatter [tilespmem:s18], [sflag:$0x9], $0x2000, $0x38;
	[tilespmem:$0x1B800] =	vst v63  }
0x78: {  	_ =	swait.ge [sflag:s19], $0x2000  }
0x79: {  	[sflag:s19] =	ssyncset.done $0x0  }
0x7a: {  	[sflag:s19] =	ssyncadd.s32 $0xFFFFE000  }
0x7b: {  	[spmem:s9] =	stream.linear.scatter [tilespmem:s18], [sflag:$0x9], $0x2000, $0x38;
	[tilespmem:$0x1B800] =	vst v63  }
0x7c: {  	_ =	swait.ge [sflag:s19], $0x2000  }
0x7d: {  	[sflag:s19] =	ssyncset.done $0x0  }
0x7e: {  	[sflag:s19] =	ssyncadd.s32 $0xFFFFE000  }
0x7f: {  	[spmem:s10] =	stream.linear.scatter [tilespmem:s18], [sflag:$0x9], $0x2000, $0x38;
	[tilespmem:$0x1B800] =	vst v63  }
0x80: {  	_ =	swait.ge [sflag:s19], $0x2000  }
0x81: {  	[sflag:s19] =	ssyncset.done $0x0  }
.Ltmp3:
0x82: {  	[sflag:s19] =	ssyncadd.s32 $0xFFFFE000;
	(pc) =	sbr.rel @p0 .LBB2_7-.Ltmp3, $4  }
0x83: {  	[spmem:s11] =	stream.linear.scatter [tilespmem:s18], [sflag:$0x9], $0x2000, $0x38;
	[tilespmem:$0x1B800] =	vst v63  }
0x84: {  	_ =	swait.ge [sflag:s19], $0x2000  }
0x85: {  	[sflag:s19] =	ssyncset.done $0x0  }
0x86: {  	[sflag:s19] =	ssyncadd.s32 $0xFFFFE000  }
0x87: {  	s3 =	simm.s32 $0x0;
	s13 =	rddreg [dreg:$0x5]  }
0x88: {  	[tilespmem:s3], [sflag:$0x9] =	stream.linear.gather [hbm4b:s13+s3], $0x4C00, $0x38;
	[tilespmem:$0x1B800] =	vst v63  }
0x89: {  	_ =	swait.ge [sflag:s19], $0x4C00  }
0x8a: {  	[sflag:s19] =	ssyncset.done $0x0  }
0x8b: {  	s16 =	rddreg [dreg:$0x6];
	[sflag:s19] =	ssyncadd.s32 $0xFFFFB400  }
0x8c: {  	[tilespmem:s20], [sflag:$0x9] =	stream.linear.gather [hbm4b:s16+s3], $0x4C00, $0x38;
	[tilespmem:$0x1B800] =	vst v63  }
0x8d: {  	_ =	swait.ge [sflag:s19], $0x4C00  }
0x8e: {  	[sflag:s19] =	ssyncset.done $0x0  }
0x8f: {  	[sflag:s19] =	ssyncadd.s32 $0xFFFFB400  }
0x90: {  	[bflag:$0x0] =	sbarrier.arrive $0xFFFF  }
0x91: {  	[tilespmem:s18], [sflag:$0x1] =	stream.indirect.gather [hbm4b:s4+s21], $0x40, s3, s21, $0xb8;
	[tilespmem:$0x1B800] =	vst v63  }
0x92: {  	_ = 	snop  }
0x93: {  	[tilespmem:s22], [sflag:$0x2] =	stream.indirect.gather [hbm4b:s4+s21], $0x40, s21, s21, $0xb8;
	[tilespmem:$0x1B800] =	vst v63  }
0x94: {  	s25 =	simm.s32 $0x100  }
0x95: {  	[tilespmem:s24], [sflag:$0x3] =	stream.indirect.gather [hbm4b:s4+s21], $0x40, s25, s21, $0xb8;
	[tilespmem:$0x1B800] =	vst v63  }
0x96: {  	s13 =	simm.s32 $0x180  }
0x97: {  	[tilespmem:s26], [sflag:$0x4] =	stream.indirect.gather [hbm4b:s4+s21], $0x40, s13, s21, $0xb8;
	[tilespmem:$0x1B800] =	vst v63  }
0x98: {  	_ =	swait.ge [sflag:s28], $0x2000  }
0x99: {  	[sflag:s28] =	ssyncset.done $0x0  }
0x9a: {  	s15 =	simm.s32 $0x4C00;
	[sflag:s28] =	ssyncadd.s32 $0xFFFFE000  }
0x9b: {  	[spmem:s1] =	stream.indirect.scatter.add.f32 [tilespmem:s18], [sflag:$0x5], $0x40, s15, s21, $0xb8;
	[tilespmem:$0x1B800] =	vst v63  }
0x9c: {  	_ =	swait.ge [sflag:s29], $0x2000  }
0x9d: {  	[sflag:s29] =	ssyncset.done $0x0  }
0x9e: {  	s16 =	simm.s32 $0x4C80;
	[sflag:s29] =	ssyncadd.s32 $0xFFFFE000  }
0x9f: {  	[spmem:s1] =	stream.indirect.scatter.add.f32 [tilespmem:s22], [sflag:$0x6], $0x40, s16, s21, $0xb8;
	[tilespmem:$0x1B800] =	vst v63  }
0xa0: {  	_ =	swait.ge [sflag:s31], $0x2000  }
0xa1: {  	[sflag:s31] =	ssyncset.done $0x0  }
0xa2: {  	s25 =	simm.s32 $0x4D00;
	[sflag:s31] =	ssyncadd.s32 $0xFFFFE000  }
0xa3: {  	[spmem:s1] =	stream.indirect.scatter.add.f32 [tilespmem:s24], [sflag:$0x7], $0x40, s25, s21, $0xb8;
	[tilespmem:$0x1B800] =	vst v63  }
0xa4: {  	_ =	swait.ge [sflag:s30], $0x2000  }
0xa5: {  	[sflag:s30] =	ssyncset.done $0x0  }
0xa6: {  	s13 =	simm.s32 $0x4D80;
	[sflag:s30] =	ssyncadd.s32 $0xFFFFE000  }
0xa7: {  	[spmem:s1] =	stream.indirect.scatter.add.f32 [tilespmem:s26], [sflag:$0x8], $0x40, s13, s21, $0xb8;
	[tilespmem:$0x1B800] =	vst v63  }
0xa8: {  	_ =	swait.ge [sflag:s0], $0x2000  }
0xa9: {  	[sflag:s0] =	ssyncset.done $0x0  }
0xaa: {  	s15 =	simm.s32 $0x200;
	[sflag:s0] =	ssyncadd.s32 $0xFFFFE000  }
0xab: {  	[tilespmem:s18], [sflag:$0x1] =	stream.indirect.gather [hbm4b:s4+s21], $0x40, s15, s21, $0xb8;
	[tilespmem:$0x1B800] =	vst v63  }
0xac: {  	_ =	swait.ge [sflag:s5], $0x2000  }
0xad: {  	[sflag:s5] =	ssyncset.done $0x0  }
0xae: {  	s16 =	simm.s32 $0x280;
	[sflag:s5] =	ssyncadd.s32 $0xFFFFE000  }
0xaf: {  	[tilespmem:s22], [sflag:$0x2] =	stream.indirect.gather [hbm4b:s4+s21], $0x40, s16, s21, $0xb8;
	[tilespmem:$0x1B800] =	vst v63  }
0xb0: {  	_ =	swait.ge [sflag:s6], $0x2000  }
0xb1: {  	p1 =	por $0x0, $0x0;
	[sflag:s6] =	ssyncset.done $0x0  }
.Ltmp4:
0xb2: {  	s25 =	simm.s32 $0x300;
	[sflag:s6] =	ssyncadd.s32 $0xFFFFE000;
	(pc) =	sbr.rel @p1 .LBB2_6-.Ltmp4, $4  }
0xb3: {  	[tilespmem:s24], [sflag:$0x3] =	stream.indirect.gather [hbm4b:s4+s21], $0x40, s25, s21, $0xb8;
	[tilespmem:$0x1B800] =	vst v63  }
0xb4: {  	_ =	swait.ge [sflag:s12], $0x2000  }
0xb5: {  	[sflag:s12] =	ssyncset.done $0x0  }
0xb6: {  	s3 =	simm.s32 $0x380;
	s13 =	simm.s32 $0x800;
	[sflag:s12] =	ssyncadd.s32 $0xFFFFE000  }
.LBB2_5:
0xb7: {  	[tilespmem:s26], [sflag:$0x4] =	stream.indirect.gather [hbm4b:s4+s21], $0x40, s3, s21, $0xb8;
	[tilespmem:$0x1B800] =	vst v63  }
0xb8: {  	s3 =	smov.u32 s13  }
0xb9: {  	p1 =	seq.s32 s13, $0x12000;
	s13 =	sadd.s32 $0x800, s13;
	_ =	swait.ge [sflag:s28], $0x2000  }
0xba: {  	s15 =	sshra.s32 s3, $0x2;
	[sflag:s28] =	ssyncset.done $0x0  }
0xbb: {  	s3 =	sadd.s32 $0x4C00, s15;
	[sflag:s28] =	ssyncadd.s32 $0xFFFFE000  }
0xbc: {  	[spmem:s1] =	stream.indirect.scatter.add.f32 [tilespmem:s18], [sflag:$0x5], $0x40, s3, s21, $0xb8;
	[tilespmem:$0x1B800] =	vst v63  }
0xbd: {  	_ =	swait.ge [sflag:s29], $0x2000  }
0xbe: {  	[sflag:s29] =	ssyncset.done $0x0  }
0xbf: {  	s3 =	sadd.s32 $0x4C80, s15;
	[sflag:s29] =	ssyncadd.s32 $0xFFFFE000  }
0xc0: {  	[spmem:s1] =	stream.indirect.scatter.add.f32 [tilespmem:s22], [sflag:$0x6], $0x40, s3, s21, $0xb8;
	[tilespmem:$0x1B800] =	vst v63  }
0xc1: {  	_ =	swait.ge [sflag:s31], $0x2000  }
0xc2: {  	[sflag:s31] =	ssyncset.done $0x0  }
0xc3: {  	s3 =	sadd.s32 $0x4D00, s15;
	[sflag:s31] =	ssyncadd.s32 $0xFFFFE000  }
0xc4: {  	[spmem:s1] =	stream.indirect.scatter.add.f32 [tilespmem:s24], [sflag:$0x7], $0x40, s3, s21, $0xb8;
	[tilespmem:$0x1B800] =	vst v63  }
0xc5: {  	_ =	swait.ge [sflag:s30], $0x2000  }
0xc6: {  	[sflag:s30] =	ssyncset.done $0x0  }
0xc7: {  	s3 =	sadd.s32 $0x4D80, s15;
	[sflag:s30] =	ssyncadd.s32 $0xFFFFE000  }
0xc8: {  	[spmem:s1] =	stream.indirect.scatter.add.f32 [tilespmem:s26], [sflag:$0x8], $0x40, s3, s21, $0xb8;
	[tilespmem:$0x1B800] =	vst v63  }
0xc9: {  	_ =	swait.ge [sflag:s0], $0x2000  }
0xca: {  	[sflag:s0] =	ssyncset.done $0x0  }
0xcb: {  	s3 =	sadd.s32 $0x200, s15;
	[sflag:s0] =	ssyncadd.s32 $0xFFFFE000  }
0xcc: {  	[tilespmem:s18], [sflag:$0x1] =	stream.indirect.gather [hbm4b:s4+s21], $0x40, s3, s21, $0xb8;
	[tilespmem:$0x1B800] =	vst v63  }
0xcd: {  	_ =	swait.ge [sflag:s5], $0x2000  }
0xce: {  	[sflag:s5] =	ssyncset.done $0x0  }
0xcf: {  	s3 =	sadd.s32 $0x280, s15;
	[sflag:s5] =	ssyncadd.s32 $0xFFFFE000  }
0xd0: {  	[tilespmem:s22], [sflag:$0x2] =	stream.indirect.gather [hbm4b:s4+s21], $0x40, s3, s21, $0xb8;
	[tilespmem:$0x1B800] =	vst v63  }
0xd1: {  	_ =	swait.ge [sflag:s6], $0x2000  }
0xd2: {  	[sflag:s6] =	ssyncset.done $0x0  }
.Ltmp5:
0xd3: {  	s3 =	sadd.s32 $0x300, s15;
	[sflag:s6] =	ssyncadd.s32 $0xFFFFE000;
	(pc) =	sbr.rel @!p1 .LBB2_5-.Ltmp5, $4  }
0xd4: {  	[tilespmem:s24], [sflag:$0x3] =	stream.indirect.gather [hbm4b:s4+s21], $0x40, s3, s21, $0xb8;
	[tilespmem:$0x1B800] =	vst v63  }
0xd5: {  	_ =	swait.ge [sflag:s12], $0x2000  }
0xd6: {  	[sflag:s12] =	ssyncset.done $0x0  }
0xd7: {  	s3 =	sadd.s32 $0x380, s15;
	[sflag:s12] =	ssyncadd.s32 $0xFFFFE000  }
.LBB2_6:
.Ltmp6:
0xd8: {  	(pc) =	sbr.rel .LBB2_8-.Ltmp6, $4  }
0xd9: {  	_ = 	snop  }
0xda: {  	[tilespmem:s26], [sflag:$0x4] =	stream.indirect.gather [hbm4b:s4+s21], $0x40, s3, s21, $0xb8;
	[tilespmem:$0x1B800] =	vst v63  }
0xdb: {  	s15 =	simm.s32 $0x9780;
	s25 =	simm.s32 $0x9700  }
0xdc: {  	s16 =	simm.s32 $0x9680;
	s3 =	simm.s32 $0x9600;
	s13 =	rddreg [dreg:$0x3]  }
.LBB2_9:
0xdd: {  	_ =	sfence.sel $0x180000  }
0xde: {  	[bflag:$0x0] =	sbarrier.arrive $0xFFFF  }
0xdf: {  	_ =	strace $0x90000050  }
0xe0: {  	s0 =	stileid.u32;
	[bflag:$0x2] =	sbarrier.arrive $0xFFFF  }
0xe1: {  	p0 =	sne.s32 s0, $0x0;
	s0 =	rddreg [dreg:$0x2]  }
0xe2: {  	s0 =	sadd.s32 @!p0 $0x100000, s0  }
0xe3: {  	[sflag:s0] =	ssyncadd.tile.s32 @!p0 $0x1;
	_ =	shalt  }
.Lfunc_end2:
_tile_overlayer_lowered:
.L_overlay_start_2:
0xe4: {  	(tag) =	ssettag $0x2  }
0xe5: {  	s0 =	rddreg [dreg:$0x0];
	s2 =	stileid.u32  }
0xe6: {  	s1 =	rddreg [dreg:$0x1];
	p0 =	sne.s32 s2, $0x0  }
0xe7: {  	s3 =	rddreg [dreg:$0x2];
	[bflag:$0x3] =	sbarrier.arrive $0xFFFF;
	s2 =	simm.s32 @!p0 $0x1C09  }
0xe8: {  	[timem:s3], [sflag:s2] =	dma.local @!p0 [hbm:s0], s1  }
0xe9: {  	s0 =	simm.s32 @!p0 $0x9  }
0xea: {  	_ =	swait.ge @!p0 [sflag:s0], s1  }
0xeb: {  	s1 =	ssub.s32 @!p0 $0x0, s1;
	[sflag:s0] =	ssyncset.done @!p0 $0x0  }
0xec: {  	[sflag:s0] =	ssyncadd.s32 @!p0 s1  }
0xed: {  	[bflag:$0x3] =	sbarrier.arrive $0xFFFF  }
0xee: {  	_ =	shalt  }

</sc_bundles>
